<compile_context>
chip_gen: v7x
topology: tpu7x:2x2x1
jax: 0.10.2.dev20260603
libtpu: 0.0.44.dev20260713+nightly
codegen_flags: <defaults>
</compile_context>

<pallas_src>
import functools

import jax
import jax.numpy as jnp
from jax import lax
from jax.experimental import pallas as pl
from jax.experimental.pallas import tpu as pltpu
from jax.experimental.pallas import tpu_sc as plsc

_N = 10000
_G = 8
_S = _N // _G
_SP = 1280
_NP = _G * _SP
_E = 160000
_HID = 256
_KP = _S // 2

_NTC = 16
_RPT = _NP // _NTC


def _pad_rows(a):
    f = a.shape[1]
    return jnp.pad(a.reshape(_G, _S, f), ((0, 0), (0, _SP - _S), (0, 0))
                   ).reshape(_NP, f)



def _sc_agg_stream(ys, src, dst, nchunks, ch, src_off, edge_base, init_off):
    mesh = plsc.VectorSubcoreMesh(core_axis_name="c", subcore_axis_name="s")

    @functools.partial(
        pl.kernel,
        out_type=jax.ShapeDtypeStruct((2 * _NP, 128), jnp.float32),
        mesh=mesh,
        scratch_types=[
            pltpu.VMEM((ch,), jnp.int32),
            pltpu.VMEM((ch,), jnp.int32),
            pltpu.VMEM((ch, 128), jnp.float32),
            pltpu.VMEM_SHARED((_NP, 128), jnp.float32),
            pltpu.SemaphoreType.DMA,
        ],
    )
    def k(ys_ref, src_ref, dst_ref, out_ref, sidx, didx, rows, acc, sem):
        c = lax.axis_index("c")
        s = lax.axis_index("s")
        r0 = s * _RPT
        pltpu.sync_copy(ys_ref.at[pl.ds(init_off(c) + r0, _RPT)],
                        acc.at[pl.ds(r0, _RPT)])
        plsc.subcore_barrier()
        base = edge_base(c, s)
        soff = src_off(c)

        def body(j, carry):
            e0 = base + j * ch
            pltpu.sync_copy(src_ref.at[pl.ds(soff + e0, ch)], sidx)
            pltpu.sync_copy(dst_ref.at[pl.ds(e0, ch)], didx)
            pltpu.async_copy(ys_ref.at[sidx], rows, sem).wait()
            pltpu.sync_copy(rows, acc.at[didx], add=True)
            return carry

        lax.fori_loop(0, nchunks, body, 0)
        plsc.subcore_barrier()
        pltpu.sync_copy(acc.at[pl.ds(r0, _RPT)],
                        out_ref.at[pl.ds(c * _NP + r0, _RPT)])

    return k(ys, src, dst)


def _sc_agg_cols(ys2, src2, dst):
    ept = _E // _NTC
    return _sc_agg_stream(
        ys2, src2, dst, nchunks=ept // 200, ch=200,
        src_off=lambda c: c * _E,
        edge_base=lambda c, s: s * ept,
        init_off=lambda c: c * _NP)


def _sc_agg_edges(ys, srcP, dstP):
    ept = _E // 2 // _NTC
    return _sc_agg_stream(
        ys, srcP, dstP, nchunks=ept // 200, ch=200,
        src_off=lambda c: 0,
        edge_base=lambda c, s: c * (_E // 2) + s * ept,
        init_off=lambda c: 0)




_EPAD = 160256
_EPT1 = _EPAD // 32


def _sc_agg_scalar(yv, srcPp, dstPp):
    mesh = plsc.VectorSubcoreMesh(core_axis_name="c", subcore_axis_name="s")

    @functools.partial(
        pl.kernel,
        out_type=jax.ShapeDtypeStruct((2 * _NP,), jnp.float32),
        mesh=mesh,
        compiler_params=pltpu.CompilerParams(needs_layout_passes=False),
        scratch_types=[
            pltpu.VMEM((_EPT1,), jnp.int32),
            pltpu.VMEM((_EPT1,), jnp.int32),
            pltpu.VMEM((_NP,), jnp.float32),
            pltpu.VMEM((_NP,), jnp.float32),
            pltpu.VMEM((_NTC, _RPT), jnp.float32),
            pltpu.VMEM((_RPT,), jnp.float32),
            pltpu.VMEM_SHARED((_NTC, _NP), jnp.float32),
            pltpu.SemaphoreType.DMA,
        ],
    )
    def k(y_ref, src_ref, dst_ref, out_ref, sidx, didx, yv_, acc, red, res,
          shared, sem):
        c = lax.axis_index("c")
        s = lax.axis_index("s")
        w = c * _NTC + s
        pltpu.sync_copy(y_ref, yv_)
        pltpu.sync_copy(src_ref.at[pl.ds(w * _EPT1, _EPT1)], sidx)
        pltpu.sync_copy(dst_ref.at[pl.ds(w * _EPT1, _EPT1)], didx)

        def zbody(i, carry):
            acc[pl.ds(i * 16, 16)] = jnp.zeros((16,), jnp.float32)
            return carry

        lax.fori_loop(0, _NP // 16, zbody, 0)

        def ebody(i, carry):
            s16 = sidx[pl.ds(i * 16, 16)]
            d16 = didx[pl.ds(i * 16, 16)]
            vals = plsc.load_gather(yv_, [s16])
            plsc.addupdate_scatter(acc, [d16], vals)
            return carry

        lax.fori_loop(0, _EPT1 // 16, ebody, 0)
        pltpu.sync_copy(acc, shared.at[s])
        plsc.subcore_barrier()
        lo = s * _RPT
        pltpu.sync_copy(shared.at[:, pl.ds(lo, _RPT)], red)

        def rbody(j, carry):
            v = red[0, pl.ds(j * 16, 16)]
            for t in range(1, _NTC):
                v = v + red[t, pl.ds(j * 16, 16)]
            res[pl.ds(j * 16, 16)] = v
            return carry

        lax.fori_loop(0, _RPT // 16, rbody, 0)
        pltpu.sync_copy(res, out_ref.at[pl.ds(c * _NP + lo, _RPT)])

    return k(yv, srcPp, dstPp)



def _rs(f=1):
    return pl.BlockSpec((_SP, f), lambda g: (g, 0))


def _rs2(f=1):
    return pl.BlockSpec((_SP, f), lambda g, h: (g, 0))


def _fs(shape):
    nd = len(shape)
    return pl.BlockSpec(shape, lambda g: (0,) * nd)


def _fs2(shape):
    nd = len(shape)
    return pl.BlockSpec(shape, lambda g, h: (0,) * nd)


def _t0_body(da_ref, db_ref, x_ref, dinv_ref, x1_ref):
    dinv = jax.lax.rsqrt(da_ref[...] + db_ref[...] + 1.0)
    dinv_ref[...] = dinv
    x1_ref[...] = x_ref[...] * dinv


def _t0(degV, xP):
    return pl.pallas_call(
        _t0_body,
        grid=(_G,),
        in_specs=[pl.BlockSpec((_SP, 1), lambda g: (g, 0)),
                  pl.BlockSpec((_SP, 1), lambda g: (_G + g, 0)),
                  _rs(128)],
        out_specs=[_rs(), _rs(128)],
        out_shape=[jax.ShapeDtypeStruct((_NP, 1), jnp.float32),
                   jax.ShapeDtypeStruct((_NP, 128), jnp.float32)],
    )(degV, degV, xP)


def _t0b_body(pa_ref, pb_ref, x1_ref, dinv_ref, w0_ref, b0_ref, w1h_ref,
              h0_ref, y1_ref):
    agg = dinv_ref[...] * (pa_ref[...] + pb_ref[...] - x1_ref[...])
    h0 = jnp.maximum(
        jnp.dot(agg, w0_ref[...], preferred_element_type=jnp.float32)
        + b0_ref[...], 0.0)
    h0_ref[...] = h0
    y1_ref[...] = jnp.dot(h0, w1h_ref[...], preferred_element_type=jnp.float32
                          ) * dinv_ref[...]


def _t0b(P0v, x1, dinvP, W0, b0, W1):
    return pl.pallas_call(
        _t0b_body,
        grid=(_G, 2),
        in_specs=[pl.BlockSpec((_SP, 128), lambda g, h: (g, 0)),
                  pl.BlockSpec((_SP, 128), lambda g, h: (_G + g, 0)),
                  _rs2(128), _rs2(),
                  _fs2((128, _HID)), _fs2((1, _HID)),
                  pl.BlockSpec((_HID, 128), lambda g, h: (0, h))],
        out_specs=[pl.BlockSpec((_SP, _HID), lambda g, h: (g, 0)),
                   pl.BlockSpec((_SP, 128), lambda g, h: (h * _G + g, 0))],
        out_shape=[jax.ShapeDtypeStruct((_NP, _HID), jnp.float32),
                   jax.ShapeDtypeStruct((2 * _NP, 128), jnp.float32)],
    )(P0v, P0v, x1, dinvP, W0, b0.reshape(1, _HID), W1)


def _gmax_body(h0_ref, gm_ref):
    h = h0_ref[...]
    rows = jax.lax.broadcasted_iota(jnp.int32, h.shape, 0)
    h = jnp.where(rows < _S, h, -1e30)
    gm_ref[...] = jnp.max(h, axis=0, keepdims=True)[None]


def _gmm_body(gm_ref, wfc_ref, bfc_ref, w2b_ref, gb_ref):
    gi = jnp.dot(gm_ref[...], wfc_ref[...],
                 preferred_element_type=jnp.float32) + bfc_ref[...]
    gb_ref[...] = jnp.dot(gi, w2b_ref[...], preferred_element_type=jnp.float32)


def _glob(h0, Wfc, bfc, W2b):
    gm = pl.pallas_call(
        _gmax_body,
        grid=(_G,),
        in_specs=[_rs(_HID)],
        out_specs=pl.BlockSpec((1, 1, _HID), lambda g: (g, 0, 0)),
        out_shape=jax.ShapeDtypeStruct((_G, 1, _HID), jnp.float32),
    )(h0).reshape(_G, _HID)
    return pl.pallas_call(
        _gmm_body,
        grid=(1,),
        in_specs=[_fs((_G, _HID)), _fs((_HID, _HID)),
                  _fs((1, _HID)), _fs((_HID, _HID))],
        out_specs=_fs((_G, _HID)),
        out_shape=jax.ShapeDtypeStruct((_G, _HID), jnp.float32),
    )(gm, Wfc, bfc.reshape(1, _HID), W2b)


def _mid_body(pa_ref, pb_ref, dinv_ref, b_ref, wh_ref, out_ref):
    agg = dinv_ref[...] * jnp.concatenate([pa_ref[...], pb_ref[...]], axis=1)
    h = jnp.maximum(agg + b_ref[...], 0.0)
    out_ref[...] = jnp.dot(h, wh_ref[...], preferred_element_type=jnp.float32
                           ) * dinv_ref[...]


def _mid(Pv, dinvP, b, W):
    return pl.pallas_call(
        _mid_body,
        grid=(_G, 2),
        in_specs=[pl.BlockSpec((_SP, 128), lambda g, h: (g, 0)),
                  pl.BlockSpec((_SP, 128), lambda g, h: (_G + g, 0)),
                  _rs2(), _fs2((1, _HID)),
                  pl.BlockSpec((_HID, 128), lambda g, h: (0, h))],
        out_specs=pl.BlockSpec((_SP, 128), lambda g, h: (h * _G + g, 0)),
        out_shape=jax.ShapeDtypeStruct((2 * _NP, 128), jnp.float32),
    )(Pv, Pv, dinvP, b.reshape(1, _HID), W)


def _t3_body(pa_ref, pb_ref, dinv_ref, b_ref, wh_ref, gb_ref, out_ref):
    agg = dinv_ref[...] * jnp.concatenate([pa_ref[...], pb_ref[...]], axis=1)
    h = jnp.maximum(agg + b_ref[...], 0.0)
    y3 = jnp.dot(h, wh_ref[...], preferred_element_type=jnp.float32
                 ) + gb_ref[0]
    out_ref[...] = y3 * dinv_ref[...]


def _t3(P2v, dinvP, b1, W2a, gb):
    return pl.pallas_call(
        _t3_body,
        grid=(_G, 2),
        in_specs=[pl.BlockSpec((_SP, 128), lambda g, h: (g, 0)),
                  pl.BlockSpec((_SP, 128), lambda g, h: (_G + g, 0)),
                  _rs2(), _fs2((1, _HID)),
                  pl.BlockSpec((_HID, 128), lambda g, h: (0, h)),
                  pl.BlockSpec((1, 1, 128), lambda g, h: (g, 0, h))],
        out_specs=pl.BlockSpec((_SP, 128), lambda g, h: (h * _G + g, 0)),
        out_shape=jax.ShapeDtypeStruct((2 * _NP, 128), jnp.float32),
    )(P2v, P2v, dinvP, b1.reshape(1, _HID), W2a, gb.reshape(_G, 1, _HID))


def _t4_body(pa_ref, pb_ref, dinv_ref, b_ref, w3_ref, out_ref):
    agg = dinv_ref[...] * jnp.concatenate([pa_ref[...], pb_ref[...]], axis=1)
    h2 = jnp.maximum(agg + b_ref[...], 0.0)
    y4 = jnp.dot(h2, w3_ref[...], preferred_element_type=jnp.float32)
    out_ref[...] = y4 * dinv_ref[...]


def _t4(P3v, dinvP, b2, W3):
    return pl.pallas_call(
        _t4_body,
        grid=(_G,),
        in_specs=[pl.BlockSpec((_SP, 128), lambda g: (g, 0)),
                  pl.BlockSpec((_SP, 128), lambda g: (_G + g, 0)),
                  _rs(), _fs((1, _HID)), _fs((_HID, 1))],
        out_specs=_rs(),
        out_shape=jax.ShapeDtypeStruct((_NP, 1), jnp.float32),
    )(P3v, P3v, dinvP, b2.reshape(1, _HID), W3)


def _t5_body(pa_ref, pb_ref, y4_ref, dinv_ref, b3_ref, gum_ref, x_ref,
             xm1_ref):
    lg = (dinv_ref[...] * (pa_ref[...] + pb_ref[...] + y4_ref[...])
          + b3_ref[...])
    noisy = gum_ref[...] + lg
    rows = jax.lax.broadcasted_iota(jnp.int32, noisy.shape, 0)
    noisy = jnp.where(rows < _S, noisy, -1e30)
    m = jnp.max(noisy, axis=0, keepdims=True)
    ex = jnp.exp(noisy - m)
    s = jnp.sum(ex, axis=0, keepdims=True)
    r = ex / s
    cols = jax.lax.broadcasted_iota(jnp.int32, r.shape, 1)
    r = jnp.where(cols < 30, r, -1.0)
    t = jnp.max(r, axis=1, keepdims=True)
    xm1_ref[...] = x_ref[...] * (t * dinv_ref[...])


def _t5(P4v, y4, dinvP, b3, gumP, xP):
    return pl.pallas_call(
        _t5_body,
        grid=(_G,),
        in_specs=[pl.BlockSpec((_SP, 1), lambda g: (g, 0)),
                  pl.BlockSpec((_SP, 1), lambda g: (_G + g, 0)),
                  _rs(), _rs(), _fs((1, 1)), _rs(32), _rs(128)],
        out_specs=_rs(128),
        out_shape=jax.ShapeDtypeStruct((_NP, 128), jnp.float32),
    )(P4v, P4v, y4, dinvP, b3.reshape(1, 1), gumP, xP)


def _t6_body(pa_ref, pb_ref, xm1_ref, dinv_ref, wq1_ref, bq1_ref, p_ref,
             q1_ref, sc_ref):
    agg = dinv_ref[...] * (pa_ref[...] + pb_ref[...] - xm1_ref[...])
    q1 = jnp.dot(agg, wq1_ref[...], preferred_element_type=jnp.float32
                 ) + bq1_ref[...]
    q1_ref[...] = q1
    pv = p_ref[...]
    pn = jnp.sqrt(jnp.sum(pv * pv))
    sc_ref[...] = jnp.sum(q1 * pv, axis=1, keepdims=True) / pn


def _t6(P5v, xm1, dinvP, Wq1P, bq1P, pP):
    return pl.pallas_call(
        _t6_body,
        grid=(_G,),
        in_specs=[pl.BlockSpec((_SP, 128), lambda g: (g, 0)),
                  pl.BlockSpec((_SP, 128), lambda g: (_G + g, 0)),
                  _rs(128), _rs(),
                  _fs((128, _HID)), _fs((1, _HID)), _fs((1, _HID))],
        out_specs=[_rs(_HID), _rs()],
        out_shape=[jax.ShapeDtypeStruct((_NP, _HID), jnp.float32),
                   jax.ShapeDtypeStruct((_NP, 1), jnp.float32)],
    )(P5v, P5v, xm1, dinvP, Wq1P, bq1P.reshape(1, _HID), pP.reshape(1, _HID))


def _t7_body(sc_ref, m_ref):
    s = sc_ref[...]
    rows = jax.lax.broadcasted_iota(jnp.int32, s.shape, 0)
    valid = rows < _S
    b = jax.lax.bitcast_convert_type(s, jnp.uint32)
    key = jnp.where(b >= jnp.uint32(0x80000000), ~b,
                    b | jnp.uint32(0x80000000))
    key = jnp.where(valid, key, jnp.uint32(0))

    def kb(_, carry):
        lo, hi = carry
        mid = lo + ((hi - lo) // jnp.uint32(2)) + ((hi - lo) % jnp.uint32(2))
        cnt = jnp.sum(jnp.where(key >= mid, 1, 0))
        big = cnt >= _KP
        return (jnp.where(big, mid, lo), jnp.where(big, hi, mid - 1))

    lo, _ = jax.lax.fori_loop(0, 32, kb, (jnp.uint32(0),
                                          jnp.uint32(0xFFFFFFFF)))
    kth = lo
    c_gt = jnp.sum(jnp.where(key > kth, 1, 0))
    r = _KP - c_gt
    tie = (key == kth) & valid

    def jb(_, carry):
        lo, hi = carry
        mid = (lo + hi + 1) // 2
        cnt = jnp.sum(jnp.where(tie & (rows <= mid), 1, 0))
        ok = cnt <= r
        return (jnp.where(ok, mid, lo), jnp.where(ok, hi, mid - 1))

    jlo, _ = jax.lax.fori_loop(0, 12, jb, (jnp.int32(-1), jnp.int32(_SP - 1)))
    keep = (key > kth) | (tie & (rows <= jlo))
    m_ref[...] = jnp.where(keep, 1.0, 0.0)


def _t7(score):
    return pl.pallas_call(
        _t7_body,
        grid=(_G,),
        in_specs=[_rs()],
        out_specs=_rs(),
        out_shape=jax.ShapeDtypeStruct((_NP, 1), jnp.float32),
    )(score)


def _t8_body(q1_ref, sc_ref, m_ref, da_ref, db_ref, wq2_ref, h2p_ref):
    xp = jnp.maximum(q1_ref[...] * jnp.tanh(sc_ref[...]), 0.0)
    hfull = jnp.dot(xp, wq2_ref[...], preferred_element_type=jnp.float32)
    m = m_ref[...]
    deg2 = 1.0 + m * (da_ref[...] + db_ref[...])
    w = m * jax.lax.rsqrt(deg2)
    h2p_ref[...] = jnp.concatenate(
        [hfull * w, jnp.zeros((_SP, 96), jnp.float32)], axis=1)


def _t8(q1, score, mP, D2v, Wq2P):
    return pl.pallas_call(
        _t8_body,
        grid=(_G,),
        in_specs=[_rs(_HID), _rs(), _rs(),
                  pl.BlockSpec((_SP, 1), lambda g: (g, 0)),
                  pl.BlockSpec((_SP, 1), lambda g: (_G + g, 0)),
                  _fs((_HID, 32))],
        out_specs=_rs(128),
        out_shape=jax.ShapeDtypeStruct((_NP, 128), jnp.float32),
    )(q1, score, mP, D2v, D2v, Wq2P)


def _t9_body(pa_ref, pb_ref, h2p_ref, m_ref, da_ref, db_ref, bq2_ref,
             pool_ref):
    m = m_ref[...]
    deg2 = 1.0 + m * (da_ref[...] + db_ref[...])
    w = m * jax.lax.rsqrt(deg2)
    p6 = (pa_ref[...] + pb_ref[...] - h2p_ref[...])[:, :32]
    q2 = jnp.maximum(w * p6 + bq2_ref[...], 0.0)
    pool_ref[...] = (jnp.sum(m * q2, axis=0, keepdims=True)
                     * (1.0 / _KP))[None]


def _t9(P6v, h2p, mP, D2v, bq2):
    return pl.pallas_call(
        _t9_body,
        grid=(_G,),
        in_specs=[pl.BlockSpec((_SP, 128), lambda g: (g, 0)),
                  pl.BlockSpec((_SP, 128), lambda g: (_G + g, 0)),
                  _rs(128), _rs(),
                  pl.BlockSpec((_SP, 1), lambda g: (g, 0)),
                  pl.BlockSpec((_SP, 1), lambda g: (_G + g, 0)),
                  _fs((1, 32))],
        out_specs=pl.BlockSpec((1, 1, 32), lambda g: (g, 0, 0)),
        out_shape=jax.ShapeDtypeStruct((_G, 1, 32), jnp.float32),
    )(P6v, P6v, h2p, mP, D2v, D2v, bq2.reshape(1, 32)).reshape(_G, 32)


def _t10_body(pool_ref, wlin_ref, blin_ref, out_ref):
    out_ref[...] = jnp.dot(pool_ref[...], wlin_ref[...],
                           preferred_element_type=jnp.float32) + blin_ref[...]


def _t10(pooled, Wlin, blin):
    nc = Wlin.shape[1]
    return pl.pallas_call(
        _t10_body,
        grid=(1,),
        in_specs=[_fs((_G, 32)), _fs((32, nc)), _fs((1, nc))],
        out_specs=_fs((_G, nc)),
        out_shape=jax.ShapeDtypeStruct((_G, nc), jnp.float32),
    )(pooled, Wlin, blin.reshape(1, nc))



def kernel(x, edge_index, W0, b0, Wfc, bfc, W1, b1, W2, b2, W3, b3,
           Wq1, bq1, p, Wq2, bq2, Wlin, blin):
    src = edge_index[0]
    dst = edge_index[1]
    srcP = src + 30 * (src // _S)
    dstP = dst + 30 * (dst // _S)
    src2 = jnp.concatenate([srcP, srcP + _NP])
    pad_e = jnp.full((_EPAD - _E,), _S, jnp.int32)
    srcPp = jnp.concatenate([srcP, pad_e])
    dstPp = jnp.concatenate([dstP, pad_e])
    onesN = jnp.ones((_NP,), jnp.float32)

    xP = _pad_rows(x)
    Wq1P = jnp.pad(Wq1, ((0, 0), (0, _HID - 250)))
    bq1P = jnp.pad(bq1, (0, _HID - 250))
    pP = jnp.pad(p, (0, _HID - 250))
    Wq2P = jnp.pad(Wq2, ((0, _HID - 250), (0, 0)))
    W2a = W2[:_HID]
    W2b = W2[_HID:]

    u = jax.random.uniform(jax.random.key(42), (_N, 30), jnp.float32,
                           1e-6, 1.0 - 1e-6)
    gum = -jnp.log(-jnp.log(u))
    gumP = jnp.pad(gum.reshape(_G, _S, 30),
                   ((0, 0), (0, _SP - _S), (0, 2))).reshape(_NP, 32)

    degV = _sc_agg_scalar(onesN, srcPp, dstPp).reshape(2 * _NP, 1)

    dinvP, x1 = _t0(degV, xP)
    P0v = _sc_agg_edges(x1, srcP, dstP)
    h0, y1v = _t0b(P0v, x1, dinvP, W0, b0, W1)
    gb = _glob(h0, Wfc, bfc, W2b)
    P1v = _sc_agg_cols(y1v, src2, dstP)
    y2v = _mid(P1v, dinvP, b1, W1)
    P2v = _sc_agg_cols(y2v, src2, dstP)
    y3v = _t3(P2v, dinvP, b1, W2a, gb)
    P3v = _sc_agg_cols(y3v, src2, dstP)
    y4 = _t4(P3v, dinvP, b2, W3)
    P4v = _sc_agg_scalar(y4.reshape(_NP), srcPp, dstPp).reshape(2 * _NP, 1)
    xm1 = _t5(P4v, y4, dinvP, b3, gumP, xP)
    P5v = _sc_agg_edges(xm1, srcP, dstP)
    q1, score = _t6(P5v, xm1, dinvP, Wq1P, bq1P, pP)
    mP = _t7(score)
    D2v = _sc_agg_scalar(mP.reshape(_NP), srcPp, dstPp).reshape(2 * _NP, 1)
    h2p = _t8(q1, score, mP, D2v, Wq2P)
    P6v = _sc_agg_edges(h2p, srcP, dstP)
    pooled = _t9(P6v, h2p, mP, D2v, bq2)
    return _t10(pooled, Wlin, blin)

# --- scband reference (transcript-rebuilt; emitter-appended) ---
"""Pipeline reference for scband-g2-x-24567212933211 (READ-ONLY COPY).

The authoritative reference and input builder live on the scoring server;
editing this copy changes nothing except your own understanding.
"""

import jax, jax.numpy as jnp
import numpy as np

N = 10000
G = 8
S = N // G
E = 160000
F_IN = 128
HID = 256
HC = 250
NC = 10
K_SEL = 10
TAU = 1.0
KP = S // 2  # TopKPooling ratio=0.5 keeps 625 nodes per graph


def _gcn(x, src, dst, mask, W, b, n):
    # GCNConv with added self-loops and symmetric normalization.
    # mask is a per-edge 0/1 float weight (used to drop edges after pooling
    # while keeping static shapes).
    h = x @ W
    deg = jnp.zeros((n,), x.dtype).at[dst].add(mask) + 1.0  # +1 self-loop
    dinv = 1.0 / jnp.sqrt(deg)
    norm = dinv[src] * dinv[dst] * mask
    agg = jnp.zeros((n, W.shape[1]), x.dtype).at[dst].add(h[src] * norm[:, None])
    agg = agg + h * (1.0 / deg)[:, None]  # self-loop contribution
    return agg + b


def setup_inputs(seed: int = 0):
    key = jax.random.key(seed)
    ks = jax.random.split(key, 16)

    def lin(k, fi, fo):
        return jax.random.normal(k, (fi, fo), jnp.float32) / np.sqrt(fi)

    inp = {}
    inp["x"] = jax.random.normal(ks[0], (N, F_IN), jnp.float32)
    inp["edge_index"] = jax.random.randint(ks[1], (2, E), 0, N, dtype=jnp.int32)
    # Gumbel selector params (hidden = 2*feature_size = 256)
    inp["W0"] = lin(ks[2], F_IN, HID); inp["b0"] = jnp.zeros((HID,), jnp.float32)
    inp["Wfc"] = lin(ks[3], HID, HID); inp["bfc"] = jnp.zeros((HID,), jnp.float32)
    inp["W1"] = lin(ks[4], HID, HID); inp["b1"] = jnp.zeros((HID,), jnp.float32)
    inp["W2"] = lin(ks[5], 2 * HID, HID); inp["b2"] = jnp.zeros((HID,), jnp.float32)
    inp["W3"] = lin(ks[6], HID, 1); inp["b3"] = jnp.zeros((1,), jnp.float32)
    # Q-parameterization params (hidden_channels = 250)
    inp["Wq1"] = lin(ks[7], F_IN, HC); inp["bq1"] = jnp.zeros((HC,), jnp.float32)
    inp["p"] = jax.random.normal(ks[8], (HC,), jnp.float32)  # TopKPooling score vector
    inp["Wq2"] = lin(ks[9], HC, 32); inp["bq2"] = jnp.zeros((32,), jnp.float32)
    inp["Wlin"] = lin(ks[10], 32, NC); inp["blin"] = jnp.zeros((NC,), jnp.float32)
    return inp


def reference(x, edge_index, W0, b0, Wfc, bfc, W1, b1, W2, b2, W3, b3, Wq1, bq1, p, Wq2, bq2, Wlin, blin):
    src = edge_index[0]
    dst = edge_index[1]
    ones = jnp.ones((src.shape[0],), x.dtype)
    batch = jnp.arange(N) // S

    # ---- GNN_GumbelSelector ----
    h0 = jax.nn.relu(_gcn(x, src, dst, ones, W0, b0, N))
    glob = h0.reshape(G, S, HID).max(axis=1)          # global_max_pool
    gi = glob @ Wfc + bfc                              # fc1 -> global_info
    h1 = jax.nn.relu(_gcn(h0, src, dst, ones, W1, b1, N))  # conv1 (shared weights, applied twice)
    h1 = jax.nn.relu(_gcn(h1, src, dst, ones, W1, b1, N))
    # GNN_ConcatenateLayer: [local | global_info[batch]]
    cat = jnp.concatenate([h1, gi[batch]], axis=-1)
    # dropout p=0.2 -> identity in eval
    h2 = jax.nn.relu(_gcn(cat, src, dst, ones, W2, b2, N))
    logits = _gcn(h2, src, dst, ones, W3, b3, N)       # [N, 1]

    # ---- GNN_SampleConcrete (train_explainer=True) ----
    u = jax.random.uniform(jax.random.key(42), (N, K_SEL * 3), jnp.float32, 1e-6, 1.0 - 1e-6)
    gum = -jnp.log(-jnp.log(u))
    noisy = (gum + logits) / TAU                        # broadcast [N, 3k]
    samp = jax.nn.softmax(noisy.reshape(G, S, K_SEL * 3), axis=1)  # softmax over nodes per graph
    T = samp.max(axis=2).reshape(N, 1)

    # ---- GNN_Parameterization ----
    xm = x * T
    q1 = _gcn(xm, src, dst, ones, Wq1, bq1, N)         # conv1 [N, 250]
    # TopKPooling(ratio=0.5): score = (x@p)/||p||, keep top 625 per graph, x *= tanh(score)
    score = (q1 @ p) / jnp.linalg.norm(p)
    vals, idx = jax.lax.top_k(score.reshape(G, S), KP)
    perm = (idx + (jnp.arange(G) * S)[:, None]).reshape(-1)
    xp = q1[perm] * jnp.tanh(vals.reshape(-1))[:, None]
    Np = G * KP
    new_id = jnp.full((N,), -1, jnp.int32).at[perm].set(jnp.arange(Np, dtype=jnp.int32))
    sn = new_id[src]
    dn = new_id[dst]
    em = ((sn >= 0) & (dn >= 0)).astype(x.dtype)
    snc = jnp.where(sn >= 0, sn, 0)
    dnc = jnp.where(dn >= 0, dn, 0)
    xp = jax.nn.relu(xp)
    q2 = jax.nn.relu(_gcn(xp, snc, dnc, em, Wq2, bq2, Np))  # conv2 [Np, 32]
    pooled = q2.reshape(G, KP, 32).mean(axis=1)        # global_mean_pool
    # F.dropout(training=False) -> identity
    out = pooled @ Wlin + blin                          # [G, NC]
    return out

if __name__ == "__main__":
    import jax
    _d = setup_inputs()
    print(jax.jit(kernel)(*tuple(_d.values())))

</pallas_src>

<mosaic_0001>
#map = affine_map<(d0, d1) -> (0)>
module attributes {stable_mosaic.version = 14 : i64} {
  func.func @k(%arg0: i32, %arg1: i32, %arg2: memref<10240xf32, #tpu.memory_space<hbm>>, %arg3: memref<160256xi32, #tpu.memory_space<hbm>>, %arg4: memref<160256xi32, #tpu.memory_space<hbm>>, %arg5: memref<20480xf32, #tpu.memory_space<hbm>>, %arg6: memref<5008xi32, #tpu.memory_space<vmem>>, %arg7: memref<5008xi32, #tpu.memory_space<vmem>>, %arg8: memref<10240xf32, #tpu.memory_space<vmem>>, %arg9: memref<10240xf32, #tpu.memory_space<vmem>>, %arg10: memref<16x640xf32, #tpu.memory_space<vmem>>, %arg11: memref<640xf32, #tpu.memory_space<vmem>>, %arg12: memref<16x10240xf32, #tpu.memory_space<vmem_shared>>, %arg13: memref<!tpu.dma_semaphore, #tpu.memory_space<semaphore_mem>>) attributes {dimension_semantics = [#tpu.dimension_semantics<core_parallel>, #tpu.dimension_semantics<subcore_parallel>], iteration_bounds = array<i64: 2, 16>, scalar_prefetch = 0 : i64, scratch_operands = 8 : i64, tpu.core_type = #tpu.core_type<sc_vector_subcore>, window_params = [{transform_indices = #map}, {transform_indices = #map}, {transform_indices = #map}, {transform_indices = #map}]} {
    %mul3A = arith.constant 16 : i32
    %mul3A_0 = arith.muli %arg0, %mul3A : i32
    %add3A = arith.addi %mul3A_0, %arg1 : i32
    "tpu.region"() ({
      %run_scoped3A = tpu.sem_alloc : memref<!tpu.dma_semaphore, #tpu.memory_space<semaphore_mem>>
      tpu.enqueue_dma source(%arg2 : memref<10240xf32, #tpu.memory_space<hbm>>) target(%arg8 : memref<10240xf32, #tpu.memory_space<vmem>>) target_semaphore(%run_scoped3A : memref<!tpu.dma_semaphore, #tpu.memory_space<semaphore_mem>>)
      tpu.wait_dma2 semaphore(%run_scoped3A : memref<!tpu.dma_semaphore, #tpu.memory_space<semaphore_mem>>) src(%arg2 : memref<10240xf32, #tpu.memory_space<hbm>>) dst(%arg8 : memref<10240xf32, #tpu.memory_space<vmem>>)
      tpu.yield
    }) : () -> ()
    %mul3A_1 = arith.constant 5008 : i32
    %mul3A_2 = arith.muli %add3A, %mul3A_1 : i32
    "tpu.region"() ({
      %run_scoped3A = tpu.sem_alloc : memref<!tpu.dma_semaphore, #tpu.memory_space<semaphore_mem>>
      %dma_start3A = tpu.memref_slice %arg3[%mul3A_2] : memref<160256xi32, #tpu.memory_space<hbm>> -> memref<5008xi32, #tpu.memory_space<hbm>>
      %dma_start3A_27 = tpu.memref_slice %arg3[%mul3A_2] : memref<160256xi32, #tpu.memory_space<hbm>> -> memref<5008xi32, #tpu.memory_space<hbm>>
      tpu.enqueue_dma source(%dma_start3A_27 : memref<5008xi32, #tpu.memory_space<hbm>>) target(%arg6 : memref<5008xi32, #tpu.memory_space<vmem>>) target_semaphore(%run_scoped3A : memref<!tpu.dma_semaphore, #tpu.memory_space<semaphore_mem>>)
      %dma_wait3A = tpu.memref_slice %arg3[%mul3A_2] : memref<160256xi32, #tpu.memory_space<hbm>> -> memref<5008xi32, #tpu.memory_space<hbm>>
      %dma_wait3A_28 = tpu.memref_slice %arg3[%mul3A_2] : memref<160256xi32, #tpu.memory_space<hbm>> -> memref<5008xi32, #tpu.memory_space<hbm>>
      tpu.wait_dma2 semaphore(%run_scoped3A : memref<!tpu.dma_semaphore, #tpu.memory_space<semaphore_mem>>) src(%dma_wait3A_28 : memref<5008xi32, #tpu.memory_space<hbm>>) dst(%arg6 : memref<5008xi32, #tpu.memory_space<vmem>>)
      tpu.yield
    }) : () -> ()
    %mul3A_3 = arith.constant 5008 : i32
    %mul3A_4 = arith.muli %add3A, %mul3A_3 : i32
    "tpu.region"() ({
      %run_scoped3A = tpu.sem_alloc : memref<!tpu.dma_semaphore, #tpu.memory_space<semaphore_mem>>
      %dma_start3A = tpu.memref_slice %arg4[%mul3A_4] : memref<160256xi32, #tpu.memory_space<hbm>> -> memref<5008xi32, #tpu.memory_space<hbm>>
      %dma_start3A_27 = tpu.memref_slice %arg4[%mul3A_4] : memref<160256xi32, #tpu.memory_space<hbm>> -> memref<5008xi32, #tpu.memory_space<hbm>>
      tpu.enqueue_dma source(%dma_start3A_27 : memref<5008xi32, #tpu.memory_space<hbm>>) target(%arg7 : memref<5008xi32, #tpu.memory_space<vmem>>) target_semaphore(%run_scoped3A : memref<!tpu.dma_semaphore, #tpu.memory_space<semaphore_mem>>)
      %dma_wait3A = tpu.memref_slice %arg4[%mul3A_4] : memref<160256xi32, #tpu.memory_space<hbm>> -> memref<5008xi32, #tpu.memory_space<hbm>>
      %dma_wait3A_28 = tpu.memref_slice %arg4[%mul3A_4] : memref<160256xi32, #tpu.memory_space<hbm>> -> memref<5008xi32, #tpu.memory_space<hbm>>
      tpu.wait_dma2 semaphore(%run_scoped3A : memref<!tpu.dma_semaphore, #tpu.memory_space<semaphore_mem>>) src(%dma_wait3A_28 : memref<5008xi32, #tpu.memory_space<hbm>>) dst(%arg7 : memref<5008xi32, #tpu.memory_space<vmem>>)
      tpu.yield
    }) : () -> ()
    %scan3A = arith.constant 0 : i32
    %scan3A_5 = arith.constant 0 : i32
    %scan3A_6 = arith.constant 640 : i32
    %scan3A_7 = arith.addi %scan3A_5, %scan3A_6 : i32
    %scan3A_8 = arith.constant 1 : i32
    scf.for %scan3A_27 = %scan3A_5 to %scan3A_7 step %scan3A_8  : i32 {
      %broadcast_in_dim3A = arith.constant 0.000000e+00 : f32
      %broadcast_in_dim3A_28 = vector.broadcast %broadcast_in_dim3A : f32 to vector<16xf32>
      %mul3A_29 = arith.constant 16 : i32
      %mul3A_30 = arith.muli %scan3A_27, %mul3A_29 : i32
      %swap3A = arith.index_cast %mul3A_30 : i32 to index
      %swap3A_31 = tpu.vector_load %arg9[%swap3A] {strides = array<i32>} : memref<10240xf32, #tpu.memory_space<vmem>>, vector<16xf32>,
      tpu.vector_store %arg9[%swap3A], %broadcast_in_dim3A_28 {strides = array<i32>} : memref<10240xf32, #tpu.memory_space<vmem>>, vector<16xf32>,
    }
    %scan3A_9 = arith.constant 640 : i32
    %scan3A_10 = arith.constant 0 : i32
    %scan3A_11 = arith.constant 0 : i32
    %scan3A_12 = arith.constant 313 : i32
    %scan3A_13 = arith.addi %scan3A_11, %scan3A_12 : i32
    %scan3A_14 = arith.constant 1 : i32
    scf.for %scan3A_27 = %scan3A_11 to %scan3A_13 step %scan3A_14  : i32 {
      %mul3A_28 = arith.constant 16 : i32
      %mul3A_29 = arith.muli %scan3A_27, %mul3A_28 : i32
      %get3A = arith.index_cast %mul3A_29 : i32 to index
      %get3A_30 = tpu.vector_load %arg6[%get3A] {strides = array<i32>} : memref<5008xi32, #tpu.memory_space<vmem>>, vector<16xi32>,
      %mul3A_31 = arith.constant 16 : i32
      %mul3A_32 = arith.muli %scan3A_27, %mul3A_31 : i32
      %get3A_33 = arith.index_cast %mul3A_32 : i32 to index
      %get3A_34 = tpu.vector_load %arg7[%get3A_33] {strides = array<i32>} : memref<5008xi32, #tpu.memory_space<vmem>>, vector<16xi32>,
      %gather3A = tpu.vector_load_idx %arg8[%get3A_30] : memref<10240xf32, #tpu.memory_space<vmem>>[vector<16xi32>], vector<16xf32>,
      tpu.vector_store_idx %arg9[%get3A_34], %gather3A {add = true} : memref<10240xf32, #tpu.memory_space<vmem>>[vector<16xi32>], vector<16xf32>,
    }
    %scan3A_15 = arith.constant 313 : i32
    "tpu.region"() ({
      %run_scoped3A = tpu.sem_alloc : memref<!tpu.dma_semaphore, #tpu.memory_space<semaphore_mem>>
      %dma_start3A = arith.constant 0 : i32
      %dma_start3A_27 = tpu.memref_slice %arg12[%arg1, %dma_start3A] : memref<16x10240xf32, #tpu.memory_space<vmem_shared>> -> memref<1x10240xf32, #tpu.memory_space<vmem_shared>>
      %dma_start3A_28 = tpu.memref_squeeze %dma_start3A_27 : memref<1x10240xf32, #tpu.memory_space<vmem_shared>> -> memref<10240xf32, #tpu.memory_space<vmem_shared>>
      %dma_start3A_29 = arith.constant 0 : i32
      %dma_start3A_30 = tpu.memref_slice %arg12[%arg1, %dma_start3A_29] : memref<16x10240xf32, #tpu.memory_space<vmem_shared>> -> memref<1x10240xf32, #tpu.memory_space<vmem_shared>>
      %dma_start3A_31 = tpu.memref_squeeze %dma_start3A_30 : memref<1x10240xf32, #tpu.memory_space<vmem_shared>> -> memref<10240xf32, #tpu.memory_space<vmem_shared>>
      tpu.enqueue_dma source(%arg9 : memref<10240xf32, #tpu.memory_space<vmem>>) target(%dma_start3A_31 : memref<10240xf32, #tpu.memory_space<vmem_shared>>) target_semaphore(%run_scoped3A : memref<!tpu.dma_semaphore, #tpu.memory_space<semaphore_mem>>)
      %dma_wait3A = arith.constant 0 : i32
      %dma_wait3A_32 = tpu.memref_slice %arg12[%arg1, %dma_wait3A] : memref<16x10240xf32, #tpu.memory_space<vmem_shared>> -> memref<1x10240xf32, #tpu.memory_space<vmem_shared>>
      %dma_wait3A_33 = tpu.memref_squeeze %dma_wait3A_32 : memref<1x10240xf32, #tpu.memory_space<vmem_shared>> -> memref<10240xf32, #tpu.memory_space<vmem_shared>>
      %dma_wait3A_34 = arith.constant 0 : i32
      %dma_wait3A_35 = tpu.memref_slice %arg12[%arg1, %dma_wait3A_34] : memref<16x10240xf32, #tpu.memory_space<vmem_shared>> -> memref<1x10240xf32, #tpu.memory_space<vmem_shared>>
      %dma_wait3A_36 = tpu.memref_squeeze %dma_wait3A_35 : memref<1x10240xf32, #tpu.memory_space<vmem_shared>> -> memref<10240xf32, #tpu.memory_space<vmem_shared>>
      tpu.wait_dma2 semaphore(%run_scoped3A : memref<!tpu.dma_semaphore, #tpu.memory_space<semaphore_mem>>) src(%arg9 : memref<10240xf32, #tpu.memory_space<vmem>>) dst(%dma_wait3A_36 : memref<10240xf32, #tpu.memory_space<vmem_shared>>)
      tpu.yield
    }) : () -> ()
    %barrier3A = arith.constant 0 : index
    tpu.barrier barrier_id(%barrier3A)
    %mul3A_16 = arith.constant 640 : i32
    %mul3A_17 = arith.muli %arg1, %mul3A_16 : i32
    "tpu.region"() ({
      %run_scoped3A = tpu.sem_alloc : memref<!tpu.dma_semaphore, #tpu.memory_space<semaphore_mem>>
      %dma_start3A = arith.constant 0 : i32
      %dma_start3A_27 = tpu.memref_slice %arg12[%dma_start3A, %mul3A_17] : memref<16x10240xf32, #tpu.memory_space<vmem_shared>> -> memref<16x640xf32, #tpu.memory_space<vmem_shared>>
      %dma_start3A_28 = arith.constant 0 : i32
      %dma_start3A_29 = tpu.memref_slice %arg12[%dma_start3A_28, %mul3A_17] : memref<16x10240xf32, #tpu.memory_space<vmem_shared>> -> memref<16x640xf32, #tpu.memory_space<vmem_shared>>
      tpu.enqueue_dma source(%dma_start3A_29 : memref<16x640xf32, #tpu.memory_space<vmem_shared>>) target(%arg10 : memref<16x640xf32, #tpu.memory_space<vmem>>) target_semaphore(%run_scoped3A : memref<!tpu.dma_semaphore, #tpu.memory_space<semaphore_mem>>)
      %dma_wait3A = arith.constant 0 : i32
      %dma_wait3A_30 = tpu.memref_slice %arg12[%dma_wait3A, %mul3A_17] : memref<16x10240xf32, #tpu.memory_space<vmem_shared>> -> memref<16x640xf32, #tpu.memory_space<vmem_shared>>
      %dma_wait3A_31 = arith.constant 0 : i32
      %dma_wait3A_32 = tpu.memref_slice %arg12[%dma_wait3A_31, %mul3A_17] : memref<16x10240xf32, #tpu.memory_space<vmem_shared>> -> memref<16x640xf32, #tpu.memory_space<vmem_shared>>
      tpu.wait_dma2 semaphore(%run_scoped3A : memref<!tpu.dma_semaphore, #tpu.memory_space<semaphore_mem>>) src(%dma_wait3A_32 : memref<16x640xf32, #tpu.memory_space<vmem_shared>>) dst(%arg10 : memref<16x640xf32, #tpu.memory_space<vmem>>)
      tpu.yield
    }) : () -> ()
    %scan3A_18 = arith.constant 0 : i32
    %scan3A_19 = arith.constant 0 : i32
    %scan3A_20 = arith.constant 40 : i32
    %scan3A_21 = arith.addi %scan3A_19, %scan3A_20 : i32
    %scan3A_22 = arith.constant 1 : i32
    scf.for %scan3A_27 = %scan3A_19 to %scan3A_21 step %scan3A_22  : i32 {
      %mul3A_28 = arith.constant 16 : i32
      %mul3A_29 = arith.muli %scan3A_27, %mul3A_28 : i32
      %get3A = arith.constant 0 : i32
      %get3A_30 = arith.index_cast %get3A : i32 to index
      %get3A_31 = arith.index_cast %mul3A_29 : i32 to index
      %get3A_32 = tpu.vector_load %arg10[%get3A_30, %get3A_31] {strides = array<i32>} : memref<16x640xf32, #tpu.memory_space<vmem>>, vector<16xf32>,
      %mul3A_33 = arith.constant 16 : i32
      %mul3A_34 = arith.muli %scan3A_27, %mul3A_33 : i32
      %get3A_35 = arith.constant 1 : i32
      %get3A_36 = arith.index_cast %get3A_35 : i32 to index
      %get3A_37 = arith.index_cast %mul3A_34 : i32 to index
      %get3A_38 = tpu.vector_load %arg10[%get3A_36, %get3A_37] {strides = array<i32>} : memref<16x640xf32, #tpu.memory_space<vmem>>, vector<16xf32>,
      %add3A_39 = arith.addf %get3A_32, %get3A_38 : vector<16xf32>
      %mul3A_40 = arith.constant 16 : i32
      %mul3A_41 = arith.muli %scan3A_27, %mul3A_40 : i32
      %get3A_42 = arith.constant 2 : i32
      %get3A_43 = arith.index_cast %get3A_42 : i32 to index
      %get3A_44 = arith.index_cast %mul3A_41 : i32 to index
      %get3A_45 = tpu.vector_load %arg10[%get3A_43, %get3A_44] {strides = array<i32>} : memref<16x640xf32, #tpu.memory_space<vmem>>, vector<16xf32>,
      %add3A_46 = arith.addf %add3A_39, %get3A_45 : vector<16xf32>
      %mul3A_47 = arith.constant 16 : i32
      %mul3A_48 = arith.muli %scan3A_27, %mul3A_47 : i32
      %get3A_49 = arith.constant 3 : i32
      %get3A_50 = arith.index_cast %get3A_49 : i32 to index
      %get3A_51 = arith.index_cast %mul3A_48 : i32 to index
      %get3A_52 = tpu.vector_load %arg10[%get3A_50, %get3A_51] {strides = array<i32>} : memref<16x640xf32, #tpu.memory_space<vmem>>, vector<16xf32>,
      %add3A_53 = arith.addf %add3A_46, %get3A_52 : vector<16xf32>
      %mul3A_54 = arith.constant 16 : i32
      %mul3A_55 = arith.muli %scan3A_27, %mul3A_54 : i32
      %get3A_56 = arith.constant 4 : i32
      %get3A_57 = arith.index_cast %get3A_56 : i32 to index
      %get3A_58 = arith.index_cast %mul3A_55 : i32 to index
      %get3A_59 = tpu.vector_load %arg10[%get3A_57, %get3A_58] {strides = array<i32>} : memref<16x640xf32, #tpu.memory_space<vmem>>, vector<16xf32>,
      %add3A_60 = arith.addf %add3A_53, %get3A_59 : vector<16xf32>
      %mul3A_61 = arith.constant 16 : i32
      %mul3A_62 = arith.muli %scan3A_27, %mul3A_61 : i32
      %get3A_63 = arith.constant 5 : i32
      %get3A_64 = arith.index_cast %get3A_63 : i32 to index
      %get3A_65 = arith.index_cast %mul3A_62 : i32 to index
      %get3A_66 = tpu.vector_load %arg10[%get3A_64, %get3A_65] {strides = array<i32>} : memref<16x640xf32, #tpu.memory_space<vmem>>, vector<16xf32>,
      %add3A_67 = arith.addf %add3A_60, %get3A_66 : vector<16xf32>
      %mul3A_68 = arith.constant 16 : i32
      %mul3A_69 = arith.muli %scan3A_27, %mul3A_68 : i32
      %get3A_70 = arith.constant 6 : i32
      %get3A_71 = arith.index_cast %get3A_70 : i32 to index
      %get3A_72 = arith.index_cast %mul3A_69 : i32 to index
      %get3A_73 = tpu.vector_load %arg10[%get3A_71, %get3A_72] {strides = array<i32>} : memref<16x640xf32, #tpu.memory_space<vmem>>, vector<16xf32>,
      %add3A_74 = arith.addf %add3A_67, %get3A_73 : vector<16xf32>
      %mul3A_75 = arith.constant 16 : i32
      %mul3A_76 = arith.muli %scan3A_27, %mul3A_75 : i32
      %get3A_77 = arith.constant 7 : i32
      %get3A_78 = arith.index_cast %get3A_77 : i32 to index
      %get3A_79 = arith.index_cast %mul3A_76 : i32 to index
      %get3A_80 = tpu.vector_load %arg10[%get3A_78, %get3A_79] {strides = array<i32>} : memref<16x640xf32, #tpu.memory_space<vmem>>, vector<16xf32>,
      %add3A_81 = arith.addf %add3A_74, %get3A_80 : vector<16xf32>
      %mul3A_82 = arith.constant 16 : i32
      %mul3A_83 = arith.muli %scan3A_27, %mul3A_82 : i32
      %get3A_84 = arith.constant 8 : i32
      %get3A_85 = arith.index_cast %get3A_84 : i32 to index
      %get3A_86 = arith.index_cast %mul3A_83 : i32 to index
      %get3A_87 = tpu.vector_load %arg10[%get3A_85, %get3A_86] {strides = array<i32>} : memref<16x640xf32, #tpu.memory_space<vmem>>, vector<16xf32>,
      %add3A_88 = arith.addf %add3A_81, %get3A_87 : vector<16xf32>
      %mul3A_89 = arith.constant 16 : i32
      %mul3A_90 = arith.muli %scan3A_27, %mul3A_89 : i32
      %get3A_91 = arith.constant 9 : i32
      %get3A_92 = arith.index_cast %get3A_91 : i32 to index
      %get3A_93 = arith.index_cast %mul3A_90 : i32 to index
      %get3A_94 = tpu.vector_load %arg10[%get3A_92, %get3A_93] {strides = array<i32>} : memref<16x640xf32, #tpu.memory_space<vmem>>, vector<16xf32>,
      %add3A_95 = arith.addf %add3A_88, %get3A_94 : vector<16xf32>
      %mul3A_96 = arith.constant 16 : i32
      %mul3A_97 = arith.muli %scan3A_27, %mul3A_96 : i32
      %get3A_98 = arith.constant 10 : i32
      %get3A_99 = arith.index_cast %get3A_98 : i32 to index
      %get3A_100 = arith.index_cast %mul3A_97 : i32 to index
      %get3A_101 = tpu.vector_load %arg10[%get3A_99, %get3A_100] {strides = array<i32>} : memref<16x640xf32, #tpu.memory_space<vmem>>, vector<16xf32>,
      %add3A_102 = arith.addf %add3A_95, %get3A_101 : vector<16xf32>
      %mul3A_103 = arith.constant 16 : i32
      %mul3A_104 = arith.muli %scan3A_27, %mul3A_103 : i32
      %get3A_105 = arith.constant 11 : i32
      %get3A_106 = arith.index_cast %get3A_105 : i32 to index
      %get3A_107 = arith.index_cast %mul3A_104 : i32 to index
      %get3A_108 = tpu.vector_load %arg10[%get3A_106, %get3A_107] {strides = array<i32>} : memref<16x640xf32, #tpu.memory_space<vmem>>, vector<16xf32>,
      %add3A_109 = arith.addf %add3A_102, %get3A_108 : vector<16xf32>
      %mul3A_110 = arith.constant 16 : i32
      %mul3A_111 = arith.muli %scan3A_27, %mul3A_110 : i32
      %get3A_112 = arith.constant 12 : i32
      %get3A_113 = arith.index_cast %get3A_112 : i32 to index
      %get3A_114 = arith.index_cast %mul3A_111 : i32 to index
      %get3A_115 = tpu.vector_load %arg10[%get3A_113, %get3A_114] {strides = array<i32>} : memref<16x640xf32, #tpu.memory_space<vmem>>, vector<16xf32>,
      %add3A_116 = arith.addf %add3A_109, %get3A_115 : vector<16xf32>
      %mul3A_117 = arith.constant 16 : i32
      %mul3A_118 = arith.muli %scan3A_27, %mul3A_117 : i32
      %get3A_119 = arith.constant 13 : i32
      %get3A_120 = arith.index_cast %get3A_119 : i32 to index
      %get3A_121 = arith.index_cast %mul3A_118 : i32 to index
      %get3A_122 = tpu.vector_load %arg10[%get3A_120, %get3A_121] {strides = array<i32>} : memref<16x640xf32, #tpu.memory_space<vmem>>, vector<16xf32>,
      %add3A_123 = arith.addf %add3A_116, %get3A_122 : vector<16xf32>
      %mul3A_124 = arith.constant 16 : i32
      %mul3A_125 = arith.muli %scan3A_27, %mul3A_124 : i32
      %get3A_126 = arith.constant 14 : i32
      %get3A_127 = arith.index_cast %get3A_126 : i32 to index
      %get3A_128 = arith.index_cast %mul3A_125 : i32 to index
      %get3A_129 = tpu.vector_load %arg10[%get3A_127, %get3A_128] {strides = array<i32>} : memref<16x640xf32, #tpu.memory_space<vmem>>, vector<16xf32>,
      %add3A_130 = arith.addf %add3A_123, %get3A_129 : vector<16xf32>
      %mul3A_131 = arith.constant 16 : i32
      %mul3A_132 = arith.muli %scan3A_27, %mul3A_131 : i32
      %get3A_133 = arith.constant 15 : i32
      %get3A_134 = arith.index_cast %get3A_133 : i32 to index
      %get3A_135 = arith.index_cast %mul3A_132 : i32 to index
      %get3A_136 = tpu.vector_load %arg10[%get3A_134, %get3A_135] {strides = array<i32>} : memref<16x640xf32, #tpu.memory_space<vmem>>, vector<16xf32>,
      %add3A_137 = arith.addf %add3A_130, %get3A_136 : vector<16xf32>
      %mul3A_138 = arith.constant 16 : i32
      %mul3A_139 = arith.muli %scan3A_27, %mul3A_138 : i32
      %swap3A = arith.index_cast %mul3A_139 : i32 to index
      %swap3A_140 = tpu.vector_load %arg11[%swap3A] {strides = array<i32>} : memref<640xf32, #tpu.memory_space<vmem>>, vector<16xf32>,
      tpu.vector_store %arg11[%swap3A], %add3A_137 {strides = array<i32>} : memref<640xf32, #tpu.memory_space<vmem>>, vector<16xf32>,
    }
    %scan3A_23 = arith.constant 40 : i32
    %mul3A_24 = arith.constant 10240 : i32
    %mul3A_25 = arith.muli %arg0, %mul3A_24 : i32
    %add3A_26 = arith.addi %mul3A_25, %mul3A_17 : i32
    "tpu.region"() ({
      %run_scoped3A = tpu.sem_alloc : memref<!tpu.dma_semaphore, #tpu.memory_space<semaphore_mem>>
      %dma_start3A = tpu.memref_slice %arg5[%add3A_26] : memref<20480xf32, #tpu.memory_space<hbm>> -> memref<640xf32, #tpu.memory_space<hbm>>
      %dma_start3A_27 = tpu.memref_slice %arg5[%add3A_26] : memref<20480xf32, #tpu.memory_space<hbm>> -> memref<640xf32, #tpu.memory_space<hbm>>
      tpu.enqueue_dma source(%arg11 : memref<640xf32, #tpu.memory_space<vmem>>) target(%dma_start3A_27 : memref<640xf32, #tpu.memory_space<hbm>>) target_semaphore(%run_scoped3A : memref<!tpu.dma_semaphore, #tpu.memory_space<semaphore_mem>>)
      %dma_wait3A = tpu.memref_slice %arg5[%add3A_26] : memref<20480xf32, #tpu.memory_space<hbm>> -> memref<640xf32, #tpu.memory_space<hbm>>
      %dma_wait3A_28 = tpu.memref_slice %arg5[%add3A_26] : memref<20480xf32, #tpu.memory_space<hbm>> -> memref<640xf32, #tpu.memory_space<hbm>>
      tpu.wait_dma2 semaphore(%run_scoped3A : memref<!tpu.dma_semaphore, #tpu.memory_space<semaphore_mem>>) src(%arg11 : memref<640xf32, #tpu.memory_space<vmem>>) dst(%dma_wait3A_28 : memref<640xf32, #tpu.memory_space<hbm>>)
      tpu.yield
    }) : () -> ()
    return
  }
}

#map = affine_map<(d0, d1) -> (0, 0)>
#map1 = affine_map<(d0, d1) -> (0)>
module attributes {stable_mosaic.version = 14 : i64} {
  func.func @k(%arg0: i32, %arg1: i32, %arg2: memref<20480x128xf32, #tpu.memory_space<hbm>>, %arg3: memref<320000xi32, #tpu.memory_space<hbm>>, %arg4: memref<160000xi32, #tpu.memory_space<hbm>>, %arg5: memref<20480x128xf32, #tpu.memory_space<hbm>>, %arg6: memref<200xi32, #tpu.memory_space<vmem>>, %arg7: memref<200xi32, #tpu.memory_space<vmem>>, %arg8: memref<200x128xf32, #tpu.memory_space<vmem>>, %arg9: memref<10240x128xf32, #tpu.memory_space<vmem_shared>>, %arg10: memref<!tpu.dma_semaphore, #tpu.memory_space<semaphore_mem>>) attributes {dimension_semantics = [#tpu.dimension_semantics<core_parallel>, #tpu.dimension_semantics<subcore_parallel>], iteration_bounds = array<i64: 2, 16>, scalar_prefetch = 0 : i64, scratch_operands = 5 : i64, tpu.core_type = #tpu.core_type<sc_vector_subcore>, window_params = [{transform_indices = #map}, {transform_indices = #map1}, {transform_indices = #map1}, {transform_indices = #map}]} {
    %mul3A = arith.constant 640 : i32
    %mul3A_0 = arith.muli %arg1, %mul3A : i32
    %mul3A_1 = arith.constant 10240 : i32
    %mul3A_2 = arith.muli %arg0, %mul3A_1 : i32
    %add3A = arith.addi %mul3A_2, %mul3A_0 : i32
    "tpu.region"() ({
      %run_scoped3A = tpu.sem_alloc : memref<!tpu.dma_semaphore, #tpu.memory_space<semaphore_mem>>
      %dma_start3A = arith.constant 0 : i32
      %dma_start3A_16 = tpu.memref_slice %arg9[%mul3A_0, %dma_start3A] : memref<10240x128xf32, #tpu.memory_space<vmem_shared>> -> memref<640x128xf32, #tpu.memory_space<vmem_shared>>
      %dma_start3A_17 = arith.constant 0 : i32
      %dma_start3A_18 = tpu.memref_slice %arg2[%add3A, %dma_start3A_17] : memref<20480x128xf32, #tpu.memory_space<hbm>> -> memref<640x128xf32, #tpu.memory_space<hbm>>
      tpu.enqueue_dma source(%dma_start3A_18 : memref<640x128xf32, #tpu.memory_space<hbm>>) target(%dma_start3A_16 : memref<640x128xf32, #tpu.memory_space<vmem_shared>>) target_semaphore(%run_scoped3A : memref<!tpu.dma_semaphore, #tpu.memory_space<semaphore_mem>>)
      %dma_wait3A = arith.constant 0 : i32
      %dma_wait3A_19 = tpu.memref_slice %arg9[%mul3A_0, %dma_wait3A] : memref<10240x128xf32, #tpu.memory_space<vmem_shared>> -> memref<640x128xf32, #tpu.memory_space<vmem_shared>>
      %dma_wait3A_20 = arith.constant 0 : i32
      %dma_wait3A_21 = tpu.memref_slice %arg2[%add3A, %dma_wait3A_20] : memref<20480x128xf32, #tpu.memory_space<hbm>> -> memref<640x128xf32, #tpu.memory_space<hbm>>
      tpu.wait_dma2 semaphore(%run_scoped3A : memref<!tpu.dma_semaphore, #tpu.memory_space<semaphore_mem>>) src(%dma_wait3A_21 : memref<640x128xf32, #tpu.memory_space<hbm>>) dst(%dma_wait3A_19 : memref<640x128xf32, #tpu.memory_space<vmem_shared>>)
      tpu.yield
    }) : () -> ()
    %barrier3A = arith.constant 0 : index
    tpu.barrier barrier_id(%barrier3A)
    %mul3A_3 = arith.constant 10000 : i32
    %mul3A_4 = arith.muli %arg1, %mul3A_3 : i32
    %mul3A_5 = arith.constant 160000 : i32
    %mul3A_6 = arith.muli %arg0, %mul3A_5 : i32
    %scan3A = arith.constant 0 : i32
    %scan3A_7 = arith.constant 0 : i32
    %scan3A_8 = arith.constant 50 : i32
    %scan3A_9 = arith.addi %scan3A_7, %scan3A_8 : i32
    %scan3A_10 = arith.constant 1 : i32
    scf.for %scan3A_16 = %scan3A_7 to %scan3A_9 step %scan3A_10  : i32 {
      %mul3A_17 = arith.constant 200 : i32
      %mul3A_18 = arith.muli %scan3A_16, %mul3A_17 : i32
      %add3A_19 = arith.addi %mul3A_4, %mul3A_18 : i32
      %add3A_20 = arith.addi %mul3A_6, %add3A_19 : i32
      "tpu.region"() ({
        %run_scoped3A = tpu.sem_alloc : memref<!tpu.dma_semaphore, #tpu.memory_space<semaphore_mem>>
        %dma_start3A_25 = tpu.memref_slice %arg3[%add3A_20] : memref<320000xi32, #tpu.memory_space<hbm>> -> memref<200xi32, #tpu.memory_space<hbm>>
        %dma_start3A_26 = tpu.memref_slice %arg3[%add3A_20] : memref<320000xi32, #tpu.memory_space<hbm>> -> memref<200xi32, #tpu.memory_space<hbm>>
        tpu.enqueue_dma source(%dma_start3A_26 : memref<200xi32, #tpu.memory_space<hbm>>) target(%arg6 : memref<200xi32, #tpu.memory_space<vmem>>) target_semaphore(%run_scoped3A : memref<!tpu.dma_semaphore, #tpu.memory_space<semaphore_mem>>)
        %dma_wait3A_27 = tpu.memref_slice %arg3[%add3A_20] : memref<320000xi32, #tpu.memory_space<hbm>> -> memref<200xi32, #tpu.memory_space<hbm>>
        %dma_wait3A_28 = tpu.memref_slice %arg3[%add3A_20] : memref<320000xi32, #tpu.memory_space<hbm>> -> memref<200xi32, #tpu.memory_space<hbm>>
        tpu.wait_dma2 semaphore(%run_scoped3A : memref<!tpu.dma_semaphore, #tpu.memory_space<semaphore_mem>>) src(%dma_wait3A_28 : memref<200xi32, #tpu.memory_space<hbm>>) dst(%arg6 : memref<200xi32, #tpu.memory_space<vmem>>)
        tpu.yield
      }) : () -> ()
      "tpu.region"() ({
        %run_scoped3A = tpu.sem_alloc : memref<!tpu.dma_semaphore, #tpu.memory_space<semaphore_mem>>
        %dma_start3A_25 = tpu.memref_slice %arg4[%add3A_19] : memref<160000xi32, #tpu.memory_space<hbm>> -> memref<200xi32, #tpu.memory_space<hbm>>
        %dma_start3A_26 = tpu.memref_slice %arg4[%add3A_19] : memref<160000xi32, #tpu.memory_space<hbm>> -> memref<200xi32, #tpu.memory_space<hbm>>
        tpu.enqueue_dma source(%dma_start3A_26 : memref<200xi32, #tpu.memory_space<hbm>>) target(%arg7 : memref<200xi32, #tpu.memory_space<vmem>>) target_semaphore(%run_scoped3A : memref<!tpu.dma_semaphore, #tpu.memory_space<semaphore_mem>>)
        %dma_wait3A_27 = tpu.memref_slice %arg4[%add3A_19] : memref<160000xi32, #tpu.memory_space<hbm>> -> memref<200xi32, #tpu.memory_space<hbm>>
        %dma_wait3A_28 = tpu.memref_slice %arg4[%add3A_19] : memref<160000xi32, #tpu.memory_space<hbm>> -> memref<200xi32, #tpu.memory_space<hbm>>
        tpu.wait_dma2 semaphore(%run_scoped3A : memref<!tpu.dma_semaphore, #tpu.memory_space<semaphore_mem>>) src(%dma_wait3A_28 : memref<200xi32, #tpu.memory_space<hbm>>) dst(%arg7 : memref<200xi32, #tpu.memory_space<vmem>>)
        tpu.yield
      }) : () -> ()
      %dma_start3A = arith.constant 0 : i32
      %dma_start3A_21 = arith.constant 0 : i32
      %dma_start3A_22 = tpu.memref_slice %arg2[%dma_start3A, %dma_start3A_21] : memref<20480x128xf32, #tpu.memory_space<hbm>> -> memref<20480x128xf32, #tpu.memory_space<hbm>>
      tpu.enqueue_indirect_dma source(%dma_start3A_22 : memref<20480x128xf32, #tpu.memory_space<hbm>>) target(%arg8 : memref<200x128xf32, #tpu.memory_space<vmem>>) offsets(%arg6 : memref<200xi32, #tpu.memory_space<vmem>>) semaphore(%arg10 : memref<!tpu.dma_semaphore, #tpu.memory_space<semaphore_mem>>)
      %dma_wait3A = arith.constant 0 : i32
      %dma_wait3A_23 = arith.constant 0 : i32
      %dma_wait3A_24 = tpu.memref_slice %arg2[%dma_wait3A, %dma_wait3A_23] : memref<20480x128xf32, #tpu.memory_space<hbm>> -> memref<20480x128xf32, #tpu.memory_space<hbm>>
      tpu.wait_indirect_dma semaphore(%arg10 : memref<!tpu.dma_semaphore, #tpu.memory_space<semaphore_mem>>) src(%dma_wait3A_24 : memref<20480x128xf32, #tpu.memory_space<hbm>>) dst(%arg8 : memref<200x128xf32, #tpu.memory_space<vmem>>)
      "tpu.region"() ({
        %run_scoped3A = tpu.sem_alloc : memref<!tpu.dma_semaphore, #tpu.memory_space<semaphore_mem>>
        %dma_start3A_25 = arith.constant 0 : i32
        %dma_start3A_26 = arith.constant 0 : i32
        %dma_start3A_27 = tpu.memref_slice %arg9[%dma_start3A_25, %dma_start3A_26] : memref<10240x128xf32, #tpu.memory_space<vmem_shared>> -> memref<10240x128xf32, #tpu.memory_space<vmem_shared>>
        tpu.enqueue_indirect_dma source(%arg8 : memref<200x128xf32, #tpu.memory_space<vmem>>) target(%dma_start3A_27 : memref<10240x128xf32, #tpu.memory_space<vmem_shared>>) offsets(%arg7 : memref<200xi32, #tpu.memory_space<vmem>>) semaphore(%run_scoped3A : memref<!tpu.dma_semaphore, #tpu.memory_space<semaphore_mem>>) {add = true}
        %dma_wait3A_28 = arith.constant 0 : i32
        %dma_wait3A_29 = arith.constant 0 : i32
        %dma_wait3A_30 = tpu.memref_slice %arg9[%dma_wait3A_28, %dma_wait3A_29] : memref<10240x128xf32, #tpu.memory_space<vmem_shared>> -> memref<10240x128xf32, #tpu.memory_space<vmem_shared>>
        tpu.wait_indirect_dma semaphore(%run_scoped3A : memref<!tpu.dma_semaphore, #tpu.memory_space<semaphore_mem>>) src(%arg8 : memref<200x128xf32, #tpu.memory_space<vmem>>) dst(%dma_wait3A_30 : memref<10240x128xf32, #tpu.memory_space<vmem_shared>>)
        tpu.yield
      }) : () -> ()
    }
    %scan3A_11 = arith.constant 50 : i32
    %barrier3A_12 = arith.constant 0 : index
    tpu.barrier barrier_id(%barrier3A_12)
    %mul3A_13 = arith.constant 10240 : i32
    %mul3A_14 = arith.muli %arg0, %mul3A_13 : i32
    %add3A_15 = arith.addi %mul3A_14, %mul3A_0 : i32
    "tpu.region"() ({
      %run_scoped3A = tpu.sem_alloc : memref<!tpu.dma_semaphore, #tpu.memory_space<semaphore_mem>>
      %dma_start3A = arith.constant 0 : i32
      %dma_start3A_16 = tpu.memref_slice %arg5[%add3A_15, %dma_start3A] : memref<20480x128xf32, #tpu.memory_space<hbm>> -> memref<640x128xf32, #tpu.memory_space<hbm>>
      %dma_start3A_17 = arith.constant 0 : i32
      %dma_start3A_18 = tpu.memref_slice %arg9[%mul3A_0, %dma_start3A_17] : memref<10240x128xf32, #tpu.memory_space<vmem_shared>> -> memref<640x128xf32, #tpu.memory_space<vmem_shared>>
      tpu.enqueue_dma source(%dma_start3A_18 : memref<640x128xf32, #tpu.memory_space<vmem_shared>>) target(%dma_start3A_16 : memref<640x128xf32, #tpu.memory_space<hbm>>) target_semaphore(%run_scoped3A : memref<!tpu.dma_semaphore, #tpu.memory_space<semaphore_mem>>)
      %dma_wait3A = arith.constant 0 : i32
      %dma_wait3A_19 = tpu.memref_slice %arg5[%add3A_15, %dma_wait3A] : memref<20480x128xf32, #tpu.memory_space<hbm>> -> memref<640x128xf32, #tpu.memory_space<hbm>>
      %dma_wait3A_20 = arith.constant 0 : i32
      %dma_wait3A_21 = tpu.memref_slice %arg9[%mul3A_0, %dma_wait3A_20] : memref<10240x128xf32, #tpu.memory_space<vmem_shared>> -> memref<640x128xf32, #tpu.memory_space<vmem_shared>>
      tpu.wait_dma2 semaphore(%run_scoped3A : memref<!tpu.dma_semaphore, #tpu.memory_space<semaphore_mem>>) src(%dma_wait3A_21 : memref<640x128xf32, #tpu.memory_space<vmem_shared>>) dst(%dma_wait3A_19 : memref<640x128xf32, #tpu.memory_space<hbm>>)
      tpu.yield
    }) : () -> ()
    return
  }
}

#map = affine_map<(d0, d1) -> (0, 0)>
#map1 = affine_map<(d0, d1) -> (0)>
module attributes {stable_mosaic.version = 14 : i64} {
  func.func @k(%arg0: i32, %arg1: i32, %arg2: memref<10240x128xf32, #tpu.memory_space<hbm>>, %arg3: memref<160000xi32, #tpu.memory_space<hbm>>, %arg4: memref<160000xi32, #tpu.memory_space<hbm>>, %arg5: memref<20480x128xf32, #tpu.memory_space<hbm>>, %arg6: memref<200xi32, #tpu.memory_space<vmem>>, %arg7: memref<200xi32, #tpu.memory_space<vmem>>, %arg8: memref<200x128xf32, #tpu.memory_space<vmem>>, %arg9: memref<10240x128xf32, #tpu.memory_space<vmem_shared>>, %arg10: memref<!tpu.dma_semaphore, #tpu.memory_space<semaphore_mem>>) attributes {dimension_semantics = [#tpu.dimension_semantics<core_parallel>, #tpu.dimension_semantics<subcore_parallel>], iteration_bounds = array<i64: 2, 16>, scalar_prefetch = 0 : i64, scratch_operands = 5 : i64, tpu.core_type = #tpu.core_type<sc_vector_subcore>, window_params = [{transform_indices = #map}, {transform_indices = #map1}, {transform_indices = #map1}, {transform_indices = #map}]} {
    %mul3A = arith.constant 640 : i32
    %mul3A_0 = arith.muli %arg1, %mul3A : i32
    %add3A = arith.constant 0 : i32
    %add3A_1 = arith.addi %add3A, %mul3A_0 : i32
    "tpu.region"() ({
      %run_scoped3A = tpu.sem_alloc : memref<!tpu.dma_semaphore, #tpu.memory_space<semaphore_mem>>
      %dma_start3A = arith.constant 0 : i32
      %dma_start3A_16 = tpu.memref_slice %arg9[%mul3A_0, %dma_start3A] : memref<10240x128xf32, #tpu.memory_space<vmem_shared>> -> memref<640x128xf32, #tpu.memory_space<vmem_shared>>
      %dma_start3A_17 = arith.constant 0 : i32
      %dma_start3A_18 = tpu.memref_slice %arg2[%add3A_1, %dma_start3A_17] : memref<10240x128xf32, #tpu.memory_space<hbm>> -> memref<640x128xf32, #tpu.memory_space<hbm>>
      tpu.enqueue_dma source(%dma_start3A_18 : memref<640x128xf32, #tpu.memory_space<hbm>>) target(%dma_start3A_16 : memref<640x128xf32, #tpu.memory_space<vmem_shared>>) target_semaphore(%run_scoped3A : memref<!tpu.dma_semaphore, #tpu.memory_space<semaphore_mem>>)
      %dma_wait3A = arith.constant 0 : i32
      %dma_wait3A_19 = tpu.memref_slice %arg9[%mul3A_0, %dma_wait3A] : memref<10240x128xf32, #tpu.memory_space<vmem_shared>> -> memref<640x128xf32, #tpu.memory_space<vmem_shared>>
      %dma_wait3A_20 = arith.constant 0 : i32
      %dma_wait3A_21 = tpu.memref_slice %arg2[%add3A_1, %dma_wait3A_20] : memref<10240x128xf32, #tpu.memory_space<hbm>> -> memref<640x128xf32, #tpu.memory_space<hbm>>
      tpu.wait_dma2 semaphore(%run_scoped3A : memref<!tpu.dma_semaphore, #tpu.memory_space<semaphore_mem>>) src(%dma_wait3A_21 : memref<640x128xf32, #tpu.memory_space<hbm>>) dst(%dma_wait3A_19 : memref<640x128xf32, #tpu.memory_space<vmem_shared>>)
      tpu.yield
    }) : () -> ()
    %barrier3A = arith.constant 0 : index
    tpu.barrier barrier_id(%barrier3A)
    %mul3A_2 = arith.constant 80000 : i32
    %mul3A_3 = arith.muli %arg0, %mul3A_2 : i32
    %mul3A_4 = arith.constant 5000 : i32
    %mul3A_5 = arith.muli %arg1, %mul3A_4 : i32
    %add3A_6 = arith.addi %mul3A_3, %mul3A_5 : i32
    %scan3A = arith.constant 0 : i32
    %scan3A_7 = arith.constant 0 : i32
    %scan3A_8 = arith.constant 25 : i32
    %scan3A_9 = arith.addi %scan3A_7, %scan3A_8 : i32
    %scan3A_10 = arith.constant 1 : i32
    scf.for %scan3A_16 = %scan3A_7 to %scan3A_9 step %scan3A_10  : i32 {
      %mul3A_17 = arith.constant 200 : i32
      %mul3A_18 = arith.muli %scan3A_16, %mul3A_17 : i32
      %add3A_19 = arith.addi %add3A_6, %mul3A_18 : i32
      %add3A_20 = arith.constant 0 : i32
      %add3A_21 = arith.addi %add3A_20, %add3A_19 : i32
      "tpu.region"() ({
        %run_scoped3A = tpu.sem_alloc : memref<!tpu.dma_semaphore, #tpu.memory_space<semaphore_mem>>
        %dma_start3A_26 = tpu.memref_slice %arg3[%add3A_21] : memref<160000xi32, #tpu.memory_space<hbm>> -> memref<200xi32, #tpu.memory_space<hbm>>
        %dma_start3A_27 = tpu.memref_slice %arg3[%add3A_21] : memref<160000xi32, #tpu.memory_space<hbm>> -> memref<200xi32, #tpu.memory_space<hbm>>
        tpu.enqueue_dma source(%dma_start3A_27 : memref<200xi32, #tpu.memory_space<hbm>>) target(%arg6 : memref<200xi32, #tpu.memory_space<vmem>>) target_semaphore(%run_scoped3A : memref<!tpu.dma_semaphore, #tpu.memory_space<semaphore_mem>>)
        %dma_wait3A_28 = tpu.memref_slice %arg3[%add3A_21] : memref<160000xi32, #tpu.memory_space<hbm>> -> memref<200xi32, #tpu.memory_space<hbm>>
        %dma_wait3A_29 = tpu.memref_slice %arg3[%add3A_21] : memref<160000xi32, #tpu.memory_space<hbm>> -> memref<200xi32, #tpu.memory_space<hbm>>
        tpu.wait_dma2 semaphore(%run_scoped3A : memref<!tpu.dma_semaphore, #tpu.memory_space<semaphore_mem>>) src(%dma_wait3A_29 : memref<200xi32, #tpu.memory_space<hbm>>) dst(%arg6 : memref<200xi32, #tpu.memory_space<vmem>>)
        tpu.yield
      }) : () -> ()
      "tpu.region"() ({
        %run_scoped3A = tpu.sem_alloc : memref<!tpu.dma_semaphore, #tpu.memory_space<semaphore_mem>>
        %dma_start3A_26 = tpu.memref_slice %arg4[%add3A_19] : memref<160000xi32, #tpu.memory_space<hbm>> -> memref<200xi32, #tpu.memory_space<hbm>>
        %dma_start3A_27 = tpu.memref_slice %arg4[%add3A_19] : memref<160000xi32, #tpu.memory_space<hbm>> -> memref<200xi32, #tpu.memory_space<hbm>>
        tpu.enqueue_dma source(%dma_start3A_27 : memref<200xi32, #tpu.memory_space<hbm>>) target(%arg7 : memref<200xi32, #tpu.memory_space<vmem>>) target_semaphore(%run_scoped3A : memref<!tpu.dma_semaphore, #tpu.memory_space<semaphore_mem>>)
        %dma_wait3A_28 = tpu.memref_slice %arg4[%add3A_19] : memref<160000xi32, #tpu.memory_space<hbm>> -> memref<200xi32, #tpu.memory_space<hbm>>
        %dma_wait3A_29 = tpu.memref_slice %arg4[%add3A_19] : memref<160000xi32, #tpu.memory_space<hbm>> -> memref<200xi32, #tpu.memory_space<hbm>>
        tpu.wait_dma2 semaphore(%run_scoped3A : memref<!tpu.dma_semaphore, #tpu.memory_space<semaphore_mem>>) src(%dma_wait3A_29 : memref<200xi32, #tpu.memory_space<hbm>>) dst(%arg7 : memref<200xi32, #tpu.memory_space<vmem>>)
        tpu.yield
      }) : () -> ()
      %dma_start3A = arith.constant 0 : i32
      %dma_start3A_22 = arith.constant 0 : i32
      %dma_start3A_23 = tpu.memref_slice %arg2[%dma_start3A, %dma_start3A_22] : memref<10240x128xf32, #tpu.memory_space<hbm>> -> memref<10240x128xf32, #tpu.memory_space<hbm>>
      tpu.enqueue_indirect_dma source(%dma_start3A_23 : memref<10240x128xf32, #tpu.memory_space<hbm>>) target(%arg8 : memref<200x128xf32, #tpu.memory_space<vmem>>) offsets(%arg6 : memref<200xi32, #tpu.memory_space<vmem>>) semaphore(%arg10 : memref<!tpu.dma_semaphore, #tpu.memory_space<semaphore_mem>>)
      %dma_wait3A = arith.constant 0 : i32
      %dma_wait3A_24 = arith.constant 0 : i32
      %dma_wait3A_25 = tpu.memref_slice %arg2[%dma_wait3A, %dma_wait3A_24] : memref<10240x128xf32, #tpu.memory_space<hbm>> -> memref<10240x128xf32, #tpu.memory_space<hbm>>
      tpu.wait_indirect_dma semaphore(%arg10 : memref<!tpu.dma_semaphore, #tpu.memory_space<semaphore_mem>>) src(%dma_wait3A_25 : memref<10240x128xf32, #tpu.memory_space<hbm>>) dst(%arg8 : memref<200x128xf32, #tpu.memory_space<vmem>>)
      "tpu.region"() ({
        %run_scoped3A = tpu.sem_alloc : memref<!tpu.dma_semaphore, #tpu.memory_space<semaphore_mem>>
        %dma_start3A_26 = arith.constant 0 : i32
        %dma_start3A_27 = arith.constant 0 : i32
        %dma_start3A_28 = tpu.memref_slice %arg9[%dma_start3A_26, %dma_start3A_27] : memref<10240x128xf32, #tpu.memory_space<vmem_shared>> -> memref<10240x128xf32, #tpu.memory_space<vmem_shared>>
        tpu.enqueue_indirect_dma source(%arg8 : memref<200x128xf32, #tpu.memory_space<vmem>>) target(%dma_start3A_28 : memref<10240x128xf32, #tpu.memory_space<vmem_shared>>) offsets(%arg7 : memref<200xi32, #tpu.memory_space<vmem>>) semaphore(%run_scoped3A : memref<!tpu.dma_semaphore, #tpu.memory_space<semaphore_mem>>) {add = true}
        %dma_wait3A_29 = arith.constant 0 : i32
        %dma_wait3A_30 = arith.constant 0 : i32
        %dma_wait3A_31 = tpu.memref_slice %arg9[%dma_wait3A_29, %dma_wait3A_30] : memref<10240x128xf32, #tpu.memory_space<vmem_shared>> -> memref<10240x128xf32, #tpu.memory_space<vmem_shared>>
        tpu.wait_indirect_dma semaphore(%run_scoped3A : memref<!tpu.dma_semaphore, #tpu.memory_space<semaphore_mem>>) src(%arg8 : memref<200x128xf32, #tpu.memory_space<vmem>>) dst(%dma_wait3A_31 : memref<10240x128xf32, #tpu.memory_space<vmem_shared>>)
        tpu.yield
      }) : () -> ()
    }
    %scan3A_11 = arith.constant 25 : i32
    %barrier3A_12 = arith.constant 0 : index
    tpu.barrier barrier_id(%barrier3A_12)
    %mul3A_13 = arith.constant 10240 : i32
    %mul3A_14 = arith.muli %arg0, %mul3A_13 : i32
    %add3A_15 = arith.addi %mul3A_14, %mul3A_0 : i32
    "tpu.region"() ({
      %run_scoped3A = tpu.sem_alloc : memref<!tpu.dma_semaphore, #tpu.memory_space<semaphore_mem>>
      %dma_start3A = arith.constant 0 : i32
      %dma_start3A_16 = tpu.memref_slice %arg5[%add3A_15, %dma_start3A] : memref<20480x128xf32, #tpu.memory_space<hbm>> -> memref<640x128xf32, #tpu.memory_space<hbm>>
      %dma_start3A_17 = arith.constant 0 : i32
      %dma_start3A_18 = tpu.memref_slice %arg9[%mul3A_0, %dma_start3A_17] : memref<10240x128xf32, #tpu.memory_space<vmem_shared>> -> memref<640x128xf32, #tpu.memory_space<vmem_shared>>
      tpu.enqueue_dma source(%dma_start3A_18 : memref<640x128xf32, #tpu.memory_space<vmem_shared>>) target(%dma_start3A_16 : memref<640x128xf32, #tpu.memory_space<hbm>>) target_semaphore(%run_scoped3A : memref<!tpu.dma_semaphore, #tpu.memory_space<semaphore_mem>>)
      %dma_wait3A = arith.constant 0 : i32
      %dma_wait3A_19 = tpu.memref_slice %arg5[%add3A_15, %dma_wait3A] : memref<20480x128xf32, #tpu.memory_space<hbm>> -> memref<640x128xf32, #tpu.memory_space<hbm>>
      %dma_wait3A_20 = arith.constant 0 : i32
      %dma_wait3A_21 = tpu.memref_slice %arg9[%mul3A_0, %dma_wait3A_20] : memref<10240x128xf32, #tpu.memory_space<vmem_shared>> -> memref<640x128xf32, #tpu.memory_space<vmem_shared>>
      tpu.wait_dma2 semaphore(%run_scoped3A : memref<!tpu.dma_semaphore, #tpu.memory_space<semaphore_mem>>) src(%dma_wait3A_21 : memref<640x128xf32, #tpu.memory_space<vmem_shared>>) dst(%dma_wait3A_19 : memref<640x128xf32, #tpu.memory_space<hbm>>)
      tpu.yield
    }) : () -> ()
    return
  }
}

#map = affine_map<(d0, d1) -> (0, 0)>
#map1 = affine_map<(d0, d1) -> (0)>
module attributes {stable_mosaic.version = 14 : i64} {
  func.func @k(%arg0: i32, %arg1: i32, %arg2: memref<20480x128xf32, #tpu.memory_space<hbm>>, %arg3: memref<320000xi32, #tpu.memory_space<hbm>>, %arg4: memref<160000xi32, #tpu.memory_space<hbm>>, %arg5: memref<20480x128xf32, #tpu.memory_space<hbm>>, %arg6: memref<200xi32, #tpu.memory_space<vmem>>, %arg7: memref<200xi32, #tpu.memory_space<vmem>>, %arg8: memref<200x128xf32, #tpu.memory_space<vmem>>, %arg9: memref<10240x128xf32, #tpu.memory_space<vmem_shared>>, %arg10: memref<!tpu.dma_semaphore, #tpu.memory_space<semaphore_mem>>) attributes {dimension_semantics = [#tpu.dimension_semantics<core_parallel>, #tpu.dimension_semantics<subcore_parallel>], iteration_bounds = array<i64: 2, 16>, scalar_prefetch = 0 : i64, scratch_operands = 5 : i64, tpu.core_type = #tpu.core_type<sc_vector_subcore>, window_params = [{transform_indices = #map}, {transform_indices = #map1}, {transform_indices = #map1}, {transform_indices = #map}]} {
    %mul3A = arith.constant 640 : i32
    %mul3A_0 = arith.muli %arg1, %mul3A : i32
    %mul3A_1 = arith.constant 10240 : i32
    %mul3A_2 = arith.muli %arg0, %mul3A_1 : i32
    %add3A = arith.addi %mul3A_2, %mul3A_0 : i32
    "tpu.region"() ({
      %run_scoped3A = tpu.sem_alloc : memref<!tpu.dma_semaphore, #tpu.memory_space<semaphore_mem>>
      %dma_start3A = arith.constant 0 : i32
      %dma_start3A_16 = tpu.memref_slice %arg9[%mul3A_0, %dma_start3A] : memref<10240x128xf32, #tpu.memory_space<vmem_shared>> -> memref<640x128xf32, #tpu.memory_space<vmem_shared>>
      %dma_start3A_17 = arith.constant 0 : i32
      %dma_start3A_18 = tpu.memref_slice %arg2[%add3A, %dma_start3A_17] : memref<20480x128xf32, #tpu.memory_space<hbm>> -> memref<640x128xf32, #tpu.memory_space<hbm>>
      tpu.enqueue_dma source(%dma_start3A_18 : memref<640x128xf32, #tpu.memory_space<hbm>>) target(%dma_start3A_16 : memref<640x128xf32, #tpu.memory_space<vmem_shared>>) target_semaphore(%run_scoped3A : memref<!tpu.dma_semaphore, #tpu.memory_space<semaphore_mem>>)
      %dma_wait3A = arith.constant 0 : i32
      %dma_wait3A_19 = tpu.memref_slice %arg9[%mul3A_0, %dma_wait3A] : memref<10240x128xf32, #tpu.memory_space<vmem_shared>> -> memref<640x128xf32, #tpu.memory_space<vmem_shared>>
      %dma_wait3A_20 = arith.constant 0 : i32
      %dma_wait3A_21 = tpu.memref_slice %arg2[%add3A, %dma_wait3A_20] : memref<20480x128xf32, #tpu.memory_space<hbm>> -> memref<640x128xf32, #tpu.memory_space<hbm>>
      tpu.wait_dma2 semaphore(%run_scoped3A : memref<!tpu.dma_semaphore, #tpu.memory_space<semaphore_mem>>) src(%dma_wait3A_21 : memref<640x128xf32, #tpu.memory_space<hbm>>) dst(%dma_wait3A_19 : memref<640x128xf32, #tpu.memory_space<vmem_shared>>)
      tpu.yield
    }) : () -> ()
    %barrier3A = arith.constant 0 : index
    tpu.barrier barrier_id(%barrier3A)
    %mul3A_3 = arith.constant 10000 : i32
    %mul3A_4 = arith.muli %arg1, %mul3A_3 : i32
    %mul3A_5 = arith.constant 160000 : i32
    %mul3A_6 = arith.muli %arg0, %mul3A_5 : i32
    %scan3A = arith.constant 0 : i32
    %scan3A_7 = arith.constant 0 : i32
    %scan3A_8 = arith.constant 50 : i32
    %scan3A_9 = arith.addi %scan3A_7, %scan3A_8 : i32
    %scan3A_10 = arith.constant 1 : i32
    scf.for %scan3A_16 = %scan3A_7 to %scan3A_9 step %scan3A_10  : i32 {
      %mul3A_17 = arith.constant 200 : i32
      %mul3A_18 = arith.muli %scan3A_16, %mul3A_17 : i32
      %add3A_19 = arith.addi %mul3A_4, %mul3A_18 : i32
      %add3A_20 = arith.addi %mul3A_6, %add3A_19 : i32
      "tpu.region"() ({
        %run_scoped3A = tpu.sem_alloc : memref<!tpu.dma_semaphore, #tpu.memory_space<semaphore_mem>>
        %dma_start3A_25 = tpu.memref_slice %arg3[%add3A_20] : memref<320000xi32, #tpu.memory_space<hbm>> -> memref<200xi32, #tpu.memory_space<hbm>>
        %dma_start3A_26 = tpu.memref_slice %arg3[%add3A_20] : memref<320000xi32, #tpu.memory_space<hbm>> -> memref<200xi32, #tpu.memory_space<hbm>>
        tpu.enqueue_dma source(%dma_start3A_26 : memref<200xi32, #tpu.memory_space<hbm>>) target(%arg6 : memref<200xi32, #tpu.memory_space<vmem>>) target_semaphore(%run_scoped3A : memref<!tpu.dma_semaphore, #tpu.memory_space<semaphore_mem>>)
        %dma_wait3A_27 = tpu.memref_slice %arg3[%add3A_20] : memref<320000xi32, #tpu.memory_space<hbm>> -> memref<200xi32, #tpu.memory_space<hbm>>
        %dma_wait3A_28 = tpu.memref_slice %arg3[%add3A_20] : memref<320000xi32, #tpu.memory_space<hbm>> -> memref<200xi32, #tpu.memory_space<hbm>>
        tpu.wait_dma2 semaphore(%run_scoped3A : memref<!tpu.dma_semaphore, #tpu.memory_space<semaphore_mem>>) src(%dma_wait3A_28 : memref<200xi32, #tpu.memory_space<hbm>>) dst(%arg6 : memref<200xi32, #tpu.memory_space<vmem>>)
        tpu.yield
      }) : () -> ()
      "tpu.region"() ({
        %run_scoped3A = tpu.sem_alloc : memref<!tpu.dma_semaphore, #tpu.memory_space<semaphore_mem>>
        %dma_start3A_25 = tpu.memref_slice %arg4[%add3A_19] : memref<160000xi32, #tpu.memory_space<hbm>> -> memref<200xi32, #tpu.memory_space<hbm>>
        %dma_start3A_26 = tpu.memref_slice %arg4[%add3A_19] : memref<160000xi32, #tpu.memory_space<hbm>> -> memref<200xi32, #tpu.memory_space<hbm>>
        tpu.enqueue_dma source(%dma_start3A_26 : memref<200xi32, #tpu.memory_space<hbm>>) target(%arg7 : memref<200xi32, #tpu.memory_space<vmem>>) target_semaphore(%run_scoped3A : memref<!tpu.dma_semaphore, #tpu.memory_space<semaphore_mem>>)
        %dma_wait3A_27 = tpu.memref_slice %arg4[%add3A_19] : memref<160000xi32, #tpu.memory_space<hbm>> -> memref<200xi32, #tpu.memory_space<hbm>>
        %dma_wait3A_28 = tpu.memref_slice %arg4[%add3A_19] : memref<160000xi32, #tpu.memory_space<hbm>> -> memref<200xi32, #tpu.memory_space<hbm>>
        tpu.wait_dma2 semaphore(%run_scoped3A : memref<!tpu.dma_semaphore, #tpu.memory_space<semaphore_mem>>) src(%dma_wait3A_28 : memref<200xi32, #tpu.memory_space<hbm>>) dst(%arg7 : memref<200xi32, #tpu.memory_space<vmem>>)
        tpu.yield
      }) : () -> ()
      %dma_start3A = arith.constant 0 : i32
      %dma_start3A_21 = arith.constant 0 : i32
      %dma_start3A_22 = tpu.memref_slice %arg2[%dma_start3A, %dma_start3A_21] : memref<20480x128xf32, #tpu.memory_space<hbm>> -> memref<20480x128xf32, #tpu.memory_space<hbm>>
      tpu.enqueue_indirect_dma source(%dma_start3A_22 : memref<20480x128xf32, #tpu.memory_space<hbm>>) target(%arg8 : memref<200x128xf32, #tpu.memory_space<vmem>>) offsets(%arg6 : memref<200xi32, #tpu.memory_space<vmem>>) semaphore(%arg10 : memref<!tpu.dma_semaphore, #tpu.memory_space<semaphore_mem>>)
      %dma_wait3A = arith.constant 0 : i32
      %dma_wait3A_23 = arith.constant 0 : i32
      %dma_wait3A_24 = tpu.memref_slice %arg2[%dma_wait3A, %dma_wait3A_23] : memref<20480x128xf32, #tpu.memory_space<hbm>> -> memref<20480x128xf32, #tpu.memory_space<hbm>>
      tpu.wait_indirect_dma semaphore(%arg10 : memref<!tpu.dma_semaphore, #tpu.memory_space<semaphore_mem>>) src(%dma_wait3A_24 : memref<20480x128xf32, #tpu.memory_space<hbm>>) dst(%arg8 : memref<200x128xf32, #tpu.memory_space<vmem>>)
      "tpu.region"() ({
        %run_scoped3A = tpu.sem_alloc : memref<!tpu.dma_semaphore, #tpu.memory_space<semaphore_mem>>
        %dma_start3A_25 = arith.constant 0 : i32
        %dma_start3A_26 = arith.constant 0 : i32
        %dma_start3A_27 = tpu.memref_slice %arg9[%dma_start3A_25, %dma_start3A_26] : memref<10240x128xf32, #tpu.memory_space<vmem_shared>> -> memref<10240x128xf32, #tpu.memory_space<vmem_shared>>
        tpu.enqueue_indirect_dma source(%arg8 : memref<200x128xf32, #tpu.memory_space<vmem>>) target(%dma_start3A_27 : memref<10240x128xf32, #tpu.memory_space<vmem_shared>>) offsets(%arg7 : memref<200xi32, #tpu.memory_space<vmem>>) semaphore(%run_scoped3A : memref<!tpu.dma_semaphore, #tpu.memory_space<semaphore_mem>>) {add = true}
        %dma_wait3A_28 = arith.constant 0 : i32
        %dma_wait3A_29 = arith.constant 0 : i32
        %dma_wait3A_30 = tpu.memref_slice %arg9[%dma_wait3A_28, %dma_wait3A_29] : memref<10240x128xf32, #tpu.memory_space<vmem_shared>> -> memref<10240x128xf32, #tpu.memory_space<vmem_shared>>
        tpu.wait_indirect_dma semaphore(%run_scoped3A : memref<!tpu.dma_semaphore, #tpu.memory_space<semaphore_mem>>) src(%arg8 : memref<200x128xf32, #tpu.memory_space<vmem>>) dst(%dma_wait3A_30 : memref<10240x128xf32, #tpu.memory_space<vmem_shared>>)
        tpu.yield
      }) : () -> ()
    }
    %scan3A_11 = arith.constant 50 : i32
    %barrier3A_12 = arith.constant 0 : index
    tpu.barrier barrier_id(%barrier3A_12)
    %mul3A_13 = arith.constant 10240 : i32
    %mul3A_14 = arith.muli %arg0, %mul3A_13 : i32
    %add3A_15 = arith.addi %mul3A_14, %mul3A_0 : i32
    "tpu.region"() ({
      %run_scoped3A = tpu.sem_alloc : memref<!tpu.dma_semaphore, #tpu.memory_space<semaphore_mem>>
      %dma_start3A = arith.constant 0 : i32
      %dma_start3A_16 = tpu.memref_slice %arg5[%add3A_15, %dma_start3A] : memref<20480x128xf32, #tpu.memory_space<hbm>> -> memref<640x128xf32, #tpu.memory_space<hbm>>
      %dma_start3A_17 = arith.constant 0 : i32
      %dma_start3A_18 = tpu.memref_slice %arg9[%mul3A_0, %dma_start3A_17] : memref<10240x128xf32, #tpu.memory_space<vmem_shared>> -> memref<640x128xf32, #tpu.memory_space<vmem_shared>>
      tpu.enqueue_dma source(%dma_start3A_18 : memref<640x128xf32, #tpu.memory_space<vmem_shared>>) target(%dma_start3A_16 : memref<640x128xf32, #tpu.memory_space<hbm>>) target_semaphore(%run_scoped3A : memref<!tpu.dma_semaphore, #tpu.memory_space<semaphore_mem>>)
      %dma_wait3A = arith.constant 0 : i32
      %dma_wait3A_19 = tpu.memref_slice %arg5[%add3A_15, %dma_wait3A] : memref<20480x128xf32, #tpu.memory_space<hbm>> -> memref<640x128xf32, #tpu.memory_space<hbm>>
      %dma_wait3A_20 = arith.constant 0 : i32
      %dma_wait3A_21 = tpu.memref_slice %arg9[%mul3A_0, %dma_wait3A_20] : memref<10240x128xf32, #tpu.memory_space<vmem_shared>> -> memref<640x128xf32, #tpu.memory_space<vmem_shared>>
      tpu.wait_dma2 semaphore(%run_scoped3A : memref<!tpu.dma_semaphore, #tpu.memory_space<semaphore_mem>>) src(%dma_wait3A_21 : memref<640x128xf32, #tpu.memory_space<vmem_shared>>) dst(%dma_wait3A_19 : memref<640x128xf32, #tpu.memory_space<hbm>>)
      tpu.yield
    }) : () -> ()
    return
  }
}

#map = affine_map<(d0, d1) -> (0, 0)>
#map1 = affine_map<(d0, d1) -> (0)>
module attributes {stable_mosaic.version = 14 : i64} {
  func.func @k(%arg0: i32, %arg1: i32, %arg2: memref<20480x128xf32, #tpu.memory_space<hbm>>, %arg3: memref<320000xi32, #tpu.memory_space<hbm>>, %arg4: memref<160000xi32, #tpu.memory_space<hbm>>, %arg5: memref<20480x128xf32, #tpu.memory_space<hbm>>, %arg6: memref<200xi32, #tpu.memory_space<vmem>>, %arg7: memref<200xi32, #tpu.memory_space<vmem>>, %arg8: memref<200x128xf32, #tpu.memory_space<vmem>>, %arg9: memref<10240x128xf32, #tpu.memory_space<vmem_shared>>, %arg10: memref<!tpu.dma_semaphore, #tpu.memory_space<semaphore_mem>>) attributes {dimension_semantics = [#tpu.dimension_semantics<core_parallel>, #tpu.dimension_semantics<subcore_parallel>], iteration_bounds = array<i64: 2, 16>, scalar_prefetch = 0 : i64, scratch_operands = 5 : i64, tpu.core_type = #tpu.core_type<sc_vector_subcore>, window_params = [{transform_indices = #map}, {transform_indices = #map1}, {transform_indices = #map1}, {transform_indices = #map}]} {
    %mul3A = arith.constant 640 : i32
    %mul3A_0 = arith.muli %arg1, %mul3A : i32
    %mul3A_1 = arith.constant 10240 : i32
    %mul3A_2 = arith.muli %arg0, %mul3A_1 : i32
    %add3A = arith.addi %mul3A_2, %mul3A_0 : i32
    "tpu.region"() ({
      %run_scoped3A = tpu.sem_alloc : memref<!tpu.dma_semaphore, #tpu.memory_space<semaphore_mem>>
      %dma_start3A = arith.constant 0 : i32
      %dma_start3A_16 = tpu.memref_slice %arg9[%mul3A_0, %dma_start3A] : memref<10240x128xf32, #tpu.memory_space<vmem_shared>> -> memref<640x128xf32, #tpu.memory_space<vmem_shared>>
      %dma_start3A_17 = arith.constant 0 : i32
      %dma_start3A_18 = tpu.memref_slice %arg2[%add3A, %dma_start3A_17] : memref<20480x128xf32, #tpu.memory_space<hbm>> -> memref<640x128xf32, #tpu.memory_space<hbm>>
      tpu.enqueue_dma source(%dma_start3A_18 : memref<640x128xf32, #tpu.memory_space<hbm>>) target(%dma_start3A_16 : memref<640x128xf32, #tpu.memory_space<vmem_shared>>) target_semaphore(%run_scoped3A : memref<!tpu.dma_semaphore, #tpu.memory_space<semaphore_mem>>)
      %dma_wait3A = arith.constant 0 : i32
      %dma_wait3A_19 = tpu.memref_slice %arg9[%mul3A_0, %dma_wait3A] : memref<10240x128xf32, #tpu.memory_space<vmem_shared>> -> memref<640x128xf32, #tpu.memory_space<vmem_shared>>
      %dma_wait3A_20 = arith.constant 0 : i32
      %dma_wait3A_21 = tpu.memref_slice %arg2[%add3A, %dma_wait3A_20] : memref<20480x128xf32, #tpu.memory_space<hbm>> -> memref<640x128xf32, #tpu.memory_space<hbm>>
      tpu.wait_dma2 semaphore(%run_scoped3A : memref<!tpu.dma_semaphore, #tpu.memory_space<semaphore_mem>>) src(%dma_wait3A_21 : memref<640x128xf32, #tpu.memory_space<hbm>>) dst(%dma_wait3A_19 : memref<640x128xf32, #tpu.memory_space<vmem_shared>>)
      tpu.yield
    }) : () -> ()
    %barrier3A = arith.constant 0 : index
    tpu.barrier barrier_id(%barrier3A)
    %mul3A_3 = arith.constant 10000 : i32
    %mul3A_4 = arith.muli %arg1, %mul3A_3 : i32
    %mul3A_5 = arith.constant 160000 : i32
    %mul3A_6 = arith.muli %arg0, %mul3A_5 : i32
    %scan3A = arith.constant 0 : i32
    %scan3A_7 = arith.constant 0 : i32
    %scan3A_8 = arith.constant 50 : i32
    %scan3A_9 = arith.addi %scan3A_7, %scan3A_8 : i32
    %scan3A_10 = arith.constant 1 : i32
    scf.for %scan3A_16 = %scan3A_7 to %scan3A_9 step %scan3A_10  : i32 {
      %mul3A_17 = arith.constant 200 : i32
      %mul3A_18 = arith.muli %scan3A_16, %mul3A_17 : i32
      %add3A_19 = arith.addi %mul3A_4, %mul3A_18 : i32
      %add3A_20 = arith.addi %mul3A_6, %add3A_19 : i32
      "tpu.region"() ({
        %run_scoped3A = tpu.sem_alloc : memref<!tpu.dma_semaphore, #tpu.memory_space<semaphore_mem>>
        %dma_start3A_25 = tpu.memref_slice %arg3[%add3A_20] : memref<320000xi32, #tpu.memory_space<hbm>> -> memref<200xi32, #tpu.memory_space<hbm>>
        %dma_start3A_26 = tpu.memref_slice %arg3[%add3A_20] : memref<320000xi32, #tpu.memory_space<hbm>> -> memref<200xi32, #tpu.memory_space<hbm>>
        tpu.enqueue_dma source(%dma_start3A_26 : memref<200xi32, #tpu.memory_space<hbm>>) target(%arg6 : memref<200xi32, #tpu.memory_space<vmem>>) target_semaphore(%run_scoped3A : memref<!tpu.dma_semaphore, #tpu.memory_space<semaphore_mem>>)
        %dma_wait3A_27 = tpu.memref_slice %arg3[%add3A_20] : memref<320000xi32, #tpu.memory_space<hbm>> -> memref<200xi32, #tpu.memory_space<hbm>>
        %dma_wait3A_28 = tpu.memref_slice %arg3[%add3A_20] : memref<320000xi32, #tpu.memory_space<hbm>> -> memref<200xi32, #tpu.memory_space<hbm>>
        tpu.wait_dma2 semaphore(%run_scoped3A : memref<!tpu.dma_semaphore, #tpu.memory_space<semaphore_mem>>) src(%dma_wait3A_28 : memref<200xi32, #tpu.memory_space<hbm>>) dst(%arg6 : memref<200xi32, #tpu.memory_space<vmem>>)
        tpu.yield
      }) : () -> ()
      "tpu.region"() ({
        %run_scoped3A = tpu.sem_alloc : memref<!tpu.dma_semaphore, #tpu.memory_space<semaphore_mem>>
        %dma_start3A_25 = tpu.memref_slice %arg4[%add3A_19] : memref<160000xi32, #tpu.memory_space<hbm>> -> memref<200xi32, #tpu.memory_space<hbm>>
        %dma_start3A_26 = tpu.memref_slice %arg4[%add3A_19] : memref<160000xi32, #tpu.memory_space<hbm>> -> memref<200xi32, #tpu.memory_space<hbm>>
        tpu.enqueue_dma source(%dma_start3A_26 : memref<200xi32, #tpu.memory_space<hbm>>) target(%arg7 : memref<200xi32, #tpu.memory_space<vmem>>) target_semaphore(%run_scoped3A : memref<!tpu.dma_semaphore, #tpu.memory_space<semaphore_mem>>)
        %dma_wait3A_27 = tpu.memref_slice %arg4[%add3A_19] : memref<160000xi32, #tpu.memory_space<hbm>> -> memref<200xi32, #tpu.memory_space<hbm>>
        %dma_wait3A_28 = tpu.memref_slice %arg4[%add3A_19] : memref<160000xi32, #tpu.memory_space<hbm>> -> memref<200xi32, #tpu.memory_space<hbm>>
        tpu.wait_dma2 semaphore(%run_scoped3A : memref<!tpu.dma_semaphore, #tpu.memory_space<semaphore_mem>>) src(%dma_wait3A_28 : memref<200xi32, #tpu.memory_space<hbm>>) dst(%arg7 : memref<200xi32, #tpu.memory_space<vmem>>)
        tpu.yield
      }) : () -> ()
      %dma_start3A = arith.constant 0 : i32
      %dma_start3A_21 = arith.constant 0 : i32
      %dma_start3A_22 = tpu.memref_slice %arg2[%dma_start3A, %dma_start3A_21] : memref<20480x128xf32, #tpu.memory_space<hbm>> -> memref<20480x128xf32, #tpu.memory_space<hbm>>
      tpu.enqueue_indirect_dma source(%dma_start3A_22 : memref<20480x128xf32, #tpu.memory_space<hbm>>) target(%arg8 : memref<200x128xf32, #tpu.memory_space<vmem>>) offsets(%arg6 : memref<200xi32, #tpu.memory_space<vmem>>) semaphore(%arg10 : memref<!tpu.dma_semaphore, #tpu.memory_space<semaphore_mem>>)
      %dma_wait3A = arith.constant 0 : i32
      %dma_wait3A_23 = arith.constant 0 : i32
      %dma_wait3A_24 = tpu.memref_slice %arg2[%dma_wait3A, %dma_wait3A_23] : memref<20480x128xf32, #tpu.memory_space<hbm>> -> memref<20480x128xf32, #tpu.memory_space<hbm>>
      tpu.wait_indirect_dma semaphore(%arg10 : memref<!tpu.dma_semaphore, #tpu.memory_space<semaphore_mem>>) src(%dma_wait3A_24 : memref<20480x128xf32, #tpu.memory_space<hbm>>) dst(%arg8 : memref<200x128xf32, #tpu.memory_space<vmem>>)
      "tpu.region"() ({
        %run_scoped3A = tpu.sem_alloc : memref<!tpu.dma_semaphore, #tpu.memory_space<semaphore_mem>>
        %dma_start3A_25 = arith.constant 0 : i32
        %dma_start3A_26 = arith.constant 0 : i32
        %dma_start3A_27 = tpu.memref_slice %arg9[%dma_start3A_25, %dma_start3A_26] : memref<10240x128xf32, #tpu.memory_space<vmem_shared>> -> memref<10240x128xf32, #tpu.memory_space<vmem_shared>>
        tpu.enqueue_indirect_dma source(%arg8 : memref<200x128xf32, #tpu.memory_space<vmem>>) target(%dma_start3A_27 : memref<10240x128xf32, #tpu.memory_space<vmem_shared>>) offsets(%arg7 : memref<200xi32, #tpu.memory_space<vmem>>) semaphore(%run_scoped3A : memref<!tpu.dma_semaphore, #tpu.memory_space<semaphore_mem>>) {add = true}
        %dma_wait3A_28 = arith.constant 0 : i32
        %dma_wait3A_29 = arith.constant 0 : i32
        %dma_wait3A_30 = tpu.memref_slice %arg9[%dma_wait3A_28, %dma_wait3A_29] : memref<10240x128xf32, #tpu.memory_space<vmem_shared>> -> memref<10240x128xf32, #tpu.memory_space<vmem_shared>>
        tpu.wait_indirect_dma semaphore(%run_scoped3A : memref<!tpu.dma_semaphore, #tpu.memory_space<semaphore_mem>>) src(%arg8 : memref<200x128xf32, #tpu.memory_space<vmem>>) dst(%dma_wait3A_30 : memref<10240x128xf32, #tpu.memory_space<vmem_shared>>)
        tpu.yield
      }) : () -> ()
    }
    %scan3A_11 = arith.constant 50 : i32
    %barrier3A_12 = arith.constant 0 : index
    tpu.barrier barrier_id(%barrier3A_12)
    %mul3A_13 = arith.constant 10240 : i32
    %mul3A_14 = arith.muli %arg0, %mul3A_13 : i32
    %add3A_15 = arith.addi %mul3A_14, %mul3A_0 : i32
    "tpu.region"() ({
      %run_scoped3A = tpu.sem_alloc : memref<!tpu.dma_semaphore, #tpu.memory_space<semaphore_mem>>
      %dma_start3A = arith.constant 0 : i32
      %dma_start3A_16 = tpu.memref_slice %arg5[%add3A_15, %dma_start3A] : memref<20480x128xf32, #tpu.memory_space<hbm>> -> memref<640x128xf32, #tpu.memory_space<hbm>>
      %dma_start3A_17 = arith.constant 0 : i32
      %dma_start3A_18 = tpu.memref_slice %arg9[%mul3A_0, %dma_start3A_17] : memref<10240x128xf32, #tpu.memory_space<vmem_shared>> -> memref<640x128xf32, #tpu.memory_space<vmem_shared>>
      tpu.enqueue_dma source(%dma_start3A_18 : memref<640x128xf32, #tpu.memory_space<vmem_shared>>) target(%dma_start3A_16 : memref<640x128xf32, #tpu.memory_space<hbm>>) target_semaphore(%run_scoped3A : memref<!tpu.dma_semaphore, #tpu.memory_space<semaphore_mem>>)
      %dma_wait3A = arith.constant 0 : i32
      %dma_wait3A_19 = tpu.memref_slice %arg5[%add3A_15, %dma_wait3A] : memref<20480x128xf32, #tpu.memory_space<hbm>> -> memref<640x128xf32, #tpu.memory_space<hbm>>
      %dma_wait3A_20 = arith.constant 0 : i32
      %dma_wait3A_21 = tpu.memref_slice %arg9[%mul3A_0, %dma_wait3A_20] : memref<10240x128xf32, #tpu.memory_space<vmem_shared>> -> memref<640x128xf32, #tpu.memory_space<vmem_shared>>
      tpu.wait_dma2 semaphore(%run_scoped3A : memref<!tpu.dma_semaphore, #tpu.memory_space<semaphore_mem>>) src(%dma_wait3A_21 : memref<640x128xf32, #tpu.memory_space<vmem_shared>>) dst(%dma_wait3A_19 : memref<640x128xf32, #tpu.memory_space<hbm>>)
      tpu.yield
    }) : () -> ()
    return
  }
}

#map = affine_map<(d0, d1) -> (0)>
module attributes {stable_mosaic.version = 14 : i64} {
  func.func @k(%arg0: i32, %arg1: i32, %arg2: memref<10240xf32, #tpu.memory_space<hbm>>, %arg3: memref<160256xi32, #tpu.memory_space<hbm>>, %arg4: memref<160256xi32, #tpu.memory_space<hbm>>, %arg5: memref<20480xf32, #tpu.memory_space<hbm>>, %arg6: memref<5008xi32, #tpu.memory_space<vmem>>, %arg7: memref<5008xi32, #tpu.memory_space<vmem>>, %arg8: memref<10240xf32, #tpu.memory_space<vmem>>, %arg9: memref<10240xf32, #tpu.memory_space<vmem>>, %arg10: memref<16x640xf32, #tpu.memory_space<vmem>>, %arg11: memref<640xf32, #tpu.memory_space<vmem>>, %arg12: memref<16x10240xf32, #tpu.memory_space<vmem_shared>>, %arg13: memref<!tpu.dma_semaphore, #tpu.memory_space<semaphore_mem>>) attributes {dimension_semantics = [#tpu.dimension_semantics<core_parallel>, #tpu.dimension_semantics<subcore_parallel>], iteration_bounds = array<i64: 2, 16>, scalar_prefetch = 0 : i64, scratch_operands = 8 : i64, tpu.core_type = #tpu.core_type<sc_vector_subcore>, window_params = [{transform_indices = #map}, {transform_indices = #map}, {transform_indices = #map}, {transform_indices = #map}]} {
    %mul3A = arith.constant 16 : i32
    %mul3A_0 = arith.muli %arg0, %mul3A : i32
    %add3A = arith.addi %mul3A_0, %arg1 : i32
    "tpu.region"() ({
      %run_scoped3A = tpu.sem_alloc : memref<!tpu.dma_semaphore, #tpu.memory_space<semaphore_mem>>
      tpu.enqueue_dma source(%arg2 : memref<10240xf32, #tpu.memory_space<hbm>>) target(%arg8 : memref<10240xf32, #tpu.memory_space<vmem>>) target_semaphore(%run_scoped3A : memref<!tpu.dma_semaphore, #tpu.memory_space<semaphore_mem>>)
      tpu.wait_dma2 semaphore(%run_scoped3A : memref<!tpu.dma_semaphore, #tpu.memory_space<semaphore_mem>>) src(%arg2 : memref<10240xf32, #tpu.memory_space<hbm>>) dst(%arg8 : memref<10240xf32, #tpu.memory_space<vmem>>)
      tpu.yield
    }) : () -> ()
    %mul3A_1 = arith.constant 5008 : i32
    %mul3A_2 = arith.muli %add3A, %mul3A_1 : i32
    "tpu.region"() ({
      %run_scoped3A = tpu.sem_alloc : memref<!tpu.dma_semaphore, #tpu.memory_space<semaphore_mem>>
      %dma_start3A = tpu.memref_slice %arg3[%mul3A_2] : memref<160256xi32, #tpu.memory_space<hbm>> -> memref<5008xi32, #tpu.memory_space<hbm>>
      %dma_start3A_27 = tpu.memref_slice %arg3[%mul3A_2] : memref<160256xi32, #tpu.memory_space<hbm>> -> memref<5008xi32, #tpu.memory_space<hbm>>
      tpu.enqueue_dma source(%dma_start3A_27 : memref<5008xi32, #tpu.memory_space<hbm>>) target(%arg6 : memref<5008xi32, #tpu.memory_space<vmem>>) target_semaphore(%run_scoped3A : memref<!tpu.dma_semaphore, #tpu.memory_space<semaphore_mem>>)
      %dma_wait3A = tpu.memref_slice %arg3[%mul3A_2] : memref<160256xi32, #tpu.memory_space<hbm>> -> memref<5008xi32, #tpu.memory_space<hbm>>
      %dma_wait3A_28 = tpu.memref_slice %arg3[%mul3A_2] : memref<160256xi32, #tpu.memory_space<hbm>> -> memref<5008xi32, #tpu.memory_space<hbm>>
      tpu.wait_dma2 semaphore(%run_scoped3A : memref<!tpu.dma_semaphore, #tpu.memory_space<semaphore_mem>>) src(%dma_wait3A_28 : memref<5008xi32, #tpu.memory_space<hbm>>) dst(%arg6 : memref<5008xi32, #tpu.memory_space<vmem>>)
      tpu.yield
    }) : () -> ()
    %mul3A_3 = arith.constant 5008 : i32
    %mul3A_4 = arith.muli %add3A, %mul3A_3 : i32
    "tpu.region"() ({
      %run_scoped3A = tpu.sem_alloc : memref<!tpu.dma_semaphore, #tpu.memory_space<semaphore_mem>>
      %dma_start3A = tpu.memref_slice %arg4[%mul3A_4] : memref<160256xi32, #tpu.memory_space<hbm>> -> memref<5008xi32, #tpu.memory_space<hbm>>
      %dma_start3A_27 = tpu.memref_slice %arg4[%mul3A_4] : memref<160256xi32, #tpu.memory_space<hbm>> -> memref<5008xi32, #tpu.memory_space<hbm>>
      tpu.enqueue_dma source(%dma_start3A_27 : memref<5008xi32, #tpu.memory_space<hbm>>) target(%arg7 : memref<5008xi32, #tpu.memory_space<vmem>>) target_semaphore(%run_scoped3A : memref<!tpu.dma_semaphore, #tpu.memory_space<semaphore_mem>>)
      %dma_wait3A = tpu.memref_slice %arg4[%mul3A_4] : memref<160256xi32, #tpu.memory_space<hbm>> -> memref<5008xi32, #tpu.memory_space<hbm>>
      %dma_wait3A_28 = tpu.memref_slice %arg4[%mul3A_4] : memref<160256xi32, #tpu.memory_space<hbm>> -> memref<5008xi32, #tpu.memory_space<hbm>>
      tpu.wait_dma2 semaphore(%run_scoped3A : memref<!tpu.dma_semaphore, #tpu.memory_space<semaphore_mem>>) src(%dma_wait3A_28 : memref<5008xi32, #tpu.memory_space<hbm>>) dst(%arg7 : memref<5008xi32, #tpu.memory_space<vmem>>)
      tpu.yield
    }) : () -> ()
    %scan3A = arith.constant 0 : i32
    %scan3A_5 = arith.constant 0 : i32
    %scan3A_6 = arith.constant 640 : i32
    %scan3A_7 = arith.addi %scan3A_5, %scan3A_6 : i32
    %scan3A_8 = arith.constant 1 : i32
    scf.for %scan3A_27 = %scan3A_5 to %scan3A_7 step %scan3A_8  : i32 {
      %broadcast_in_dim3A = arith.constant 0.000000e+00 : f32
      %broadcast_in_dim3A_28 = vector.broadcast %broadcast_in_dim3A : f32 to vector<16xf32>
      %mul3A_29 = arith.constant 16 : i32
      %mul3A_30 = arith.muli %scan3A_27, %mul3A_29 : i32
      %swap3A = arith.index_cast %mul3A_30 : i32 to index
      %swap3A_31 = tpu.vector_load %arg9[%swap3A] {strides = array<i32>} : memref<10240xf32, #tpu.memory_space<vmem>>, vector<16xf32>,
      tpu.vector_store %arg9[%swap3A], %broadcast_in_dim3A_28 {strides = array<i32>} : memref<10240xf32, #tpu.memory_space<vmem>>, vector<16xf32>,
    }
    %scan3A_9 = arith.constant 640 : i32
    %scan3A_10 = arith.constant 0 : i32
    %scan3A_11 = arith.constant 0 : i32
    %scan3A_12 = arith.constant 313 : i32
    %scan3A_13 = arith.addi %scan3A_11, %scan3A_12 : i32
    %scan3A_14 = arith.constant 1 : i32
    scf.for %scan3A_27 = %scan3A_11 to %scan3A_13 step %scan3A_14  : i32 {
      %mul3A_28 = arith.constant 16 : i32
      %mul3A_29 = arith.muli %scan3A_27, %mul3A_28 : i32
      %get3A = arith.index_cast %mul3A_29 : i32 to index
      %get3A_30 = tpu.vector_load %arg6[%get3A] {strides = array<i32>} : memref<5008xi32, #tpu.memory_space<vmem>>, vector<16xi32>,
      %mul3A_31 = arith.constant 16 : i32
      %mul3A_32 = arith.muli %scan3A_27, %mul3A_31 : i32
      %get3A_33 = arith.index_cast %mul3A_32 : i32 to index
      %get3A_34 = tpu.vector_load %arg7[%get3A_33] {strides = array<i32>} : memref<5008xi32, #tpu.memory_space<vmem>>, vector<16xi32>,
      %gather3A = tpu.vector_load_idx %arg8[%get3A_30] : memref<10240xf32, #tpu.memory_space<vmem>>[vector<16xi32>], vector<16xf32>,
      tpu.vector_store_idx %arg9[%get3A_34], %gather3A {add = true} : memref<10240xf32, #tpu.memory_space<vmem>>[vector<16xi32>], vector<16xf32>,
    }
    %scan3A_15 = arith.constant 313 : i32
    "tpu.region"() ({
      %run_scoped3A = tpu.sem_alloc : memref<!tpu.dma_semaphore, #tpu.memory_space<semaphore_mem>>
      %dma_start3A = arith.constant 0 : i32
      %dma_start3A_27 = tpu.memref_slice %arg12[%arg1, %dma_start3A] : memref<16x10240xf32, #tpu.memory_space<vmem_shared>> -> memref<1x10240xf32, #tpu.memory_space<vmem_shared>>
      %dma_start3A_28 = tpu.memref_squeeze %dma_start3A_27 : memref<1x10240xf32, #tpu.memory_space<vmem_shared>> -> memref<10240xf32, #tpu.memory_space<vmem_shared>>
      %dma_start3A_29 = arith.constant 0 : i32
      %dma_start3A_30 = tpu.memref_slice %arg12[%arg1, %dma_start3A_29] : memref<16x10240xf32, #tpu.memory_space<vmem_shared>> -> memref<1x10240xf32, #tpu.memory_space<vmem_shared>>
      %dma_start3A_31 = tpu.memref_squeeze %dma_start3A_30 : memref<1x10240xf32, #tpu.memory_space<vmem_shared>> -> memref<10240xf32, #tpu.memory_space<vmem_shared>>
      tpu.enqueue_dma source(%arg9 : memref<10240xf32, #tpu.memory_space<vmem>>) target(%dma_start3A_31 : memref<10240xf32, #tpu.memory_space<vmem_shared>>) target_semaphore(%run_scoped3A : memref<!tpu.dma_semaphore, #tpu.memory_space<semaphore_mem>>)
      %dma_wait3A = arith.constant 0 : i32
      %dma_wait3A_32 = tpu.memref_slice %arg12[%arg1, %dma_wait3A] : memref<16x10240xf32, #tpu.memory_space<vmem_shared>> -> memref<1x10240xf32, #tpu.memory_space<vmem_shared>>
      %dma_wait3A_33 = tpu.memref_squeeze %dma_wait3A_32 : memref<1x10240xf32, #tpu.memory_space<vmem_shared>> -> memref<10240xf32, #tpu.memory_space<vmem_shared>>
      %dma_wait3A_34 = arith.constant 0 : i32
      %dma_wait3A_35 = tpu.memref_slice %arg12[%arg1, %dma_wait3A_34] : memref<16x10240xf32, #tpu.memory_space<vmem_shared>> -> memref<1x10240xf32, #tpu.memory_space<vmem_shared>>
      %dma_wait3A_36 = tpu.memref_squeeze %dma_wait3A_35 : memref<1x10240xf32, #tpu.memory_space<vmem_shared>> -> memref<10240xf32, #tpu.memory_space<vmem_shared>>
      tpu.wait_dma2 semaphore(%run_scoped3A : memref<!tpu.dma_semaphore, #tpu.memory_space<semaphore_mem>>) src(%arg9 : memref<10240xf32, #tpu.memory_space<vmem>>) dst(%dma_wait3A_36 : memref<10240xf32, #tpu.memory_space<vmem_shared>>)
      tpu.yield
    }) : () -> ()
    %barrier3A = arith.constant 0 : index
    tpu.barrier barrier_id(%barrier3A)
    %mul3A_16 = arith.constant 640 : i32
    %mul3A_17 = arith.muli %arg1, %mul3A_16 : i32
    "tpu.region"() ({
      %run_scoped3A = tpu.sem_alloc : memref<!tpu.dma_semaphore, #tpu.memory_space<semaphore_mem>>
      %dma_start3A = arith.constant 0 : i32
      %dma_start3A_27 = tpu.memref_slice %arg12[%dma_start3A, %mul3A_17] : memref<16x10240xf32, #tpu.memory_space<vmem_shared>> -> memref<16x640xf32, #tpu.memory_space<vmem_shared>>
      %dma_start3A_28 = arith.constant 0 : i32
      %dma_start3A_29 = tpu.memref_slice %arg12[%dma_start3A_28, %mul3A_17] : memref<16x10240xf32, #tpu.memory_space<vmem_shared>> -> memref<16x640xf32, #tpu.memory_space<vmem_shared>>
      tpu.enqueue_dma source(%dma_start3A_29 : memref<16x640xf32, #tpu.memory_space<vmem_shared>>) target(%arg10 : memref<16x640xf32, #tpu.memory_space<vmem>>) target_semaphore(%run_scoped3A : memref<!tpu.dma_semaphore, #tpu.memory_space<semaphore_mem>>)
      %dma_wait3A = arith.constant 0 : i32
      %dma_wait3A_30 = tpu.memref_slice %arg12[%dma_wait3A, %mul3A_17] : memref<16x10240xf32, #tpu.memory_space<vmem_shared>> -> memref<16x640xf32, #tpu.memory_space<vmem_shared>>
      %dma_wait3A_31 = arith.constant 0 : i32
      %dma_wait3A_32 = tpu.memref_slice %arg12[%dma_wait3A_31, %mul3A_17] : memref<16x10240xf32, #tpu.memory_space<vmem_shared>> -> memref<16x640xf32, #tpu.memory_space<vmem_shared>>
      tpu.wait_dma2 semaphore(%run_scoped3A : memref<!tpu.dma_semaphore, #tpu.memory_space<semaphore_mem>>) src(%dma_wait3A_32 : memref<16x640xf32, #tpu.memory_space<vmem_shared>>) dst(%arg10 : memref<16x640xf32, #tpu.memory_space<vmem>>)
      tpu.yield
    }) : () -> ()
    %scan3A_18 = arith.constant 0 : i32
    %scan3A_19 = arith.constant 0 : i32
    %scan3A_20 = arith.constant 40 : i32
    %scan3A_21 = arith.addi %scan3A_19, %scan3A_20 : i32
    %scan3A_22 = arith.constant 1 : i32
    scf.for %scan3A_27 = %scan3A_19 to %scan3A_21 step %scan3A_22  : i32 {
      %mul3A_28 = arith.constant 16 : i32
      %mul3A_29 = arith.muli %scan3A_27, %mul3A_28 : i32
      %get3A = arith.constant 0 : i32
      %get3A_30 = arith.index_cast %get3A : i32 to index
      %get3A_31 = arith.index_cast %mul3A_29 : i32 to index
      %get3A_32 = tpu.vector_load %arg10[%get3A_30, %get3A_31] {strides = array<i32>} : memref<16x640xf32, #tpu.memory_space<vmem>>, vector<16xf32>,
      %mul3A_33 = arith.constant 16 : i32
      %mul3A_34 = arith.muli %scan3A_27, %mul3A_33 : i32
      %get3A_35 = arith.constant 1 : i32
      %get3A_36 = arith.index_cast %get3A_35 : i32 to index
      %get3A_37 = arith.index_cast %mul3A_34 : i32 to index
      %get3A_38 = tpu.vector_load %arg10[%get3A_36, %get3A_37] {strides = array<i32>} : memref<16x640xf32, #tpu.memory_space<vmem>>, vector<16xf32>,
      %add3A_39 = arith.addf %get3A_32, %get3A_38 : vector<16xf32>
      %mul3A_40 = arith.constant 16 : i32
      %mul3A_41 = arith.muli %scan3A_27, %mul3A_40 : i32
      %get3A_42 = arith.constant 2 : i32
      %get3A_43 = arith.index_cast %get3A_42 : i32 to index
      %get3A_44 = arith.index_cast %mul3A_41 : i32 to index
      %get3A_45 = tpu.vector_load %arg10[%get3A_43, %get3A_44] {strides = array<i32>} : memref<16x640xf32, #tpu.memory_space<vmem>>, vector<16xf32>,
      %add3A_46 = arith.addf %add3A_39, %get3A_45 : vector<16xf32>
      %mul3A_47 = arith.constant 16 : i32
      %mul3A_48 = arith.muli %scan3A_27, %mul3A_47 : i32
      %get3A_49 = arith.constant 3 : i32
      %get3A_50 = arith.index_cast %get3A_49 : i32 to index
      %get3A_51 = arith.index_cast %mul3A_48 : i32 to index
      %get3A_52 = tpu.vector_load %arg10[%get3A_50, %get3A_51] {strides = array<i32>} : memref<16x640xf32, #tpu.memory_space<vmem>>, vector<16xf32>,
      %add3A_53 = arith.addf %add3A_46, %get3A_52 : vector<16xf32>
      %mul3A_54 = arith.constant 16 : i32
      %mul3A_55 = arith.muli %scan3A_27, %mul3A_54 : i32
      %get3A_56 = arith.constant 4 : i32
      %get3A_57 = arith.index_cast %get3A_56 : i32 to index
      %get3A_58 = arith.index_cast %mul3A_55 : i32 to index
      %get3A_59 = tpu.vector_load %arg10[%get3A_57, %get3A_58] {strides = array<i32>} : memref<16x640xf32, #tpu.memory_space<vmem>>, vector<16xf32>,
      %add3A_60 = arith.addf %add3A_53, %get3A_59 : vector<16xf32>
      %mul3A_61 = arith.constant 16 : i32
      %mul3A_62 = arith.muli %scan3A_27, %mul3A_61 : i32
      %get3A_63 = arith.constant 5 : i32
      %get3A_64 = arith.index_cast %get3A_63 : i32 to index
      %get3A_65 = arith.index_cast %mul3A_62 : i32 to index
      %get3A_66 = tpu.vector_load %arg10[%get3A_64, %get3A_65] {strides = array<i32>} : memref<16x640xf32, #tpu.memory_space<vmem>>, vector<16xf32>,
      %add3A_67 = arith.addf %add3A_60, %get3A_66 : vector<16xf32>
      %mul3A_68 = arith.constant 16 : i32
      %mul3A_69 = arith.muli %scan3A_27, %mul3A_68 : i32
      %get3A_70 = arith.constant 6 : i32
      %get3A_71 = arith.index_cast %get3A_70 : i32 to index
      %get3A_72 = arith.index_cast %mul3A_69 : i32 to index
      %get3A_73 = tpu.vector_load %arg10[%get3A_71, %get3A_72] {strides = array<i32>} : memref<16x640xf32, #tpu.memory_space<vmem>>, vector<16xf32>,
      %add3A_74 = arith.addf %add3A_67, %get3A_73 : vector<16xf32>
      %mul3A_75 = arith.constant 16 : i32
      %mul3A_76 = arith.muli %scan3A_27, %mul3A_75 : i32
      %get3A_77 = arith.constant 7 : i32
      %get3A_78 = arith.index_cast %get3A_77 : i32 to index
      %get3A_79 = arith.index_cast %mul3A_76 : i32 to index
      %get3A_80 = tpu.vector_load %arg10[%get3A_78, %get3A_79] {strides = array<i32>} : memref<16x640xf32, #tpu.memory_space<vmem>>, vector<16xf32>,
      %add3A_81 = arith.addf %add3A_74, %get3A_80 : vector<16xf32>
      %mul3A_82 = arith.constant 16 : i32
      %mul3A_83 = arith.muli %scan3A_27, %mul3A_82 : i32
      %get3A_84 = arith.constant 8 : i32
      %get3A_85 = arith.index_cast %get3A_84 : i32 to index
      %get3A_86 = arith.index_cast %mul3A_83 : i32 to index
      %get3A_87 = tpu.vector_load %arg10[%get3A_85, %get3A_86] {strides = array<i32>} : memref<16x640xf32, #tpu.memory_space<vmem>>, vector<16xf32>,
      %add3A_88 = arith.addf %add3A_81, %get3A_87 : vector<16xf32>
      %mul3A_89 = arith.constant 16 : i32
      %mul3A_90 = arith.muli %scan3A_27, %mul3A_89 : i32
      %get3A_91 = arith.constant 9 : i32
      %get3A_92 = arith.index_cast %get3A_91 : i32 to index
      %get3A_93 = arith.index_cast %mul3A_90 : i32 to index
      %get3A_94 = tpu.vector_load %arg10[%get3A_92, %get3A_93] {strides = array<i32>} : memref<16x640xf32, #tpu.memory_space<vmem>>, vector<16xf32>,
      %add3A_95 = arith.addf %add3A_88, %get3A_94 : vector<16xf32>
      %mul3A_96 = arith.constant 16 : i32
      %mul3A_97 = arith.muli %scan3A_27, %mul3A_96 : i32
      %get3A_98 = arith.constant 10 : i32
      %get3A_99 = arith.index_cast %get3A_98 : i32 to index
      %get3A_100 = arith.index_cast %mul3A_97 : i32 to index
      %get3A_101 = tpu.vector_load %arg10[%get3A_99, %get3A_100] {strides = array<i32>} : memref<16x640xf32, #tpu.memory_space<vmem>>, vector<16xf32>,
      %add3A_102 = arith.addf %add3A_95, %get3A_101 : vector<16xf32>
      %mul3A_103 = arith.constant 16 : i32
      %mul3A_104 = arith.muli %scan3A_27, %mul3A_103 : i32
      %get3A_105 = arith.constant 11 : i32
      %get3A_106 = arith.index_cast %get3A_105 : i32 to index
      %get3A_107 = arith.index_cast %mul3A_104 : i32 to index
      %get3A_108 = tpu.vector_load %arg10[%get3A_106, %get3A_107] {strides = array<i32>} : memref<16x640xf32, #tpu.memory_space<vmem>>, vector<16xf32>,
      %add3A_109 = arith.addf %add3A_102, %get3A_108 : vector<16xf32>
      %mul3A_110 = arith.constant 16 : i32
      %mul3A_111 = arith.muli %scan3A_27, %mul3A_110 : i32
      %get3A_112 = arith.constant 12 : i32
      %get3A_113 = arith.index_cast %get3A_112 : i32 to index
      %get3A_114 = arith.index_cast %mul3A_111 : i32 to index
      %get3A_115 = tpu.vector_load %arg10[%get3A_113, %get3A_114] {strides = array<i32>} : memref<16x640xf32, #tpu.memory_space<vmem>>, vector<16xf32>,
      %add3A_116 = arith.addf %add3A_109, %get3A_115 : vector<16xf32>
      %mul3A_117 = arith.constant 16 : i32
      %mul3A_118 = arith.muli %scan3A_27, %mul3A_117 : i32
      %get3A_119 = arith.constant 13 : i32
      %get3A_120 = arith.index_cast %get3A_119 : i32 to index
      %get3A_121 = arith.index_cast %mul3A_118 : i32 to index
      %get3A_122 = tpu.vector_load %arg10[%get3A_120, %get3A_121] {strides = array<i32>} : memref<16x640xf32, #tpu.memory_space<vmem>>, vector<16xf32>,
      %add3A_123 = arith.addf %add3A_116, %get3A_122 : vector<16xf32>
      %mul3A_124 = arith.constant 16 : i32
      %mul3A_125 = arith.muli %scan3A_27, %mul3A_124 : i32
      %get3A_126 = arith.constant 14 : i32
      %get3A_127 = arith.index_cast %get3A_126 : i32 to index
      %get3A_128 = arith.index_cast %mul3A_125 : i32 to index
      %get3A_129 = tpu.vector_load %arg10[%get3A_127, %get3A_128] {strides = array<i32>} : memref<16x640xf32, #tpu.memory_space<vmem>>, vector<16xf32>,
      %add3A_130 = arith.addf %add3A_123, %get3A_129 : vector<16xf32>
      %mul3A_131 = arith.constant 16 : i32
      %mul3A_132 = arith.muli %scan3A_27, %mul3A_131 : i32
      %get3A_133 = arith.constant 15 : i32
      %get3A_134 = arith.index_cast %get3A_133 : i32 to index
      %get3A_135 = arith.index_cast %mul3A_132 : i32 to index
      %get3A_136 = tpu.vector_load %arg10[%get3A_134, %get3A_135] {strides = array<i32>} : memref<16x640xf32, #tpu.memory_space<vmem>>, vector<16xf32>,
      %add3A_137 = arith.addf %add3A_130, %get3A_136 : vector<16xf32>
      %mul3A_138 = arith.constant 16 : i32
      %mul3A_139 = arith.muli %scan3A_27, %mul3A_138 : i32
      %swap3A = arith.index_cast %mul3A_139 : i32 to index
      %swap3A_140 = tpu.vector_load %arg11[%swap3A] {strides = array<i32>} : memref<640xf32, #tpu.memory_space<vmem>>, vector<16xf32>,
      tpu.vector_store %arg11[%swap3A], %add3A_137 {strides = array<i32>} : memref<640xf32, #tpu.memory_space<vmem>>, vector<16xf32>,
    }
    %scan3A_23 = arith.constant 40 : i32
    %mul3A_24 = arith.constant 10240 : i32
    %mul3A_25 = arith.muli %arg0, %mul3A_24 : i32
    %add3A_26 = arith.addi %mul3A_25, %mul3A_17 : i32
    "tpu.region"() ({
      %run_scoped3A = tpu.sem_alloc : memref<!tpu.dma_semaphore, #tpu.memory_space<semaphore_mem>>
      %dma_start3A = tpu.memref_slice %arg5[%add3A_26] : memref<20480xf32, #tpu.memory_space<hbm>> -> memref<640xf32, #tpu.memory_space<hbm>>
      %dma_start3A_27 = tpu.memref_slice %arg5[%add3A_26] : memref<20480xf32, #tpu.memory_space<hbm>> -> memref<640xf32, #tpu.memory_space<hbm>>
      tpu.enqueue_dma source(%arg11 : memref<640xf32, #tpu.memory_space<vmem>>) target(%dma_start3A_27 : memref<640xf32, #tpu.memory_space<hbm>>) target_semaphore(%run_scoped3A : memref<!tpu.dma_semaphore, #tpu.memory_space<semaphore_mem>>)
      %dma_wait3A = tpu.memref_slice %arg5[%add3A_26] : memref<20480xf32, #tpu.memory_space<hbm>> -> memref<640xf32, #tpu.memory_space<hbm>>
      %dma_wait3A_28 = tpu.memref_slice %arg5[%add3A_26] : memref<20480xf32, #tpu.memory_space<hbm>> -> memref<640xf32, #tpu.memory_space<hbm>>
      tpu.wait_dma2 semaphore(%run_scoped3A : memref<!tpu.dma_semaphore, #tpu.memory_space<semaphore_mem>>) src(%arg11 : memref<640xf32, #tpu.memory_space<vmem>>) dst(%dma_wait3A_28 : memref<640xf32, #tpu.memory_space<hbm>>)
      tpu.yield
    }) : () -> ()
    return
  }
}

#map = affine_map<(d0, d1) -> (0, 0)>
#map1 = affine_map<(d0, d1) -> (0)>
module attributes {stable_mosaic.version = 14 : i64} {
  func.func @k(%arg0: i32, %arg1: i32, %arg2: memref<10240x128xf32, #tpu.memory_space<hbm>>, %arg3: memref<160000xi32, #tpu.memory_space<hbm>>, %arg4: memref<160000xi32, #tpu.memory_space<hbm>>, %arg5: memref<20480x128xf32, #tpu.memory_space<hbm>>, %arg6: memref<200xi32, #tpu.memory_space<vmem>>, %arg7: memref<200xi32, #tpu.memory_space<vmem>>, %arg8: memref<200x128xf32, #tpu.memory_space<vmem>>, %arg9: memref<10240x128xf32, #tpu.memory_space<vmem_shared>>, %arg10: memref<!tpu.dma_semaphore, #tpu.memory_space<semaphore_mem>>) attributes {dimension_semantics = [#tpu.dimension_semantics<core_parallel>, #tpu.dimension_semantics<subcore_parallel>], iteration_bounds = array<i64: 2, 16>, scalar_prefetch = 0 : i64, scratch_operands = 5 : i64, tpu.core_type = #tpu.core_type<sc_vector_subcore>, window_params = [{transform_indices = #map}, {transform_indices = #map1}, {transform_indices = #map1}, {transform_indices = #map}]} {
    %mul3A = arith.constant 640 : i32
    %mul3A_0 = arith.muli %arg1, %mul3A : i32
    %add3A = arith.constant 0 : i32
    %add3A_1 = arith.addi %add3A, %mul3A_0 : i32
    "tpu.region"() ({
      %run_scoped3A = tpu.sem_alloc : memref<!tpu.dma_semaphore, #tpu.memory_space<semaphore_mem>>
      %dma_start3A = arith.constant 0 : i32
      %dma_start3A_16 = tpu.memref_slice %arg9[%mul3A_0, %dma_start3A] : memref<10240x128xf32, #tpu.memory_space<vmem_shared>> -> memref<640x128xf32, #tpu.memory_space<vmem_shared>>
      %dma_start3A_17 = arith.constant 0 : i32
      %dma_start3A_18 = tpu.memref_slice %arg2[%add3A_1, %dma_start3A_17] : memref<10240x128xf32, #tpu.memory_space<hbm>> -> memref<640x128xf32, #tpu.memory_space<hbm>>
      tpu.enqueue_dma source(%dma_start3A_18 : memref<640x128xf32, #tpu.memory_space<hbm>>) target(%dma_start3A_16 : memref<640x128xf32, #tpu.memory_space<vmem_shared>>) target_semaphore(%run_scoped3A : memref<!tpu.dma_semaphore, #tpu.memory_space<semaphore_mem>>)
      %dma_wait3A = arith.constant 0 : i32
      %dma_wait3A_19 = tpu.memref_slice %arg9[%mul3A_0, %dma_wait3A] : memref<10240x128xf32, #tpu.memory_space<vmem_shared>> -> memref<640x128xf32, #tpu.memory_space<vmem_shared>>
      %dma_wait3A_20 = arith.constant 0 : i32
      %dma_wait3A_21 = tpu.memref_slice %arg2[%add3A_1, %dma_wait3A_20] : memref<10240x128xf32, #tpu.memory_space<hbm>> -> memref<640x128xf32, #tpu.memory_space<hbm>>
      tpu.wait_dma2 semaphore(%run_scoped3A : memref<!tpu.dma_semaphore, #tpu.memory_space<semaphore_mem>>) src(%dma_wait3A_21 : memref<640x128xf32, #tpu.memory_space<hbm>>) dst(%dma_wait3A_19 : memref<640x128xf32, #tpu.memory_space<vmem_shared>>)
      tpu.yield
    }) : () -> ()
    %barrier3A = arith.constant 0 : index
    tpu.barrier barrier_id(%barrier3A)
    %mul3A_2 = arith.constant 80000 : i32
    %mul3A_3 = arith.muli %arg0, %mul3A_2 : i32
    %mul3A_4 = arith.constant 5000 : i32
    %mul3A_5 = arith.muli %arg1, %mul3A_4 : i32
    %add3A_6 = arith.addi %mul3A_3, %mul3A_5 : i32
    %scan3A = arith.constant 0 : i32
    %scan3A_7 = arith.constant 0 : i32
    %scan3A_8 = arith.constant 25 : i32
    %scan3A_9 = arith.addi %scan3A_7, %scan3A_8 : i32
    %scan3A_10 = arith.constant 1 : i32
    scf.for %scan3A_16 = %scan3A_7 to %scan3A_9 step %scan3A_10  : i32 {
      %mul3A_17 = arith.constant 200 : i32
      %mul3A_18 = arith.muli %scan3A_16, %mul3A_17 : i32
      %add3A_19 = arith.addi %add3A_6, %mul3A_18 : i32
      %add3A_20 = arith.constant 0 : i32
      %add3A_21 = arith.addi %add3A_20, %add3A_19 : i32
      "tpu.region"() ({
        %run_scoped3A = tpu.sem_alloc : memref<!tpu.dma_semaphore, #tpu.memory_space<semaphore_mem>>
        %dma_start3A_26 = tpu.memref_slice %arg3[%add3A_21] : memref<160000xi32, #tpu.memory_space<hbm>> -> memref<200xi32, #tpu.memory_space<hbm>>
        %dma_start3A_27 = tpu.memref_slice %arg3[%add3A_21] : memref<160000xi32, #tpu.memory_space<hbm>> -> memref<200xi32, #tpu.memory_space<hbm>>
        tpu.enqueue_dma source(%dma_start3A_27 : memref<200xi32, #tpu.memory_space<hbm>>) target(%arg6 : memref<200xi32, #tpu.memory_space<vmem>>) target_semaphore(%run_scoped3A : memref<!tpu.dma_semaphore, #tpu.memory_space<semaphore_mem>>)
        %dma_wait3A_28 = tpu.memref_slice %arg3[%add3A_21] : memref<160000xi32, #tpu.memory_space<hbm>> -> memref<200xi32, #tpu.memory_space<hbm>>
        %dma_wait3A_29 = tpu.memref_slice %arg3[%add3A_21] : memref<160000xi32, #tpu.memory_space<hbm>> -> memref<200xi32, #tpu.memory_space<hbm>>
        tpu.wait_dma2 semaphore(%run_scoped3A : memref<!tpu.dma_semaphore, #tpu.memory_space<semaphore_mem>>) src(%dma_wait3A_29 : memref<200xi32, #tpu.memory_space<hbm>>) dst(%arg6 : memref<200xi32, #tpu.memory_space<vmem>>)
        tpu.yield
      }) : () -> ()
      "tpu.region"() ({
        %run_scoped3A = tpu.sem_alloc : memref<!tpu.dma_semaphore, #tpu.memory_space<semaphore_mem>>
        %dma_start3A_26 = tpu.memref_slice %arg4[%add3A_19] : memref<160000xi32, #tpu.memory_space<hbm>> -> memref<200xi32, #tpu.memory_space<hbm>>
        %dma_start3A_27 = tpu.memref_slice %arg4[%add3A_19] : memref<160000xi32, #tpu.memory_space<hbm>> -> memref<200xi32, #tpu.memory_space<hbm>>
        tpu.enqueue_dma source(%dma_start3A_27 : memref<200xi32, #tpu.memory_space<hbm>>) target(%arg7 : memref<200xi32, #tpu.memory_space<vmem>>) target_semaphore(%run_scoped3A : memref<!tpu.dma_semaphore, #tpu.memory_space<semaphore_mem>>)
        %dma_wait3A_28 = tpu.memref_slice %arg4[%add3A_19] : memref<160000xi32, #tpu.memory_space<hbm>> -> memref<200xi32, #tpu.memory_space<hbm>>
        %dma_wait3A_29 = tpu.memref_slice %arg4[%add3A_19] : memref<160000xi32, #tpu.memory_space<hbm>> -> memref<200xi32, #tpu.memory_space<hbm>>
        tpu.wait_dma2 semaphore(%run_scoped3A : memref<!tpu.dma_semaphore, #tpu.memory_space<semaphore_mem>>) src(%dma_wait3A_29 : memref<200xi32, #tpu.memory_space<hbm>>) dst(%arg7 : memref<200xi32, #tpu.memory_space<vmem>>)
        tpu.yield
      }) : () -> ()
      %dma_start3A = arith.constant 0 : i32
      %dma_start3A_22 = arith.constant 0 : i32
      %dma_start3A_23 = tpu.memref_slice %arg2[%dma_start3A, %dma_start3A_22] : memref<10240x128xf32, #tpu.memory_space<hbm>> -> memref<10240x128xf32, #tpu.memory_space<hbm>>
      tpu.enqueue_indirect_dma source(%dma_start3A_23 : memref<10240x128xf32, #tpu.memory_space<hbm>>) target(%arg8 : memref<200x128xf32, #tpu.memory_space<vmem>>) offsets(%arg6 : memref<200xi32, #tpu.memory_space<vmem>>) semaphore(%arg10 : memref<!tpu.dma_semaphore, #tpu.memory_space<semaphore_mem>>)
      %dma_wait3A = arith.constant 0 : i32
      %dma_wait3A_24 = arith.constant 0 : i32
      %dma_wait3A_25 = tpu.memref_slice %arg2[%dma_wait3A, %dma_wait3A_24] : memref<10240x128xf32, #tpu.memory_space<hbm>> -> memref<10240x128xf32, #tpu.memory_space<hbm>>
      tpu.wait_indirect_dma semaphore(%arg10 : memref<!tpu.dma_semaphore, #tpu.memory_space<semaphore_mem>>) src(%dma_wait3A_25 : memref<10240x128xf32, #tpu.memory_space<hbm>>) dst(%arg8 : memref<200x128xf32, #tpu.memory_space<vmem>>)
      "tpu.region"() ({
        %run_scoped3A = tpu.sem_alloc : memref<!tpu.dma_semaphore, #tpu.memory_space<semaphore_mem>>
        %dma_start3A_26 = arith.constant 0 : i32
        %dma_start3A_27 = arith.constant 0 : i32
        %dma_start3A_28 = tpu.memref_slice %arg9[%dma_start3A_26, %dma_start3A_27] : memref<10240x128xf32, #tpu.memory_space<vmem_shared>> -> memref<10240x128xf32, #tpu.memory_space<vmem_shared>>
        tpu.enqueue_indirect_dma source(%arg8 : memref<200x128xf32, #tpu.memory_space<vmem>>) target(%dma_start3A_28 : memref<10240x128xf32, #tpu.memory_space<vmem_shared>>) offsets(%arg7 : memref<200xi32, #tpu.memory_space<vmem>>) semaphore(%run_scoped3A : memref<!tpu.dma_semaphore, #tpu.memory_space<semaphore_mem>>) {add = true}
        %dma_wait3A_29 = arith.constant 0 : i32
        %dma_wait3A_30 = arith.constant 0 : i32
        %dma_wait3A_31 = tpu.memref_slice %arg9[%dma_wait3A_29, %dma_wait3A_30] : memref<10240x128xf32, #tpu.memory_space<vmem_shared>> -> memref<10240x128xf32, #tpu.memory_space<vmem_shared>>
        tpu.wait_indirect_dma semaphore(%run_scoped3A : memref<!tpu.dma_semaphore, #tpu.memory_space<semaphore_mem>>) src(%arg8 : memref<200x128xf32, #tpu.memory_space<vmem>>) dst(%dma_wait3A_31 : memref<10240x128xf32, #tpu.memory_space<vmem_shared>>)
        tpu.yield
      }) : () -> ()
    }
    %scan3A_11 = arith.constant 25 : i32
    %barrier3A_12 = arith.constant 0 : index
    tpu.barrier barrier_id(%barrier3A_12)
    %mul3A_13 = arith.constant 10240 : i32
    %mul3A_14 = arith.muli %arg0, %mul3A_13 : i32
    %add3A_15 = arith.addi %mul3A_14, %mul3A_0 : i32
    "tpu.region"() ({
      %run_scoped3A = tpu.sem_alloc : memref<!tpu.dma_semaphore, #tpu.memory_space<semaphore_mem>>
      %dma_start3A = arith.constant 0 : i32
      %dma_start3A_16 = tpu.memref_slice %arg5[%add3A_15, %dma_start3A] : memref<20480x128xf32, #tpu.memory_space<hbm>> -> memref<640x128xf32, #tpu.memory_space<hbm>>
      %dma_start3A_17 = arith.constant 0 : i32
      %dma_start3A_18 = tpu.memref_slice %arg9[%mul3A_0, %dma_start3A_17] : memref<10240x128xf32, #tpu.memory_space<vmem_shared>> -> memref<640x128xf32, #tpu.memory_space<vmem_shared>>
      tpu.enqueue_dma source(%dma_start3A_18 : memref<640x128xf32, #tpu.memory_space<vmem_shared>>) target(%dma_start3A_16 : memref<640x128xf32, #tpu.memory_space<hbm>>) target_semaphore(%run_scoped3A : memref<!tpu.dma_semaphore, #tpu.memory_space<semaphore_mem>>)
      %dma_wait3A = arith.constant 0 : i32
      %dma_wait3A_19 = tpu.memref_slice %arg5[%add3A_15, %dma_wait3A] : memref<20480x128xf32, #tpu.memory_space<hbm>> -> memref<640x128xf32, #tpu.memory_space<hbm>>
      %dma_wait3A_20 = arith.constant 0 : i32
      %dma_wait3A_21 = tpu.memref_slice %arg9[%mul3A_0, %dma_wait3A_20] : memref<10240x128xf32, #tpu.memory_space<vmem_shared>> -> memref<640x128xf32, #tpu.memory_space<vmem_shared>>
      tpu.wait_dma2 semaphore(%run_scoped3A : memref<!tpu.dma_semaphore, #tpu.memory_space<semaphore_mem>>) src(%dma_wait3A_21 : memref<640x128xf32, #tpu.memory_space<vmem_shared>>) dst(%dma_wait3A_19 : memref<640x128xf32, #tpu.memory_space<hbm>>)
      tpu.yield
    }) : () -> ()
    return
  }
}

#map = affine_map<(d0, d1) -> (0)>
module attributes {stable_mosaic.version = 14 : i64} {
  func.func @k(%arg0: i32, %arg1: i32, %arg2: memref<10240xf32, #tpu.memory_space<hbm>>, %arg3: memref<160256xi32, #tpu.memory_space<hbm>>, %arg4: memref<160256xi32, #tpu.memory_space<hbm>>, %arg5: memref<20480xf32, #tpu.memory_space<hbm>>, %arg6: memref<5008xi32, #tpu.memory_space<vmem>>, %arg7: memref<5008xi32, #tpu.memory_space<vmem>>, %arg8: memref<10240xf32, #tpu.memory_space<vmem>>, %arg9: memref<10240xf32, #tpu.memory_space<vmem>>, %arg10: memref<16x640xf32, #tpu.memory_space<vmem>>, %arg11: memref<640xf32, #tpu.memory_space<vmem>>, %arg12: memref<16x10240xf32, #tpu.memory_space<vmem_shared>>, %arg13: memref<!tpu.dma_semaphore, #tpu.memory_space<semaphore_mem>>) attributes {dimension_semantics = [#tpu.dimension_semantics<core_parallel>, #tpu.dimension_semantics<subcore_parallel>], iteration_bounds = array<i64: 2, 16>, scalar_prefetch = 0 : i64, scratch_operands = 8 : i64, tpu.core_type = #tpu.core_type<sc_vector_subcore>, window_params = [{transform_indices = #map}, {transform_indices = #map}, {transform_indices = #map}, {transform_indices = #map}]} {
    %mul3A = arith.constant 16 : i32
    %mul3A_0 = arith.muli %arg0, %mul3A : i32
    %add3A = arith.addi %mul3A_0, %arg1 : i32
    "tpu.region"() ({
      %run_scoped3A = tpu.sem_alloc : memref<!tpu.dma_semaphore, #tpu.memory_space<semaphore_mem>>
      tpu.enqueue_dma source(%arg2 : memref<10240xf32, #tpu.memory_space<hbm>>) target(%arg8 : memref<10240xf32, #tpu.memory_space<vmem>>) target_semaphore(%run_scoped3A : memref<!tpu.dma_semaphore, #tpu.memory_space<semaphore_mem>>)
      tpu.wait_dma2 semaphore(%run_scoped3A : memref<!tpu.dma_semaphore, #tpu.memory_space<semaphore_mem>>) src(%arg2 : memref<10240xf32, #tpu.memory_space<hbm>>) dst(%arg8 : memref<10240xf32, #tpu.memory_space<vmem>>)
      tpu.yield
    }) : () -> ()
    %mul3A_1 = arith.constant 5008 : i32
    %mul3A_2 = arith.muli %add3A, %mul3A_1 : i32
    "tpu.region"() ({
      %run_scoped3A = tpu.sem_alloc : memref<!tpu.dma_semaphore, #tpu.memory_space<semaphore_mem>>
      %dma_start3A = tpu.memref_slice %arg3[%mul3A_2] : memref<160256xi32, #tpu.memory_space<hbm>> -> memref<5008xi32, #tpu.memory_space<hbm>>
      %dma_start3A_27 = tpu.memref_slice %arg3[%mul3A_2] : memref<160256xi32, #tpu.memory_space<hbm>> -> memref<5008xi32, #tpu.memory_space<hbm>>
      tpu.enqueue_dma source(%dma_start3A_27 : memref<5008xi32, #tpu.memory_space<hbm>>) target(%arg6 : memref<5008xi32, #tpu.memory_space<vmem>>) target_semaphore(%run_scoped3A : memref<!tpu.dma_semaphore, #tpu.memory_space<semaphore_mem>>)
      %dma_wait3A = tpu.memref_slice %arg3[%mul3A_2] : memref<160256xi32, #tpu.memory_space<hbm>> -> memref<5008xi32, #tpu.memory_space<hbm>>
      %dma_wait3A_28 = tpu.memref_slice %arg3[%mul3A_2] : memref<160256xi32, #tpu.memory_space<hbm>> -> memref<5008xi32, #tpu.memory_space<hbm>>
      tpu.wait_dma2 semaphore(%run_scoped3A : memref<!tpu.dma_semaphore, #tpu.memory_space<semaphore_mem>>) src(%dma_wait3A_28 : memref<5008xi32, #tpu.memory_space<hbm>>) dst(%arg6 : memref<5008xi32, #tpu.memory_space<vmem>>)
      tpu.yield
    }) : () -> ()
    %mul3A_3 = arith.constant 5008 : i32
    %mul3A_4 = arith.muli %add3A, %mul3A_3 : i32
    "tpu.region"() ({
      %run_scoped3A = tpu.sem_alloc : memref<!tpu.dma_semaphore, #tpu.memory_space<semaphore_mem>>
      %dma_start3A = tpu.memref_slice %arg4[%mul3A_4] : memref<160256xi32, #tpu.memory_space<hbm>> -> memref<5008xi32, #tpu.memory_space<hbm>>
      %dma_start3A_27 = tpu.memref_slice %arg4[%mul3A_4] : memref<160256xi32, #tpu.memory_space<hbm>> -> memref<5008xi32, #tpu.memory_space<hbm>>
      tpu.enqueue_dma source(%dma_start3A_27 : memref<5008xi32, #tpu.memory_space<hbm>>) target(%arg7 : memref<5008xi32, #tpu.memory_space<vmem>>) target_semaphore(%run_scoped3A : memref<!tpu.dma_semaphore, #tpu.memory_space<semaphore_mem>>)
      %dma_wait3A = tpu.memref_slice %arg4[%mul3A_4] : memref<160256xi32, #tpu.memory_space<hbm>> -> memref<5008xi32, #tpu.memory_space<hbm>>
      %dma_wait3A_28 = tpu.memref_slice %arg4[%mul3A_4] : memref<160256xi32, #tpu.memory_space<hbm>> -> memref<5008xi32, #tpu.memory_space<hbm>>
      tpu.wait_dma2 semaphore(%run_scoped3A : memref<!tpu.dma_semaphore, #tpu.memory_space<semaphore_mem>>) src(%dma_wait3A_28 : memref<5008xi32, #tpu.memory_space<hbm>>) dst(%arg7 : memref<5008xi32, #tpu.memory_space<vmem>>)
      tpu.yield
    }) : () -> ()
    %scan3A = arith.constant 0 : i32
    %scan3A_5 = arith.constant 0 : i32
    %scan3A_6 = arith.constant 640 : i32
    %scan3A_7 = arith.addi %scan3A_5, %scan3A_6 : i32
    %scan3A_8 = arith.constant 1 : i32
    scf.for %scan3A_27 = %scan3A_5 to %scan3A_7 step %scan3A_8  : i32 {
      %broadcast_in_dim3A = arith.constant 0.000000e+00 : f32
      %broadcast_in_dim3A_28 = vector.broadcast %broadcast_in_dim3A : f32 to vector<16xf32>
      %mul3A_29 = arith.constant 16 : i32
      %mul3A_30 = arith.muli %scan3A_27, %mul3A_29 : i32
      %swap3A = arith.index_cast %mul3A_30 : i32 to index
      %swap3A_31 = tpu.vector_load %arg9[%swap3A] {strides = array<i32>} : memref<10240xf32, #tpu.memory_space<vmem>>, vector<16xf32>,
      tpu.vector_store %arg9[%swap3A], %broadcast_in_dim3A_28 {strides = array<i32>} : memref<10240xf32, #tpu.memory_space<vmem>>, vector<16xf32>,
    }
    %scan3A_9 = arith.constant 640 : i32
    %scan3A_10 = arith.constant 0 : i32
    %scan3A_11 = arith.constant 0 : i32
    %scan3A_12 = arith.constant 313 : i32
    %scan3A_13 = arith.addi %scan3A_11, %scan3A_12 : i32
    %scan3A_14 = arith.constant 1 : i32
    scf.for %scan3A_27 = %scan3A_11 to %scan3A_13 step %scan3A_14  : i32 {
      %mul3A_28 = arith.constant 16 : i32
      %mul3A_29 = arith.muli %scan3A_27, %mul3A_28 : i32
      %get3A = arith.index_cast %mul3A_29 : i32 to index
      %get3A_30 = tpu.vector_load %arg6[%get3A] {strides = array<i32>} : memref<5008xi32, #tpu.memory_space<vmem>>, vector<16xi32>,
      %mul3A_31 = arith.constant 16 : i32
      %mul3A_32 = arith.muli %scan3A_27, %mul3A_31 : i32
      %get3A_33 = arith.index_cast %mul3A_32 : i32 to index
      %get3A_34 = tpu.vector_load %arg7[%get3A_33] {strides = array<i32>} : memref<5008xi32, #tpu.memory_space<vmem>>, vector<16xi32>,
      %gather3A = tpu.vector_load_idx %arg8[%get3A_30] : memref<10240xf32, #tpu.memory_space<vmem>>[vector<16xi32>], vector<16xf32>,
      tpu.vector_store_idx %arg9[%get3A_34], %gather3A {add = true} : memref<10240xf32, #tpu.memory_space<vmem>>[vector<16xi32>], vector<16xf32>,
    }
    %scan3A_15 = arith.constant 313 : i32
    "tpu.region"() ({
      %run_scoped3A = tpu.sem_alloc : memref<!tpu.dma_semaphore, #tpu.memory_space<semaphore_mem>>
      %dma_start3A = arith.constant 0 : i32
      %dma_start3A_27 = tpu.memref_slice %arg12[%arg1, %dma_start3A] : memref<16x10240xf32, #tpu.memory_space<vmem_shared>> -> memref<1x10240xf32, #tpu.memory_space<vmem_shared>>
      %dma_start3A_28 = tpu.memref_squeeze %dma_start3A_27 : memref<1x10240xf32, #tpu.memory_space<vmem_shared>> -> memref<10240xf32, #tpu.memory_space<vmem_shared>>
      %dma_start3A_29 = arith.constant 0 : i32
      %dma_start3A_30 = tpu.memref_slice %arg12[%arg1, %dma_start3A_29] : memref<16x10240xf32, #tpu.memory_space<vmem_shared>> -> memref<1x10240xf32, #tpu.memory_space<vmem_shared>>
      %dma_start3A_31 = tpu.memref_squeeze %dma_start3A_30 : memref<1x10240xf32, #tpu.memory_space<vmem_shared>> -> memref<10240xf32, #tpu.memory_space<vmem_shared>>
      tpu.enqueue_dma source(%arg9 : memref<10240xf32, #tpu.memory_space<vmem>>) target(%dma_start3A_31 : memref<10240xf32, #tpu.memory_space<vmem_shared>>) target_semaphore(%run_scoped3A : memref<!tpu.dma_semaphore, #tpu.memory_space<semaphore_mem>>)
      %dma_wait3A = arith.constant 0 : i32
      %dma_wait3A_32 = tpu.memref_slice %arg12[%arg1, %dma_wait3A] : memref<16x10240xf32, #tpu.memory_space<vmem_shared>> -> memref<1x10240xf32, #tpu.memory_space<vmem_shared>>
      %dma_wait3A_33 = tpu.memref_squeeze %dma_wait3A_32 : memref<1x10240xf32, #tpu.memory_space<vmem_shared>> -> memref<10240xf32, #tpu.memory_space<vmem_shared>>
      %dma_wait3A_34 = arith.constant 0 : i32
      %dma_wait3A_35 = tpu.memref_slice %arg12[%arg1, %dma_wait3A_34] : memref<16x10240xf32, #tpu.memory_space<vmem_shared>> -> memref<1x10240xf32, #tpu.memory_space<vmem_shared>>
      %dma_wait3A_36 = tpu.memref_squeeze %dma_wait3A_35 : memref<1x10240xf32, #tpu.memory_space<vmem_shared>> -> memref<10240xf32, #tpu.memory_space<vmem_shared>>
      tpu.wait_dma2 semaphore(%run_scoped3A : memref<!tpu.dma_semaphore, #tpu.memory_space<semaphore_mem>>) src(%arg9 : memref<10240xf32, #tpu.memory_space<vmem>>) dst(%dma_wait3A_36 : memref<10240xf32, #tpu.memory_space<vmem_shared>>)
      tpu.yield
    }) : () -> ()
    %barrier3A = arith.constant 0 : index
    tpu.barrier barrier_id(%barrier3A)
    %mul3A_16 = arith.constant 640 : i32
    %mul3A_17 = arith.muli %arg1, %mul3A_16 : i32
    "tpu.region"() ({
      %run_scoped3A = tpu.sem_alloc : memref<!tpu.dma_semaphore, #tpu.memory_space<semaphore_mem>>
      %dma_start3A = arith.constant 0 : i32
      %dma_start3A_27 = tpu.memref_slice %arg12[%dma_start3A, %mul3A_17] : memref<16x10240xf32, #tpu.memory_space<vmem_shared>> -> memref<16x640xf32, #tpu.memory_space<vmem_shared>>
      %dma_start3A_28 = arith.constant 0 : i32
      %dma_start3A_29 = tpu.memref_slice %arg12[%dma_start3A_28, %mul3A_17] : memref<16x10240xf32, #tpu.memory_space<vmem_shared>> -> memref<16x640xf32, #tpu.memory_space<vmem_shared>>
      tpu.enqueue_dma source(%dma_start3A_29 : memref<16x640xf32, #tpu.memory_space<vmem_shared>>) target(%arg10 : memref<16x640xf32, #tpu.memory_space<vmem>>) target_semaphore(%run_scoped3A : memref<!tpu.dma_semaphore, #tpu.memory_space<semaphore_mem>>)
      %dma_wait3A = arith.constant 0 : i32
      %dma_wait3A_30 = tpu.memref_slice %arg12[%dma_wait3A, %mul3A_17] : memref<16x10240xf32, #tpu.memory_space<vmem_shared>> -> memref<16x640xf32, #tpu.memory_space<vmem_shared>>
      %dma_wait3A_31 = arith.constant 0 : i32
      %dma_wait3A_32 = tpu.memref_slice %arg12[%dma_wait3A_31, %mul3A_17] : memref<16x10240xf32, #tpu.memory_space<vmem_shared>> -> memref<16x640xf32, #tpu.memory_space<vmem_shared>>
      tpu.wait_dma2 semaphore(%run_scoped3A : memref<!tpu.dma_semaphore, #tpu.memory_space<semaphore_mem>>) src(%dma_wait3A_32 : memref<16x640xf32, #tpu.memory_space<vmem_shared>>) dst(%arg10 : memref<16x640xf32, #tpu.memory_space<vmem>>)
      tpu.yield
    }) : () -> ()
    %scan3A_18 = arith.constant 0 : i32
    %scan3A_19 = arith.constant 0 : i32
    %scan3A_20 = arith.constant 40 : i32
    %scan3A_21 = arith.addi %scan3A_19, %scan3A_20 : i32
    %scan3A_22 = arith.constant 1 : i32
    scf.for %scan3A_27 = %scan3A_19 to %scan3A_21 step %scan3A_22  : i32 {
      %mul3A_28 = arith.constant 16 : i32
      %mul3A_29 = arith.muli %scan3A_27, %mul3A_28 : i32
      %get3A = arith.constant 0 : i32
      %get3A_30 = arith.index_cast %get3A : i32 to index
      %get3A_31 = arith.index_cast %mul3A_29 : i32 to index
      %get3A_32 = tpu.vector_load %arg10[%get3A_30, %get3A_31] {strides = array<i32>} : memref<16x640xf32, #tpu.memory_space<vmem>>, vector<16xf32>,
      %mul3A_33 = arith.constant 16 : i32
      %mul3A_34 = arith.muli %scan3A_27, %mul3A_33 : i32
      %get3A_35 = arith.constant 1 : i32
      %get3A_36 = arith.index_cast %get3A_35 : i32 to index
      %get3A_37 = arith.index_cast %mul3A_34 : i32 to index
      %get3A_38 = tpu.vector_load %arg10[%get3A_36, %get3A_37] {strides = array<i32>} : memref<16x640xf32, #tpu.memory_space<vmem>>, vector<16xf32>,
      %add3A_39 = arith.addf %get3A_32, %get3A_38 : vector<16xf32>
      %mul3A_40 = arith.constant 16 : i32
      %mul3A_41 = arith.muli %scan3A_27, %mul3A_40 : i32
      %get3A_42 = arith.constant 2 : i32
      %get3A_43 = arith.index_cast %get3A_42 : i32 to index
      %get3A_44 = arith.index_cast %mul3A_41 : i32 to index
      %get3A_45 = tpu.vector_load %arg10[%get3A_43, %get3A_44] {strides = array<i32>} : memref<16x640xf32, #tpu.memory_space<vmem>>, vector<16xf32>,
      %add3A_46 = arith.addf %add3A_39, %get3A_45 : vector<16xf32>
      %mul3A_47 = arith.constant 16 : i32
      %mul3A_48 = arith.muli %scan3A_27, %mul3A_47 : i32
      %get3A_49 = arith.constant 3 : i32
      %get3A_50 = arith.index_cast %get3A_49 : i32 to index
      %get3A_51 = arith.index_cast %mul3A_48 : i32 to index
      %get3A_52 = tpu.vector_load %arg10[%get3A_50, %get3A_51] {strides = array<i32>} : memref<16x640xf32, #tpu.memory_space<vmem>>, vector<16xf32>,
      %add3A_53 = arith.addf %add3A_46, %get3A_52 : vector<16xf32>
      %mul3A_54 = arith.constant 16 : i32
      %mul3A_55 = arith.muli %scan3A_27, %mul3A_54 : i32
      %get3A_56 = arith.constant 4 : i32
      %get3A_57 = arith.index_cast %get3A_56 : i32 to index
      %get3A_58 = arith.index_cast %mul3A_55 : i32 to index
      %get3A_59 = tpu.vector_load %arg10[%get3A_57, %get3A_58] {strides = array<i32>} : memref<16x640xf32, #tpu.memory_space<vmem>>, vector<16xf32>,
      %add3A_60 = arith.addf %add3A_53, %get3A_59 : vector<16xf32>
      %mul3A_61 = arith.constant 16 : i32
      %mul3A_62 = arith.muli %scan3A_27, %mul3A_61 : i32
      %get3A_63 = arith.constant 5 : i32
      %get3A_64 = arith.index_cast %get3A_63 : i32 to index
      %get3A_65 = arith.index_cast %mul3A_62 : i32 to index
      %get3A_66 = tpu.vector_load %arg10[%get3A_64, %get3A_65] {strides = array<i32>} : memref<16x640xf32, #tpu.memory_space<vmem>>, vector<16xf32>,
      %add3A_67 = arith.addf %add3A_60, %get3A_66 : vector<16xf32>
      %mul3A_68 = arith.constant 16 : i32
      %mul3A_69 = arith.muli %scan3A_27, %mul3A_68 : i32
      %get3A_70 = arith.constant 6 : i32
      %get3A_71 = arith.index_cast %get3A_70 : i32 to index
      %get3A_72 = arith.index_cast %mul3A_69 : i32 to index
      %get3A_73 = tpu.vector_load %arg10[%get3A_71, %get3A_72] {strides = array<i32>} : memref<16x640xf32, #tpu.memory_space<vmem>>, vector<16xf32>,
      %add3A_74 = arith.addf %add3A_67, %get3A_73 : vector<16xf32>
      %mul3A_75 = arith.constant 16 : i32
      %mul3A_76 = arith.muli %scan3A_27, %mul3A_75 : i32
      %get3A_77 = arith.constant 7 : i32
      %get3A_78 = arith.index_cast %get3A_77 : i32 to index
      %get3A_79 = arith.index_cast %mul3A_76 : i32 to index
      %get3A_80 = tpu.vector_load %arg10[%get3A_78, %get3A_79] {strides = array<i32>} : memref<16x640xf32, #tpu.memory_space<vmem>>, vector<16xf32>,
      %add3A_81 = arith.addf %add3A_74, %get3A_80 : vector<16xf32>
      %mul3A_82 = arith.constant 16 : i32
      %mul3A_83 = arith.muli %scan3A_27, %mul3A_82 : i32
      %get3A_84 = arith.constant 8 : i32
      %get3A_85 = arith.index_cast %get3A_84 : i32 to index
      %get3A_86 = arith.index_cast %mul3A_83 : i32 to index
      %get3A_87 = tpu.vector_load %arg10[%get3A_85, %get3A_86] {strides = array<i32>} : memref<16x640xf32, #tpu.memory_space<vmem>>, vector<16xf32>,
      %add3A_88 = arith.addf %add3A_81, %get3A_87 : vector<16xf32>
      %mul3A_89 = arith.constant 16 : i32
      %mul3A_90 = arith.muli %scan3A_27, %mul3A_89 : i32
      %get3A_91 = arith.constant 9 : i32
      %get3A_92 = arith.index_cast %get3A_91 : i32 to index
      %get3A_93 = arith.index_cast %mul3A_90 : i32 to index
      %get3A_94 = tpu.vector_load %arg10[%get3A_92, %get3A_93] {strides = array<i32>} : memref<16x640xf32, #tpu.memory_space<vmem>>, vector<16xf32>,
      %add3A_95 = arith.addf %add3A_88, %get3A_94 : vector<16xf32>
      %mul3A_96 = arith.constant 16 : i32
      %mul3A_97 = arith.muli %scan3A_27, %mul3A_96 : i32
      %get3A_98 = arith.constant 10 : i32
      %get3A_99 = arith.index_cast %get3A_98 : i32 to index
      %get3A_100 = arith.index_cast %mul3A_97 : i32 to index
      %get3A_101 = tpu.vector_load %arg10[%get3A_99, %get3A_100] {strides = array<i32>} : memref<16x640xf32, #tpu.memory_space<vmem>>, vector<16xf32>,
      %add3A_102 = arith.addf %add3A_95, %get3A_101 : vector<16xf32>
      %mul3A_103 = arith.constant 16 : i32
      %mul3A_104 = arith.muli %scan3A_27, %mul3A_103 : i32
      %get3A_105 = arith.constant 11 : i32
      %get3A_106 = arith.index_cast %get3A_105 : i32 to index
      %get3A_107 = arith.index_cast %mul3A_104 : i32 to index
      %get3A_108 = tpu.vector_load %arg10[%get3A_106, %get3A_107] {strides = array<i32>} : memref<16x640xf32, #tpu.memory_space<vmem>>, vector<16xf32>,
      %add3A_109 = arith.addf %add3A_102, %get3A_108 : vector<16xf32>
      %mul3A_110 = arith.constant 16 : i32
      %mul3A_111 = arith.muli %scan3A_27, %mul3A_110 : i32
      %get3A_112 = arith.constant 12 : i32
      %get3A_113 = arith.index_cast %get3A_112 : i32 to index
      %get3A_114 = arith.index_cast %mul3A_111 : i32 to index
      %get3A_115 = tpu.vector_load %arg10[%get3A_113, %get3A_114] {strides = array<i32>} : memref<16x640xf32, #tpu.memory_space<vmem>>, vector<16xf32>,
      %add3A_116 = arith.addf %add3A_109, %get3A_115 : vector<16xf32>
      %mul3A_117 = arith.constant 16 : i32
      %mul3A_118 = arith.muli %scan3A_27, %mul3A_117 : i32
      %get3A_119 = arith.constant 13 : i32
      %get3A_120 = arith.index_cast %get3A_119 : i32 to index
      %get3A_121 = arith.index_cast %mul3A_118 : i32 to index
      %get3A_122 = tpu.vector_load %arg10[%get3A_120, %get3A_121] {strides = array<i32>} : memref<16x640xf32, #tpu.memory_space<vmem>>, vector<16xf32>,
      %add3A_123 = arith.addf %add3A_116, %get3A_122 : vector<16xf32>
      %mul3A_124 = arith.constant 16 : i32
      %mul3A_125 = arith.muli %scan3A_27, %mul3A_124 : i32
      %get3A_126 = arith.constant 14 : i32
      %get3A_127 = arith.index_cast %get3A_126 : i32 to index
      %get3A_128 = arith.index_cast %mul3A_125 : i32 to index
      %get3A_129 = tpu.vector_load %arg10[%get3A_127, %get3A_128] {strides = array<i32>} : memref<16x640xf32, #tpu.memory_space<vmem>>, vector<16xf32>,
      %add3A_130 = arith.addf %add3A_123, %get3A_129 : vector<16xf32>
      %mul3A_131 = arith.constant 16 : i32
      %mul3A_132 = arith.muli %scan3A_27, %mul3A_131 : i32
      %get3A_133 = arith.constant 15 : i32
      %get3A_134 = arith.index_cast %get3A_133 : i32 to index
      %get3A_135 = arith.index_cast %mul3A_132 : i32 to index
      %get3A_136 = tpu.vector_load %arg10[%get3A_134, %get3A_135] {strides = array<i32>} : memref<16x640xf32, #tpu.memory_space<vmem>>, vector<16xf32>,
      %add3A_137 = arith.addf %add3A_130, %get3A_136 : vector<16xf32>
      %mul3A_138 = arith.constant 16 : i32
      %mul3A_139 = arith.muli %scan3A_27, %mul3A_138 : i32
      %swap3A = arith.index_cast %mul3A_139 : i32 to index
      %swap3A_140 = tpu.vector_load %arg11[%swap3A] {strides = array<i32>} : memref<640xf32, #tpu.memory_space<vmem>>, vector<16xf32>,
      tpu.vector_store %arg11[%swap3A], %add3A_137 {strides = array<i32>} : memref<640xf32, #tpu.memory_space<vmem>>, vector<16xf32>,
    }
    %scan3A_23 = arith.constant 40 : i32
    %mul3A_24 = arith.constant 10240 : i32
    %mul3A_25 = arith.muli %arg0, %mul3A_24 : i32
    %add3A_26 = arith.addi %mul3A_25, %mul3A_17 : i32
    "tpu.region"() ({
      %run_scoped3A = tpu.sem_alloc : memref<!tpu.dma_semaphore, #tpu.memory_space<semaphore_mem>>
      %dma_start3A = tpu.memref_slice %arg5[%add3A_26] : memref<20480xf32, #tpu.memory_space<hbm>> -> memref<640xf32, #tpu.memory_space<hbm>>
      %dma_start3A_27 = tpu.memref_slice %arg5[%add3A_26] : memref<20480xf32, #tpu.memory_space<hbm>> -> memref<640xf32, #tpu.memory_space<hbm>>
      tpu.enqueue_dma source(%arg11 : memref<640xf32, #tpu.memory_space<vmem>>) target(%dma_start3A_27 : memref<640xf32, #tpu.memory_space<hbm>>) target_semaphore(%run_scoped3A : memref<!tpu.dma_semaphore, #tpu.memory_space<semaphore_mem>>)
      %dma_wait3A = tpu.memref_slice %arg5[%add3A_26] : memref<20480xf32, #tpu.memory_space<hbm>> -> memref<640xf32, #tpu.memory_space<hbm>>
      %dma_wait3A_28 = tpu.memref_slice %arg5[%add3A_26] : memref<20480xf32, #tpu.memory_space<hbm>> -> memref<640xf32, #tpu.memory_space<hbm>>
      tpu.wait_dma2 semaphore(%run_scoped3A : memref<!tpu.dma_semaphore, #tpu.memory_space<semaphore_mem>>) src(%arg11 : memref<640xf32, #tpu.memory_space<vmem>>) dst(%dma_wait3A_28 : memref<640xf32, #tpu.memory_space<hbm>>)
      tpu.yield
    }) : () -> ()
    return
  }
}

#map = affine_map<(d0, d1) -> (0, 0)>
#map1 = affine_map<(d0, d1) -> (0)>
module attributes {stable_mosaic.version = 14 : i64} {
  func.func @k(%arg0: i32, %arg1: i32, %arg2: memref<10240x128xf32, #tpu.memory_space<hbm>>, %arg3: memref<160000xi32, #tpu.memory_space<hbm>>, %arg4: memref<160000xi32, #tpu.memory_space<hbm>>, %arg5: memref<20480x128xf32, #tpu.memory_space<hbm>>, %arg6: memref<200xi32, #tpu.memory_space<vmem>>, %arg7: memref<200xi32, #tpu.memory_space<vmem>>, %arg8: memref<200x128xf32, #tpu.memory_space<vmem>>, %arg9: memref<10240x128xf32, #tpu.memory_space<vmem_shared>>, %arg10: memref<!tpu.dma_semaphore, #tpu.memory_space<semaphore_mem>>) attributes {dimension_semantics = [#tpu.dimension_semantics<core_parallel>, #tpu.dimension_semantics<subcore_parallel>], iteration_bounds = array<i64: 2, 16>, scalar_prefetch = 0 : i64, scratch_operands = 5 : i64, tpu.core_type = #tpu.core_type<sc_vector_subcore>, window_params = [{transform_indices = #map}, {transform_indices = #map1}, {transform_indices = #map1}, {transform_indices = #map}]} {
    %mul3A = arith.constant 640 : i32
    %mul3A_0 = arith.muli %arg1, %mul3A : i32
    %add3A = arith.constant 0 : i32
    %add3A_1 = arith.addi %add3A, %mul3A_0 : i32
    "tpu.region"() ({
      %run_scoped3A = tpu.sem_alloc : memref<!tpu.dma_semaphore, #tpu.memory_space<semaphore_mem>>
      %dma_start3A = arith.constant 0 : i32
      %dma_start3A_16 = tpu.memref_slice %arg9[%mul3A_0, %dma_start3A] : memref<10240x128xf32, #tpu.memory_space<vmem_shared>> -> memref<640x128xf32, #tpu.memory_space<vmem_shared>>
      %dma_start3A_17 = arith.constant 0 : i32
      %dma_start3A_18 = tpu.memref_slice %arg2[%add3A_1, %dma_start3A_17] : memref<10240x128xf32, #tpu.memory_space<hbm>> -> memref<640x128xf32, #tpu.memory_space<hbm>>
      tpu.enqueue_dma source(%dma_start3A_18 : memref<640x128xf32, #tpu.memory_space<hbm>>) target(%dma_start3A_16 : memref<640x128xf32, #tpu.memory_space<vmem_shared>>) target_semaphore(%run_scoped3A : memref<!tpu.dma_semaphore, #tpu.memory_space<semaphore_mem>>)
      %dma_wait3A = arith.constant 0 : i32
      %dma_wait3A_19 = tpu.memref_slice %arg9[%mul3A_0, %dma_wait3A] : memref<10240x128xf32, #tpu.memory_space<vmem_shared>> -> memref<640x128xf32, #tpu.memory_space<vmem_shared>>
      %dma_wait3A_20 = arith.constant 0 : i32
      %dma_wait3A_21 = tpu.memref_slice %arg2[%add3A_1, %dma_wait3A_20] : memref<10240x128xf32, #tpu.memory_space<hbm>> -> memref<640x128xf32, #tpu.memory_space<hbm>>
      tpu.wait_dma2 semaphore(%run_scoped3A : memref<!tpu.dma_semaphore, #tpu.memory_space<semaphore_mem>>) src(%dma_wait3A_21 : memref<640x128xf32, #tpu.memory_space<hbm>>) dst(%dma_wait3A_19 : memref<640x128xf32, #tpu.memory_space<vmem_shared>>)
      tpu.yield
    }) : () -> ()
    %barrier3A = arith.constant 0 : index
    tpu.barrier barrier_id(%barrier3A)
    %mul3A_2 = arith.constant 80000 : i32
    %mul3A_3 = arith.muli %arg0, %mul3A_2 : i32
    %mul3A_4 = arith.constant 5000 : i32
    %mul3A_5 = arith.muli %arg1, %mul3A_4 : i32
    %add3A_6 = arith.addi %mul3A_3, %mul3A_5 : i32
    %scan3A = arith.constant 0 : i32
    %scan3A_7 = arith.constant 0 : i32
    %scan3A_8 = arith.constant 25 : i32
    %scan3A_9 = arith.addi %scan3A_7, %scan3A_8 : i32
    %scan3A_10 = arith.constant 1 : i32
    scf.for %scan3A_16 = %scan3A_7 to %scan3A_9 step %scan3A_10  : i32 {
      %mul3A_17 = arith.constant 200 : i32
      %mul3A_18 = arith.muli %scan3A_16, %mul3A_17 : i32
      %add3A_19 = arith.addi %add3A_6, %mul3A_18 : i32
      %add3A_20 = arith.constant 0 : i32
      %add3A_21 = arith.addi %add3A_20, %add3A_19 : i32
      "tpu.region"() ({
        %run_scoped3A = tpu.sem_alloc : memref<!tpu.dma_semaphore, #tpu.memory_space<semaphore_mem>>
        %dma_start3A_26 = tpu.memref_slice %arg3[%add3A_21] : memref<160000xi32, #tpu.memory_space<hbm>> -> memref<200xi32, #tpu.memory_space<hbm>>
        %dma_start3A_27 = tpu.memref_slice %arg3[%add3A_21] : memref<160000xi32, #tpu.memory_space<hbm>> -> memref<200xi32, #tpu.memory_space<hbm>>
        tpu.enqueue_dma source(%dma_start3A_27 : memref<200xi32, #tpu.memory_space<hbm>>) target(%arg6 : memref<200xi32, #tpu.memory_space<vmem>>) target_semaphore(%run_scoped3A : memref<!tpu.dma_semaphore, #tpu.memory_space<semaphore_mem>>)
        %dma_wait3A_28 = tpu.memref_slice %arg3[%add3A_21] : memref<160000xi32, #tpu.memory_space<hbm>> -> memref<200xi32, #tpu.memory_space<hbm>>
        %dma_wait3A_29 = tpu.memref_slice %arg3[%add3A_21] : memref<160000xi32, #tpu.memory_space<hbm>> -> memref<200xi32, #tpu.memory_space<hbm>>
        tpu.wait_dma2 semaphore(%run_scoped3A : memref<!tpu.dma_semaphore, #tpu.memory_space<semaphore_mem>>) src(%dma_wait3A_29 : memref<200xi32, #tpu.memory_space<hbm>>) dst(%arg6 : memref<200xi32, #tpu.memory_space<vmem>>)
        tpu.yield
      }) : () -> ()
      "tpu.region"() ({
        %run_scoped3A = tpu.sem_alloc : memref<!tpu.dma_semaphore, #tpu.memory_space<semaphore_mem>>
        %dma_start3A_26 = tpu.memref_slice %arg4[%add3A_19] : memref<160000xi32, #tpu.memory_space<hbm>> -> memref<200xi32, #tpu.memory_space<hbm>>
        %dma_start3A_27 = tpu.memref_slice %arg4[%add3A_19] : memref<160000xi32, #tpu.memory_space<hbm>> -> memref<200xi32, #tpu.memory_space<hbm>>
        tpu.enqueue_dma source(%dma_start3A_27 : memref<200xi32, #tpu.memory_space<hbm>>) target(%arg7 : memref<200xi32, #tpu.memory_space<vmem>>) target_semaphore(%run_scoped3A : memref<!tpu.dma_semaphore, #tpu.memory_space<semaphore_mem>>)
        %dma_wait3A_28 = tpu.memref_slice %arg4[%add3A_19] : memref<160000xi32, #tpu.memory_space<hbm>> -> memref<200xi32, #tpu.memory_space<hbm>>
        %dma_wait3A_29 = tpu.memref_slice %arg4[%add3A_19] : memref<160000xi32, #tpu.memory_space<hbm>> -> memref<200xi32, #tpu.memory_space<hbm>>
        tpu.wait_dma2 semaphore(%run_scoped3A : memref<!tpu.dma_semaphore, #tpu.memory_space<semaphore_mem>>) src(%dma_wait3A_29 : memref<200xi32, #tpu.memory_space<hbm>>) dst(%arg7 : memref<200xi32, #tpu.memory_space<vmem>>)
        tpu.yield
      }) : () -> ()
      %dma_start3A = arith.constant 0 : i32
      %dma_start3A_22 = arith.constant 0 : i32
      %dma_start3A_23 = tpu.memref_slice %arg2[%dma_start3A, %dma_start3A_22] : memref<10240x128xf32, #tpu.memory_space<hbm>> -> memref<10240x128xf32, #tpu.memory_space<hbm>>
      tpu.enqueue_indirect_dma source(%dma_start3A_23 : memref<10240x128xf32, #tpu.memory_space<hbm>>) target(%arg8 : memref<200x128xf32, #tpu.memory_space<vmem>>) offsets(%arg6 : memref<200xi32, #tpu.memory_space<vmem>>) semaphore(%arg10 : memref<!tpu.dma_semaphore, #tpu.memory_space<semaphore_mem>>)
      %dma_wait3A = arith.constant 0 : i32
      %dma_wait3A_24 = arith.constant 0 : i32
      %dma_wait3A_25 = tpu.memref_slice %arg2[%dma_wait3A, %dma_wait3A_24] : memref<10240x128xf32, #tpu.memory_space<hbm>> -> memref<10240x128xf32, #tpu.memory_space<hbm>>
      tpu.wait_indirect_dma semaphore(%arg10 : memref<!tpu.dma_semaphore, #tpu.memory_space<semaphore_mem>>) src(%dma_wait3A_25 : memref<10240x128xf32, #tpu.memory_space<hbm>>) dst(%arg8 : memref<200x128xf32, #tpu.memory_space<vmem>>)
      "tpu.region"() ({
        %run_scoped3A = tpu.sem_alloc : memref<!tpu.dma_semaphore, #tpu.memory_space<semaphore_mem>>
        %dma_start3A_26 = arith.constant 0 : i32
        %dma_start3A_27 = arith.constant 0 : i32
        %dma_start3A_28 = tpu.memref_slice %arg9[%dma_start3A_26, %dma_start3A_27] : memref<10240x128xf32, #tpu.memory_space<vmem_shared>> -> memref<10240x128xf32, #tpu.memory_space<vmem_shared>>
        tpu.enqueue_indirect_dma source(%arg8 : memref<200x128xf32, #tpu.memory_space<vmem>>) target(%dma_start3A_28 : memref<10240x128xf32, #tpu.memory_space<vmem_shared>>) offsets(%arg7 : memref<200xi32, #tpu.memory_space<vmem>>) semaphore(%run_scoped3A : memref<!tpu.dma_semaphore, #tpu.memory_space<semaphore_mem>>) {add = true}
        %dma_wait3A_29 = arith.constant 0 : i32
        %dma_wait3A_30 = arith.constant 0 : i32
        %dma_wait3A_31 = tpu.memref_slice %arg9[%dma_wait3A_29, %dma_wait3A_30] : memref<10240x128xf32, #tpu.memory_space<vmem_shared>> -> memref<10240x128xf32, #tpu.memory_space<vmem_shared>>
        tpu.wait_indirect_dma semaphore(%run_scoped3A : memref<!tpu.dma_semaphore, #tpu.memory_space<semaphore_mem>>) src(%arg8 : memref<200x128xf32, #tpu.memory_space<vmem>>) dst(%dma_wait3A_31 : memref<10240x128xf32, #tpu.memory_space<vmem_shared>>)
        tpu.yield
      }) : () -> ()
    }
    %scan3A_11 = arith.constant 25 : i32
    %barrier3A_12 = arith.constant 0 : index
    tpu.barrier barrier_id(%barrier3A_12)
    %mul3A_13 = arith.constant 10240 : i32
    %mul3A_14 = arith.muli %arg0, %mul3A_13 : i32
    %add3A_15 = arith.addi %mul3A_14, %mul3A_0 : i32
    "tpu.region"() ({
      %run_scoped3A = tpu.sem_alloc : memref<!tpu.dma_semaphore, #tpu.memory_space<semaphore_mem>>
      %dma_start3A = arith.constant 0 : i32
      %dma_start3A_16 = tpu.memref_slice %arg5[%add3A_15, %dma_start3A] : memref<20480x128xf32, #tpu.memory_space<hbm>> -> memref<640x128xf32, #tpu.memory_space<hbm>>
      %dma_start3A_17 = arith.constant 0 : i32
      %dma_start3A_18 = tpu.memref_slice %arg9[%mul3A_0, %dma_start3A_17] : memref<10240x128xf32, #tpu.memory_space<vmem_shared>> -> memref<640x128xf32, #tpu.memory_space<vmem_shared>>
      tpu.enqueue_dma source(%dma_start3A_18 : memref<640x128xf32, #tpu.memory_space<vmem_shared>>) target(%dma_start3A_16 : memref<640x128xf32, #tpu.memory_space<hbm>>) target_semaphore(%run_scoped3A : memref<!tpu.dma_semaphore, #tpu.memory_space<semaphore_mem>>)
      %dma_wait3A = arith.constant 0 : i32
      %dma_wait3A_19 = tpu.memref_slice %arg5[%add3A_15, %dma_wait3A] : memref<20480x128xf32, #tpu.memory_space<hbm>> -> memref<640x128xf32, #tpu.memory_space<hbm>>
      %dma_wait3A_20 = arith.constant 0 : i32
      %dma_wait3A_21 = tpu.memref_slice %arg9[%mul3A_0, %dma_wait3A_20] : memref<10240x128xf32, #tpu.memory_space<vmem_shared>> -> memref<640x128xf32, #tpu.memory_space<vmem_shared>>
      tpu.wait_dma2 semaphore(%run_scoped3A : memref<!tpu.dma_semaphore, #tpu.memory_space<semaphore_mem>>) src(%dma_wait3A_21 : memref<640x128xf32, #tpu.memory_space<vmem_shared>>) dst(%dma_wait3A_19 : memref<640x128xf32, #tpu.memory_space<hbm>>)
      tpu.yield
    }) : () -> ()
    return
  }
}

module attributes {stable_mosaic.version = 14 : i64} {
  func.func @_t0_body(%arg0: i32, %arg1: memref<1280x1xf32, #tpu.memory_space<vmem>>, %arg2: memref<1280x1xf32, #tpu.memory_space<vmem>>, %arg3: memref<1280x128xf32, #tpu.memory_space<vmem>>, %arg4: memref<1280x1xf32, #tpu.memory_space<vmem>>, %arg5: memref<1280x128xf32, #tpu.memory_space<vmem>>) attributes {dimension_semantics = [#tpu.dimension_semantics<arbitrary>], iteration_bounds = array<i64: 8>, scalar_prefetch = 0 : i64, scratch_operands = 0 : i64, tpu.core_type = #tpu.core_type<tc>, window_params = [{transform_indices = @transform_0, window_bounds = array<i64: 1280, 1>}, {transform_indices = @transform_1, window_bounds = array<i64: 1280, 1>}, {transform_indices = @transform_2, window_bounds = array<i64: 1280, 128>}, {transform_indices = @transform_3, window_bounds = array<i64: 1280, 1>}, {transform_indices = @transform_4, window_bounds = array<i64: 1280, 128>}]} {
    %get3A = arith.constant 0 : index
    %get3A_0 = arith.constant 0 : index
    %get3A_1 = vector.load %arg1[%get3A, %get3A_0] : memref<1280x1xf32, #tpu.memory_space<vmem>>, vector<1280x1xf32>
    %get3A_2 = arith.constant 0 : index
    %get3A_3 = arith.constant 0 : index
    %get3A_4 = vector.load %arg2[%get3A_2, %get3A_3] : memref<1280x1xf32, #tpu.memory_space<vmem>>, vector<1280x1xf32>
    %add3A = arith.addf %get3A_1, %get3A_4 : vector<1280x1xf32>
    %add3A_5 = arith.constant 1.000000e+00 : f32
    %add3A_6 = vector.broadcast %add3A_5 : f32 to vector<1280x1xf32>
    %add3A_7 = arith.addf %add3A, %add3A_6 : vector<1280x1xf32>
    %rsqrt3A = math.rsqrt %add3A_7 : vector<1280x1xf32>
    %swap3A = arith.constant 0 : index
    %swap3A_8 = arith.constant 0 : index
    %swap3A_9 = vector.load %arg4[%swap3A, %swap3A_8] : memref<1280x1xf32, #tpu.memory_space<vmem>>, vector<1280x1xf32>
    tpu.vector_store %arg4[%swap3A, %swap3A_8], %rsqrt3A {strides = array<i32>} : memref<1280x1xf32, #tpu.memory_space<vmem>>, vector<1280x1xf32>,
    %get3A_10 = arith.constant 0 : index
    %get3A_11 = arith.constant 0 : index
    %get3A_12 = vector.load %arg3[%get3A_10, %get3A_11] : memref<1280x128xf32, #tpu.memory_space<vmem>>, vector<1280x128xf32>
    %mul3A = vector.broadcast %rsqrt3A : vector<1280x1xf32> to vector<1280x128xf32>
    %mul3A_13 = arith.mulf %get3A_12, %mul3A : vector<1280x128xf32>
    %swap3A_14 = arith.constant 0 : index
    %swap3A_15 = arith.constant 0 : index
    %swap3A_16 = vector.load %arg5[%swap3A_14, %swap3A_15] : memref<1280x128xf32, #tpu.memory_space<vmem>>, vector<1280x128xf32>
    tpu.vector_store %arg5[%swap3A_14, %swap3A_15], %mul3A_13 {strides = array<i32>} : memref<1280x128xf32, #tpu.memory_space<vmem>>, vector<1280x128xf32>,
    return
  }
  func.func @transform_0(%arg0: i32) -> (i32, i32) {
    %c0_i32 = arith.constant 0 : i32
    %c0_i32_0 = arith.constant 0 : i32
    return %arg0, %c0_i32 : i32, i32
  }
  func.func @transform_1(%arg0: i32) -> (i32, i32) {
    %add3A = arith.constant 8 : i32
    %add3A_0 = arith.addi %add3A, %arg0 : i32
    %c0_i32 = arith.constant 0 : i32
    %c0_i32_1 = arith.constant 0 : i32
    return %add3A_0, %c0_i32 : i32, i32
  }
  func.func @transform_2(%arg0: i32) -> (i32, i32) {
    %c0_i32 = arith.constant 0 : i32
    %c0_i32_0 = arith.constant 0 : i32
    return %arg0, %c0_i32 : i32, i32
  }
  func.func @transform_3(%arg0: i32) -> (i32, i32) {
    %c0_i32 = arith.constant 0 : i32
    %c0_i32_0 = arith.constant 0 : i32
    return %arg0, %c0_i32 : i32, i32
  }
  func.func @transform_4(%arg0: i32) -> (i32, i32) {
    %c0_i32 = arith.constant 0 : i32
    %c0_i32_0 = arith.constant 0 : i32
    return %arg0, %c0_i32 : i32, i32
  }
}

module attributes {stable_mosaic.version = 14 : i64} {
  func.func @_t0b_body(%arg0: i32, %arg1: i32, %arg2: memref<1280x128xf32, #tpu.memory_space<vmem>>, %arg3: memref<1280x128xf32, #tpu.memory_space<vmem>>, %arg4: memref<1280x128xf32, #tpu.memory_space<vmem>>, %arg5: memref<1280x1xf32, #tpu.memory_space<vmem>>, %arg6: memref<128x256xf32, #tpu.memory_space<vmem>>, %arg7: memref<1x256xf32, #tpu.memory_space<vmem>>, %arg8: memref<256x128xf32, #tpu.memory_space<vmem>>, %arg9: memref<1280x256xf32, #tpu.memory_space<vmem>>, %arg10: memref<1280x128xf32, #tpu.memory_space<vmem>>) attributes {dimension_semantics = [#tpu.dimension_semantics<arbitrary>, #tpu.dimension_semantics<arbitrary>], iteration_bounds = array<i64: 8, 2>, scalar_prefetch = 0 : i64, scratch_operands = 0 : i64, tpu.core_type = #tpu.core_type<tc>, window_params = [{transform_indices = @transform_0, window_bounds = array<i64: 1280, 128>}, {transform_indices = @transform_1, window_bounds = array<i64: 1280, 128>}, {transform_indices = @transform_2, window_bounds = array<i64: 1280, 128>}, {transform_indices = @transform_3, window_bounds = array<i64: 1280, 1>}, {pipeline_mode = #tpu.pipeline_mode<synchronous>, transform_indices = @transform_4, window_bounds = array<i64: 128, 256>}, {pipeline_mode = #tpu.pipeline_mode<synchronous>, transform_indices = @transform_5, window_bounds = array<i64: 1, 256>}, {transform_indices = @transform_6, window_bounds = array<i64: 256, 128>}, {transform_indices = @transform_7, window_bounds = array<i64: 1280, 256>}, {transform_indices = @transform_8, window_bounds = array<i64: 1280, 128>}]} {
    %get3A = arith.constant 0 : index
    %get3A_0 = arith.constant 0 : index
    %get3A_1 = vector.load %arg5[%get3A, %get3A_0] : memref<1280x1xf32, #tpu.memory_space<vmem>>, vector<1280x1xf32>
    %get3A_2 = arith.constant 0 : index
    %get3A_3 = arith.constant 0 : index
    %get3A_4 = vector.load %arg2[%get3A_2, %get3A_3] : memref<1280x128xf32, #tpu.memory_space<vmem>>, vector<1280x128xf32>
    %get3A_5 = arith.constant 0 : index
    %get3A_6 = arith.constant 0 : index
    %get3A_7 = vector.load %arg3[%get3A_5, %get3A_6] : memref<1280x128xf32, #tpu.memory_space<vmem>>, vector<1280x128xf32>
    %add3A = arith.addf %get3A_4, %get3A_7 : vector<1280x128xf32>
    %get3A_8 = arith.constant 0 : index
    %get3A_9 = arith.constant 0 : index
    %get3A_10 = vector.load %arg4[%get3A_8, %get3A_9] : memref<1280x128xf32, #tpu.memory_space<vmem>>, vector<1280x128xf32>
    %sub3A = arith.subf %add3A, %get3A_10 : vector<1280x128xf32>
    %mul3A = vector.broadcast %get3A_1 : vector<1280x1xf32> to vector<1280x128xf32>
    %mul3A_11 = arith.mulf %mul3A, %sub3A : vector<1280x128xf32>
    %get3A_12 = arith.constant 0 : index
    %get3A_13 = arith.constant 0 : index
    %get3A_14 = vector.load %arg6[%get3A_12, %get3A_13] : memref<128x256xf32, #tpu.memory_space<vmem>>, vector<128x256xf32>
    %dot_general3A = arith.constant dense<0.000000e+00> : vector<1280x256xf32>
    %dot_general3A_15 = tpu.matmul %mul3A_11, %get3A_14, %dot_general3A {dimension_numbers = #tpu.dot_dimension_numbers<[1], [0], [0], [1], [0, 0, 1, 1], [], []>, transpose_lhs_hint = false} : vector<1280x128xf32>, vector<128x256xf32>, vector<1280x256xf32> -> vector<1280x256xf32>
    %get3A_16 = arith.constant 0 : index
    %get3A_17 = arith.constant 0 : index
    %get3A_18 = vector.load %arg7[%get3A_16, %get3A_17] : memref<1x256xf32, #tpu.memory_space<vmem>>, vector<1x256xf32>
    %add3A_19 = vector.broadcast %get3A_18 : vector<1x256xf32> to vector<1280x256xf32>
    %add3A_20 = arith.addf %dot_general3A_15, %add3A_19 : vector<1280x256xf32>
    %max3A = arith.constant 0.000000e+00 : f32
    %max3A_21 = vector.broadcast %max3A : f32 to vector<1280x256xf32>
    %max3A_22 = arith.maximumf %add3A_20, %max3A_21 : vector<1280x256xf32>
    %swap3A = arith.constant 0 : index
    %swap3A_23 = arith.constant 0 : index
    %swap3A_24 = vector.load %arg9[%swap3A, %swap3A_23] : memref<1280x256xf32, #tpu.memory_space<vmem>>, vector<1280x256xf32>
    tpu.vector_store %arg9[%swap3A, %swap3A_23], %max3A_22 {strides = array<i32>} : memref<1280x256xf32, #tpu.memory_space<vmem>>, vector<1280x256xf32>,
    %get3A_25 = arith.constant 0 : index
    %get3A_26 = arith.constant 0 : index
    %get3A_27 = vector.load %arg8[%get3A_25, %get3A_26] : memref<256x128xf32, #tpu.memory_space<vmem>>, vector<256x128xf32>
    %dot_general3A_28 = arith.constant dense<0.000000e+00> : vector<1280x128xf32>
    %dot_general3A_29 = tpu.matmul %max3A_22, %get3A_27, %dot_general3A_28 {dimension_numbers = #tpu.dot_dimension_numbers<[1], [0], [0], [1], [0, 0, 1, 1], [], []>, transpose_lhs_hint = false} : vector<1280x256xf32>, vector<256x128xf32>, vector<1280x128xf32> -> vector<1280x128xf32>
    %get3A_30 = arith.constant 0 : index
    %get3A_31 = arith.constant 0 : index
    %get3A_32 = vector.load %arg5[%get3A_30, %get3A_31] : memref<1280x1xf32, #tpu.memory_space<vmem>>, vector<1280x1xf32>
    %mul3A_33 = vector.broadcast %get3A_32 : vector<1280x1xf32> to vector<1280x128xf32>
    %mul3A_34 = arith.mulf %dot_general3A_29, %mul3A_33 : vector<1280x128xf32>
    %swap3A_35 = arith.constant 0 : index
    %swap3A_36 = arith.constant 0 : index
    %swap3A_37 = vector.load %arg10[%swap3A_35, %swap3A_36] : memref<1280x128xf32, #tpu.memory_space<vmem>>, vector<1280x128xf32>
    tpu.vector_store %arg10[%swap3A_35, %swap3A_36], %mul3A_34 {strides = array<i32>} : memref<1280x128xf32, #tpu.memory_space<vmem>>, vector<1280x128xf32>,
    return
  }
  func.func @transform_0(%arg0: i32, %arg1: i32) -> (i32, i32) {
    %c0_i32 = arith.constant 0 : i32
    %c0_i32_0 = arith.constant 0 : i32
    return %arg0, %c0_i32 : i32, i32
  }
  func.func @transform_1(%arg0: i32, %arg1: i32) -> (i32, i32) {
    %add3A = arith.constant 8 : i32
    %add3A_0 = arith.addi %add3A, %arg0 : i32
    %c0_i32 = arith.constant 0 : i32
    %c0_i32_1 = arith.constant 0 : i32
    return %add3A_0, %c0_i32 : i32, i32
  }
  func.func @transform_2(%arg0: i32, %arg1: i32) -> (i32, i32) {
    %c0_i32 = arith.constant 0 : i32
    %c0_i32_0 = arith.constant 0 : i32
    return %arg0, %c0_i32 : i32, i32
  }
  func.func @transform_3(%arg0: i32, %arg1: i32) -> (i32, i32) {
    %c0_i32 = arith.constant 0 : i32
    %c0_i32_0 = arith.constant 0 : i32
    return %arg0, %c0_i32 : i32, i32
  }
  func.func @transform_4(%arg0: i32, %arg1: i32) -> (i32, i32) {
    %c0_i32 = arith.constant 0 : i32
    %c0_i32_0 = arith.constant 0 : i32
    %c0_i32_1 = arith.constant 0 : i32
    return %c0_i32, %c0_i32_0 : i32, i32
  }
  func.func @transform_5(%arg0: i32, %arg1: i32) -> (i32, i32) {
    %c0_i32 = arith.constant 0 : i32
    %c0_i32_0 = arith.constant 0 : i32
    %c0_i32_1 = arith.constant 0 : i32
    return %c0_i32, %c0_i32_0 : i32, i32
  }
  func.func @transform_6(%arg0: i32, %arg1: i32) -> (i32, i32) {
    %c0_i32 = arith.constant 0 : i32
    %c0_i32_0 = arith.constant 0 : i32
    return %c0_i32, %arg1 : i32, i32
  }
  func.func @transform_7(%arg0: i32, %arg1: i32) -> (i32, i32) {
    %c0_i32 = arith.constant 0 : i32
    %c0_i32_0 = arith.constant 0 : i32
    return %arg0, %c0_i32 : i32, i32
  }
  func.func @transform_8(%arg0: i32, %arg1: i32) -> (i32, i32) {
    %mul3A = arith.constant 8 : i32
    %mul3A_0 = arith.muli %arg1, %mul3A : i32
    %add3A = arith.addi %mul3A_0, %arg0 : i32
    %c0_i32 = arith.constant 0 : i32
    %c0_i32_1 = arith.constant 0 : i32
    return %add3A, %c0_i32 : i32, i32
  }
}

module attributes {stable_mosaic.version = 14 : i64} {
  func.func @_mid_body(%arg0: i32, %arg1: i32, %arg2: memref<1280x128xf32, #tpu.memory_space<vmem>>, %arg3: memref<1280x128xf32, #tpu.memory_space<vmem>>, %arg4: memref<1280x1xf32, #tpu.memory_space<vmem>>, %arg5: memref<1x256xf32, #tpu.memory_space<vmem>>, %arg6: memref<256x128xf32, #tpu.memory_space<vmem>>, %arg7: memref<1280x128xf32, #tpu.memory_space<vmem>>) attributes {dimension_semantics = [#tpu.dimension_semantics<arbitrary>, #tpu.dimension_semantics<arbitrary>], iteration_bounds = array<i64: 8, 2>, scalar_prefetch = 0 : i64, scratch_operands = 0 : i64, tpu.core_type = #tpu.core_type<tc>, window_params = [{transform_indices = @transform_0, window_bounds = array<i64: 1280, 128>}, {transform_indices = @transform_1, window_bounds = array<i64: 1280, 128>}, {transform_indices = @transform_2, window_bounds = array<i64: 1280, 1>}, {pipeline_mode = #tpu.pipeline_mode<synchronous>, transform_indices = @transform_3, window_bounds = array<i64: 1, 256>}, {transform_indices = @transform_4, window_bounds = array<i64: 256, 128>}, {transform_indices = @transform_5, window_bounds = array<i64: 1280, 128>}]} {
    %get3A = arith.constant 0 : index
    %get3A_0 = arith.constant 0 : index
    %get3A_1 = vector.load %arg4[%get3A, %get3A_0] : memref<1280x1xf32, #tpu.memory_space<vmem>>, vector<1280x1xf32>
    %get3A_2 = arith.constant 0 : index
    %get3A_3 = arith.constant 0 : index
    %get3A_4 = vector.load %arg2[%get3A_2, %get3A_3] : memref<1280x128xf32, #tpu.memory_space<vmem>>, vector<1280x128xf32>
    %get3A_5 = arith.constant 0 : index
    %get3A_6 = arith.constant 0 : index
    %get3A_7 = vector.load %arg3[%get3A_5, %get3A_6] : memref<1280x128xf32, #tpu.memory_space<vmem>>, vector<1280x128xf32>
    %concatenate3A = tpu.concatenate %get3A_4, %get3A_7 in 1 : vector<1280x128xf32>, vector<1280x128xf32> -> vector<1280x256xf32>
    %mul3A = vector.broadcast %get3A_1 : vector<1280x1xf32> to vector<1280x256xf32>
    %mul3A_8 = arith.mulf %mul3A, %concatenate3A : vector<1280x256xf32>
    %get3A_9 = arith.constant 0 : index
    %get3A_10 = arith.constant 0 : index
    %get3A_11 = vector.load %arg5[%get3A_9, %get3A_10] : memref<1x256xf32, #tpu.memory_space<vmem>>, vector<1x256xf32>
    %add3A = vector.broadcast %get3A_11 : vector<1x256xf32> to vector<1280x256xf32>
    %add3A_12 = arith.addf %mul3A_8, %add3A : vector<1280x256xf32>
    %max3A = arith.constant 0.000000e+00 : f32
    %max3A_13 = vector.broadcast %max3A : f32 to vector<1280x256xf32>
    %max3A_14 = arith.maximumf %add3A_12, %max3A_13 : vector<1280x256xf32>
    %get3A_15 = arith.constant 0 : index
    %get3A_16 = arith.constant 0 : index
    %get3A_17 = vector.load %arg6[%get3A_15, %get3A_16] : memref<256x128xf32, #tpu.memory_space<vmem>>, vector<256x128xf32>
    %dot_general3A = arith.constant dense<0.000000e+00> : vector<1280x128xf32>
    %dot_general3A_18 = tpu.matmul %max3A_14, %get3A_17, %dot_general3A {dimension_numbers = #tpu.dot_dimension_numbers<[1], [0], [0], [1], [0, 0, 1, 1], [], []>, transpose_lhs_hint = false} : vector<1280x256xf32>, vector<256x128xf32>, vector<1280x128xf32> -> vector<1280x128xf32>
    %get3A_19 = arith.constant 0 : index
    %get3A_20 = arith.constant 0 : index
    %get3A_21 = vector.load %arg4[%get3A_19, %get3A_20] : memref<1280x1xf32, #tpu.memory_space<vmem>>, vector<1280x1xf32>
    %mul3A_22 = vector.broadcast %get3A_21 : vector<1280x1xf32> to vector<1280x128xf32>
    %mul3A_23 = arith.mulf %dot_general3A_18, %mul3A_22 : vector<1280x128xf32>
    %swap3A = arith.constant 0 : index
    %swap3A_24 = arith.constant 0 : index
    %swap3A_25 = vector.load %arg7[%swap3A, %swap3A_24] : memref<1280x128xf32, #tpu.memory_space<vmem>>, vector<1280x128xf32>
    tpu.vector_store %arg7[%swap3A, %swap3A_24], %mul3A_23 {strides = array<i32>} : memref<1280x128xf32, #tpu.memory_space<vmem>>, vector<1280x128xf32>,
    return
  }
  func.func @transform_0(%arg0: i32, %arg1: i32) -> (i32, i32) {
    %c0_i32 = arith.constant 0 : i32
    %c0_i32_0 = arith.constant 0 : i32
    return %arg0, %c0_i32 : i32, i32
  }
  func.func @transform_1(%arg0: i32, %arg1: i32) -> (i32, i32) {
    %add3A = arith.constant 8 : i32
    %add3A_0 = arith.addi %add3A, %arg0 : i32
    %c0_i32 = arith.constant 0 : i32
    %c0_i32_1 = arith.constant 0 : i32
    return %add3A_0, %c0_i32 : i32, i32
  }
  func.func @transform_2(%arg0: i32, %arg1: i32) -> (i32, i32) {
    %c0_i32 = arith.constant 0 : i32
    %c0_i32_0 = arith.constant 0 : i32
    return %arg0, %c0_i32 : i32, i32
  }
  func.func @transform_3(%arg0: i32, %arg1: i32) -> (i32, i32) {
    %c0_i32 = arith.constant 0 : i32
    %c0_i32_0 = arith.constant 0 : i32
    %c0_i32_1 = arith.constant 0 : i32
    return %c0_i32, %c0_i32_0 : i32, i32
  }
  func.func @transform_4(%arg0: i32, %arg1: i32) -> (i32, i32) {
    %c0_i32 = arith.constant 0 : i32
    %c0_i32_0 = arith.constant 0 : i32
    return %c0_i32, %arg1 : i32, i32
  }
  func.func @transform_5(%arg0: i32, %arg1: i32) -> (i32, i32) {
    %mul3A = arith.constant 8 : i32
    %mul3A_0 = arith.muli %arg1, %mul3A : i32
    %add3A = arith.addi %mul3A_0, %arg0 : i32
    %c0_i32 = arith.constant 0 : i32
    %c0_i32_1 = arith.constant 0 : i32
    return %add3A, %c0_i32 : i32, i32
  }
}

module attributes {stable_mosaic.version = 14 : i64} {
  func.func @_gmax_body(%arg0: i32, %arg1: memref<1280x256xf32, #tpu.memory_space<vmem>>, %arg2: memref<1x1x256xf32, #tpu.memory_space<vmem>>) attributes {dimension_semantics = [#tpu.dimension_semantics<arbitrary>], iteration_bounds = array<i64: 8>, scalar_prefetch = 0 : i64, scratch_operands = 0 : i64, tpu.core_type = #tpu.core_type<tc>, window_params = [{transform_indices = @transform_0, window_bounds = array<i64: 1280, 256>}, {transform_indices = @transform_1, window_bounds = array<i64: 1, 1, 256>}]} {
    %get3A = arith.constant 0 : index
    %get3A_0 = arith.constant 0 : index
    %get3A_1 = vector.load %arg1[%get3A, %get3A_0] : memref<1280x256xf32, #tpu.memory_space<vmem>>, vector<1280x256xf32>
    %iota3A = tpu.iota {dimensions = array<i32: 0>} : vector<1280x256xi32>
    %lt3A = arith.constant 1250 : i32
    %lt3A_2 = vector.broadcast %lt3A : i32 to vector<1280x256xi32>
    %lt3A_3 = arith.cmpi slt, %iota3A, %lt3A_2 : vector<1280x256xi32>
    %jit3A = arith.constant -1.000000e+30 : f32
    %broadcast_in_dim3A = vector.broadcast %jit3A : f32 to vector<1280x256xf32>
    %select_n3A = arith.select %lt3A_3, %get3A_1, %broadcast_in_dim3A : vector<1280x256xi1>, vector<1280x256xf32>
    %reduce_max3A = arith.constant dense<0xFF800000> : vector<256xf32>
    %reduce_max3A_4 = vector.multi_reduction <maximumf>, %select_n3A, %reduce_max3A [0] : vector<1280x256xf32> to vector<256xf32>
    %broadcast_in_dim3A_5 = vector.shape_cast %reduce_max3A_4 : vector<256xf32> to vector<1x256xf32>
    %broadcast_in_dim3A_6 = vector.shape_cast %broadcast_in_dim3A_5 : vector<1x256xf32> to vector<1x1x256xf32>
    %swap3A = arith.constant 0 : index
    %swap3A_7 = arith.constant 0 : index
    %swap3A_8 = arith.constant 0 : index
    %swap3A_9 = vector.load %arg2[%swap3A, %swap3A_7, %swap3A_8] : memref<1x1x256xf32, #tpu.memory_space<vmem>>, vector<1x1x256xf32>
    tpu.vector_store %arg2[%swap3A, %swap3A_7, %swap3A_8], %broadcast_in_dim3A_6 {strides = array<i32>} : memref<1x1x256xf32, #tpu.memory_space<vmem>>, vector<1x1x256xf32>,
    return
  }
  func.func @transform_0(%arg0: i32) -> (i32, i32) {
    %c0_i32 = arith.constant 0 : i32
    %c0_i32_0 = arith.constant 0 : i32
    return %arg0, %c0_i32 : i32, i32
  }
  func.func @transform_1(%arg0: i32) -> (i32, i32, i32) {
    %c0_i32 = arith.constant 0 : i32
    %c0_i32_0 = arith.constant 0 : i32
    %c0_i32_1 = arith.constant 0 : i32
    return %arg0, %c0_i32, %c0_i32_0 : i32, i32, i32
  }
}

module attributes {stable_mosaic.version = 14 : i64} {
  func.func @_gmm_body(%arg0: i32, %arg1: memref<8x256xf32, #tpu.memory_space<vmem>>, %arg2: memref<256x256xf32, #tpu.memory_space<vmem>>, %arg3: memref<1x256xf32, #tpu.memory_space<vmem>>, %arg4: memref<256x256xf32, #tpu.memory_space<vmem>>, %arg5: memref<8x256xf32, #tpu.memory_space<vmem>>) attributes {dimension_semantics = [#tpu.dimension_semantics<arbitrary>], iteration_bounds = array<i64: 1>, scalar_prefetch = 0 : i64, scratch_operands = 0 : i64, tpu.core_type = #tpu.core_type<tc>, window_params = [{pipeline_mode = #tpu.pipeline_mode<synchronous>, transform_indices = @transform_0, window_bounds = array<i64: 8, 256>}, {pipeline_mode = #tpu.pipeline_mode<synchronous>, transform_indices = @transform_1, window_bounds = array<i64: 256, 256>}, {pipeline_mode = #tpu.pipeline_mode<synchronous>, transform_indices = @transform_2, window_bounds = array<i64: 1, 256>}, {pipeline_mode = #tpu.pipeline_mode<synchronous>, transform_indices = @transform_3, window_bounds = array<i64: 256, 256>}, {pipeline_mode = #tpu.pipeline_mode<synchronous>, transform_indices = @transform_4, window_bounds = array<i64: 8, 256>}]} {
    %get3A = arith.constant 0 : index
    %get3A_0 = arith.constant 0 : index
    %get3A_1 = vector.load %arg1[%get3A, %get3A_0] : memref<8x256xf32, #tpu.memory_space<vmem>>, vector<8x256xf32>
    %get3A_2 = arith.constant 0 : index
    %get3A_3 = arith.constant 0 : index
    %get3A_4 = vector.load %arg2[%get3A_2, %get3A_3] : memref<256x256xf32, #tpu.memory_space<vmem>>, vector<256x256xf32>
    %dot_general3A = arith.constant dense<0.000000e+00> : vector<8x256xf32>
    %dot_general3A_5 = tpu.matmul %get3A_1, %get3A_4, %dot_general3A {dimension_numbers = #tpu.dot_dimension_numbers<[1], [0], [0], [1], [0, 0, 1, 1], [], []>, transpose_lhs_hint = false} : vector<8x256xf32>, vector<256x256xf32>, vector<8x256xf32> -> vector<8x256xf32>
    %get3A_6 = arith.constant 0 : index
    %get3A_7 = arith.constant 0 : index
    %get3A_8 = vector.load %arg3[%get3A_6, %get3A_7] : memref<1x256xf32, #tpu.memory_space<vmem>>, vector<1x256xf32>
    %add3A = vector.broadcast %get3A_8 : vector<1x256xf32> to vector<8x256xf32>
    %add3A_9 = arith.addf %dot_general3A_5, %add3A : vector<8x256xf32>
    %get3A_10 = arith.constant 0 : index
    %get3A_11 = arith.constant 0 : index
    %get3A_12 = vector.load %arg4[%get3A_10, %get3A_11] : memref<256x256xf32, #tpu.memory_space<vmem>>, vector<256x256xf32>
    %dot_general3A_13 = arith.constant dense<0.000000e+00> : vector<8x256xf32>
    %dot_general3A_14 = tpu.matmul %add3A_9, %get3A_12, %dot_general3A_13 {dimension_numbers = #tpu.dot_dimension_numbers<[1], [0], [0], [1], [0, 0, 1, 1], [], []>, transpose_lhs_hint = false} : vector<8x256xf32>, vector<256x256xf32>, vector<8x256xf32> -> vector<8x256xf32>
    %swap3A = arith.constant 0 : index
    %swap3A_15 = arith.constant 0 : index
    %swap3A_16 = vector.load %arg5[%swap3A, %swap3A_15] : memref<8x256xf32, #tpu.memory_space<vmem>>, vector<8x256xf32>
    tpu.vector_store %arg5[%swap3A, %swap3A_15], %dot_general3A_14 {strides = array<i32>} : memref<8x256xf32, #tpu.memory_space<vmem>>, vector<8x256xf32>,
    return
  }
  func.func @transform_0(%arg0: i32) -> (i32, i32) {
    %c0_i32 = arith.constant 0 : i32
    %c0_i32_0 = arith.constant 0 : i32
    %c0_i32_1 = arith.constant 0 : i32
    return %c0_i32, %c0_i32_0 : i32, i32
  }
  func.func @transform_1(%arg0: i32) -> (i32, i32) {
    %c0_i32 = arith.constant 0 : i32
    %c0_i32_0 = arith.constant 0 : i32
    %c0_i32_1 = arith.constant 0 : i32
    return %c0_i32, %c0_i32_0 : i32, i32
  }
  func.func @transform_2(%arg0: i32) -> (i32, i32) {
    %c0_i32 = arith.constant 0 : i32
    %c0_i32_0 = arith.constant 0 : i32
    %c0_i32_1 = arith.constant 0 : i32
    return %c0_i32, %c0_i32_0 : i32, i32
  }
  func.func @transform_3(%arg0: i32) -> (i32, i32) {
    %c0_i32 = arith.constant 0 : i32
    %c0_i32_0 = arith.constant 0 : i32
    %c0_i32_1 = arith.constant 0 : i32
    return %c0_i32, %c0_i32_0 : i32, i32
  }
  func.func @transform_4(%arg0: i32) -> (i32, i32) {
    %c0_i32 = arith.constant 0 : i32
    %c0_i32_0 = arith.constant 0 : i32
    %c0_i32_1 = arith.constant 0 : i32
    return %c0_i32, %c0_i32_0 : i32, i32
  }
}

module attributes {stable_mosaic.version = 14 : i64} {
  func.func @_t3_body(%arg0: i32, %arg1: i32, %arg2: memref<1280x128xf32, #tpu.memory_space<vmem>>, %arg3: memref<1280x128xf32, #tpu.memory_space<vmem>>, %arg4: memref<1280x1xf32, #tpu.memory_space<vmem>>, %arg5: memref<1x256xf32, #tpu.memory_space<vmem>>, %arg6: memref<256x128xf32, #tpu.memory_space<vmem>>, %arg7: memref<1x1x128xf32, #tpu.memory_space<vmem>>, %arg8: memref<1280x128xf32, #tpu.memory_space<vmem>>) attributes {dimension_semantics = [#tpu.dimension_semantics<arbitrary>, #tpu.dimension_semantics<arbitrary>], iteration_bounds = array<i64: 8, 2>, scalar_prefetch = 0 : i64, scratch_operands = 0 : i64, tpu.core_type = #tpu.core_type<tc>, window_params = [{transform_indices = @transform_0, window_bounds = array<i64: 1280, 128>}, {transform_indices = @transform_1, window_bounds = array<i64: 1280, 128>}, {transform_indices = @transform_2, window_bounds = array<i64: 1280, 1>}, {pipeline_mode = #tpu.pipeline_mode<synchronous>, transform_indices = @transform_3, window_bounds = array<i64: 1, 256>}, {transform_indices = @transform_4, window_bounds = array<i64: 256, 128>}, {transform_indices = @transform_5, window_bounds = array<i64: 1, 1, 128>}, {transform_indices = @transform_6, window_bounds = array<i64: 1280, 128>}]} {
    %get3A = arith.constant 0 : index
    %get3A_0 = arith.constant 0 : index
    %get3A_1 = vector.load %arg4[%get3A, %get3A_0] : memref<1280x1xf32, #tpu.memory_space<vmem>>, vector<1280x1xf32>
    %get3A_2 = arith.constant 0 : index
    %get3A_3 = arith.constant 0 : index
    %get3A_4 = vector.load %arg2[%get3A_2, %get3A_3] : memref<1280x128xf32, #tpu.memory_space<vmem>>, vector<1280x128xf32>
    %get3A_5 = arith.constant 0 : index
    %get3A_6 = arith.constant 0 : index
    %get3A_7 = vector.load %arg3[%get3A_5, %get3A_6] : memref<1280x128xf32, #tpu.memory_space<vmem>>, vector<1280x128xf32>
    %concatenate3A = tpu.concatenate %get3A_4, %get3A_7 in 1 : vector<1280x128xf32>, vector<1280x128xf32> -> vector<1280x256xf32>
    %mul3A = vector.broadcast %get3A_1 : vector<1280x1xf32> to vector<1280x256xf32>
    %mul3A_8 = arith.mulf %mul3A, %concatenate3A : vector<1280x256xf32>
    %get3A_9 = arith.constant 0 : index
    %get3A_10 = arith.constant 0 : index
    %get3A_11 = vector.load %arg5[%get3A_9, %get3A_10] : memref<1x256xf32, #tpu.memory_space<vmem>>, vector<1x256xf32>
    %add3A = vector.broadcast %get3A_11 : vector<1x256xf32> to vector<1280x256xf32>
    %add3A_12 = arith.addf %mul3A_8, %add3A : vector<1280x256xf32>
    %max3A = arith.constant 0.000000e+00 : f32
    %max3A_13 = vector.broadcast %max3A : f32 to vector<1280x256xf32>
    %max3A_14 = arith.maximumf %add3A_12, %max3A_13 : vector<1280x256xf32>
    %get3A_15 = arith.constant 0 : index
    %get3A_16 = arith.constant 0 : index
    %get3A_17 = vector.load %arg6[%get3A_15, %get3A_16] : memref<256x128xf32, #tpu.memory_space<vmem>>, vector<256x128xf32>
    %dot_general3A = arith.constant dense<0.000000e+00> : vector<1280x128xf32>
    %dot_general3A_18 = tpu.matmul %max3A_14, %get3A_17, %dot_general3A {dimension_numbers = #tpu.dot_dimension_numbers<[1], [0], [0], [1], [0, 0, 1, 1], [], []>, transpose_lhs_hint = false} : vector<1280x256xf32>, vector<256x128xf32>, vector<1280x128xf32> -> vector<1280x128xf32>
    %get3A_19 = arith.constant 0 : index
    %get3A_20 = arith.constant 0 : index
    %get3A_21 = arith.constant 0 : index
    %get3A_22 = vector.load %arg7[%get3A_19, %get3A_20, %get3A_21] : memref<1x1x128xf32, #tpu.memory_space<vmem>>, vector<1x1x128xf32>
    %get3A_23 = vector.shape_cast %get3A_22 : vector<1x1x128xf32> to vector<1x128xf32>
    %add3A_24 = vector.broadcast %get3A_23 : vector<1x128xf32> to vector<1280x128xf32>
    %add3A_25 = arith.addf %dot_general3A_18, %add3A_24 : vector<1280x128xf32>
    %get3A_26 = arith.constant 0 : index
    %get3A_27 = arith.constant 0 : index
    %get3A_28 = vector.load %arg4[%get3A_26, %get3A_27] : memref<1280x1xf32, #tpu.memory_space<vmem>>, vector<1280x1xf32>
    %mul3A_29 = vector.broadcast %get3A_28 : vector<1280x1xf32> to vector<1280x128xf32>
    %mul3A_30 = arith.mulf %add3A_25, %mul3A_29 : vector<1280x128xf32>
    %swap3A = arith.constant 0 : index
    %swap3A_31 = arith.constant 0 : index
    %swap3A_32 = vector.load %arg8[%swap3A, %swap3A_31] : memref<1280x128xf32, #tpu.memory_space<vmem>>, vector<1280x128xf32>
    tpu.vector_store %arg8[%swap3A, %swap3A_31], %mul3A_30 {strides = array<i32>} : memref<1280x128xf32, #tpu.memory_space<vmem>>, vector<1280x128xf32>,
    return
  }
  func.func @transform_0(%arg0: i32, %arg1: i32) -> (i32, i32) {
    %c0_i32 = arith.constant 0 : i32
    %c0_i32_0 = arith.constant 0 : i32
    return %arg0, %c0_i32 : i32, i32
  }
  func.func @transform_1(%arg0: i32, %arg1: i32) -> (i32, i32) {
    %add3A = arith.constant 8 : i32
    %add3A_0 = arith.addi %add3A, %arg0 : i32
    %c0_i32 = arith.constant 0 : i32
    %c0_i32_1 = arith.constant 0 : i32
    return %add3A_0, %c0_i32 : i32, i32
  }
  func.func @transform_2(%arg0: i32, %arg1: i32) -> (i32, i32) {
    %c0_i32 = arith.constant 0 : i32
    %c0_i32_0 = arith.constant 0 : i32
    return %arg0, %c0_i32 : i32, i32
  }
  func.func @transform_3(%arg0: i32, %arg1: i32) -> (i32, i32) {
    %c0_i32 = arith.constant 0 : i32
    %c0_i32_0 = arith.constant 0 : i32
    %c0_i32_1 = arith.constant 0 : i32
    return %c0_i32, %c0_i32_0 : i32, i32
  }
  func.func @transform_4(%arg0: i32, %arg1: i32) -> (i32, i32) {
    %c0_i32 = arith.constant 0 : i32
    %c0_i32_0 = arith.constant 0 : i32
    return %c0_i32, %arg1 : i32, i32
  }
  func.func @transform_5(%arg0: i32, %arg1: i32) -> (i32, i32, i32) {
    %c0_i32 = arith.constant 0 : i32
    %c0_i32_0 = arith.constant 0 : i32
    return %arg0, %c0_i32, %arg1 : i32, i32, i32
  }
  func.func @transform_6(%arg0: i32, %arg1: i32) -> (i32, i32) {
    %mul3A = arith.constant 8 : i32
    %mul3A_0 = arith.muli %arg1, %mul3A : i32
    %add3A = arith.addi %mul3A_0, %arg0 : i32
    %c0_i32 = arith.constant 0 : i32
    %c0_i32_1 = arith.constant 0 : i32
    return %add3A, %c0_i32 : i32, i32
  }
}

module attributes {stable_mosaic.version = 14 : i64} {
  func.func @_t4_body(%arg0: i32, %arg1: memref<1280x128xf32, #tpu.memory_space<vmem>>, %arg2: memref<1280x128xf32, #tpu.memory_space<vmem>>, %arg3: memref<1280x1xf32, #tpu.memory_space<vmem>>, %arg4: memref<1x256xf32, #tpu.memory_space<vmem>>, %arg5: memref<256x1xf32, #tpu.memory_space<vmem>>, %arg6: memref<1280x1xf32, #tpu.memory_space<vmem>>) attributes {dimension_semantics = [#tpu.dimension_semantics<arbitrary>], iteration_bounds = array<i64: 8>, scalar_prefetch = 0 : i64, scratch_operands = 0 : i64, tpu.core_type = #tpu.core_type<tc>, window_params = [{transform_indices = @transform_0, window_bounds = array<i64: 1280, 128>}, {transform_indices = @transform_1, window_bounds = array<i64: 1280, 128>}, {transform_indices = @transform_2, window_bounds = array<i64: 1280, 1>}, {pipeline_mode = #tpu.pipeline_mode<synchronous>, transform_indices = @transform_3, window_bounds = array<i64: 1, 256>}, {pipeline_mode = #tpu.pipeline_mode<synchronous>, transform_indices = @transform_4, window_bounds = array<i64: 256, 1>}, {transform_indices = @transform_5, window_bounds = array<i64: 1280, 1>}]} {
    %get3A = arith.constant 0 : index
    %get3A_0 = arith.constant 0 : index
    %get3A_1 = vector.load %arg3[%get3A, %get3A_0] : memref<1280x1xf32, #tpu.memory_space<vmem>>, vector<1280x1xf32>
    %get3A_2 = arith.constant 0 : index
    %get3A_3 = arith.constant 0 : index
    %get3A_4 = vector.load %arg1[%get3A_2, %get3A_3] : memref<1280x128xf32, #tpu.memory_space<vmem>>, vector<1280x128xf32>
    %get3A_5 = arith.constant 0 : index
    %get3A_6 = arith.constant 0 : index
    %get3A_7 = vector.load %arg2[%get3A_5, %get3A_6] : memref<1280x128xf32, #tpu.memory_space<vmem>>, vector<1280x128xf32>
    %concatenate3A = tpu.concatenate %get3A_4, %get3A_7 in 1 : vector<1280x128xf32>, vector<1280x128xf32> -> vector<1280x256xf32>
    %mul3A = vector.broadcast %get3A_1 : vector<1280x1xf32> to vector<1280x256xf32>
    %mul3A_8 = arith.mulf %mul3A, %concatenate3A : vector<1280x256xf32>
    %get3A_9 = arith.constant 0 : index
    %get3A_10 = arith.constant 0 : index
    %get3A_11 = vector.load %arg4[%get3A_9, %get3A_10] : memref<1x256xf32, #tpu.memory_space<vmem>>, vector<1x256xf32>
    %add3A = vector.broadcast %get3A_11 : vector<1x256xf32> to vector<1280x256xf32>
    %add3A_12 = arith.addf %mul3A_8, %add3A : vector<1280x256xf32>
    %max3A = arith.constant 0.000000e+00 : f32
    %max3A_13 = vector.broadcast %max3A : f32 to vector<1280x256xf32>
    %max3A_14 = arith.maximumf %add3A_12, %max3A_13 : vector<1280x256xf32>
    %get3A_15 = arith.constant 0 : index
    %get3A_16 = arith.constant 0 : index
    %get3A_17 = vector.load %arg5[%get3A_15, %get3A_16] : memref<256x1xf32, #tpu.memory_space<vmem>>, vector<256x1xf32>
    %dot_general3A = arith.constant dense<0.000000e+00> : vector<1280x1xf32>
    %dot_general3A_18 = tpu.matmul %max3A_14, %get3A_17, %dot_general3A {dimension_numbers = #tpu.dot_dimension_numbers<[1], [0], [0], [1], [0, 0, 1, 1], [], []>, transpose_lhs_hint = false} : vector<1280x256xf32>, vector<256x1xf32>, vector<1280x1xf32> -> vector<1280x1xf32>
    %get3A_19 = arith.constant 0 : index
    %get3A_20 = arith.constant 0 : index
    %get3A_21 = vector.load %arg3[%get3A_19, %get3A_20] : memref<1280x1xf32, #tpu.memory_space<vmem>>, vector<1280x1xf32>
    %mul3A_22 = arith.mulf %dot_general3A_18, %get3A_21 : vector<1280x1xf32>
    %swap3A = arith.constant 0 : index
    %swap3A_23 = arith.constant 0 : index
    %swap3A_24 = vector.load %arg6[%swap3A, %swap3A_23] : memref<1280x1xf32, #tpu.memory_space<vmem>>, vector<1280x1xf32>
    tpu.vector_store %arg6[%swap3A, %swap3A_23], %mul3A_22 {strides = array<i32>} : memref<1280x1xf32, #tpu.memory_space<vmem>>, vector<1280x1xf32>,
    return
  }
  func.func @transform_0(%arg0: i32) -> (i32, i32) {
    %c0_i32 = arith.constant 0 : i32
    %c0_i32_0 = arith.constant 0 : i32
    return %arg0, %c0_i32 : i32, i32
  }
  func.func @transform_1(%arg0: i32) -> (i32, i32) {
    %add3A = arith.constant 8 : i32
    %add3A_0 = arith.addi %add3A, %arg0 : i32
    %c0_i32 = arith.constant 0 : i32
    %c0_i32_1 = arith.constant 0 : i32
    return %add3A_0, %c0_i32 : i32, i32
  }
  func.func @transform_2(%arg0: i32) -> (i32, i32) {
    %c0_i32 = arith.constant 0 : i32
    %c0_i32_0 = arith.constant 0 : i32
    return %arg0, %c0_i32 : i32, i32
  }
  func.func @transform_3(%arg0: i32) -> (i32, i32) {
    %c0_i32 = arith.constant 0 : i32
    %c0_i32_0 = arith.constant 0 : i32
    %c0_i32_1 = arith.constant 0 : i32
    return %c0_i32, %c0_i32_0 : i32, i32
  }
  func.func @transform_4(%arg0: i32) -> (i32, i32) {
    %c0_i32 = arith.constant 0 : i32
    %c0_i32_0 = arith.constant 0 : i32
    %c0_i32_1 = arith.constant 0 : i32
    return %c0_i32, %c0_i32_0 : i32, i32
  }
  func.func @transform_5(%arg0: i32) -> (i32, i32) {
    %c0_i32 = arith.constant 0 : i32
    %c0_i32_0 = arith.constant 0 : i32
    return %arg0, %c0_i32 : i32, i32
  }
}

module attributes {stable_mosaic.version = 14 : i64} {
  func.func @_t5_body(%arg0: i32, %arg1: memref<1280x1xf32, #tpu.memory_space<vmem>>, %arg2: memref<1280x1xf32, #tpu.memory_space<vmem>>, %arg3: memref<1280x1xf32, #tpu.memory_space<vmem>>, %arg4: memref<1280x1xf32, #tpu.memory_space<vmem>>, %arg5: memref<1x1xf32, #tpu.memory_space<vmem>>, %arg6: memref<1280x32xf32, #tpu.memory_space<vmem>>, %arg7: memref<1280x128xf32, #tpu.memory_space<vmem>>, %arg8: memref<1280x128xf32, #tpu.memory_space<vmem>>) attributes {dimension_semantics = [#tpu.dimension_semantics<arbitrary>], iteration_bounds = array<i64: 8>, scalar_prefetch = 0 : i64, scratch_operands = 0 : i64, tpu.core_type = #tpu.core_type<tc>, window_params = [{transform_indices = @transform_0, window_bounds = array<i64: 1280, 1>}, {transform_indices = @transform_1, window_bounds = array<i64: 1280, 1>}, {transform_indices = @transform_2, window_bounds = array<i64: 1280, 1>}, {transform_indices = @transform_3, window_bounds = array<i64: 1280, 1>}, {pipeline_mode = #tpu.pipeline_mode<synchronous>, transform_indices = @transform_4, window_bounds = array<i64: 1, 1>}, {transform_indices = @transform_5, window_bounds = array<i64: 1280, 32>}, {transform_indices = @transform_6, window_bounds = array<i64: 1280, 128>}, {transform_indices = @transform_7, window_bounds = array<i64: 1280, 128>}]} {
    %get3A = arith.constant 0 : index
    %get3A_0 = arith.constant 0 : index
    %get3A_1 = vector.load %arg4[%get3A, %get3A_0] : memref<1280x1xf32, #tpu.memory_space<vmem>>, vector<1280x1xf32>
    %get3A_2 = arith.constant 0 : index
    %get3A_3 = arith.constant 0 : index
    %get3A_4 = vector.load %arg1[%get3A_2, %get3A_3] : memref<1280x1xf32, #tpu.memory_space<vmem>>, vector<1280x1xf32>
    %get3A_5 = arith.constant 0 : index
    %get3A_6 = arith.constant 0 : index
    %get3A_7 = vector.load %arg2[%get3A_5, %get3A_6] : memref<1280x1xf32, #tpu.memory_space<vmem>>, vector<1280x1xf32>
    %add3A = arith.addf %get3A_4, %get3A_7 : vector<1280x1xf32>
    %get3A_8 = arith.constant 0 : index
    %get3A_9 = arith.constant 0 : index
    %get3A_10 = vector.load %arg3[%get3A_8, %get3A_9] : memref<1280x1xf32, #tpu.memory_space<vmem>>, vector<1280x1xf32>
    %add3A_11 = arith.addf %add3A, %get3A_10 : vector<1280x1xf32>
    %mul3A = arith.mulf %get3A_1, %add3A_11 : vector<1280x1xf32>
    %get3A_12 = arith.constant 0 : index
    %get3A_13 = arith.constant 0 : index
    %get3A_14 = vector.load %arg5[%get3A_12, %get3A_13] : memref<1x1xf32, #tpu.memory_space<vmem>>, vector<1x1xf32>
    %add3A_15 = vector.broadcast %get3A_14 : vector<1x1xf32> to vector<1280x1xf32>
    %add3A_16 = arith.addf %mul3A, %add3A_15 : vector<1280x1xf32>
    %get3A_17 = arith.constant 0 : index
    %get3A_18 = arith.constant 0 : index
    %get3A_19 = vector.load %arg6[%get3A_17, %get3A_18] : memref<1280x32xf32, #tpu.memory_space<vmem>>, vector<1280x32xf32>
    %add3A_20 = vector.broadcast %add3A_16 : vector<1280x1xf32> to vector<1280x32xf32>
    %add3A_21 = arith.addf %get3A_19, %add3A_20 : vector<1280x32xf32>
    %iota3A = tpu.iota {dimensions = array<i32: 0>} : vector<1280x32xi32>
    %lt3A = arith.constant 1250 : i32
    %lt3A_22 = vector.broadcast %lt3A : i32 to vector<1280x32xi32>
    %lt3A_23 = arith.cmpi slt, %iota3A, %lt3A_22 : vector<1280x32xi32>
    %jit3A = arith.constant -1.000000e+30 : f32
    %broadcast_in_dim3A = vector.broadcast %jit3A : f32 to vector<1280x32xf32>
    %select_n3A = arith.select %lt3A_23, %add3A_21, %broadcast_in_dim3A : vector<1280x32xi1>, vector<1280x32xf32>
    %reduce_max3A = arith.constant dense<0xFF800000> : vector<32xf32>
    %reduce_max3A_24 = vector.multi_reduction <maximumf>, %select_n3A, %reduce_max3A [0] : vector<1280x32xf32> to vector<32xf32>
    %broadcast_in_dim3A_25 = vector.shape_cast %reduce_max3A_24 : vector<32xf32> to vector<1x32xf32>
    %sub3A = vector.broadcast %broadcast_in_dim3A_25 : vector<1x32xf32> to vector<1280x32xf32>
    %sub3A_26 = arith.subf %select_n3A, %sub3A : vector<1280x32xf32>
    %exp3A = math.exp %sub3A_26 : vector<1280x32xf32>
    %reduce_sum3A = arith.constant dense<0.000000e+00> : vector<32xf32>
    %reduce_sum3A_27 = vector.multi_reduction <add>, %exp3A, %reduce_sum3A [0] : vector<1280x32xf32> to vector<32xf32>
    %broadcast_in_dim3A_28 = vector.shape_cast %reduce_sum3A_27 : vector<32xf32> to vector<1x32xf32>
    %div3A = vector.broadcast %broadcast_in_dim3A_28 : vector<1x32xf32> to vector<1280x32xf32>
    %div3A_29 = arith.divf %exp3A, %div3A : vector<1280x32xf32>
    %iota3A_30 = tpu.iota {dimensions = array<i32: 1>} : vector<1280x32xi32>
    %lt3A_31 = arith.constant 30 : i32
    %lt3A_32 = vector.broadcast %lt3A_31 : i32 to vector<1280x32xi32>
    %lt3A_33 = arith.cmpi slt, %iota3A_30, %lt3A_32 : vector<1280x32xi32>
    %jit3A_34 = arith.constant -1.000000e+00 : f32
    %broadcast_in_dim3A_35 = vector.broadcast %jit3A_34 : f32 to vector<1280x32xf32>
    %select_n3A_36 = arith.select %lt3A_33, %div3A_29, %broadcast_in_dim3A_35 : vector<1280x32xi1>, vector<1280x32xf32>
    %reduce_max3A_37 = arith.constant dense<0xFF800000> : vector<1280xf32>
    %reduce_max3A_38 = vector.multi_reduction <maximumf>, %select_n3A_36, %reduce_max3A_37 [1] : vector<1280x32xf32> to vector<1280xf32>
    %broadcast_in_dim3A_39 = vector.shape_cast %reduce_max3A_38 : vector<1280xf32> to vector<1280x1xf32>
    %get3A_40 = arith.constant 0 : index
    %get3A_41 = arith.constant 0 : index
    %get3A_42 = vector.load %arg7[%get3A_40, %get3A_41] : memref<1280x128xf32, #tpu.memory_space<vmem>>, vector<1280x128xf32>
    %get3A_43 = arith.constant 0 : index
    %get3A_44 = arith.constant 0 : index
    %get3A_45 = vector.load %arg4[%get3A_43, %get3A_44] : memref<1280x1xf32, #tpu.memory_space<vmem>>, vector<1280x1xf32>
    %mul3A_46 = arith.mulf %broadcast_in_dim3A_39, %get3A_45 : vector<1280x1xf32>
    %mul3A_47 = vector.broadcast %mul3A_46 : vector<1280x1xf32> to vector<1280x128xf32>
    %mul3A_48 = arith.mulf %get3A_42, %mul3A_47 : vector<1280x128xf32>
    %swap3A = arith.constant 0 : index
    %swap3A_49 = arith.constant 0 : index
    %swap3A_50 = vector.load %arg8[%swap3A, %swap3A_49] : memref<1280x128xf32, #tpu.memory_space<vmem>>, vector<1280x128xf32>
    tpu.vector_store %arg8[%swap3A, %swap3A_49], %mul3A_48 {strides = array<i32>} : memref<1280x128xf32, #tpu.memory_space<vmem>>, vector<1280x128xf32>,
    return
  }
  func.func @transform_0(%arg0: i32) -> (i32, i32) {
    %c0_i32 = arith.constant 0 : i32
    %c0_i32_0 = arith.constant 0 : i32
    return %arg0, %c0_i32 : i32, i32
  }
  func.func @transform_1(%arg0: i32) -> (i32, i32) {
    %add3A = arith.constant 8 : i32
    %add3A_0 = arith.addi %add3A, %arg0 : i32
    %c0_i32 = arith.constant 0 : i32
    %c0_i32_1 = arith.constant 0 : i32
    return %add3A_0, %c0_i32 : i32, i32
  }
  func.func @transform_2(%arg0: i32) -> (i32, i32) {
    %c0_i32 = arith.constant 0 : i32
    %c0_i32_0 = arith.constant 0 : i32
    return %arg0, %c0_i32 : i32, i32
  }
  func.func @transform_3(%arg0: i32) -> (i32, i32) {
    %c0_i32 = arith.constant 0 : i32
    %c0_i32_0 = arith.constant 0 : i32
    return %arg0, %c0_i32 : i32, i32
  }
  func.func @transform_4(%arg0: i32) -> (i32, i32) {
    %c0_i32 = arith.constant 0 : i32
    %c0_i32_0 = arith.constant 0 : i32
    %c0_i32_1 = arith.constant 0 : i32
    return %c0_i32, %c0_i32_0 : i32, i32
  }
  func.func @transform_5(%arg0: i32) -> (i32, i32) {
    %c0_i32 = arith.constant 0 : i32
    %c0_i32_0 = arith.constant 0 : i32
    return %arg0, %c0_i32 : i32, i32
  }
  func.func @transform_6(%arg0: i32) -> (i32, i32) {
    %c0_i32 = arith.constant 0 : i32
    %c0_i32_0 = arith.constant 0 : i32
    return %arg0, %c0_i32 : i32, i32
  }
  func.func @transform_7(%arg0: i32) -> (i32, i32) {
    %c0_i32 = arith.constant 0 : i32
    %c0_i32_0 = arith.constant 0 : i32
    return %arg0, %c0_i32 : i32, i32
  }
}

module attributes {stable_mosaic.version = 14 : i64} {
  func.func @_t6_body(%arg0: i32, %arg1: memref<1280x128xf32, #tpu.memory_space<vmem>>, %arg2: memref<1280x128xf32, #tpu.memory_space<vmem>>, %arg3: memref<1280x128xf32, #tpu.memory_space<vmem>>, %arg4: memref<1280x1xf32, #tpu.memory_space<vmem>>, %arg5: memref<128x256xf32, #tpu.memory_space<vmem>>, %arg6: memref<1x256xf32, #tpu.memory_space<vmem>>, %arg7: memref<1x256xf32, #tpu.memory_space<vmem>>, %arg8: memref<1280x256xf32, #tpu.memory_space<vmem>>, %arg9: memref<1280x1xf32, #tpu.memory_space<vmem>>) attributes {dimension_semantics = [#tpu.dimension_semantics<arbitrary>], iteration_bounds = array<i64: 8>, scalar_prefetch = 0 : i64, scratch_operands = 0 : i64, tpu.core_type = #tpu.core_type<tc>, window_params = [{transform_indices = @transform_0, window_bounds = array<i64: 1280, 128>}, {transform_indices = @transform_1, window_bounds = array<i64: 1280, 128>}, {transform_indices = @transform_2, window_bounds = array<i64: 1280, 128>}, {transform_indices = @transform_3, window_bounds = array<i64: 1280, 1>}, {pipeline_mode = #tpu.pipeline_mode<synchronous>, transform_indices = @transform_4, window_bounds = array<i64: 128, 256>}, {pipeline_mode = #tpu.pipeline_mode<synchronous>, transform_indices = @transform_5, window_bounds = array<i64: 1, 256>}, {pipeline_mode = #tpu.pipeline_mode<synchronous>, transform_indices = @transform_6, window_bounds = array<i64: 1, 256>}, {transform_indices = @transform_7, window_bounds = array<i64: 1280, 256>}, {transform_indices = @transform_8, window_bounds = array<i64: 1280, 1>}]} {
    %get3A = arith.constant 0 : index
    %get3A_0 = arith.constant 0 : index
    %get3A_1 = vector.load %arg4[%get3A, %get3A_0] : memref<1280x1xf32, #tpu.memory_space<vmem>>, vector<1280x1xf32>
    %get3A_2 = arith.constant 0 : index
    %get3A_3 = arith.constant 0 : index
    %get3A_4 = vector.load %arg1[%get3A_2, %get3A_3] : memref<1280x128xf32, #tpu.memory_space<vmem>>, vector<1280x128xf32>
    %get3A_5 = arith.constant 0 : index
    %get3A_6 = arith.constant 0 : index
    %get3A_7 = vector.load %arg2[%get3A_5, %get3A_6] : memref<1280x128xf32, #tpu.memory_space<vmem>>, vector<1280x128xf32>
    %add3A = arith.addf %get3A_4, %get3A_7 : vector<1280x128xf32>
    %get3A_8 = arith.constant 0 : index
    %get3A_9 = arith.constant 0 : index
    %get3A_10 = vector.load %arg3[%get3A_8, %get3A_9] : memref<1280x128xf32, #tpu.memory_space<vmem>>, vector<1280x128xf32>
    %sub3A = arith.subf %add3A, %get3A_10 : vector<1280x128xf32>
    %mul3A = vector.broadcast %get3A_1 : vector<1280x1xf32> to vector<1280x128xf32>
    %mul3A_11 = arith.mulf %mul3A, %sub3A : vector<1280x128xf32>
    %get3A_12 = arith.constant 0 : index
    %get3A_13 = arith.constant 0 : index
    %get3A_14 = vector.load %arg5[%get3A_12, %get3A_13] : memref<128x256xf32, #tpu.memory_space<vmem>>, vector<128x256xf32>
    %dot_general3A = arith.constant dense<0.000000e+00> : vector<1280x256xf32>
    %dot_general3A_15 = tpu.matmul %mul3A_11, %get3A_14, %dot_general3A {dimension_numbers = #tpu.dot_dimension_numbers<[1], [0], [0], [1], [0, 0, 1, 1], [], []>, transpose_lhs_hint = false} : vector<1280x128xf32>, vector<128x256xf32>, vector<1280x256xf32> -> vector<1280x256xf32>
    %get3A_16 = arith.constant 0 : index
    %get3A_17 = arith.constant 0 : index
    %get3A_18 = vector.load %arg6[%get3A_16, %get3A_17] : memref<1x256xf32, #tpu.memory_space<vmem>>, vector<1x256xf32>
    %add3A_19 = vector.broadcast %get3A_18 : vector<1x256xf32> to vector<1280x256xf32>
    %add3A_20 = arith.addf %dot_general3A_15, %add3A_19 : vector<1280x256xf32>
    %swap3A = arith.constant 0 : index
    %swap3A_21 = arith.constant 0 : index
    %swap3A_22 = vector.load %arg8[%swap3A, %swap3A_21] : memref<1280x256xf32, #tpu.memory_space<vmem>>, vector<1280x256xf32>
    tpu.vector_store %arg8[%swap3A, %swap3A_21], %add3A_20 {strides = array<i32>} : memref<1280x256xf32, #tpu.memory_space<vmem>>, vector<1280x256xf32>,
    %get3A_23 = arith.constant 0 : index
    %get3A_24 = arith.constant 0 : index
    %get3A_25 = vector.load %arg7[%get3A_23, %get3A_24] : memref<1x256xf32, #tpu.memory_space<vmem>>, vector<1x256xf32>
    %mul3A_26 = arith.mulf %get3A_25, %get3A_25 : vector<1x256xf32>
    %reduce_sum3A = vector.shape_cast %mul3A_26 : vector<1x256xf32> to vector<1x1x256xf32>
    %reduce_sum3A_27 = arith.constant dense<0.000000e+00> : vector<1xf32>
    %reduce_sum3A_28 = vector.multi_reduction <add>, %reduce_sum3A, %reduce_sum3A_27 [1, 2] : vector<1x1x256xf32> to vector<1xf32>
    %reduce_sum3A_29 = vector.shape_cast %reduce_sum3A_28 : vector<1xf32> to vector<1x1x1xf32>
    %reduce_sum3A_30 = vector.extract %reduce_sum3A_29[0, 0, 0] : f32 from vector<1x1x1xf32>
    %sqrt3A = math.sqrt %reduce_sum3A_30 : f32
    %mul3A_31 = vector.broadcast %get3A_25 : vector<1x256xf32> to vector<1280x256xf32>
    %mul3A_32 = arith.mulf %add3A_20, %mul3A_31 : vector<1280x256xf32>
    %reduce_sum3A_33 = arith.constant dense<0.000000e+00> : vector<1280xf32>
    %reduce_sum3A_34 = vector.multi_reduction <add>, %mul3A_32, %reduce_sum3A_33 [1] : vector<1280x256xf32> to vector<1280xf32>
    %broadcast_in_dim3A = vector.shape_cast %reduce_sum3A_34 : vector<1280xf32> to vector<1280x1xf32>
    %div3A = vector.broadcast %sqrt3A : f32 to vector<1280x1xf32>
    %div3A_35 = arith.divf %broadcast_in_dim3A, %div3A : vector<1280x1xf32>
    %swap3A_36 = arith.constant 0 : index
    %swap3A_37 = arith.constant 0 : index
    %swap3A_38 = vector.load %arg9[%swap3A_36, %swap3A_37] : memref<1280x1xf32, #tpu.memory_space<vmem>>, vector<1280x1xf32>
    tpu.vector_store %arg9[%swap3A_36, %swap3A_37], %div3A_35 {strides = array<i32>} : memref<1280x1xf32, #tpu.memory_space<vmem>>, vector<1280x1xf32>,
    return
  }
  func.func @transform_0(%arg0: i32) -> (i32, i32) {
    %c0_i32 = arith.constant 0 : i32
    %c0_i32_0 = arith.constant 0 : i32
    return %arg0, %c0_i32 : i32, i32
  }
  func.func @transform_1(%arg0: i32) -> (i32, i32) {
    %add3A = arith.constant 8 : i32
    %add3A_0 = arith.addi %add3A, %arg0 : i32
    %c0_i32 = arith.constant 0 : i32
    %c0_i32_1 = arith.constant 0 : i32
    return %add3A_0, %c0_i32 : i32, i32
  }
  func.func @transform_2(%arg0: i32) -> (i32, i32) {
    %c0_i32 = arith.constant 0 : i32
    %c0_i32_0 = arith.constant 0 : i32
    return %arg0, %c0_i32 : i32, i32
  }
  func.func @transform_3(%arg0: i32) -> (i32, i32) {
    %c0_i32 = arith.constant 0 : i32
    %c0_i32_0 = arith.constant 0 : i32
    return %arg0, %c0_i32 : i32, i32
  }
  func.func @transform_4(%arg0: i32) -> (i32, i32) {
    %c0_i32 = arith.constant 0 : i32
    %c0_i32_0 = arith.constant 0 : i32
    %c0_i32_1 = arith.constant 0 : i32
    return %c0_i32, %c0_i32_0 : i32, i32
  }
  func.func @transform_5(%arg0: i32) -> (i32, i32) {
    %c0_i32 = arith.constant 0 : i32
    %c0_i32_0 = arith.constant 0 : i32
    %c0_i32_1 = arith.constant 0 : i32
    return %c0_i32, %c0_i32_0 : i32, i32
  }
  func.func @transform_6(%arg0: i32) -> (i32, i32) {
    %c0_i32 = arith.constant 0 : i32
    %c0_i32_0 = arith.constant 0 : i32
    %c0_i32_1 = arith.constant 0 : i32
    return %c0_i32, %c0_i32_0 : i32, i32
  }
  func.func @transform_7(%arg0: i32) -> (i32, i32) {
    %c0_i32 = arith.constant 0 : i32
    %c0_i32_0 = arith.constant 0 : i32
    return %arg0, %c0_i32 : i32, i32
  }
  func.func @transform_8(%arg0: i32) -> (i32, i32) {
    %c0_i32 = arith.constant 0 : i32
    %c0_i32_0 = arith.constant 0 : i32
    return %arg0, %c0_i32 : i32, i32
  }
}

module attributes {stable_mosaic.version = 14 : i64} {
  func.func @_t7_body(%arg0: i32, %arg1: memref<1280x1xf32, #tpu.memory_space<vmem>>, %arg2: memref<1280x1xf32, #tpu.memory_space<vmem>>) attributes {dimension_semantics = [#tpu.dimension_semantics<arbitrary>], iteration_bounds = array<i64: 8>, scalar_prefetch = 0 : i64, scratch_operands = 0 : i64, tpu.core_type = #tpu.core_type<tc>, window_params = [{transform_indices = @transform_0, window_bounds = array<i64: 1280, 1>}, {transform_indices = @transform_1, window_bounds = array<i64: 1280, 1>}]} {
    %get3A = arith.constant 0 : index
    %get3A_0 = arith.constant 0 : index
    %get3A_1 = vector.load %arg1[%get3A, %get3A_0] : memref<1280x1xf32, #tpu.memory_space<vmem>>, vector<1280x1xf32>
    %iota3A = tpu.iota {dimensions = array<i32: 0>} : vector<1280x1xi32>
    %lt3A = arith.constant 1250 : i32
    %lt3A_2 = vector.broadcast %lt3A : i32 to vector<1280x1xi32>
    %lt3A_3 = arith.cmpi slt, %iota3A, %lt3A_2 : vector<1280x1xi32>
    %bitcast_convert_type3A = tpu.bitcast %get3A_1 : vector<1280x1xf32> -> vector<1280x1xi32>
    %ge3A = arith.constant -2147483648 : i32
    %ge3A_4 = vector.broadcast %ge3A : i32 to vector<1280x1xi32>
    %ge3A_5 = arith.cmpi uge, %bitcast_convert_type3A, %ge3A_4 : vector<1280x1xi32>
    %not3A = arith.constant dense<-1> : vector<1280x1xi32>
    %not3A_6 = arith.xori %bitcast_convert_type3A, %not3A : vector<1280x1xi32>
    %or3A = arith.constant -2147483648 : i32
    %or3A_7 = vector.broadcast %or3A : i32 to vector<1280x1xi32>
    %or3A_8 = arith.ori %bitcast_convert_type3A, %or3A_7 : vector<1280x1xi32>
    %select_n3A = arith.select %ge3A_5, %not3A_6, %or3A_8 : vector<1280x1xi1>, vector<1280x1xi32>
    %jit3A = arith.constant 0 : i32
    %broadcast_in_dim3A = vector.broadcast %jit3A : i32 to vector<1280x1xi32>
    %select_n3A_9 = arith.select %lt3A_3, %select_n3A, %broadcast_in_dim3A : vector<1280x1xi1>, vector<1280x1xi32>
    %scan3A = arith.constant 0 : i32
    %scan3A_10 = arith.constant -1 : i32
    %scan3A_11 = arith.constant 0 : i32
    %scan3A_12 = arith.constant 32 : i32
    %scan3A_13 = arith.addi %scan3A_11, %scan3A_12 : i32
    %scan3A_14 = arith.constant 1 : i32
    %scan3A_15:2 = scf.for %scan3A_47 = %scan3A_11 to %scan3A_13 step %scan3A_14 iter_args(%scan3A_48 = %scan3A, %scan3A_49 = %scan3A_10) -> (i32, i32)  : i32 {
      %sub3A_50 = arith.subi %scan3A_49, %scan3A_48 : i32
      %jit3A_51 = arith.constant 2 : i32
      %div3A = arith.divui %sub3A_50, %jit3A_51 : i32
      %add3A = arith.addi %scan3A_48, %div3A : i32
      %sub3A_52 = arith.subi %scan3A_49, %scan3A_48 : i32
      %jit3A_53 = arith.constant 2 : i32
      %eq3A_54 = arith.constant 0 : i32
      %eq3A_55 = arith.cmpi eq, %jit3A_53, %eq3A_54 : i32
      %jit3A_56 = arith.constant 1 : i32
      %select_n3A_57 = arith.select %eq3A_55, %jit3A_56, %jit3A_53 : i32
      %rem3A = arith.remui %sub3A_52, %select_n3A_57 : i32
      %ne3A = arith.constant 0 : i32
      %ne3A_58 = arith.cmpi ne, %rem3A, %ne3A : i32
      %lt3A_59 = arith.constant 0 : i32
      %lt3A_60 = arith.cmpi ult, %rem3A, %lt3A_59 : i32
      %lt3A_61 = arith.constant 0 : i32
      %lt3A_62 = arith.cmpi ult, %select_n3A_57, %lt3A_61 : i32
      %ne3A_63 = arith.xori %lt3A_60, %lt3A_62 : i1
      %and3A_64 = arith.andi %ne3A_63, %ne3A_58 : i1
      %add3A_65 = arith.addi %rem3A, %select_n3A_57 : i32
      %select_n3A_66 = arith.select %and3A_64, %add3A_65, %rem3A : i32
      %add3A_67 = arith.addi %add3A, %select_n3A_66 : i32
      %ge3A_68 = vector.broadcast %add3A_67 : i32 to vector<1280x1xi32>
      %ge3A_69 = arith.cmpi uge, %select_n3A_9, %ge3A_68 : vector<1280x1xi32>
      %jit3A_70 = arith.constant 1 : i32
      %jit3A_71 = arith.constant 0 : i32
      %broadcast_in_dim3A_72 = vector.broadcast %jit3A_70 : i32 to vector<1280x1xi32>
      %broadcast_in_dim3A_73 = vector.broadcast %jit3A_71 : i32 to vector<1280x1xi32>
      %select_n3A_74 = arith.select %ge3A_69, %broadcast_in_dim3A_72, %broadcast_in_dim3A_73 : vector<1280x1xi1>, vector<1280x1xi32>
      %reduce_sum3A_75 = vector.shape_cast %select_n3A_74 : vector<1280x1xi32> to vector<1x1280x1xi32>
      %reduce_sum3A_76 = arith.constant dense<0> : vector<1xi32>
      %reduce_sum3A_77 = vector.multi_reduction <add>, %reduce_sum3A_75, %reduce_sum3A_76 [1, 2] : vector<1x1280x1xi32> to vector<1xi32>
      %reduce_sum3A_78 = vector.shape_cast %reduce_sum3A_77 : vector<1xi32> to vector<1x1x1xi32>
      %reduce_sum3A_79 = vector.extract %reduce_sum3A_78[0, 0, 0] : i32 from vector<1x1x1xi32>
      %ge3A_80 = arith.constant 625 : i32
      %ge3A_81 = arith.cmpi sge, %reduce_sum3A_79, %ge3A_80 : i32
      %select_n3A_82 = arith.select %ge3A_81, %add3A_67, %scan3A_48 : i32
      %sub3A_83 = arith.constant 1 : i32
      %sub3A_84 = arith.subi %add3A_67, %sub3A_83 : i32
      %select_n3A_85 = arith.select %ge3A_81, %scan3A_49, %sub3A_84 : i32
      scf.yield %select_n3A_82, %select_n3A_85 : i32, i32
    }
    %gt3A = vector.broadcast %scan3A_15#0 : i32 to vector<1280x1xi32>
    %gt3A_16 = arith.cmpi ugt, %select_n3A_9, %gt3A : vector<1280x1xi32>
    %jit3A_17 = arith.constant 1 : i32
    %jit3A_18 = arith.constant 0 : i32
    %broadcast_in_dim3A_19 = vector.broadcast %jit3A_17 : i32 to vector<1280x1xi32>
    %broadcast_in_dim3A_20 = vector.broadcast %jit3A_18 : i32 to vector<1280x1xi32>
    %select_n3A_21 = arith.select %gt3A_16, %broadcast_in_dim3A_19, %broadcast_in_dim3A_20 : vector<1280x1xi1>, vector<1280x1xi32>
    %reduce_sum3A = vector.shape_cast %select_n3A_21 : vector<1280x1xi32> to vector<1x1280x1xi32>
    %reduce_sum3A_22 = arith.constant dense<0> : vector<1xi32>
    %reduce_sum3A_23 = vector.multi_reduction <add>, %reduce_sum3A, %reduce_sum3A_22 [1, 2] : vector<1x1280x1xi32> to vector<1xi32>
    %reduce_sum3A_24 = vector.shape_cast %reduce_sum3A_23 : vector<1xi32> to vector<1x1x1xi32>
    %reduce_sum3A_25 = vector.extract %reduce_sum3A_24[0, 0, 0] : i32 from vector<1x1x1xi32>
    %sub3A = arith.constant 625 : i32
    %sub3A_26 = arith.subi %sub3A, %reduce_sum3A_25 : i32
    %eq3A = vector.broadcast %scan3A_15#0 : i32 to vector<1280x1xi32>
    %eq3A_27 = arith.cmpi eq, %select_n3A_9, %eq3A : vector<1280x1xi32>
    %and3A = arith.andi %eq3A_27, %lt3A_3 : vector<1280x1xi1>
    %scan3A_28 = arith.constant -1 : i32
    %scan3A_29 = arith.constant 1279 : i32
    %scan3A_30 = arith.constant 0 : i32
    %scan3A_31 = arith.constant 12 : i32
    %scan3A_32 = arith.addi %scan3A_30, %scan3A_31 : i32
    %scan3A_33 = arith.constant 1 : i32
    %scan3A_34:2 = scf.for %scan3A_47 = %scan3A_30 to %scan3A_32 step %scan3A_33 iter_args(%scan3A_48 = %scan3A_28, %scan3A_49 = %scan3A_29) -> (i32, i32)  : i32 {
      %add3A = arith.addi %scan3A_48, %scan3A_49 : i32
      %add3A_50 = arith.constant 1 : i32
      %add3A_51 = arith.addi %add3A, %add3A_50 : i32
      %jit3A_52 = arith.constant 2 : i32
      %div3A = arith.divsi %add3A_51, %jit3A_52 : i32
      %sign3A = arith.constant 0 : i32
      %sign3A_53 = arith.cmpi sgt, %add3A_51, %sign3A : i32
      %sign3A_54 = arith.extui %sign3A_53 : i1 to i32
      %sign3A_55 = arith.constant 0 : i32
      %sign3A_56 = arith.cmpi slt, %add3A_51, %sign3A_55 : i32
      %sign3A_57 = arith.extui %sign3A_56 : i1 to i32
      %sign3A_58 = arith.subi %sign3A_54, %sign3A_57 : i32
      %sign3A_59 = arith.constant 0 : i32
      %sign3A_60 = arith.cmpi sgt, %jit3A_52, %sign3A_59 : i32
      %sign3A_61 = arith.extui %sign3A_60 : i1 to i32
      %sign3A_62 = arith.constant 0 : i32
      %sign3A_63 = arith.cmpi slt, %jit3A_52, %sign3A_62 : i32
      %sign3A_64 = arith.extui %sign3A_63 : i1 to i32
      %sign3A_65 = arith.subi %sign3A_61, %sign3A_64 : i32
      %ne3A = arith.cmpi ne, %sign3A_58, %sign3A_65 : i32
      %rem3A = arith.remsi %add3A_51, %jit3A_52 : i32
      %ne3A_66 = arith.constant 0 : i32
      %ne3A_67 = arith.cmpi ne, %rem3A, %ne3A_66 : i32
      %and3A_68 = arith.andi %ne3A, %ne3A_67 : i1
      %sub3A_69 = arith.constant 1 : i32
      %sub3A_70 = arith.subi %div3A, %sub3A_69 : i32
      %select_n3A_71 = arith.select %and3A_68, %sub3A_70, %div3A : i32
      %le3A_72 = vector.broadcast %select_n3A_71 : i32 to vector<1280x1xi32>
      %le3A_73 = arith.cmpi sle, %iota3A, %le3A_72 : vector<1280x1xi32>
      %and3A_74 = arith.andi %and3A, %le3A_73 : vector<1280x1xi1>
      %jit3A_75 = arith.constant 1 : i32
      %jit3A_76 = arith.constant 0 : i32
      %broadcast_in_dim3A_77 = vector.broadcast %jit3A_75 : i32 to vector<1280x1xi32>
      %broadcast_in_dim3A_78 = vector.broadcast %jit3A_76 : i32 to vector<1280x1xi32>
      %select_n3A_79 = arith.select %and3A_74, %broadcast_in_dim3A_77, %broadcast_in_dim3A_78 : vector<1280x1xi1>, vector<1280x1xi32>
      %reduce_sum3A_80 = vector.shape_cast %select_n3A_79 : vector<1280x1xi32> to vector<1x1280x1xi32>
      %reduce_sum3A_81 = arith.constant dense<0> : vector<1xi32>
      %reduce_sum3A_82 = vector.multi_reduction <add>, %reduce_sum3A_80, %reduce_sum3A_81 [1, 2] : vector<1x1280x1xi32> to vector<1xi32>
      %reduce_sum3A_83 = vector.shape_cast %reduce_sum3A_82 : vector<1xi32> to vector<1x1x1xi32>
      %reduce_sum3A_84 = vector.extract %reduce_sum3A_83[0, 0, 0] : i32 from vector<1x1x1xi32>
      %le3A_85 = arith.cmpi sle, %reduce_sum3A_84, %sub3A_26 : i32
      %select_n3A_86 = arith.select %le3A_85, %select_n3A_71, %scan3A_48 : i32
      %sub3A_87 = arith.constant 1 : i32
      %sub3A_88 = arith.subi %select_n3A_71, %sub3A_87 : i32
      %select_n3A_89 = arith.select %le3A_85, %scan3A_49, %sub3A_88 : i32
      scf.yield %select_n3A_86, %select_n3A_89 : i32, i32
    }
    %gt3A_35 = vector.broadcast %scan3A_15#0 : i32 to vector<1280x1xi32>
    %gt3A_36 = arith.cmpi ugt, %select_n3A_9, %gt3A_35 : vector<1280x1xi32>
    %le3A = vector.broadcast %scan3A_34#0 : i32 to vector<1280x1xi32>
    %le3A_37 = arith.cmpi sle, %iota3A, %le3A : vector<1280x1xi32>
    %and3A_38 = arith.andi %and3A, %le3A_37 : vector<1280x1xi1>
    %or3A_39 = arith.ori %gt3A_36, %and3A_38 : vector<1280x1xi1>
    %jit3A_40 = arith.constant 1.000000e+00 : f32
    %jit3A_41 = arith.constant 0.000000e+00 : f32
    %broadcast_in_dim3A_42 = vector.broadcast %jit3A_40 : f32 to vector<1280x1xf32>
    %broadcast_in_dim3A_43 = vector.broadcast %jit3A_41 : f32 to vector<1280x1xf32>
    %select_n3A_44 = arith.select %or3A_39, %broadcast_in_dim3A_42, %broadcast_in_dim3A_43 : vector<1280x1xi1>, vector<1280x1xf32>
    %swap3A = arith.constant 0 : index
    %swap3A_45 = arith.constant 0 : index
    %swap3A_46 = vector.load %arg2[%swap3A, %swap3A_45] : memref<1280x1xf32, #tpu.memory_space<vmem>>, vector<1280x1xf32>
    tpu.vector_store %arg2[%swap3A, %swap3A_45], %select_n3A_44 {strides = array<i32>} : memref<1280x1xf32, #tpu.memory_space<vmem>>, vector<1280x1xf32>,
    return
  }
  func.func @transform_0(%arg0: i32) -> (i32, i32) {
    %c0_i32 = arith.constant 0 : i32
    %c0_i32_0 = arith.constant 0 : i32
    return %arg0, %c0_i32 : i32, i32
  }
  func.func @transform_1(%arg0: i32) -> (i32, i32) {
    %c0_i32 = arith.constant 0 : i32
    %c0_i32_0 = arith.constant 0 : i32
    return %arg0, %c0_i32 : i32, i32
  }
}

module attributes {stable_mosaic.version = 14 : i64} {
  func.func @_t8_body(%arg0: i32, %arg1: memref<1280x256xf32, #tpu.memory_space<vmem>>, %arg2: memref<1280x1xf32, #tpu.memory_space<vmem>>, %arg3: memref<1280x1xf32, #tpu.memory_space<vmem>>, %arg4: memref<1280x1xf32, #tpu.memory_space<vmem>>, %arg5: memref<1280x1xf32, #tpu.memory_space<vmem>>, %arg6: memref<256x32xf32, #tpu.memory_space<vmem>>, %arg7: memref<1280x128xf32, #tpu.memory_space<vmem>>) attributes {dimension_semantics = [#tpu.dimension_semantics<arbitrary>], iteration_bounds = array<i64: 8>, scalar_prefetch = 0 : i64, scratch_operands = 0 : i64, tpu.core_type = #tpu.core_type<tc>, window_params = [{transform_indices = @transform_0, window_bounds = array<i64: 1280, 256>}, {transform_indices = @transform_1, window_bounds = array<i64: 1280, 1>}, {transform_indices = @transform_2, window_bounds = array<i64: 1280, 1>}, {transform_indices = @transform_3, window_bounds = array<i64: 1280, 1>}, {transform_indices = @transform_4, window_bounds = array<i64: 1280, 1>}, {pipeline_mode = #tpu.pipeline_mode<synchronous>, transform_indices = @transform_5, window_bounds = array<i64: 256, 32>}, {transform_indices = @transform_6, window_bounds = array<i64: 1280, 128>}]} {
    %get3A = arith.constant 0 : index
    %get3A_0 = arith.constant 0 : index
    %get3A_1 = vector.load %arg1[%get3A, %get3A_0] : memref<1280x256xf32, #tpu.memory_space<vmem>>, vector<1280x256xf32>
    %get3A_2 = arith.constant 0 : index
    %get3A_3 = arith.constant 0 : index
    %get3A_4 = vector.load %arg2[%get3A_2, %get3A_3] : memref<1280x1xf32, #tpu.memory_space<vmem>>, vector<1280x1xf32>
    %tanh3A = math.tanh %get3A_4 : vector<1280x1xf32>
    %mul3A = vector.broadcast %tanh3A : vector<1280x1xf32> to vector<1280x256xf32>
    %mul3A_5 = arith.mulf %get3A_1, %mul3A : vector<1280x256xf32>
    %max3A = arith.constant 0.000000e+00 : f32
    %max3A_6 = vector.broadcast %max3A : f32 to vector<1280x256xf32>
    %max3A_7 = arith.maximumf %mul3A_5, %max3A_6 : vector<1280x256xf32>
    %get3A_8 = arith.constant 0 : index
    %get3A_9 = arith.constant 0 : index
    %get3A_10 = vector.load %arg6[%get3A_8, %get3A_9] : memref<256x32xf32, #tpu.memory_space<vmem>>, vector<256x32xf32>
    %dot_general3A = arith.constant dense<0.000000e+00> : vector<1280x32xf32>
    %dot_general3A_11 = tpu.matmul %max3A_7, %get3A_10, %dot_general3A {dimension_numbers = #tpu.dot_dimension_numbers<[1], [0], [0], [1], [0, 0, 1, 1], [], []>, transpose_lhs_hint = false} : vector<1280x256xf32>, vector<256x32xf32>, vector<1280x32xf32> -> vector<1280x32xf32>
    %get3A_12 = arith.constant 0 : index
    %get3A_13 = arith.constant 0 : index
    %get3A_14 = vector.load %arg3[%get3A_12, %get3A_13] : memref<1280x1xf32, #tpu.memory_space<vmem>>, vector<1280x1xf32>
    %get3A_15 = arith.constant 0 : index
    %get3A_16 = arith.constant 0 : index
    %get3A_17 = vector.load %arg4[%get3A_15, %get3A_16] : memref<1280x1xf32, #tpu.memory_space<vmem>>, vector<1280x1xf32>
    %get3A_18 = arith.constant 0 : index
    %get3A_19 = arith.constant 0 : index
    %get3A_20 = vector.load %arg5[%get3A_18, %get3A_19] : memref<1280x1xf32, #tpu.memory_space<vmem>>, vector<1280x1xf32>
    %add3A = arith.addf %get3A_17, %get3A_20 : vector<1280x1xf32>
    %mul3A_21 = arith.mulf %get3A_14, %add3A : vector<1280x1xf32>
    %add3A_22 = arith.constant 1.000000e+00 : f32
    %add3A_23 = vector.broadcast %add3A_22 : f32 to vector<1280x1xf32>
    %add3A_24 = arith.addf %add3A_23, %mul3A_21 : vector<1280x1xf32>
    %rsqrt3A = math.rsqrt %add3A_24 : vector<1280x1xf32>
    %mul3A_25 = arith.mulf %get3A_14, %rsqrt3A : vector<1280x1xf32>
    %mul3A_26 = vector.broadcast %mul3A_25 : vector<1280x1xf32> to vector<1280x32xf32>
    %mul3A_27 = arith.mulf %dot_general3A_11, %mul3A_26 : vector<1280x32xf32>
    %broadcast_in_dim3A = arith.constant 0.000000e+00 : f32
    %broadcast_in_dim3A_28 = vector.broadcast %broadcast_in_dim3A : f32 to vector<1280x96xf32>
    %concatenate3A = tpu.concatenate %mul3A_27, %broadcast_in_dim3A_28 in 1 : vector<1280x32xf32>, vector<1280x96xf32> -> vector<1280x128xf32>
    %swap3A = arith.constant 0 : index
    %swap3A_29 = arith.constant 0 : index
    %swap3A_30 = vector.load %arg7[%swap3A, %swap3A_29] : memref<1280x128xf32, #tpu.memory_space<vmem>>, vector<1280x128xf32>
    tpu.vector_store %arg7[%swap3A, %swap3A_29], %concatenate3A {strides = array<i32>} : memref<1280x128xf32, #tpu.memory_space<vmem>>, vector<1280x128xf32>,
    return
  }
  func.func @transform_0(%arg0: i32) -> (i32, i32) {
    %c0_i32 = arith.constant 0 : i32
    %c0_i32_0 = arith.constant 0 : i32
    return %arg0, %c0_i32 : i32, i32
  }
  func.func @transform_1(%arg0: i32) -> (i32, i32) {
    %c0_i32 = arith.constant 0 : i32
    %c0_i32_0 = arith.constant 0 : i32
    return %arg0, %c0_i32 : i32, i32
  }
  func.func @transform_2(%arg0: i32) -> (i32, i32) {
    %c0_i32 = arith.constant 0 : i32
    %c0_i32_0 = arith.constant 0 : i32
    return %arg0, %c0_i32 : i32, i32
  }
  func.func @transform_3(%arg0: i32) -> (i32, i32) {
    %c0_i32 = arith.constant 0 : i32
    %c0_i32_0 = arith.constant 0 : i32
    return %arg0, %c0_i32 : i32, i32
  }
  func.func @transform_4(%arg0: i32) -> (i32, i32) {
    %add3A = arith.constant 8 : i32
    %add3A_0 = arith.addi %add3A, %arg0 : i32
    %c0_i32 = arith.constant 0 : i32
    %c0_i32_1 = arith.constant 0 : i32
    return %add3A_0, %c0_i32 : i32, i32
  }
  func.func @transform_5(%arg0: i32) -> (i32, i32) {
    %c0_i32 = arith.constant 0 : i32
    %c0_i32_0 = arith.constant 0 : i32
    %c0_i32_1 = arith.constant 0 : i32
    return %c0_i32, %c0_i32_0 : i32, i32
  }
  func.func @transform_6(%arg0: i32) -> (i32, i32) {
    %c0_i32 = arith.constant 0 : i32
    %c0_i32_0 = arith.constant 0 : i32
    return %arg0, %c0_i32 : i32, i32
  }
}

module attributes {stable_mosaic.version = 14 : i64} {
  func.func @_t9_body(%arg0: i32, %arg1: memref<1280x128xf32, #tpu.memory_space<vmem>>, %arg2: memref<1280x128xf32, #tpu.memory_space<vmem>>, %arg3: memref<1280x128xf32, #tpu.memory_space<vmem>>, %arg4: memref<1280x1xf32, #tpu.memory_space<vmem>>, %arg5: memref<1280x1xf32, #tpu.memory_space<vmem>>, %arg6: memref<1280x1xf32, #tpu.memory_space<vmem>>, %arg7: memref<1x32xf32, #tpu.memory_space<vmem>>, %arg8: memref<1x1x32xf32, #tpu.memory_space<vmem>>) attributes {dimension_semantics = [#tpu.dimension_semantics<arbitrary>], iteration_bounds = array<i64: 8>, scalar_prefetch = 0 : i64, scratch_operands = 0 : i64, tpu.core_type = #tpu.core_type<tc>, window_params = [{transform_indices = @transform_0, window_bounds = array<i64: 1280, 128>}, {transform_indices = @transform_1, window_bounds = array<i64: 1280, 128>}, {transform_indices = @transform_2, window_bounds = array<i64: 1280, 128>}, {transform_indices = @transform_3, window_bounds = array<i64: 1280, 1>}, {transform_indices = @transform_4, window_bounds = array<i64: 1280, 1>}, {transform_indices = @transform_5, window_bounds = array<i64: 1280, 1>}, {pipeline_mode = #tpu.pipeline_mode<synchronous>, transform_indices = @transform_6, window_bounds = array<i64: 1, 32>}, {transform_indices = @transform_7, window_bounds = array<i64: 1, 1, 32>}]} {
    %get3A = arith.constant 0 : index
    %get3A_0 = arith.constant 0 : index
    %get3A_1 = vector.load %arg4[%get3A, %get3A_0] : memref<1280x1xf32, #tpu.memory_space<vmem>>, vector<1280x1xf32>
    %get3A_2 = arith.constant 0 : index
    %get3A_3 = arith.constant 0 : index
    %get3A_4 = vector.load %arg5[%get3A_2, %get3A_3] : memref<1280x1xf32, #tpu.memory_space<vmem>>, vector<1280x1xf32>
    %get3A_5 = arith.constant 0 : index
    %get3A_6 = arith.constant 0 : index
    %get3A_7 = vector.load %arg6[%get3A_5, %get3A_6] : memref<1280x1xf32, #tpu.memory_space<vmem>>, vector<1280x1xf32>
    %add3A = arith.addf %get3A_4, %get3A_7 : vector<1280x1xf32>
    %mul3A = arith.mulf %get3A_1, %add3A : vector<1280x1xf32>
    %add3A_8 = arith.constant 1.000000e+00 : f32
    %add3A_9 = vector.broadcast %add3A_8 : f32 to vector<1280x1xf32>
    %add3A_10 = arith.addf %add3A_9, %mul3A : vector<1280x1xf32>
    %rsqrt3A = math.rsqrt %add3A_10 : vector<1280x1xf32>
    %mul3A_11 = arith.mulf %get3A_1, %rsqrt3A : vector<1280x1xf32>
    %get3A_12 = arith.constant 0 : index
    %get3A_13 = arith.constant 0 : index
    %get3A_14 = vector.load %arg1[%get3A_12, %get3A_13] : memref<1280x128xf32, #tpu.memory_space<vmem>>, vector<1280x128xf32>
    %get3A_15 = arith.constant 0 : index
    %get3A_16 = arith.constant 0 : index
    %get3A_17 = vector.load %arg2[%get3A_15, %get3A_16] : memref<1280x128xf32, #tpu.memory_space<vmem>>, vector<1280x128xf32>
    %add3A_18 = arith.addf %get3A_14, %get3A_17 : vector<1280x128xf32>
    %get3A_19 = arith.constant 0 : index
    %get3A_20 = arith.constant 0 : index
    %get3A_21 = vector.load %arg3[%get3A_19, %get3A_20] : memref<1280x128xf32, #tpu.memory_space<vmem>>, vector<1280x128xf32>
    %sub3A = arith.subf %add3A_18, %get3A_21 : vector<1280x128xf32>
    %slice3A = vector.extract_strided_slice %sub3A {offsets = [0, 0], sizes = [1280, 32], strides = [1, 1]} : vector<1280x128xf32> to vector<1280x32xf32>
    %mul3A_22 = vector.broadcast %mul3A_11 : vector<1280x1xf32> to vector<1280x32xf32>
    %mul3A_23 = arith.mulf %mul3A_22, %slice3A : vector<1280x32xf32>
    %get3A_24 = arith.constant 0 : index
    %get3A_25 = arith.constant 0 : index
    %get3A_26 = vector.load %arg7[%get3A_24, %get3A_25] : memref<1x32xf32, #tpu.memory_space<vmem>>, vector<1x32xf32>
    %add3A_27 = vector.broadcast %get3A_26 : vector<1x32xf32> to vector<1280x32xf32>
    %add3A_28 = arith.addf %mul3A_23, %add3A_27 : vector<1280x32xf32>
    %max3A = arith.constant 0.000000e+00 : f32
    %max3A_29 = vector.broadcast %max3A : f32 to vector<1280x32xf32>
    %max3A_30 = arith.maximumf %add3A_28, %max3A_29 : vector<1280x32xf32>
    %mul3A_31 = vector.broadcast %get3A_1 : vector<1280x1xf32> to vector<1280x32xf32>
    %mul3A_32 = arith.mulf %mul3A_31, %max3A_30 : vector<1280x32xf32>
    %reduce_sum3A = arith.constant dense<0.000000e+00> : vector<32xf32>
    %reduce_sum3A_33 = vector.multi_reduction <add>, %mul3A_32, %reduce_sum3A [0] : vector<1280x32xf32> to vector<32xf32>
    %broadcast_in_dim3A = vector.shape_cast %reduce_sum3A_33 : vector<32xf32> to vector<1x32xf32>
    %mul3A_34 = arith.constant 1.600000e-03 : f32
    %mul3A_35 = vector.broadcast %mul3A_34 : f32 to vector<1x32xf32>
    %mul3A_36 = arith.mulf %broadcast_in_dim3A, %mul3A_35 : vector<1x32xf32>
    %broadcast_in_dim3A_37 = vector.shape_cast %mul3A_36 : vector<1x32xf32> to vector<1x1x32xf32>
    %swap3A = arith.constant 0 : index
    %swap3A_38 = arith.constant 0 : index
    %swap3A_39 = arith.constant 0 : index
    %swap3A_40 = vector.load %arg8[%swap3A, %swap3A_38, %swap3A_39] : memref<1x1x32xf32, #tpu.memory_space<vmem>>, vector<1x1x32xf32>
    tpu.vector_store %arg8[%swap3A, %swap3A_38, %swap3A_39], %broadcast_in_dim3A_37 {strides = array<i32>} : memref<1x1x32xf32, #tpu.memory_space<vmem>>, vector<1x1x32xf32>,
    return
  }
  func.func @transform_0(%arg0: i32) -> (i32, i32) {
    %c0_i32 = arith.constant 0 : i32
    %c0_i32_0 = arith.constant 0 : i32
    return %arg0, %c0_i32 : i32, i32
  }
  func.func @transform_1(%arg0: i32) -> (i32, i32) {
    %add3A = arith.constant 8 : i32
    %add3A_0 = arith.addi %add3A, %arg0 : i32
    %c0_i32 = arith.constant 0 : i32
    %c0_i32_1 = arith.constant 0 : i32
    return %add3A_0, %c0_i32 : i32, i32
  }
  func.func @transform_2(%arg0: i32) -> (i32, i32) {
    %c0_i32 = arith.constant 0 : i32
    %c0_i32_0 = arith.constant 0 : i32
    return %arg0, %c0_i32 : i32, i32
  }
  func.func @transform_3(%arg0: i32) -> (i32, i32) {
    %c0_i32 = arith.constant 0 : i32
    %c0_i32_0 = arith.constant 0 : i32
    return %arg0, %c0_i32 : i32, i32
  }
  func.func @transform_4(%arg0: i32) -> (i32, i32) {
    %c0_i32 = arith.constant 0 : i32
    %c0_i32_0 = arith.constant 0 : i32
    return %arg0, %c0_i32 : i32, i32
  }
  func.func @transform_5(%arg0: i32) -> (i32, i32) {
    %add3A = arith.constant 8 : i32
    %add3A_0 = arith.addi %add3A, %arg0 : i32
    %c0_i32 = arith.constant 0 : i32
    %c0_i32_1 = arith.constant 0 : i32
    return %add3A_0, %c0_i32 : i32, i32
  }
  func.func @transform_6(%arg0: i32) -> (i32, i32) {
    %c0_i32 = arith.constant 0 : i32
    %c0_i32_0 = arith.constant 0 : i32
    %c0_i32_1 = arith.constant 0 : i32
    return %c0_i32, %c0_i32_0 : i32, i32
  }
  func.func @transform_7(%arg0: i32) -> (i32, i32, i32) {
    %c0_i32 = arith.constant 0 : i32
    %c0_i32_0 = arith.constant 0 : i32
    %c0_i32_1 = arith.constant 0 : i32
    return %arg0, %c0_i32, %c0_i32_0 : i32, i32, i32
  }
}

module attributes {stable_mosaic.version = 14 : i64} {
  func.func @_t10_body(%arg0: i32, %arg1: memref<8x32xf32, #tpu.memory_space<vmem>>, %arg2: memref<32x10xf32, #tpu.memory_space<vmem>>, %arg3: memref<1x10xf32, #tpu.memory_space<vmem>>, %arg4: memref<8x10xf32, #tpu.memory_space<vmem>>) attributes {dimension_semantics = [#tpu.dimension_semantics<arbitrary>], iteration_bounds = array<i64: 1>, scalar_prefetch = 0 : i64, scratch_operands = 0 : i64, tpu.core_type = #tpu.core_type<tc>, window_params = [{pipeline_mode = #tpu.pipeline_mode<synchronous>, transform_indices = @transform_0, window_bounds = array<i64: 8, 32>}, {pipeline_mode = #tpu.pipeline_mode<synchronous>, transform_indices = @transform_1, window_bounds = array<i64: 32, 10>}, {pipeline_mode = #tpu.pipeline_mode<synchronous>, transform_indices = @transform_2, window_bounds = array<i64: 1, 10>}, {pipeline_mode = #tpu.pipeline_mode<synchronous>, transform_indices = @transform_3, window_bounds = array<i64: 8, 10>}]} {
    %get3A = arith.constant 0 : index
    %get3A_0 = arith.constant 0 : index
    %get3A_1 = vector.load %arg1[%get3A, %get3A_0] : memref<8x32xf32, #tpu.memory_space<vmem>>, vector<8x32xf32>
    %get3A_2 = arith.constant 0 : index
    %get3A_3 = arith.constant 0 : index
    %get3A_4 = vector.load %arg2[%get3A_2, %get3A_3] : memref<32x10xf32, #tpu.memory_space<vmem>>, vector<32x10xf32>
    %dot_general3A = arith.constant dense<0.000000e+00> : vector<8x10xf32>
    %dot_general3A_5 = tpu.matmul %get3A_1, %get3A_4, %dot_general3A {dimension_numbers = #tpu.dot_dimension_numbers<[1], [0], [0], [1], [0, 0, 1, 1], [], []>, transpose_lhs_hint = false} : vector<8x32xf32>, vector<32x10xf32>, vector<8x10xf32> -> vector<8x10xf32>
    %get3A_6 = arith.constant 0 : index
    %get3A_7 = arith.constant 0 : index
    %get3A_8 = vector.load %arg3[%get3A_6, %get3A_7] : memref<1x10xf32, #tpu.memory_space<vmem>>, vector<1x10xf32>
    %add3A = vector.broadcast %get3A_8 : vector<1x10xf32> to vector<8x10xf32>
    %add3A_9 = arith.addf %dot_general3A_5, %add3A : vector<8x10xf32>
    %swap3A = arith.constant 0 : index
    %swap3A_10 = arith.constant 0 : index
    %swap3A_11 = vector.load %arg4[%swap3A, %swap3A_10] : memref<8x10xf32, #tpu.memory_space<vmem>>, vector<8x10xf32>
    tpu.vector_store %arg4[%swap3A, %swap3A_10], %add3A_9 {strides = array<i32>} : memref<8x10xf32, #tpu.memory_space<vmem>>, vector<8x10xf32>,
    return
  }
  func.func @transform_0(%arg0: i32) -> (i32, i32) {
    %c0_i32 = arith.constant 0 : i32
    %c0_i32_0 = arith.constant 0 : i32
    %c0_i32_1 = arith.constant 0 : i32
    return %c0_i32, %c0_i32_0 : i32, i32
  }
  func.func @transform_1(%arg0: i32) -> (i32, i32) {
    %c0_i32 = arith.constant 0 : i32
    %c0_i32_0 = arith.constant 0 : i32
    %c0_i32_1 = arith.constant 0 : i32
    return %c0_i32, %c0_i32_0 : i32, i32
  }
  func.func @transform_2(%arg0: i32) -> (i32, i32) {
    %c0_i32 = arith.constant 0 : i32
    %c0_i32_0 = arith.constant 0 : i32
    %c0_i32_1 = arith.constant 0 : i32
    return %c0_i32, %c0_i32_0 : i32, i32
  }
  func.func @transform_3(%arg0: i32) -> (i32, i32) {
    %c0_i32 = arith.constant 0 : i32
    %c0_i32_0 = arith.constant 0 : i32
    %c0_i32_1 = arith.constant 0 : i32
    return %c0_i32, %c0_i32_0 : i32, i32
  }
}

</mosaic_0001>

<sc_bundles>
// kernel: kernel.24.cloned.1.call-start
scs
__scs_entry_jumppad:
0x0: {  	(pc) =	sbr.rel $0x88, $3  }
0x1: {  	(tag) =	ssettag $0x0;
	lr =	simm.s32 $0x1  }
0x2: {  	[smem:$0x3F8E] =	sst lr;
	_ =	strace $0xD0000000  }
0x3: {  	_ = 	snop  }
0x4: {  	_ = 	snop  }
0x5: {  	_ = 	snop  }
0x6: {  	_ = 	snop  }
0x7: {  	_ = 	snop  }
__scs_overlays_trampoline_lowered:
0x8: {  	[smem:$0x3F9D] =	sst s0  }
0x9: {  	[smem:$0x3F9E] =	sst s1  }
0xa: {  	[smem:$0x3F9F] =	sst s2  }
0xb: {  	[smem:$0x3FA0] =	sst s3  }
0xc: {  	[smem:$0x3FA1] =	sst s4  }
0xd: {  	[smem:$0x3FA2] =	sst s5  }
0xe: {  	[smem:$0x3FA3] =	sst s6  }
0xf: {  	[smem:$0x3FA4] =	sst s7  }
0x10: {  	[smem:$0x3FA5] =	sst s8  }
0x11: {  	[smem:$0x3FA6] =	sst s9;
	s0 =	simm.s32 @!p0 $0x0  }
0x12: {  	s1 =	sld [smem:$0x3F8C];
	s0 =	simm.s32 @p0 $0x1  }
0x13: {  	[smem:$0x3FA7] =	sst s0;
	s0 =	simm.s32 @!p1 $0x0  }
0x14: {  	s2 =	sld [smem:$0x3F8B];
	s0 =	simm.s32 @p1 $0x1  }
0x15: {  	[smem:$0x3FA8] =	sst s0;
	s0 =	simm.s32 @!p2 $0x0  }
0x16: {  	s3 =	sld [smem:$0x3FDB];
	s0 =	simm.s32 @p2 $0x1  }
0x17: {  	s4 =	simm.s32 $0x1BF5;
	[smem:$0x3FAA] =	sst s0  }
0x18: {  	s0 =	sld [smem:$0x3F8D];
	_ =	swait.ge [sflag:s4], $0x0  }
0x19: {  	s7 =	sld [smem:$0x3F8E]  }
0x1a: {  	s8 =	sadd.s32 $0xFFFFE003, lr  }
0x1b: {  	s9 =	sadd.s32 $0xFFFFFEF7, lr;
	s5 =	simm.s32 $0xFFFFFFFF;
	p2 =	slt.u32 s8, $0xFFFFF086  }
0x1c: {  	p1 =	slt.u32 s9, $0xF7A;
	s5 =	simm.s32 @!p2 $0x0  }
0x1d: {  	s5 =	simm.s32 @p1 $0x1;
	p0 =	seq.s32 s7, s2  }
0x1e: {  	s7 =	smul.u32 @!p0 $0xF7A, s2;
	p2 =	seq.s32 @!p0 s5, $0x0  }
0x1f: {  	s9 =	smul.u32 $0xF7A, s1;
	s8 =	simm.s32 @!p0 $0x1BF5;
	p2 =	por !p2, p0  }
0x20: {  	[sflag:s8] =	ssyncset.s32 @!p0 $0xFFFFF086;
	s6 =	sadd.s32 @!p0 s3, s7;
	s7 =	simm.s32 @!p0 $0x108  }
0x21: {  	s3 =	sadd.s32 s3, s9;
	s6 =	sadd.s32 @!p0 $0x88, s6;
	s7 =	simm.s32 @p2 $0x1082  }
0x22: {  	[simem:s7], [sflag:s8] =	dma.local @!p0 [hbm:s6], $0xF7A  }
0x23: {  	s9 =	sor.u32 $0xD0000000, s2;
	s6 =	simm.s32 $0x108;
	_ =	swait.ge @!p0 [sflag:s8], $0x0  }
0x24: {  	s3 =	sadd.s32 $0x88, s3;
	s6 =	simm.s32 @!p1 $0x1082;
	[sflag:s4] =	ssyncset.s32 $0xFFFFF086  }
0x25: {  	[simem:s6], [sflag:s4] =	dma.local [hbm:s3], $0xF7A  }
0x26: {  	[smem:$0x3F8E] =	sst s1;
	(tag) =	ssettag s2;
	_ =	strace s9  }
0x27: {  	s1 =	sld [smem:$0x3F9E]  }
0x28: {  	s2 =	sld [smem:$0x3F9F]  }
0x29: {  	s4 =	sld [smem:$0x3FA1]  }
0x2a: {  	p0 =	seq.s32 s5, $0x0;
	s5 =	sld [smem:$0x3FA2]  }
0x2b: {  	s6 =	sld [smem:$0x3FA3]  }
0x2c: {  	s7 =	sld [smem:$0x3FA4]  }
0x2d: {  	s3 =	simm.s32 $0x108;
	s8 =	sld [smem:$0x3FA5]  }
0x2e: {  	s3 =	simm.s32 @!p0 $0x1082;
	s9 =	sld [smem:$0x3FA6]  }
0x2f: {  	lr =	sadd.s32 s0, s3;
	s0 =	sld [smem:$0x3F9D]  }
0x30: {  	s3 =	sld [smem:$0x3FA0]  }
0x31: {  	[smem:$0x3FA9] =	sst s10  }
0x32: {  	s10 =	sld [smem:$0x3FA7];
	_ =	sdelay $0x3  }
0x33: {  	p0 =	seq.s32 s10, $0x1;
	s10 =	sld [smem:$0x3FA9];
	_ =	sdelay $0x3  }
0x34: {  	[smem:$0x3FA9] =	sst s10  }
0x35: {  	s10 =	sld [smem:$0x3FA8];
	_ =	sdelay $0x3  }
0x36: {  	p1 =	seq.s32 s10, $0x1;
	s10 =	sld [smem:$0x3FA9];
	_ =	sdelay $0x3  }
0x37: {  	[smem:$0x3FA9] =	sst s10  }
0x38: {  	s10 =	sld [smem:$0x3FAA]  }
0x39: {  	_ = 	snop;
	(pc) =	sbr.ind lr, $3  }
0x3a: {  	_ = 	snop  }
0x3b: {  	_ = 	snop  }
0x3c: {  	p2 =	seq.s32 s10, $0x1;
	s10 =	sld [smem:$0x3FA9]  }
0x3d: {  	_ =	shalt  }
0x3e: {  	_ =	shalt  }
0x3f: {  	_ =	shalt  }
0x40: {  	_ =	shalt  }
0x41: {  	_ =	shalt  }
0x42: {  	_ =	shalt  }
0x43: {  	_ =	shalt  }
0x44: {  	_ =	shalt  }
0x45: {  	_ =	shalt  }
0x46: {  	_ =	shalt  }
0x47: {  	_ =	shalt  }
0x48: {  	_ =	shalt  }
0x49: {  	_ =	shalt  }
0x4a: {  	_ =	shalt  }
0x4b: {  	_ =	shalt  }
0x4c: {  	_ =	shalt  }
0x4d: {  	_ =	shalt  }
0x4e: {  	_ =	shalt  }
0x4f: {  	_ =	shalt  }
0x50: {  	_ =	shalt  }
0x51: {  	_ =	shalt  }
0x52: {  	_ =	shalt  }
0x53: {  	_ =	shalt  }
0x54: {  	_ =	shalt  }
0x55: {  	_ =	shalt  }
0x56: {  	_ =	shalt  }
0x57: {  	_ =	shalt  }
0x58: {  	_ =	shalt  }
0x59: {  	_ =	shalt  }
0x5a: {  	_ =	shalt  }
0x5b: {  	_ =	shalt  }
0x5c: {  	_ =	shalt  }
0x5d: {  	_ =	shalt  }
0x5e: {  	_ =	shalt  }
0x5f: {  	_ =	shalt  }
0x60: {  	_ =	shalt  }
0x61: {  	_ =	shalt  }
0x62: {  	_ =	shalt  }
0x63: {  	_ =	shalt  }
0x64: {  	_ =	shalt  }
0x65: {  	_ =	shalt  }
0x66: {  	_ =	shalt  }
0x67: {  	_ =	shalt  }
0x68: {  	_ =	shalt  }
0x69: {  	_ =	shalt  }
0x6a: {  	_ =	shalt  }
0x6b: {  	_ =	shalt  }
0x6c: {  	_ =	shalt  }
0x6d: {  	_ =	shalt  }
0x6e: {  	_ =	shalt  }
0x6f: {  	_ =	shalt  }
0x70: {  	_ =	shalt  }
0x71: {  	_ =	shalt  }
0x72: {  	_ =	shalt  }
0x73: {  	_ =	shalt  }
0x74: {  	_ =	shalt  }
0x75: {  	_ =	shalt  }
0x76: {  	_ =	shalt  }
0x77: {  	_ =	shalt  }
0x78: {  	_ =	shalt  }
0x79: {  	_ =	shalt  }
0x7a: {  	_ =	shalt  }
0x7b: {  	_ =	shalt  }
0x7c: {  	_ =	shalt  }
0x7d: {  	_ =	shalt  }
0x7e: {  	_ =	shalt  }
0x7f: {  	_ =	shalt  }
0x80: {  	_ =	shalt  }
0x81: {  	_ =	shalt  }
0x82: {  	_ =	shalt  }
0x83: {  	_ =	shalt  }
0x84: {  	_ =	shalt  }
0x85: {  	_ =	shalt  }
0x86: {  	_ =	shalt  }
0x87: {  	_ =	shalt  }
.Lfunc_end0:
.L_simem_size_0:
called_computation_lowered:
.L_overlay_start_0:
0x88: {  	s2 =	sld [smem:$0x3FD9]  }
0x89: {  	s3 =	sld [smem:$0x3FFE];
	_ =	sdelay $0x1  }
0x8a: {  	s1 =	srdreg.scid  }
0x8b: {  	s0 =	sand.u32 $0x1, s1  }
0x8c: {  	s16 =	sshll.u32 s0, $0xA;
	s2 =	sadd.s32 s3, s2  }
0x8d: {  	s2 =	sadd.s32 s2, s16  }
0x8e: {  	[smem:$0x3FB5] =	sst s2  }
0x8f: {  	_ = 	snop  }
0x90: {  	(tm) =	ssettm $0x1  }
0x91: {  	s17 =	sld [smem:$0x3FFB];
	_ =	sdelay $0x3  }
0x92: {  	_ =	strace s17  }
0x93: {  	s2 =	sld [smem:$0x3FFC];
	_ =	sdelay $0x3  }
0x94: {  	_ =	strace s2  }
0x95: {  	s2 =	sld [smem:$0x3FFD];
	_ =	sdelay $0x3  }
0x96: {  	_ =	strace s2  }
0x97: {  	_ =	strace $0x8FFFFFFF  }
0x98: {  	s18 =	sld [smem:$0x3FDB];
	_ =	sdelay $0x1  }
0x99: {  	s19 =	simm.s32 $_scs_section_size  }
0x9a: {  	s4 =	simm.s32 $_size__tile_overlayer_lowered;
	s5 =	simm.s32 $_tile_overlayer_lowered  }
0x9b: {  	s22 =	simm.s32 $0x1BFF;
	s21 =	sshll.u32 s5, $0x1;
	s2 =	sadd.s32 s19, s18  }
0x9c: {  	s6 =	simm.s32 $0x0;
	s20 =	sshll.u32 s4, $0x1;
	s4 =	sadd.s32 s21, s2  }
0x9d: {  	[timem:s6], [sflag:s22] =	dma.local [hbm:s4], s20  }
0x9e: {  	_ =	swait.ge [sflag:s22], s20  }
0x9f: {  	s3 =	ssub.s32 $0x0, s20;
	[sflag:s22] =	ssyncset.done $0x0  }
0xa0: {  	[sflag:s22] =	ssyncadd.s32 s3;
	_ =	sdelay $0x1  }
0xa1: {  	s23 =	simm.s32 $0x1B8B  }
0xa2: {  	_ =	swait.ge [sflag:s23], $0x1  }
0xa3: {  	[sflag:s23] =	ssyncset.done $0x0  }
0xa4: {  	s25 =	simm.s32 $0x1B8E;
	s24 =	sld [smem:$0x3FFE];
	[sflag:s23] =	ssyncadd.s32 $0xFFFFFFFF  }
0xa5: {  	s26 =	simm.s32 $execute0_lowered;
	[smem:$0x3FD2] =	sst s25  }
0xa6: {  	s4 =	sshll.u32 s26, $0x1;
	_ =	strace $0x80000046;
	[dreg:$0x1] =	wrdreg $0xFFFFFFFF  }
0xa7: {  	s28 =	simm.s32 $_size_execute0_lowered;
	s2 =	sadd.s32 s2, s4;
	[dreg:$0x0] =	wrdreg $0x0  }
0xa8: {  	s4 =	sshll.u32 s28, $0x1;
	[dreg:$0x2] =	wrdreg s2  }
0xa9: {  	[dreg:$0x3] =	wrdreg s4  }
0xaa: {  	[dreg:$0x4] =	wrdreg $0xC0  }
0xab: {  	_ =	task [dreg:s6], $0x5FFFF  }
0xac: {  	[dreg:$0x1] =	wrdreg $0xFFFFFFFF  }
0xad: {  	[dreg:$0x0] =	wrdreg $0x60  }
0xae: {  	[dreg:$0x2] =	wrdreg s24  }
0xaf: {  	[dreg:$0x3] =	wrdreg $0xA2800  }
0xb0: {  	[dreg:$0x4] =	wrdreg $0x9  }
0xb1: {  	_ =	task.clear_ibuf [dreg:s6], $0x5FFFF;
	_ =	strace $0x90000046  }
0xb2: {  	s29 =	simm.s32 $0x9;
	_ =	strace $0x80000048  }
0xb3: {  	_ =	swait.ge [sflag:s29], $0x1  }
0xb4: {  	[sflag:s29] =	ssyncadd.s32 $0xFFFFFFFF  }
0xb5: {  	_ =	strace $0x90000048  }
0xb6: {  	_ =	sfence  }
0xb7: {  	s30 =	sld [smem:$0x0];
	_ =	sdelay $0x2  }
0xb8: {  	s31 =	sshll.u32 s1, $0xD;
	s1 =	sshrl.u32 s1, $0x2  }
0xb9: {  	s3 =	sand.u32 $0x4000, s31;
	s1 =	sadd.s32 s1, s30  }
0xba: {  	s0 =	sor.u32 s3, s0;
	s1 =	sshll.u32 s1, $0x11  }
0xbb: {  	s0 =	sor.u32 s1, s0  }
0xbc: {  	s0 =	sadd.s32 $0x8F2B, s0  }
0xbd: {  	[sflag:s0] =	ssyncadd.remote.s32 $0x1  }
0xbe: {  	_ =	sfence.sel $0xFFFF  }
0xbf: {  	[dreg:$0x0] =	wrdreg $0xFFFFFFFF;
	(pc) =	sbr.abs _section_cstart, $3  }
0xc0: {  	[dreg:$0x1] =	wrdreg $0xFFFFFFFF  }
0xc1: {  	_ =	task.clear_ibuf [dreg:s6], $0x2FFFF;
	_ =	strace $0x9FFFFFFF  }
0xc2: {  	(tm) =	ssettm $0x7FFFFFFF  }
0xc3: {  	_ =	shalt  }
tec
execute0_lowered:
.L_overlay_start_1:
0x0: {  	(tag) =	ssettag $0x1  }
0x1: {  	s5 =	rddreg [dreg:$0x0]  }
0x2: {  	s0 =	srdreg.scid;
	s7 =	rddreg [dreg:$0x1];
	s2 =	simm.s32 $0x0  }
0x3: {  	s13 =	simm.s32 $0x5000;
	s14 =	simm.s32 $0x80;
	s15 =	simm.s32 $0x400  }
0x4: {  	s16 =	simm.s32 $0x14000;
	s17 =	simm.s32 $0x7800;
	s18 =	simm.s32 $0xA000  }
0x5: {  	s19 =	simm.s32 $0x0;
	s4 =	sand.u32 $0x1, s0;
	s0 =	stileid.u32  }
0x6: {  	[smem:$0x7FF] =	sst s2;
	s3 =	sadd.s32 $0x1AE00, s5;
	s8 =	smul.u32 $0x280, s0  }
0x7: {  	s1 =	sshll.u32 s4, $0x4;
	s9 =	smul.u32 $0x2800, s4;
	s4 =	ssub.s32 $0x2, s4  }
0x8: {  	s30 =	sshrl.u32 s0, $0x3;
	s31 =	smul.u32 $0x5000, s0;
	s11 =	sshll.u32 s0, $0x7  }
0x9: {  	s1 =	sor.u32 s0, s1;
	s10 =	sshrl.u32 s4, $0x1;
	s11 =	sand.u32 $0x380, s11  }
0xa: {  	s6 =	smul.u32 $0x272, s1;
	s1 =	rddreg [dreg:$0x2];
	_ =	strace $0x80000047  }
0xb: {  	s8 =	sadd.s32 s8, s9;
	s9 =	smul.u32 $0x50000, s30;
	s10 =	ssub.s32 s4, s10  }
0xc: {  	s12 =	sshrl.u32 s31, $0x2;
	s8 =	sshrl.u32 s8, $0x3;
	s6 =	sadd.s32 s6, s5  }
0xd: {  	s8 =	sadd.s32 s8, s5;
	s9 =	sshrl.u32 s9, $0x2;
	s4 =	sadd.s32 $0x15E00, s6  }
0xe: {  	s9 =	sadd.s32 s9, s7;
	s5 =	sadd.s32 $0x10E00, s6;
	s7 =	sadd.s32 s12, s7  }
0xf: {  	s8 =	sadd.s32 $0x1B400, s8;
	s12 =	simm.s32 $0x1400;
	s6 =	sadd.s32 s11, s9  }
0x10: {  	v0 =	vimm.f32 $0.0e+00;
	s9 =	smax.u32 s10, $0x1;
	s10 =	simm.s32 $0x2800;
	s11 =	simm.s32 $0x1  }
.LBB2_1:
0x11: {  	[tilespmem:s10], [sflag:$0x1] =	stream.linear.gather [hbm4b:s3+s2], $0x2800, $0x38;
	[tilespmem:$0xCA80] =	vst v63  }
0x12: {  	_ =	swait.ge [sflag:s11], $0x2800  }
0x13: {  	[sflag:s11] =	ssyncset.done $0x0  }
0x14: {  	[sflag:s11] =	ssyncadd.s32 $0xFFFFD800  }
0x15: {  	[tilespmem:s2], [sflag:$0x1] =	stream.linear.gather [hbm4b:s4+s2], $0x1390, $0x38;
	[tilespmem:$0xCA80] =	vst v63  }
0x16: {  	_ =	swait.ge [sflag:s11], $0x1390  }
0x17: {  	[sflag:s11] =	ssyncset.done $0x0  }
0x18: {  	[sflag:s11] =	ssyncadd.s32 $0xFFFFEC70  }
0x19: {  	[tilespmem:s12], [sflag:$0x1] =	stream.linear.gather [hbm4b:s5+s2], $0x1390, $0x38;
	[tilespmem:$0xCA80] =	vst v63  }
0x1a: {  	_ =	swait.ge [sflag:s11], $0x1390  }
0x1b: {  	[sflag:s11] =	ssyncset.done $0x0  }
0x1c: {  	s20 =	simm.s32 $0x0;
	[sflag:s11] =	ssyncadd.s32 $0xFFFFEC70  }
.LBB2_2:
0x1d: {  	p0 =	sne.s32 s20, $0x9FC0  }
.Ltmp0:
0x1e: {  	_ = 	snop;
	(pc) =	sbr.rel @p0 .LBB2_2-.Ltmp0, $3  }
0x1f: {  	_ =	sdelay $0x1  }
0x20: {  	s21 =	sshra.s32 s20, $0x2  }
0x21: {  	s20 =	sadd.s32 $0x40, s20;
	[tilespmem:s21+$0x5000] =	vst v0  }
0x22: {  	s21 =	simm.s32 $0x0;
	s20 =	simm.s32 $0x40  }
.LBB2_4:
0x23: {  	p0 =	sne.s32 s20, $0x4E00;
	v1 =	vld [tilespmem:s21+$0x0];
	_ =	sdelay $0x5  }
0x24: {  	v2 =	vld [tilespmem:s21+$0x1400];
	_ =	sdelay $0x1  }
0x25: {  	v1 =	vld.idx.msk [tilespmem:v1+s10+$0x0], $0xffff;
	_ =	sdelay $0x1  }
.Ltmp1:
0x26: {  	(pc) =	sbr.rel @p0 .LBB2_4-.Ltmp1, $2  }
0x27: {  	_ =	sdelay $0x2  }
0x28: {  	s21 =	sshra.s32 s20, $0x2;
	s20 =	sadd.s32 $0x40, s20;
	[tilespmem:v2+s13+$0x0] =	vst.idx.add.f32.msk $0xffff, v1  }
0x29: {  	v1 =	vld [tilespmem:s21+$0x0];
	_ =	sdelay $0x4  }
0x2a: {  	v2 =	vld [tilespmem:s21+$0x1400];
	_ =	sdelay $0x2  }
0x2b: {  	v1 =	vld.idx.msk [tilespmem:v1+s10+$0x0], $0xffff;
	_ =	sdelay $0x4  }
0x2c: {  	[tilespmem:v2+s13+$0x0] =	vst.idx.add.f32.msk $0xffff, v1  }
0x2d: {  	[spmem:s6] =	stream.strided.scatter [tilespmem:s13], [sflag:$0x1], $0x2800, s15, s14, $0x38;
	[tilespmem:$0xCA80] =	vst v63  }
0x2e: {  	_ =	swait.ge [sflag:s11], $0x2800  }
0x2f: {  	[sflag:s11] =	ssyncset.done $0x0  }
0x30: {  	[sflag:s11] =	ssyncadd.s32 $0xFFFFD800  }
0x31: {  	[bflag:$0x0] =	sbarrier.arrive $0xFFFF  }
0x32: {  	[tilespmem:s17], [sflag:$0x1] =	stream.strided.gather [spmem:s7], $0x2800, s16, s12, $0x38;
	[tilespmem:$0xCA80] =	vst v63  }
0x33: {  	s20 =	simm.s32 $0x0;
	_ =	swait.ge [sflag:s11], $0x2800  }
0x34: {  	s30 =	sand.u32 $0x70, s20;
	s20 =	sand.u32 $0x1C00, s20;
	[sflag:s11] =	ssyncset.done $0x0  }
0x35: {  	s20 =	sor.u32 s30, s20;
	[sflag:s11] =	ssyncadd.s32 $0xFFFFD800  }
0x36: {  	v1 =	vld [tilespmem:s20+$0x7880]  }
0x37: {  	v2 =	vld [tilespmem:s20+$0x7800];
	_ =	sdelay $0x1  }
0x38: {  	v3 =	vld [tilespmem:s20+$0x7900];
	_ =	sdelay $0x1  }
0x39: {  	v4 =	vld [tilespmem:s20+$0x7980]  }
0x3a: {  	v1 =	vadd.f32 v1, v2  }
0x3b: {  	v2 =	vld [tilespmem:s20+$0x7A00]  }
0x3c: {  	v1 =	vadd.f32 v3, v1  }
0x3d: {  	v3 =	vld [tilespmem:s20+$0x7A80]  }
0x3e: {  	v1 =	vadd.f32 v4, v1  }
0x3f: {  	v60 =	vld [tilespmem:s20+$0x7B00]  }
0x40: {  	v1 =	vadd.f32 v2, v1  }
0x41: {  	v2 =	vld [tilespmem:s20+$0x7B80]  }
0x42: {  	v1 =	vadd.f32 v3, v1  }
0x43: {  	v3 =	vld [tilespmem:s20+$0x8C00]  }
0x44: {  	v1 =	vadd.f32 v60, v1  }
0x45: {  	v61 =	vld [tilespmem:s20+$0x8C80]  }
0x46: {  	v1 =	vadd.f32 v2, v1  }
0x47: {  	v2 =	vld [tilespmem:s20+$0x8D00]  }
0x48: {  	v1 =	vadd.f32 v3, v1  }
0x49: {  	v3 =	vld [tilespmem:s20+$0x8D80]  }
0x4a: {  	v1 =	vadd.f32 v61, v1  }
0x4b: {  	v62 =	vld [tilespmem:s20+$0x8E00]  }
0x4c: {  	v1 =	vadd.f32 v2, v1  }
0x4d: {  	v2 =	vld [tilespmem:s20+$0x8E80]  }
0x4e: {  	v1 =	vadd.f32 v3, v1  }
0x4f: {  	v3 =	vld [tilespmem:s20+$0x8F00]  }
0x50: {  	v1 =	vadd.f32 v62, v1  }
0x51: {  	v63 =	vld [tilespmem:s20+$0x8F80]  }
0x52: {  	v1 =	vadd.f32 v2, v1;
	_ =	sdelay $0x1  }
0x53: {  	v1 =	vadd.f32 v3, v1;
	_ =	sdelay $0x1  }
0x54: {  	s31 =	simm.s32 $0x10;
	s22 =	simm.s32 $0x80;
	v1 =	vadd.f32 v63, v1  }
0x55: {  	s21 =	sand.u32 $0x70, s31;
	s23 =	sand.u32 $0x1C00, s22;
	s20 =	simm.s32 $0xA000  }
0x56: {  	s21 =	sor.u32 s21, s23;
	s23 =	simm.s32 $0x20;
	[tilespmem:s20+$0x0] =	vst v1  }
.LBB2_6:
0x57: {  	p0 =	sne.s32 s23, $0x270;
	v1 =	vld [tilespmem:s21+$0x7880]  }
0x58: {  	v2 =	vld [tilespmem:s21+$0x7800];
	_ =	sdelay $0x1  }
0x59: {  	v3 =	vld [tilespmem:s21+$0x7900];
	_ =	sdelay $0x1  }
0x5a: {  	v4 =	vld [tilespmem:s21+$0x7980]  }
0x5b: {  	v1 =	vadd.f32 v1, v2  }
0x5c: {  	v2 =	vld [tilespmem:s21+$0x7A00]  }
0x5d: {  	v1 =	vadd.f32 v3, v1  }
0x5e: {  	v3 =	vld [tilespmem:s21+$0x7A80]  }
0x5f: {  	v1 =	vadd.f32 v4, v1  }
0x60: {  	v4 =	vld [tilespmem:s21+$0x7B00]  }
0x61: {  	v1 =	vadd.f32 v2, v1  }
0x62: {  	v2 =	vld [tilespmem:s21+$0x7B80]  }
0x63: {  	v1 =	vadd.f32 v3, v1  }
0x64: {  	v3 =	vld [tilespmem:s21+$0x8C00]  }
0x65: {  	v1 =	vadd.f32 v4, v1  }
0x66: {  	v4 =	vld [tilespmem:s21+$0x8C80]  }
0x67: {  	v1 =	vadd.f32 v2, v1  }
0x68: {  	v2 =	vld [tilespmem:s21+$0x8D00]  }
0x69: {  	v1 =	vadd.f32 v3, v1  }
0x6a: {  	v3 =	vld [tilespmem:s21+$0x8D80]  }
0x6b: {  	v1 =	vadd.f32 v4, v1  }
0x6c: {  	v4 =	vld [tilespmem:s21+$0x8E00]  }
0x6d: {  	v1 =	vadd.f32 v2, v1  }
0x6e: {  	v2 =	vld [tilespmem:s21+$0x8E80]  }
0x6f: {  	v1 =	vadd.f32 v3, v1  }
0x70: {  	v3 =	vld [tilespmem:s21+$0x8F00]  }
0x71: {  	v1 =	vadd.f32 v4, v1  }
0x72: {  	v4 =	vld [tilespmem:s21+$0x8F80]  }
0x73: {  	v1 =	vadd.f32 v2, v1;
	_ =	sdelay $0x1  }
.Ltmp2:
0x74: {  	v1 =	vadd.f32 v3, v1;
	(pc) =	sbr.rel @p0 .LBB2_6-.Ltmp2, $4  }
0x75: {  	_ = 	snop  }
0x76: {  	s22 =	sadd.s32 $0x80, s22;
	v1 =	vadd.f32 v4, v1  }
0x77: {  	s20 =	sadd.s32 $0x10, s20;
	s24 =	sand.u32 $0x1C00, s22;
	s21 =	sand.u32 $0x70, s23  }
0x78: {  	s23 =	sadd.s32 $0x10, s23;
	s21 =	sor.u32 s21, s24;
	[tilespmem:s20+$0x0] =	vst v1  }
0x79: {  	v1 =	vld [tilespmem:s21+$0x7880]  }
0x7a: {  	v2 =	vld [tilespmem:s21+$0x7800];
	_ =	sdelay $0x1  }
0x7b: {  	v3 =	vld [tilespmem:s21+$0x7900];
	_ =	sdelay $0x1  }
0x7c: {  	v4 =	vld [tilespmem:s21+$0x7980]  }
0x7d: {  	v1 =	vadd.f32 v1, v2  }
0x7e: {  	v2 =	vld [tilespmem:s21+$0x7A00]  }
0x7f: {  	v1 =	vadd.f32 v3, v1  }
0x80: {  	v3 =	vld [tilespmem:s21+$0x7A80]  }
0x81: {  	v1 =	vadd.f32 v4, v1  }
0x82: {  	v60 =	vld [tilespmem:s21+$0x7B00]  }
0x83: {  	v1 =	vadd.f32 v2, v1  }
0x84: {  	v2 =	vld [tilespmem:s21+$0x7B80]  }
0x85: {  	v1 =	vadd.f32 v3, v1  }
0x86: {  	v3 =	vld [tilespmem:s21+$0x8C00]  }
0x87: {  	v1 =	vadd.f32 v60, v1  }
0x88: {  	v61 =	vld [tilespmem:s21+$0x8C80]  }
0x89: {  	v1 =	vadd.f32 v2, v1  }
0x8a: {  	v2 =	vld [tilespmem:s21+$0x8D00]  }
0x8b: {  	v1 =	vadd.f32 v3, v1  }
0x8c: {  	v3 =	vld [tilespmem:s21+$0x8D80]  }
0x8d: {  	v1 =	vadd.f32 v61, v1  }
0x8e: {  	v62 =	vld [tilespmem:s21+$0x8E00]  }
0x8f: {  	v1 =	vadd.f32 v2, v1  }
0x90: {  	v2 =	vld [tilespmem:s21+$0x8E80]  }
0x91: {  	v1 =	vadd.f32 v3, v1  }
0x92: {  	v3 =	vld [tilespmem:s21+$0x8F00]  }
0x93: {  	v1 =	vadd.f32 v62, v1  }
0x94: {  	v63 =	vld [tilespmem:s21+$0x8F80]  }
0x95: {  	v1 =	vadd.f32 v2, v1;
	_ =	sdelay $0x1  }
0x96: {  	v1 =	vadd.f32 v3, v1;
	_ =	sdelay $0x1  }
0x97: {  	s19 =	sadd.s32 $0x1, s19;
	v1 =	vadd.f32 v63, v1  }
0x98: {  	s20 =	sadd.s32 $0x10, s20;
	p0 =	sne.s32 s19, s9  }
.Ltmp3:
0x99: {  	[tilespmem:s20+$0x0] =	vst v1;
	(pc) =	sbr.rel @p0 .LBB2_1-.Ltmp3, $4  }
0x9a: {  	[hbm4b:s8+s2] =	stream.linear.scatter [tilespmem:s18], [sflag:$0x1], $0x280, $0x38;
	[tilespmem:$0xCA80] =	vst v63  }
0x9b: {  	_ =	swait.ge [sflag:s11], $0x280  }
0x9c: {  	[sflag:s11] =	ssyncset.done $0x0  }
0x9d: {  	[sflag:s11] =	ssyncadd.s32 $0xFFFFFD80  }
0x9e: {  	_ =	sfence.sel $0x180000  }
0x9f: {  	[bflag:$0x0] =	sbarrier.arrive $0xFFFF  }
0xa0: {  	p0 =	sne.s32 s0, $0x0;
	_ =	strace $0x90000047  }
0xa1: {  	s0 =	sadd.s32 @!p0 $0x100000, s1;
	[bflag:$0x2] =	sbarrier.arrive $0xFFFF  }
0xa2: {  	[sflag:s0] =	ssyncadd.tile.s32 @!p0 $0x1;
	_ =	shalt  }
.Lfunc_end2:
_tile_overlayer_lowered:
.L_overlay_start_2:
0xa3: {  	(tag) =	ssettag $0x2  }
0xa4: {  	s0 =	rddreg [dreg:$0x0];
	s2 =	stileid.u32  }
0xa5: {  	s1 =	rddreg [dreg:$0x1];
	p0 =	sne.s32 s2, $0x0  }
0xa6: {  	s3 =	rddreg [dreg:$0x2];
	[bflag:$0x3] =	sbarrier.arrive $0xFFFF;
	s2 =	simm.s32 @!p0 $0x1C01  }
0xa7: {  	[timem:s3], [sflag:s2] =	dma.local @!p0 [hbm:s0], s1  }
0xa8: {  	s0 =	simm.s32 @!p0 $0x1  }
0xa9: {  	_ =	swait.ge @!p0 [sflag:s0], s1  }
0xaa: {  	s1 =	ssub.s32 @!p0 $0x0, s1;
	[sflag:s0] =	ssyncset.done @!p0 $0x0  }
0xab: {  	[sflag:s0] =	ssyncadd.s32 @!p0 s1  }
0xac: {  	[bflag:$0x3] =	sbarrier.arrive $0xFFFF  }
0xad: {  	_ =	shalt  }

// kernel: kernel.27.cloned.1.call-start
scs
__scs_entry_jumppad:
0x0: {  	(pc) =	sbr.rel $0x88, $3  }
0x1: {  	(tag) =	ssettag $0x0;
	lr =	simm.s32 $0x1  }
0x2: {  	[smem:$0x3F8E] =	sst lr;
	_ =	strace $0xD0000000  }
0x3: {  	_ = 	snop  }
0x4: {  	_ = 	snop  }
0x5: {  	_ = 	snop  }
0x6: {  	_ = 	snop  }
0x7: {  	_ = 	snop  }
__scs_overlays_trampoline_lowered:
0x8: {  	[smem:$0x3F9D] =	sst s0  }
0x9: {  	[smem:$0x3F9E] =	sst s1  }
0xa: {  	[smem:$0x3F9F] =	sst s2  }
0xb: {  	[smem:$0x3FA0] =	sst s3  }
0xc: {  	[smem:$0x3FA1] =	sst s4  }
0xd: {  	[smem:$0x3FA2] =	sst s5  }
0xe: {  	[smem:$0x3FA3] =	sst s6  }
0xf: {  	[smem:$0x3FA4] =	sst s7  }
0x10: {  	[smem:$0x3FA5] =	sst s8  }
0x11: {  	[smem:$0x3FA6] =	sst s9;
	s0 =	simm.s32 @!p0 $0x0  }
0x12: {  	s1 =	sld [smem:$0x3F8C];
	s0 =	simm.s32 @p0 $0x1  }
0x13: {  	[smem:$0x3FA7] =	sst s0;
	s0 =	simm.s32 @!p1 $0x0  }
0x14: {  	s2 =	sld [smem:$0x3F8B];
	s0 =	simm.s32 @p1 $0x1  }
0x15: {  	[smem:$0x3FA8] =	sst s0;
	s0 =	simm.s32 @!p2 $0x0  }
0x16: {  	s3 =	sld [smem:$0x3FDB];
	s0 =	simm.s32 @p2 $0x1  }
0x17: {  	s4 =	simm.s32 $0x1BF5;
	[smem:$0x3FAA] =	sst s0  }
0x18: {  	s0 =	sld [smem:$0x3F8D];
	_ =	swait.ge [sflag:s4], $0x0  }
0x19: {  	s7 =	sld [smem:$0x3F8E]  }
0x1a: {  	s8 =	sadd.s32 $0xFFFFE003, lr  }
0x1b: {  	s9 =	sadd.s32 $0xFFFFFEF7, lr;
	s5 =	simm.s32 $0xFFFFFFFF;
	p2 =	slt.u32 s8, $0xFFFFF086  }
0x1c: {  	p1 =	slt.u32 s9, $0xF7A;
	s5 =	simm.s32 @!p2 $0x0  }
0x1d: {  	s5 =	simm.s32 @p1 $0x1;
	p0 =	seq.s32 s7, s2  }
0x1e: {  	s7 =	smul.u32 @!p0 $0xF7A, s2;
	p2 =	seq.s32 @!p0 s5, $0x0  }
0x1f: {  	s9 =	smul.u32 $0xF7A, s1;
	s8 =	simm.s32 @!p0 $0x1BF5;
	p2 =	por !p2, p0  }
0x20: {  	[sflag:s8] =	ssyncset.s32 @!p0 $0xFFFFF086;
	s6 =	sadd.s32 @!p0 s3, s7;
	s7 =	simm.s32 @!p0 $0x108  }
0x21: {  	s3 =	sadd.s32 s3, s9;
	s6 =	sadd.s32 @!p0 $0x88, s6;
	s7 =	simm.s32 @p2 $0x1082  }
0x22: {  	[simem:s7], [sflag:s8] =	dma.local @!p0 [hbm:s6], $0xF7A  }
0x23: {  	s9 =	sor.u32 $0xD0000000, s2;
	s6 =	simm.s32 $0x108;
	_ =	swait.ge @!p0 [sflag:s8], $0x0  }
0x24: {  	s3 =	sadd.s32 $0x88, s3;
	s6 =	simm.s32 @!p1 $0x1082;
	[sflag:s4] =	ssyncset.s32 $0xFFFFF086  }
0x25: {  	[simem:s6], [sflag:s4] =	dma.local [hbm:s3], $0xF7A  }
0x26: {  	[smem:$0x3F8E] =	sst s1;
	(tag) =	ssettag s2;
	_ =	strace s9  }
0x27: {  	s1 =	sld [smem:$0x3F9E]  }
0x28: {  	s2 =	sld [smem:$0x3F9F]  }
0x29: {  	s4 =	sld [smem:$0x3FA1]  }
0x2a: {  	p0 =	seq.s32 s5, $0x0;
	s5 =	sld [smem:$0x3FA2]  }
0x2b: {  	s6 =	sld [smem:$0x3FA3]  }
0x2c: {  	s7 =	sld [smem:$0x3FA4]  }
0x2d: {  	s3 =	simm.s32 $0x108;
	s8 =	sld [smem:$0x3FA5]  }
0x2e: {  	s3 =	simm.s32 @!p0 $0x1082;
	s9 =	sld [smem:$0x3FA6]  }
0x2f: {  	lr =	sadd.s32 s0, s3;
	s0 =	sld [smem:$0x3F9D]  }
0x30: {  	s3 =	sld [smem:$0x3FA0]  }
0x31: {  	[smem:$0x3FA9] =	sst s10  }
0x32: {  	s10 =	sld [smem:$0x3FA7];
	_ =	sdelay $0x3  }
0x33: {  	p0 =	seq.s32 s10, $0x1;
	s10 =	sld [smem:$0x3FA9];
	_ =	sdelay $0x3  }
0x34: {  	[smem:$0x3FA9] =	sst s10  }
0x35: {  	s10 =	sld [smem:$0x3FA8];
	_ =	sdelay $0x3  }
0x36: {  	p1 =	seq.s32 s10, $0x1;
	s10 =	sld [smem:$0x3FA9];
	_ =	sdelay $0x3  }
0x37: {  	[smem:$0x3FA9] =	sst s10  }
0x38: {  	s10 =	sld [smem:$0x3FAA]  }
0x39: {  	_ = 	snop;
	(pc) =	sbr.ind lr, $3  }
0x3a: {  	_ = 	snop  }
0x3b: {  	_ = 	snop  }
0x3c: {  	p2 =	seq.s32 s10, $0x1;
	s10 =	sld [smem:$0x3FA9]  }
0x3d: {  	_ =	shalt  }
0x3e: {  	_ =	shalt  }
0x3f: {  	_ =	shalt  }
0x40: {  	_ =	shalt  }
0x41: {  	_ =	shalt  }
0x42: {  	_ =	shalt  }
0x43: {  	_ =	shalt  }
0x44: {  	_ =	shalt  }
0x45: {  	_ =	shalt  }
0x46: {  	_ =	shalt  }
0x47: {  	_ =	shalt  }
0x48: {  	_ =	shalt  }
0x49: {  	_ =	shalt  }
0x4a: {  	_ =	shalt  }
0x4b: {  	_ =	shalt  }
0x4c: {  	_ =	shalt  }
0x4d: {  	_ =	shalt  }
0x4e: {  	_ =	shalt  }
0x4f: {  	_ =	shalt  }
0x50: {  	_ =	shalt  }
0x51: {  	_ =	shalt  }
0x52: {  	_ =	shalt  }
0x53: {  	_ =	shalt  }
0x54: {  	_ =	shalt  }
0x55: {  	_ =	shalt  }
0x56: {  	_ =	shalt  }
0x57: {  	_ =	shalt  }
0x58: {  	_ =	shalt  }
0x59: {  	_ =	shalt  }
0x5a: {  	_ =	shalt  }
0x5b: {  	_ =	shalt  }
0x5c: {  	_ =	shalt  }
0x5d: {  	_ =	shalt  }
0x5e: {  	_ =	shalt  }
0x5f: {  	_ =	shalt  }
0x60: {  	_ =	shalt  }
0x61: {  	_ =	shalt  }
0x62: {  	_ =	shalt  }
0x63: {  	_ =	shalt  }
0x64: {  	_ =	shalt  }
0x65: {  	_ =	shalt  }
0x66: {  	_ =	shalt  }
0x67: {  	_ =	shalt  }
0x68: {  	_ =	shalt  }
0x69: {  	_ =	shalt  }
0x6a: {  	_ =	shalt  }
0x6b: {  	_ =	shalt  }
0x6c: {  	_ =	shalt  }
0x6d: {  	_ =	shalt  }
0x6e: {  	_ =	shalt  }
0x6f: {  	_ =	shalt  }
0x70: {  	_ =	shalt  }
0x71: {  	_ =	shalt  }
0x72: {  	_ =	shalt  }
0x73: {  	_ =	shalt  }
0x74: {  	_ =	shalt  }
0x75: {  	_ =	shalt  }
0x76: {  	_ =	shalt  }
0x77: {  	_ =	shalt  }
0x78: {  	_ =	shalt  }
0x79: {  	_ =	shalt  }
0x7a: {  	_ =	shalt  }
0x7b: {  	_ =	shalt  }
0x7c: {  	_ =	shalt  }
0x7d: {  	_ =	shalt  }
0x7e: {  	_ =	shalt  }
0x7f: {  	_ =	shalt  }
0x80: {  	_ =	shalt  }
0x81: {  	_ =	shalt  }
0x82: {  	_ =	shalt  }
0x83: {  	_ =	shalt  }
0x84: {  	_ =	shalt  }
0x85: {  	_ =	shalt  }
0x86: {  	_ =	shalt  }
0x87: {  	_ =	shalt  }
.Lfunc_end0:
.L_simem_size_0:
called_computation.1_lowered:
.L_overlay_start_0:
0x88: {  	s2 =	sld [smem:$0x3FD9]  }
0x89: {  	s3 =	sld [smem:$0x3FFE];
	_ =	sdelay $0x1  }
0x8a: {  	s1 =	srdreg.scid  }
0x8b: {  	s0 =	sand.u32 $0x1, s1  }
0x8c: {  	s16 =	sshll.u32 s0, $0xA;
	s2 =	sadd.s32 s3, s2  }
0x8d: {  	s2 =	sadd.s32 s2, s16  }
0x8e: {  	[smem:$0x3FB5] =	sst s2  }
0x8f: {  	_ = 	snop  }
0x90: {  	(tm) =	ssettm $0x1  }
0x91: {  	s17 =	sld [smem:$0x3FFB];
	_ =	sdelay $0x3  }
0x92: {  	_ =	strace s17  }
0x93: {  	s2 =	sld [smem:$0x3FFC];
	_ =	sdelay $0x3  }
0x94: {  	_ =	strace s2  }
0x95: {  	s2 =	sld [smem:$0x3FFD];
	_ =	sdelay $0x3  }
0x96: {  	_ =	strace s2  }
0x97: {  	_ =	strace $0x8FFFFFFF  }
0x98: {  	s18 =	sld [smem:$0x3FDB];
	_ =	sdelay $0x1  }
0x99: {  	s19 =	simm.s32 $_scs_section_size  }
0x9a: {  	s4 =	simm.s32 $_size__tile_overlayer_lowered;
	s5 =	simm.s32 $_tile_overlayer_lowered  }
0x9b: {  	s22 =	simm.s32 $0x1BFF;
	s21 =	sshll.u32 s5, $0x1;
	s2 =	sadd.s32 s19, s18  }
0x9c: {  	s6 =	simm.s32 $0x0;
	s20 =	sshll.u32 s4, $0x1;
	s4 =	sadd.s32 s21, s2  }
0x9d: {  	[timem:s6], [sflag:s22] =	dma.local [hbm:s4], s20  }
0x9e: {  	_ =	swait.ge [sflag:s22], s20  }
0x9f: {  	s3 =	ssub.s32 $0x0, s20;
	[sflag:s22] =	ssyncset.done $0x0  }
0xa0: {  	[sflag:s22] =	ssyncadd.s32 s3;
	_ =	sdelay $0x1  }
0xa1: {  	s23 =	simm.s32 $0x1B8B  }
0xa2: {  	_ =	swait.ge [sflag:s23], $0x1  }
0xa3: {  	[sflag:s23] =	ssyncset.done $0x0  }
0xa4: {  	s25 =	simm.s32 $0x1B8E;
	s24 =	sld [smem:$0x3FFE];
	[sflag:s23] =	ssyncadd.s32 $0xFFFFFFFF  }
0xa5: {  	s26 =	simm.s32 $execute0_lowered;
	[smem:$0x3FD2] =	sst s25  }
0xa6: {  	s4 =	sshll.u32 s26, $0x1;
	_ =	strace $0x80000049;
	[dreg:$0x1] =	wrdreg $0xFFFFFFFF  }
0xa7: {  	s28 =	simm.s32 $_size_execute0_lowered;
	s2 =	sadd.s32 s2, s4;
	[dreg:$0x0] =	wrdreg $0x0  }
0xa8: {  	s4 =	sshll.u32 s28, $0x1;
	[dreg:$0x2] =	wrdreg s2  }
0xa9: {  	[dreg:$0x3] =	wrdreg s4  }
0xaa: {  	[dreg:$0x4] =	wrdreg $0xC0  }
0xab: {  	_ =	task [dreg:s6], $0x5FFFF  }
0xac: {  	[dreg:$0x1] =	wrdreg $0xFFFFFFFF  }
0xad: {  	[dreg:$0x0] =	wrdreg $0x60  }
0xae: {  	[dreg:$0x2] =	wrdreg s24  }
0xaf: {  	[dreg:$0x3] =	wrdreg $0x66000  }
0xb0: {  	[dreg:$0x4] =	wrdreg $0x9  }
0xb1: {  	_ =	task.clear_ibuf [dreg:s6], $0x5FFFF;
	_ =	strace $0x90000049  }
0xb2: {  	s29 =	simm.s32 $0x9;
	_ =	strace $0x8000004B  }
0xb3: {  	_ =	swait.ge [sflag:s29], $0x1  }
0xb4: {  	[sflag:s29] =	ssyncadd.s32 $0xFFFFFFFF  }
0xb5: {  	_ =	strace $0x9000004B  }
0xb6: {  	_ =	sfence  }
0xb7: {  	s30 =	sld [smem:$0x0];
	_ =	sdelay $0x2  }
0xb8: {  	s31 =	sshll.u32 s1, $0xD;
	s1 =	sshrl.u32 s1, $0x2  }
0xb9: {  	s3 =	sand.u32 $0x4000, s31;
	s1 =	sadd.s32 s1, s30  }
0xba: {  	s0 =	sor.u32 s3, s0;
	s1 =	sshll.u32 s1, $0x11  }
0xbb: {  	s0 =	sor.u32 s1, s0  }
0xbc: {  	s0 =	sadd.s32 $0x8F2B, s0  }
0xbd: {  	[sflag:s0] =	ssyncadd.remote.s32 $0x1  }
0xbe: {  	_ =	sfence.sel $0xFFFF  }
0xbf: {  	[dreg:$0x0] =	wrdreg $0xFFFFFFFF;
	(pc) =	sbr.abs _section_cstart, $3  }
0xc0: {  	[dreg:$0x1] =	wrdreg $0xFFFFFFFF  }
0xc1: {  	_ =	task.clear_ibuf [dreg:s6], $0x2FFFF;
	_ =	strace $0x9FFFFFFF  }
0xc2: {  	(tm) =	ssettm $0x7FFFFFFF  }
0xc3: {  	_ =	shalt  }
tec
execute0_lowered:
.L_overlay_start_1:
0x0: {  	(tag) =	ssettag $0x1  }
0x1: {  	s5 =	rddreg [dreg:$0x0]  }
0x2: {  	s1 =	rddreg [dreg:$0x1];
	s2 =	srdreg.scid  }
0x3: {  	s0 =	rddreg [dreg:$0x2];
	s3 =	simm.s32 $0x0;
	s6 =	sand.u32 $0x1, s2  }
0x4: {  	s13 =	simm.s32 $0x100;
	s2 =	stileid.u32;
	s7 =	smul.u32 $0x13880, s6  }
0x5: {  	s14 =	simm.s32 $0xC8;
	s15 =	simm.s32 $0x200;
	s8 =	smul.u32 $0x1388, s2  }
0x6: {  	s16 =	simm.s32 $0x1;
	s17 =	simm.s32 $0x0;
	s9 =	smul.u32 $0x2800, s2  }
0x7: {  	[smem:$0x7FF] =	sst s3;
	s4 =	sadd.s32 $0x43E00, s5;
	s26 =	smul.u32 $0x28000, s6  }
0x8: {  	_ =	strace $0x8000004A;
	s6 =	ssub.s32 $0x2, s6;
	s10 =	smul.u32 $0x50000, s2  }
0x9: {  	s31 =	sshll.u32 s2, $0x6;
	s29 =	sshrl.u32 s6, $0x1;
	s7 =	sadd.s32 s8, s7  }
0xa: {  	s28 =	sadd.s32 s9, s26;
	s8 =	ssub.s32 s6, s29;
	s30 =	sshrl.u32 s10, $0x2  }
0xb: {  	s6 =	sor.u32 $0x1C02, s31;
	s7 =	sshrl.u32 s7, $0x3;
	s12 =	sadd.s32 s30, s1  }
0xc: {  	s8 =	smax.u32 s8, $0x1;
	s11 =	sadd.s32 s7, s5;
	s7 =	sadd.s32 s28, s5  }
0xd: {  	s5 =	sadd.s32 s4, s9;
	s7 =	sadd.s32 $0x6BE00, s7;
	s9 =	sadd.s32 $0x6E00, s11  }
0xe: {  	s10 =	sadd.s32 $0xBE00, s11;
	s11 =	sshrl.u32 s12, $0x3;
	s12 =	simm.s32 $0x2  }
.LBB2_1:
0xf: {  	[spmem:s11], [sflag:s6] =	dma.local [hbm:s5], $0x2800  }
0x10: {  	_ =	swait.ge [sflag:s12], $0x2800  }
0x11: {  	[sflag:s12] =	ssyncset.done $0x0  }
0x12: {  	[sflag:s12] =	ssyncadd.s32 $0xFFFFD800  }
0x13: {  	s18 =	sadd.s32 $0x0, s10;
	[bflag:$0x0] =	sbarrier.arrive $0xFFFF  }
0x14: {  	[tilespmem:s3], [sflag:$0x2] =	stream.linear.gather [hbm4b:s18+s3], $0xC8, $0x38;
	[tilespmem:$0x1A600] =	vst v63  }
0x15: {  	_ =	swait.ge [sflag:s12], $0xC8  }
0x16: {  	[sflag:s12] =	ssyncset.done $0x0  }
0x17: {  	s31 =	sadd.s32 $0x0, s9;
	[sflag:s12] =	ssyncadd.s32 $0xFFFFFF38  }
0x18: {  	[tilespmem:s13], [sflag:$0x2] =	stream.linear.gather [hbm4b:s31+s3], $0xC8, $0x38;
	[tilespmem:$0x1A600] =	vst v63  }
0x19: {  	_ =	swait.ge [sflag:s12], $0xC8  }
0x1a: {  	[sflag:s12] =	ssyncset.done $0x0  }
0x1b: {  	[sflag:s12] =	ssyncadd.s32 $0xFFFFFF38  }
0x1c: {  	[tilespmem:s15], [sflag:$0x1] =	stream.indirect.gather [hbm4b:s4+s14], $0x80, s3, s14, $0xb8;
	[tilespmem:$0x1A600] =	vst v63  }
0x1d: {  	_ =	swait.ge [sflag:s16], $0x6400  }
0x1e: {  	[sflag:s16] =	ssyncset.done $0x0  }
0x1f: {  	[sflag:s16] =	ssyncadd.s32 $0xFFFF9C00  }
0x20: {  	[spmem:s1] =	stream.indirect.scatter.add.f32 [tilespmem:s15], [sflag:$0x2], $0x80, s13, s14, $0xb8;
	[tilespmem:$0x1A600] =	vst v63  }
0x21: {  	_ =	swait.ge [sflag:s12], $0x6400  }
0x22: {  	s19 =	simm.s32 $0x32;
	s18 =	simm.s32 $0x19;
	[sflag:s12] =	ssyncset.done $0x0  }
.LBB2_2:
0x23: {  	s20 =	sadd.s32 s18, s10  }
0x24: {  	[sflag:s12] =	ssyncadd.s32 $0xFFFF9C00;
	s21 =	smov.u32 s19;
	s22 =	sadd.s32 $0x19, s19  }
0x25: {  	[tilespmem:s3], [sflag:$0x2] =	stream.linear.gather [hbm4b:s20+s3], $0xC8, $0x38;
	[tilespmem:$0x1A600] =	vst v63  }
0x26: {  	p0 =	sne.s32 s19, $0x258;
	_ =	swait.ge [sflag:s12], $0xC8  }
0x27: {  	[sflag:s12] =	ssyncset.done $0x0  }
0x28: {  	s19 =	sadd.s32 s18, s9;
	s18 =	smov.u32 s21;
	[sflag:s12] =	ssyncadd.s32 $0xFFFFFF38  }
0x29: {  	[tilespmem:s13], [sflag:$0x2] =	stream.linear.gather [hbm4b:s19+s3], $0xC8, $0x38;
	[tilespmem:$0x1A600] =	vst v63  }
0x2a: {  	_ =	swait.ge [sflag:s12], $0xC8  }
0x2b: {  	[sflag:s12] =	ssyncset.done $0x0  }
0x2c: {  	[sflag:s12] =	ssyncadd.s32 $0xFFFFFF38  }
0x2d: {  	[tilespmem:s15], [sflag:$0x1] =	stream.indirect.gather [hbm4b:s4+s14], $0x80, s3, s14, $0xb8;
	[tilespmem:$0x1A600] =	vst v63  }
0x2e: {  	_ =	swait.ge [sflag:s16], $0x6400  }
.Ltmp0:
0x2f: {  	[sflag:s16] =	ssyncset.done $0x0;
	(pc) =	sbr.rel @p0 .LBB2_2-.Ltmp0, $4  }
0x30: {  	[sflag:s16] =	ssyncadd.s32 $0xFFFF9C00  }
0x31: {  	[spmem:s1] =	stream.indirect.scatter.add.f32 [tilespmem:s15], [sflag:$0x2], $0x80, s13, s14, $0xb8;
	[tilespmem:$0x1A600] =	vst v63  }
0x32: {  	_ =	swait.ge [sflag:s12], $0x6400  }
0x33: {  	s19 =	smov.u32 s22;
	[sflag:s12] =	ssyncset.done $0x0  }
0x34: {  	s19 =	sadd.s32 s18, s10;
	[sflag:s12] =	ssyncadd.s32 $0xFFFF9C00  }
0x35: {  	[tilespmem:s3], [sflag:$0x2] =	stream.linear.gather [hbm4b:s19+s3], $0xC8, $0x38;
	[tilespmem:$0x1A600] =	vst v63  }
0x36: {  	_ =	swait.ge [sflag:s12], $0xC8  }
0x37: {  	[sflag:s12] =	ssyncset.done $0x0  }
0x38: {  	s31 =	sadd.s32 s18, s9;
	[sflag:s12] =	ssyncadd.s32 $0xFFFFFF38  }
0x39: {  	[tilespmem:s13], [sflag:$0x2] =	stream.linear.gather [hbm4b:s31+s3], $0xC8, $0x38;
	[tilespmem:$0x1A600] =	vst v63  }
0x3a: {  	_ =	swait.ge [sflag:s12], $0xC8  }
0x3b: {  	[sflag:s12] =	ssyncset.done $0x0  }
0x3c: {  	[sflag:s12] =	ssyncadd.s32 $0xFFFFFF38  }
0x3d: {  	[tilespmem:s15], [sflag:$0x1] =	stream.indirect.gather [hbm4b:s4+s14], $0x80, s3, s14, $0xb8;
	[tilespmem:$0x1A600] =	vst v63  }
0x3e: {  	_ =	swait.ge [sflag:s16], $0x6400  }
0x3f: {  	[sflag:s16] =	ssyncset.done $0x0  }
0x40: {  	[sflag:s16] =	ssyncadd.s32 $0xFFFF9C00  }
0x41: {  	[spmem:s1] =	stream.indirect.scatter.add.f32 [tilespmem:s15], [sflag:$0x2], $0x80, s13, s14, $0xb8;
	[tilespmem:$0x1A600] =	vst v63  }
0x42: {  	_ =	swait.ge [sflag:s12], $0x6400  }
0x43: {  	s17 =	sadd.s32 $0x1, s17;
	[sflag:s12] =	ssyncset.done $0x0  }
0x44: {  	p0 =	sne.s32 s17, s8;
	[sflag:s12] =	ssyncadd.s32 $0xFFFF9C00  }
.Ltmp1:
0x45: {  	[bflag:$0x0] =	sbarrier.arrive $0xFFFF;
	(pc) =	sbr.rel @p0 .LBB2_1-.Ltmp1, $4  }
0x46: {  	[hbm:s7], [sflag:s6] =	dma.local [spmem:s11], $0x2800  }
0x47: {  	_ =	swait.ge [sflag:s12], $0x2800  }
0x48: {  	[sflag:s12] =	ssyncset.done $0x0  }
0x49: {  	[sflag:s12] =	ssyncadd.s32 $0xFFFFD800  }
0x4a: {  	_ =	sfence.sel $0x180000  }
0x4b: {  	[bflag:$0x0] =	sbarrier.arrive $0xFFFF  }
0x4c: {  	p0 =	sne.s32 s2, $0x0;
	_ =	strace $0x9000004A  }
0x4d: {  	s0 =	sadd.s32 @!p0 $0x100000, s0;
	[bflag:$0x2] =	sbarrier.arrive $0xFFFF  }
0x4e: {  	[sflag:s0] =	ssyncadd.tile.s32 @!p0 $0x1;
	_ =	shalt  }
.Lfunc_end2:
_tile_overlayer_lowered:
.L_overlay_start_2:
0x4f: {  	(tag) =	ssettag $0x2  }
0x50: {  	s0 =	rddreg [dreg:$0x0];
	s2 =	stileid.u32  }
0x51: {  	s1 =	rddreg [dreg:$0x1];
	p0 =	sne.s32 s2, $0x0  }
0x52: {  	s3 =	rddreg [dreg:$0x2];
	[bflag:$0x3] =	sbarrier.arrive $0xFFFF;
	s2 =	simm.s32 @!p0 $0x1C02  }
0x53: {  	[timem:s3], [sflag:s2] =	dma.local @!p0 [hbm:s0], s1  }
0x54: {  	s0 =	simm.s32 @!p0 $0x2  }
0x55: {  	_ =	swait.ge @!p0 [sflag:s0], s1  }
0x56: {  	s1 =	ssub.s32 @!p0 $0x0, s1;
	[sflag:s0] =	ssyncset.done @!p0 $0x0  }
0x57: {  	[sflag:s0] =	ssyncadd.s32 @!p0 s1  }
0x58: {  	[bflag:$0x3] =	sbarrier.arrive $0xFFFF  }
0x59: {  	_ =	shalt  }

// kernel: kernel.30.cloned.1.call-start
scs
__scs_entry_jumppad:
0x0: {  	(pc) =	sbr.rel $0x88, $3  }
0x1: {  	(tag) =	ssettag $0x0;
	lr =	simm.s32 $0x1  }
0x2: {  	[smem:$0x3F8E] =	sst lr;
	_ =	strace $0xD0000000  }
0x3: {  	_ = 	snop  }
0x4: {  	_ = 	snop  }
0x5: {  	_ = 	snop  }
0x6: {  	_ = 	snop  }
0x7: {  	_ = 	snop  }
__scs_overlays_trampoline_lowered:
0x8: {  	[smem:$0x3F9D] =	sst s0  }
0x9: {  	[smem:$0x3F9E] =	sst s1  }
0xa: {  	[smem:$0x3F9F] =	sst s2  }
0xb: {  	[smem:$0x3FA0] =	sst s3  }
0xc: {  	[smem:$0x3FA1] =	sst s4  }
0xd: {  	[smem:$0x3FA2] =	sst s5  }
0xe: {  	[smem:$0x3FA3] =	sst s6  }
0xf: {  	[smem:$0x3FA4] =	sst s7  }
0x10: {  	[smem:$0x3FA5] =	sst s8  }
0x11: {  	[smem:$0x3FA6] =	sst s9;
	s0 =	simm.s32 @!p0 $0x0  }
0x12: {  	s1 =	sld [smem:$0x3F8C];
	s0 =	simm.s32 @p0 $0x1  }
0x13: {  	[smem:$0x3FA7] =	sst s0;
	s0 =	simm.s32 @!p1 $0x0  }
0x14: {  	s2 =	sld [smem:$0x3F8B];
	s0 =	simm.s32 @p1 $0x1  }
0x15: {  	[smem:$0x3FA8] =	sst s0;
	s0 =	simm.s32 @!p2 $0x0  }
0x16: {  	s3 =	sld [smem:$0x3FDB];
	s0 =	simm.s32 @p2 $0x1  }
0x17: {  	s4 =	simm.s32 $0x1BF5;
	[smem:$0x3FAA] =	sst s0  }
0x18: {  	s0 =	sld [smem:$0x3F8D];
	_ =	swait.ge [sflag:s4], $0x0  }
0x19: {  	s7 =	sld [smem:$0x3F8E]  }
0x1a: {  	s8 =	sadd.s32 $0xFFFFE003, lr  }
0x1b: {  	s9 =	sadd.s32 $0xFFFFFEF7, lr;
	s5 =	simm.s32 $0xFFFFFFFF;
	p2 =	slt.u32 s8, $0xFFFFF086  }
0x1c: {  	p1 =	slt.u32 s9, $0xF7A;
	s5 =	simm.s32 @!p2 $0x0  }
0x1d: {  	s5 =	simm.s32 @p1 $0x1;
	p0 =	seq.s32 s7, s2  }
0x1e: {  	s7 =	smul.u32 @!p0 $0xF7A, s2;
	p2 =	seq.s32 @!p0 s5, $0x0  }
0x1f: {  	s9 =	smul.u32 $0xF7A, s1;
	s8 =	simm.s32 @!p0 $0x1BF5;
	p2 =	por !p2, p0  }
0x20: {  	[sflag:s8] =	ssyncset.s32 @!p0 $0xFFFFF086;
	s6 =	sadd.s32 @!p0 s3, s7;
	s7 =	simm.s32 @!p0 $0x108  }
0x21: {  	s3 =	sadd.s32 s3, s9;
	s6 =	sadd.s32 @!p0 $0x88, s6;
	s7 =	simm.s32 @p2 $0x1082  }
0x22: {  	[simem:s7], [sflag:s8] =	dma.local @!p0 [hbm:s6], $0xF7A  }
0x23: {  	s9 =	sor.u32 $0xD0000000, s2;
	s6 =	simm.s32 $0x108;
	_ =	swait.ge @!p0 [sflag:s8], $0x0  }
0x24: {  	s3 =	sadd.s32 $0x88, s3;
	s6 =	simm.s32 @!p1 $0x1082;
	[sflag:s4] =	ssyncset.s32 $0xFFFFF086  }
0x25: {  	[simem:s6], [sflag:s4] =	dma.local [hbm:s3], $0xF7A  }
0x26: {  	[smem:$0x3F8E] =	sst s1;
	(tag) =	ssettag s2;
	_ =	strace s9  }
0x27: {  	s1 =	sld [smem:$0x3F9E]  }
0x28: {  	s2 =	sld [smem:$0x3F9F]  }
0x29: {  	s4 =	sld [smem:$0x3FA1]  }
0x2a: {  	p0 =	seq.s32 s5, $0x0;
	s5 =	sld [smem:$0x3FA2]  }
0x2b: {  	s6 =	sld [smem:$0x3FA3]  }
0x2c: {  	s7 =	sld [smem:$0x3FA4]  }
0x2d: {  	s3 =	simm.s32 $0x108;
	s8 =	sld [smem:$0x3FA5]  }
0x2e: {  	s3 =	simm.s32 @!p0 $0x1082;
	s9 =	sld [smem:$0x3FA6]  }
0x2f: {  	lr =	sadd.s32 s0, s3;
	s0 =	sld [smem:$0x3F9D]  }
0x30: {  	s3 =	sld [smem:$0x3FA0]  }
0x31: {  	[smem:$0x3FA9] =	sst s10  }
0x32: {  	s10 =	sld [smem:$0x3FA7];
	_ =	sdelay $0x3  }
0x33: {  	p0 =	seq.s32 s10, $0x1;
	s10 =	sld [smem:$0x3FA9];
	_ =	sdelay $0x3  }
0x34: {  	[smem:$0x3FA9] =	sst s10  }
0x35: {  	s10 =	sld [smem:$0x3FA8];
	_ =	sdelay $0x3  }
0x36: {  	p1 =	seq.s32 s10, $0x1;
	s10 =	sld [smem:$0x3FA9];
	_ =	sdelay $0x3  }
0x37: {  	[smem:$0x3FA9] =	sst s10  }
0x38: {  	s10 =	sld [smem:$0x3FAA]  }
0x39: {  	_ = 	snop;
	(pc) =	sbr.ind lr, $3  }
0x3a: {  	_ = 	snop  }
0x3b: {  	_ = 	snop  }
0x3c: {  	p2 =	seq.s32 s10, $0x1;
	s10 =	sld [smem:$0x3FA9]  }
0x3d: {  	_ =	shalt  }
0x3e: {  	_ =	shalt  }
0x3f: {  	_ =	shalt  }
0x40: {  	_ =	shalt  }
0x41: {  	_ =	shalt  }
0x42: {  	_ =	shalt  }
0x43: {  	_ =	shalt  }
0x44: {  	_ =	shalt  }
0x45: {  	_ =	shalt  }
0x46: {  	_ =	shalt  }
0x47: {  	_ =	shalt  }
0x48: {  	_ =	shalt  }
0x49: {  	_ =	shalt  }
0x4a: {  	_ =	shalt  }
0x4b: {  	_ =	shalt  }
0x4c: {  	_ =	shalt  }
0x4d: {  	_ =	shalt  }
0x4e: {  	_ =	shalt  }
0x4f: {  	_ =	shalt  }
0x50: {  	_ =	shalt  }
0x51: {  	_ =	shalt  }
0x52: {  	_ =	shalt  }
0x53: {  	_ =	shalt  }
0x54: {  	_ =	shalt  }
0x55: {  	_ =	shalt  }
0x56: {  	_ =	shalt  }
0x57: {  	_ =	shalt  }
0x58: {  	_ =	shalt  }
0x59: {  	_ =	shalt  }
0x5a: {  	_ =	shalt  }
0x5b: {  	_ =	shalt  }
0x5c: {  	_ =	shalt  }
0x5d: {  	_ =	shalt  }
0x5e: {  	_ =	shalt  }
0x5f: {  	_ =	shalt  }
0x60: {  	_ =	shalt  }
0x61: {  	_ =	shalt  }
0x62: {  	_ =	shalt  }
0x63: {  	_ =	shalt  }
0x64: {  	_ =	shalt  }
0x65: {  	_ =	shalt  }
0x66: {  	_ =	shalt  }
0x67: {  	_ =	shalt  }
0x68: {  	_ =	shalt  }
0x69: {  	_ =	shalt  }
0x6a: {  	_ =	shalt  }
0x6b: {  	_ =	shalt  }
0x6c: {  	_ =	shalt  }
0x6d: {  	_ =	shalt  }
0x6e: {  	_ =	shalt  }
0x6f: {  	_ =	shalt  }
0x70: {  	_ =	shalt  }
0x71: {  	_ =	shalt  }
0x72: {  	_ =	shalt  }
0x73: {  	_ =	shalt  }
0x74: {  	_ =	shalt  }
0x75: {  	_ =	shalt  }
0x76: {  	_ =	shalt  }
0x77: {  	_ =	shalt  }
0x78: {  	_ =	shalt  }
0x79: {  	_ =	shalt  }
0x7a: {  	_ =	shalt  }
0x7b: {  	_ =	shalt  }
0x7c: {  	_ =	shalt  }
0x7d: {  	_ =	shalt  }
0x7e: {  	_ =	shalt  }
0x7f: {  	_ =	shalt  }
0x80: {  	_ =	shalt  }
0x81: {  	_ =	shalt  }
0x82: {  	_ =	shalt  }
0x83: {  	_ =	shalt  }
0x84: {  	_ =	shalt  }
0x85: {  	_ =	shalt  }
0x86: {  	_ =	shalt  }
0x87: {  	_ =	shalt  }
.Lfunc_end0:
.L_simem_size_0:
called_computation.2_lowered:
.L_overlay_start_0:
0x88: {  	s2 =	sld [smem:$0x3FD9]  }
0x89: {  	s3 =	sld [smem:$0x3FFE];
	_ =	sdelay $0x1  }
0x8a: {  	s1 =	srdreg.scid  }
0x8b: {  	s0 =	sand.u32 $0x1, s1  }
0x8c: {  	s16 =	sshll.u32 s0, $0xA;
	s2 =	sadd.s32 s3, s2  }
0x8d: {  	s2 =	sadd.s32 s2, s16  }
0x8e: {  	[smem:$0x3FB5] =	sst s2  }
0x8f: {  	_ = 	snop  }
0x90: {  	(tm) =	ssettm $0x1  }
0x91: {  	s17 =	sld [smem:$0x3FFB];
	_ =	sdelay $0x3  }
0x92: {  	_ =	strace s17  }
0x93: {  	s2 =	sld [smem:$0x3FFC];
	_ =	sdelay $0x3  }
0x94: {  	_ =	strace s2  }
0x95: {  	s2 =	sld [smem:$0x3FFD];
	_ =	sdelay $0x3  }
0x96: {  	_ =	strace s2  }
0x97: {  	_ =	strace $0x8FFFFFFF  }
0x98: {  	s18 =	sld [smem:$0x3FDB];
	_ =	sdelay $0x1  }
0x99: {  	s19 =	simm.s32 $_scs_section_size  }
0x9a: {  	s4 =	simm.s32 $_size__tile_overlayer_lowered;
	s5 =	simm.s32 $_tile_overlayer_lowered  }
0x9b: {  	s22 =	simm.s32 $0x1BFF;
	s21 =	sshll.u32 s5, $0x1;
	s2 =	sadd.s32 s19, s18  }
0x9c: {  	s6 =	simm.s32 $0x0;
	s20 =	sshll.u32 s4, $0x1;
	s4 =	sadd.s32 s21, s2  }
0x9d: {  	[timem:s6], [sflag:s22] =	dma.local [hbm:s4], s20  }
0x9e: {  	_ =	swait.ge [sflag:s22], s20  }
0x9f: {  	s3 =	ssub.s32 $0x0, s20;
	[sflag:s22] =	ssyncset.done $0x0  }
0xa0: {  	[sflag:s22] =	ssyncadd.s32 s3;
	_ =	sdelay $0x1  }
0xa1: {  	s23 =	simm.s32 $0x1B8B  }
0xa2: {  	_ =	swait.ge [sflag:s23], $0x1  }
0xa3: {  	[sflag:s23] =	ssyncset.done $0x0  }
0xa4: {  	s25 =	simm.s32 $0x1B8E;
	s24 =	sld [smem:$0x3FFE];
	[sflag:s23] =	ssyncadd.s32 $0xFFFFFFFF  }
0xa5: {  	s26 =	simm.s32 $execute0_lowered;
	[smem:$0x3FD2] =	sst s25  }
0xa6: {  	s4 =	sshll.u32 s26, $0x1;
	_ =	strace $0x8000004C;
	[dreg:$0x1] =	wrdreg $0xFFFFFFFF  }
0xa7: {  	s28 =	simm.s32 $_size_execute0_lowered;
	s2 =	sadd.s32 s2, s4;
	[dreg:$0x0] =	wrdreg $0x0  }
0xa8: {  	s4 =	sshll.u32 s28, $0x1;
	[dreg:$0x2] =	wrdreg s2  }
0xa9: {  	[dreg:$0x3] =	wrdreg s4  }
0xaa: {  	[dreg:$0x4] =	wrdreg $0xC0  }
0xab: {  	_ =	task [dreg:s6], $0x5FFFF  }
0xac: {  	[dreg:$0x1] =	wrdreg $0xFFFFFFFF  }
0xad: {  	[dreg:$0x0] =	wrdreg $0x60  }
0xae: {  	[dreg:$0x2] =	wrdreg s24  }
0xaf: {  	[dreg:$0x3] =	wrdreg $0x66000  }
0xb0: {  	[dreg:$0x4] =	wrdreg $0x9  }
0xb1: {  	_ =	task.clear_ibuf [dreg:s6], $0x5FFFF;
	_ =	strace $0x9000004C  }
0xb2: {  	s29 =	simm.s32 $0x9;
	_ =	strace $0x8000004E  }
0xb3: {  	_ =	swait.ge [sflag:s29], $0x1  }
0xb4: {  	[sflag:s29] =	ssyncadd.s32 $0xFFFFFFFF  }
0xb5: {  	_ =	strace $0x9000004E  }
0xb6: {  	_ =	sfence  }
0xb7: {  	s30 =	sld [smem:$0x0];
	_ =	sdelay $0x2  }
0xb8: {  	s31 =	sshll.u32 s1, $0xD;
	s1 =	sshrl.u32 s1, $0x2  }
0xb9: {  	s3 =	sand.u32 $0x4000, s31;
	s1 =	sadd.s32 s1, s30  }
0xba: {  	s0 =	sor.u32 s3, s0;
	s1 =	sshll.u32 s1, $0x11  }
0xbb: {  	s0 =	sor.u32 s1, s0  }
0xbc: {  	s0 =	sadd.s32 $0x8F2B, s0  }
0xbd: {  	[sflag:s0] =	ssyncadd.remote.s32 $0x1  }
0xbe: {  	_ =	sfence.sel $0xFFFF  }
0xbf: {  	[dreg:$0x0] =	wrdreg $0xFFFFFFFF;
	(pc) =	sbr.abs _section_cstart, $3  }
0xc0: {  	[dreg:$0x1] =	wrdreg $0xFFFFFFFF  }
0xc1: {  	_ =	task.clear_ibuf [dreg:s6], $0x2FFFF;
	_ =	strace $0x9FFFFFFF  }
0xc2: {  	(tm) =	ssettm $0x7FFFFFFF  }
0xc3: {  	_ =	shalt  }
tec
execute0_lowered:
.L_overlay_start_1:
0x0: {  	(tag) =	ssettag $0x1  }
0x1: {  	s1 =	srdreg.scid  }
0x2: {  	s0 =	stileid.u32;
	s5 =	rddreg [dreg:$0x0]  }
0x3: {  	s2 =	rddreg [dreg:$0x1];
	s3 =	simm.s32 $0x0;
	s4 =	smul.u32 $0x2710, s0  }
0x4: {  	s14 =	simm.s32 $0xC8;
	s15 =	simm.s32 $0x200;
	s9 =	smul.u32 $0x280, s0  }
0x5: {  	s16 =	simm.s32 $0x1;
	s17 =	simm.s32 $0x0;
	s26 =	smul.u32 $0x4E2, s0  }
0x6: {  	s6 =	sand.u32 $0x1, s1;
	s1 =	rddreg [dreg:$0x2];
	s28 =	smul.u32 $0x50000, s0  }
0x7: {  	[smem:$0x7FF] =	sst s3;
	s31 =	sshll.u32 s0, $0x6;
	s7 =	smul.u32 $0x27100, s6  }
0x8: {  	s25 =	smul.u32 $0x2800, s6;
	_ =	strace $0x8000004D;
	s6 =	ssub.s32 $0x2, s6  }
0x9: {  	s11 =	sadd.s32 s26, s5;
	s29 =	sshrl.u32 s6, $0x1;
	s30 =	sshrl.u32 s28, $0x2  }
0xa: {  	s4 =	sadd.s32 s4, s7;
	s7 =	sadd.s32 s9, s25;
	s13 =	sadd.s32 s30, s2  }
0xb: {  	s9 =	sadd.s32 $0x6E00, s11;
	s8 =	sshrl.u32 s4, $0x3;
	s4 =	sadd.s32 $0xC5C00, s5  }
0xc: {  	s7 =	sshll.u32 s7, $0x4;
	s11 =	sshrl.u32 s13, $0x3;
	s13 =	simm.s32 $0x100  }
0xd: {  	s10 =	sadd.s32 s8, s5;
	s12 =	sadd.s32 s7, s5;
	s8 =	ssub.s32 s6, s29  }
0xe: {  	s5 =	sadd.s32 s4, s7;
	s6 =	sor.u32 $0x1C02, s31;
	s7 =	sadd.s32 $0x115C00, s12  }
0xf: {  	s8 =	smax.u32 s8, $0x1;
	s10 =	sadd.s32 $0xBBE00, s10;
	s12 =	simm.s32 $0x2  }
.LBB2_1:
0x10: {  	[spmem:s11], [sflag:s6] =	dma.local [hbm:s5], $0x2800  }
0x11: {  	_ =	swait.ge [sflag:s12], $0x2800  }
0x12: {  	[sflag:s12] =	ssyncset.done $0x0  }
0x13: {  	[sflag:s12] =	ssyncadd.s32 $0xFFFFD800  }
0x14: {  	s18 =	sadd.s32 $0x0, s10;
	[bflag:$0x0] =	sbarrier.arrive $0xFFFF  }
0x15: {  	[tilespmem:s3], [sflag:$0x2] =	stream.linear.gather [hbm4b:s18+s3], $0xC8, $0x38;
	[tilespmem:$0x1A600] =	vst v63  }
0x16: {  	_ =	swait.ge [sflag:s12], $0xC8  }
0x17: {  	[sflag:s12] =	ssyncset.done $0x0  }
0x18: {  	s31 =	sadd.s32 $0x0, s9;
	[sflag:s12] =	ssyncadd.s32 $0xFFFFFF38  }
0x19: {  	[tilespmem:s13], [sflag:$0x2] =	stream.linear.gather [hbm4b:s31+s3], $0xC8, $0x38;
	[tilespmem:$0x1A600] =	vst v63  }
0x1a: {  	_ =	swait.ge [sflag:s12], $0xC8  }
0x1b: {  	[sflag:s12] =	ssyncset.done $0x0  }
0x1c: {  	[sflag:s12] =	ssyncadd.s32 $0xFFFFFF38  }
0x1d: {  	[tilespmem:s15], [sflag:$0x1] =	stream.indirect.gather [hbm4b:s4+s14], $0x80, s3, s14, $0xb8;
	[tilespmem:$0x1A600] =	vst v63  }
0x1e: {  	_ =	swait.ge [sflag:s16], $0x6400  }
0x1f: {  	[sflag:s16] =	ssyncset.done $0x0  }
0x20: {  	[sflag:s16] =	ssyncadd.s32 $0xFFFF9C00  }
0x21: {  	[spmem:s2] =	stream.indirect.scatter.add.f32 [tilespmem:s15], [sflag:$0x2], $0x80, s13, s14, $0xb8;
	[tilespmem:$0x1A600] =	vst v63  }
0x22: {  	_ =	swait.ge [sflag:s12], $0x6400  }
0x23: {  	s19 =	simm.s32 $0x32;
	s18 =	simm.s32 $0x19;
	[sflag:s12] =	ssyncset.done $0x0  }
.LBB2_2:
0x24: {  	s20 =	sadd.s32 s18, s10  }
0x25: {  	[sflag:s12] =	ssyncadd.s32 $0xFFFF9C00;
	s21 =	smov.u32 s19;
	s22 =	sadd.s32 $0x19, s19  }
0x26: {  	[tilespmem:s3], [sflag:$0x2] =	stream.linear.gather [hbm4b:s20+s3], $0xC8, $0x38;
	[tilespmem:$0x1A600] =	vst v63  }
0x27: {  	p0 =	sne.s32 s19, $0x4C9;
	_ =	swait.ge [sflag:s12], $0xC8  }
0x28: {  	[sflag:s12] =	ssyncset.done $0x0  }
0x29: {  	s19 =	sadd.s32 s18, s9;
	s18 =	smov.u32 s21;
	[sflag:s12] =	ssyncadd.s32 $0xFFFFFF38  }
0x2a: {  	[tilespmem:s13], [sflag:$0x2] =	stream.linear.gather [hbm4b:s19+s3], $0xC8, $0x38;
	[tilespmem:$0x1A600] =	vst v63  }
0x2b: {  	_ =	swait.ge [sflag:s12], $0xC8  }
0x2c: {  	[sflag:s12] =	ssyncset.done $0x0  }
0x2d: {  	[sflag:s12] =	ssyncadd.s32 $0xFFFFFF38  }
0x2e: {  	[tilespmem:s15], [sflag:$0x1] =	stream.indirect.gather [hbm4b:s4+s14], $0x80, s3, s14, $0xb8;
	[tilespmem:$0x1A600] =	vst v63  }
0x2f: {  	_ =	swait.ge [sflag:s16], $0x6400  }
.Ltmp0:
0x30: {  	[sflag:s16] =	ssyncset.done $0x0;
	(pc) =	sbr.rel @p0 .LBB2_2-.Ltmp0, $4  }
0x31: {  	[sflag:s16] =	ssyncadd.s32 $0xFFFF9C00  }
0x32: {  	[spmem:s2] =	stream.indirect.scatter.add.f32 [tilespmem:s15], [sflag:$0x2], $0x80, s13, s14, $0xb8;
	[tilespmem:$0x1A600] =	vst v63  }
0x33: {  	_ =	swait.ge [sflag:s12], $0x6400  }
0x34: {  	s19 =	smov.u32 s22;
	[sflag:s12] =	ssyncset.done $0x0  }
0x35: {  	s19 =	sadd.s32 s18, s10;
	[sflag:s12] =	ssyncadd.s32 $0xFFFF9C00  }
0x36: {  	[tilespmem:s3], [sflag:$0x2] =	stream.linear.gather [hbm4b:s19+s3], $0xC8, $0x38;
	[tilespmem:$0x1A600] =	vst v63  }
0x37: {  	_ =	swait.ge [sflag:s12], $0xC8  }
0x38: {  	[sflag:s12] =	ssyncset.done $0x0  }
0x39: {  	s31 =	sadd.s32 s18, s9;
	[sflag:s12] =	ssyncadd.s32 $0xFFFFFF38  }
0x3a: {  	[tilespmem:s13], [sflag:$0x2] =	stream.linear.gather [hbm4b:s31+s3], $0xC8, $0x38;
	[tilespmem:$0x1A600] =	vst v63  }
0x3b: {  	_ =	swait.ge [sflag:s12], $0xC8  }
0x3c: {  	[sflag:s12] =	ssyncset.done $0x0  }
0x3d: {  	[sflag:s12] =	ssyncadd.s32 $0xFFFFFF38  }
0x3e: {  	[tilespmem:s15], [sflag:$0x1] =	stream.indirect.gather [hbm4b:s4+s14], $0x80, s3, s14, $0xb8;
	[tilespmem:$0x1A600] =	vst v63  }
0x3f: {  	_ =	swait.ge [sflag:s16], $0x6400  }
0x40: {  	[sflag:s16] =	ssyncset.done $0x0  }
0x41: {  	[sflag:s16] =	ssyncadd.s32 $0xFFFF9C00  }
0x42: {  	[spmem:s2] =	stream.indirect.scatter.add.f32 [tilespmem:s15], [sflag:$0x2], $0x80, s13, s14, $0xb8;
	[tilespmem:$0x1A600] =	vst v63  }
0x43: {  	_ =	swait.ge [sflag:s12], $0x6400  }
0x44: {  	s17 =	sadd.s32 $0x1, s17;
	[sflag:s12] =	ssyncset.done $0x0  }
0x45: {  	p0 =	sne.s32 s17, s8;
	[sflag:s12] =	ssyncadd.s32 $0xFFFF9C00  }
.Ltmp1:
0x46: {  	[bflag:$0x0] =	sbarrier.arrive $0xFFFF;
	(pc) =	sbr.rel @p0 .LBB2_1-.Ltmp1, $4  }
0x47: {  	[hbm:s7], [sflag:s6] =	dma.local [spmem:s11], $0x2800  }
0x48: {  	_ =	swait.ge [sflag:s12], $0x2800  }
0x49: {  	[sflag:s12] =	ssyncset.done $0x0  }
0x4a: {  	[sflag:s12] =	ssyncadd.s32 $0xFFFFD800  }
0x4b: {  	_ =	sfence.sel $0x180000  }
0x4c: {  	[bflag:$0x0] =	sbarrier.arrive $0xFFFF  }
0x4d: {  	p0 =	sne.s32 s0, $0x0;
	_ =	strace $0x9000004D  }
0x4e: {  	s0 =	sadd.s32 @!p0 $0x100000, s1;
	[bflag:$0x2] =	sbarrier.arrive $0xFFFF  }
0x4f: {  	[sflag:s0] =	ssyncadd.tile.s32 @!p0 $0x1;
	_ =	shalt  }
.Lfunc_end2:
_tile_overlayer_lowered:
.L_overlay_start_2:
0x50: {  	(tag) =	ssettag $0x2  }
0x51: {  	s0 =	rddreg [dreg:$0x0];
	s2 =	stileid.u32  }
0x52: {  	s1 =	rddreg [dreg:$0x1];
	p0 =	sne.s32 s2, $0x0  }
0x53: {  	s3 =	rddreg [dreg:$0x2];
	[bflag:$0x3] =	sbarrier.arrive $0xFFFF;
	s2 =	simm.s32 @!p0 $0x1C02  }
0x54: {  	[timem:s3], [sflag:s2] =	dma.local @!p0 [hbm:s0], s1  }
0x55: {  	s0 =	simm.s32 @!p0 $0x2  }
0x56: {  	_ =	swait.ge @!p0 [sflag:s0], s1  }
0x57: {  	s1 =	ssub.s32 @!p0 $0x0, s1;
	[sflag:s0] =	ssyncset.done @!p0 $0x0  }
0x58: {  	[sflag:s0] =	ssyncadd.s32 @!p0 s1  }
0x59: {  	[bflag:$0x3] =	sbarrier.arrive $0xFFFF  }
0x5a: {  	_ =	shalt  }

// kernel: kernel.33.cloned.1.call-start
scs
__scs_entry_jumppad:
0x0: {  	(pc) =	sbr.rel $0x88, $3  }
0x1: {  	(tag) =	ssettag $0x0;
	lr =	simm.s32 $0x1  }
0x2: {  	[smem:$0x3F8E] =	sst lr;
	_ =	strace $0xD0000000  }
0x3: {  	_ = 	snop  }
0x4: {  	_ = 	snop  }
0x5: {  	_ = 	snop  }
0x6: {  	_ = 	snop  }
0x7: {  	_ = 	snop  }
__scs_overlays_trampoline_lowered:
0x8: {  	[smem:$0x3F9D] =	sst s0  }
0x9: {  	[smem:$0x3F9E] =	sst s1  }
0xa: {  	[smem:$0x3F9F] =	sst s2  }
0xb: {  	[smem:$0x3FA0] =	sst s3  }
0xc: {  	[smem:$0x3FA1] =	sst s4  }
0xd: {  	[smem:$0x3FA2] =	sst s5  }
0xe: {  	[smem:$0x3FA3] =	sst s6  }
0xf: {  	[smem:$0x3FA4] =	sst s7  }
0x10: {  	[smem:$0x3FA5] =	sst s8  }
0x11: {  	[smem:$0x3FA6] =	sst s9;
	s0 =	simm.s32 @!p0 $0x0  }
0x12: {  	s1 =	sld [smem:$0x3F8C];
	s0 =	simm.s32 @p0 $0x1  }
0x13: {  	[smem:$0x3FA7] =	sst s0;
	s0 =	simm.s32 @!p1 $0x0  }
0x14: {  	s2 =	sld [smem:$0x3F8B];
	s0 =	simm.s32 @p1 $0x1  }
0x15: {  	[smem:$0x3FA8] =	sst s0;
	s0 =	simm.s32 @!p2 $0x0  }
0x16: {  	s3 =	sld [smem:$0x3FDB];
	s0 =	simm.s32 @p2 $0x1  }
0x17: {  	s4 =	simm.s32 $0x1BF5;
	[smem:$0x3FAA] =	sst s0  }
0x18: {  	s0 =	sld [smem:$0x3F8D];
	_ =	swait.ge [sflag:s4], $0x0  }
0x19: {  	s7 =	sld [smem:$0x3F8E]  }
0x1a: {  	s8 =	sadd.s32 $0xFFFFE003, lr  }
0x1b: {  	s9 =	sadd.s32 $0xFFFFFEF7, lr;
	s5 =	simm.s32 $0xFFFFFFFF;
	p2 =	slt.u32 s8, $0xFFFFF086  }
0x1c: {  	p1 =	slt.u32 s9, $0xF7A;
	s5 =	simm.s32 @!p2 $0x0  }
0x1d: {  	s5 =	simm.s32 @p1 $0x1;
	p0 =	seq.s32 s7, s2  }
0x1e: {  	s7 =	smul.u32 @!p0 $0xF7A, s2;
	p2 =	seq.s32 @!p0 s5, $0x0  }
0x1f: {  	s9 =	smul.u32 $0xF7A, s1;
	s8 =	simm.s32 @!p0 $0x1BF5;
	p2 =	por !p2, p0  }
0x20: {  	[sflag:s8] =	ssyncset.s32 @!p0 $0xFFFFF086;
	s6 =	sadd.s32 @!p0 s3, s7;
	s7 =	simm.s32 @!p0 $0x108  }
0x21: {  	s3 =	sadd.s32 s3, s9;
	s6 =	sadd.s32 @!p0 $0x88, s6;
	s7 =	simm.s32 @p2 $0x1082  }
0x22: {  	[simem:s7], [sflag:s8] =	dma.local @!p0 [hbm:s6], $0xF7A  }
0x23: {  	s9 =	sor.u32 $0xD0000000, s2;
	s6 =	simm.s32 $0x108;
	_ =	swait.ge @!p0 [sflag:s8], $0x0  }
0x24: {  	s3 =	sadd.s32 $0x88, s3;
	s6 =	simm.s32 @!p1 $0x1082;
	[sflag:s4] =	ssyncset.s32 $0xFFFFF086  }
0x25: {  	[simem:s6], [sflag:s4] =	dma.local [hbm:s3], $0xF7A  }
0x26: {  	[smem:$0x3F8E] =	sst s1;
	(tag) =	ssettag s2;
	_ =	strace s9  }
0x27: {  	s1 =	sld [smem:$0x3F9E]  }
0x28: {  	s2 =	sld [smem:$0x3F9F]  }
0x29: {  	s4 =	sld [smem:$0x3FA1]  }
0x2a: {  	p0 =	seq.s32 s5, $0x0;
	s5 =	sld [smem:$0x3FA2]  }
0x2b: {  	s6 =	sld [smem:$0x3FA3]  }
0x2c: {  	s7 =	sld [smem:$0x3FA4]  }
0x2d: {  	s3 =	simm.s32 $0x108;
	s8 =	sld [smem:$0x3FA5]  }
0x2e: {  	s3 =	simm.s32 @!p0 $0x1082;
	s9 =	sld [smem:$0x3FA6]  }
0x2f: {  	lr =	sadd.s32 s0, s3;
	s0 =	sld [smem:$0x3F9D]  }
0x30: {  	s3 =	sld [smem:$0x3FA0]  }
0x31: {  	[smem:$0x3FA9] =	sst s10  }
0x32: {  	s10 =	sld [smem:$0x3FA7];
	_ =	sdelay $0x3  }
0x33: {  	p0 =	seq.s32 s10, $0x1;
	s10 =	sld [smem:$0x3FA9];
	_ =	sdelay $0x3  }
0x34: {  	[smem:$0x3FA9] =	sst s10  }
0x35: {  	s10 =	sld [smem:$0x3FA8];
	_ =	sdelay $0x3  }
0x36: {  	p1 =	seq.s32 s10, $0x1;
	s10 =	sld [smem:$0x3FA9];
	_ =	sdelay $0x3  }
0x37: {  	[smem:$0x3FA9] =	sst s10  }
0x38: {  	s10 =	sld [smem:$0x3FAA]  }
0x39: {  	_ = 	snop;
	(pc) =	sbr.ind lr, $3  }
0x3a: {  	_ = 	snop  }
0x3b: {  	_ = 	snop  }
0x3c: {  	p2 =	seq.s32 s10, $0x1;
	s10 =	sld [smem:$0x3FA9]  }
0x3d: {  	_ =	shalt  }
0x3e: {  	_ =	shalt  }
0x3f: {  	_ =	shalt  }
0x40: {  	_ =	shalt  }
0x41: {  	_ =	shalt  }
0x42: {  	_ =	shalt  }
0x43: {  	_ =	shalt  }
0x44: {  	_ =	shalt  }
0x45: {  	_ =	shalt  }
0x46: {  	_ =	shalt  }
0x47: {  	_ =	shalt  }
0x48: {  	_ =	shalt  }
0x49: {  	_ =	shalt  }
0x4a: {  	_ =	shalt  }
0x4b: {  	_ =	shalt  }
0x4c: {  	_ =	shalt  }
0x4d: {  	_ =	shalt  }
0x4e: {  	_ =	shalt  }
0x4f: {  	_ =	shalt  }
0x50: {  	_ =	shalt  }
0x51: {  	_ =	shalt  }
0x52: {  	_ =	shalt  }
0x53: {  	_ =	shalt  }
0x54: {  	_ =	shalt  }
0x55: {  	_ =	shalt  }
0x56: {  	_ =	shalt  }
0x57: {  	_ =	shalt  }
0x58: {  	_ =	shalt  }
0x59: {  	_ =	shalt  }
0x5a: {  	_ =	shalt  }
0x5b: {  	_ =	shalt  }
0x5c: {  	_ =	shalt  }
0x5d: {  	_ =	shalt  }
0x5e: {  	_ =	shalt  }
0x5f: {  	_ =	shalt  }
0x60: {  	_ =	shalt  }
0x61: {  	_ =	shalt  }
0x62: {  	_ =	shalt  }
0x63: {  	_ =	shalt  }
0x64: {  	_ =	shalt  }
0x65: {  	_ =	shalt  }
0x66: {  	_ =	shalt  }
0x67: {  	_ =	shalt  }
0x68: {  	_ =	shalt  }
0x69: {  	_ =	shalt  }
0x6a: {  	_ =	shalt  }
0x6b: {  	_ =	shalt  }
0x6c: {  	_ =	shalt  }
0x6d: {  	_ =	shalt  }
0x6e: {  	_ =	shalt  }
0x6f: {  	_ =	shalt  }
0x70: {  	_ =	shalt  }
0x71: {  	_ =	shalt  }
0x72: {  	_ =	shalt  }
0x73: {  	_ =	shalt  }
0x74: {  	_ =	shalt  }
0x75: {  	_ =	shalt  }
0x76: {  	_ =	shalt  }
0x77: {  	_ =	shalt  }
0x78: {  	_ =	shalt  }
0x79: {  	_ =	shalt  }
0x7a: {  	_ =	shalt  }
0x7b: {  	_ =	shalt  }
0x7c: {  	_ =	shalt  }
0x7d: {  	_ =	shalt  }
0x7e: {  	_ =	shalt  }
0x7f: {  	_ =	shalt  }
0x80: {  	_ =	shalt  }
0x81: {  	_ =	shalt  }
0x82: {  	_ =	shalt  }
0x83: {  	_ =	shalt  }
0x84: {  	_ =	shalt  }
0x85: {  	_ =	shalt  }
0x86: {  	_ =	shalt  }
0x87: {  	_ =	shalt  }
.Lfunc_end0:
.L_simem_size_0:
called_computation.3_lowered:
.L_overlay_start_0:
0x88: {  	s2 =	sld [smem:$0x3FD9]  }
0x89: {  	s3 =	sld [smem:$0x3FFE];
	_ =	sdelay $0x1  }
0x8a: {  	s1 =	srdreg.scid  }
0x8b: {  	s0 =	sand.u32 $0x1, s1  }
0x8c: {  	s16 =	sshll.u32 s0, $0xA;
	s2 =	sadd.s32 s3, s2  }
0x8d: {  	s2 =	sadd.s32 s2, s16  }
0x8e: {  	[smem:$0x3FB5] =	sst s2  }
0x8f: {  	_ = 	snop  }
0x90: {  	(tm) =	ssettm $0x1  }
0x91: {  	s17 =	sld [smem:$0x3FFB];
	_ =	sdelay $0x3  }
0x92: {  	_ =	strace s17  }
0x93: {  	s2 =	sld [smem:$0x3FFC];
	_ =	sdelay $0x3  }
0x94: {  	_ =	strace s2  }
0x95: {  	s2 =	sld [smem:$0x3FFD];
	_ =	sdelay $0x3  }
0x96: {  	_ =	strace s2  }
0x97: {  	_ =	strace $0x8FFFFFFF  }
0x98: {  	s18 =	sld [smem:$0x3FDB];
	_ =	sdelay $0x1  }
0x99: {  	s19 =	simm.s32 $_scs_section_size  }
0x9a: {  	s4 =	simm.s32 $_size__tile_overlayer_lowered;
	s5 =	simm.s32 $_tile_overlayer_lowered  }
0x9b: {  	s22 =	simm.s32 $0x1BFF;
	s21 =	sshll.u32 s5, $0x1;
	s2 =	sadd.s32 s19, s18  }
0x9c: {  	s6 =	simm.s32 $0x0;
	s20 =	sshll.u32 s4, $0x1;
	s4 =	sadd.s32 s21, s2  }
0x9d: {  	[timem:s6], [sflag:s22] =	dma.local [hbm:s4], s20  }
0x9e: {  	_ =	swait.ge [sflag:s22], s20  }
0x9f: {  	s3 =	ssub.s32 $0x0, s20;
	[sflag:s22] =	ssyncset.done $0x0  }
0xa0: {  	[sflag:s22] =	ssyncadd.s32 s3;
	_ =	sdelay $0x1  }
0xa1: {  	s23 =	simm.s32 $0x1B8B  }
0xa2: {  	_ =	swait.ge [sflag:s23], $0x1  }
0xa3: {  	[sflag:s23] =	ssyncset.done $0x0  }
0xa4: {  	s25 =	simm.s32 $0x1B8E;
	s24 =	sld [smem:$0x3FFE];
	[sflag:s23] =	ssyncadd.s32 $0xFFFFFFFF  }
0xa5: {  	s26 =	simm.s32 $execute0_lowered;
	[smem:$0x3FD2] =	sst s25  }
0xa6: {  	s4 =	sshll.u32 s26, $0x1;
	_ =	strace $0x8000004F;
	[dreg:$0x1] =	wrdreg $0xFFFFFFFF  }
0xa7: {  	s28 =	simm.s32 $_size_execute0_lowered;
	s2 =	sadd.s32 s2, s4;
	[dreg:$0x0] =	wrdreg $0x0  }
0xa8: {  	s4 =	sshll.u32 s28, $0x1;
	[dreg:$0x2] =	wrdreg s2  }
0xa9: {  	[dreg:$0x3] =	wrdreg s4  }
0xaa: {  	[dreg:$0x4] =	wrdreg $0xC0  }
0xab: {  	_ =	task [dreg:s6], $0x5FFFF  }
0xac: {  	[dreg:$0x1] =	wrdreg $0xFFFFFFFF  }
0xad: {  	[dreg:$0x0] =	wrdreg $0x60  }
0xae: {  	[dreg:$0x2] =	wrdreg s24  }
0xaf: {  	[dreg:$0x3] =	wrdreg $0x66000  }
0xb0: {  	[dreg:$0x4] =	wrdreg $0x9  }
0xb1: {  	_ =	task.clear_ibuf [dreg:s6], $0x5FFFF;
	_ =	strace $0x9000004F  }
0xb2: {  	s29 =	simm.s32 $0x9;
	_ =	strace $0x80000051  }
0xb3: {  	_ =	swait.ge [sflag:s29], $0x1  }
0xb4: {  	[sflag:s29] =	ssyncadd.s32 $0xFFFFFFFF  }
0xb5: {  	_ =	strace $0x90000051  }
0xb6: {  	_ =	sfence  }
0xb7: {  	s30 =	sld [smem:$0x0];
	_ =	sdelay $0x2  }
0xb8: {  	s31 =	sshll.u32 s1, $0xD;
	s1 =	sshrl.u32 s1, $0x2  }
0xb9: {  	s3 =	sand.u32 $0x4000, s31;
	s1 =	sadd.s32 s1, s30  }
0xba: {  	s0 =	sor.u32 s3, s0;
	s1 =	sshll.u32 s1, $0x11  }
0xbb: {  	s0 =	sor.u32 s1, s0  }
0xbc: {  	s0 =	sadd.s32 $0x8F2B, s0  }
0xbd: {  	[sflag:s0] =	ssyncadd.remote.s32 $0x1  }
0xbe: {  	_ =	sfence.sel $0xFFFF  }
0xbf: {  	[dreg:$0x0] =	wrdreg $0xFFFFFFFF;
	(pc) =	sbr.abs _section_cstart, $3  }
0xc0: {  	[dreg:$0x1] =	wrdreg $0xFFFFFFFF  }
0xc1: {  	_ =	task.clear_ibuf [dreg:s6], $0x2FFFF;
	_ =	strace $0x9FFFFFFF  }
0xc2: {  	(tm) =	ssettm $0x7FFFFFFF  }
0xc3: {  	_ =	shalt  }
tec
execute0_lowered:
.L_overlay_start_1:
0x0: {  	(tag) =	ssettag $0x1  }
0x1: {  	s1 =	srdreg.scid  }
0x2: {  	s0 =	stileid.u32;
	s5 =	rddreg [dreg:$0x0]  }
0x3: {  	s2 =	rddreg [dreg:$0x1];
	s3 =	simm.s32 $0x0;
	s4 =	smul.u32 $0x2710, s0  }
0x4: {  	s14 =	simm.s32 $0xC8;
	s15 =	simm.s32 $0x200;
	s9 =	smul.u32 $0x280, s0  }
0x5: {  	s16 =	simm.s32 $0x1;
	s17 =	simm.s32 $0x0;
	s26 =	smul.u32 $0x4E2, s0  }
0x6: {  	s6 =	sand.u32 $0x1, s1;
	s1 =	rddreg [dreg:$0x2];
	s28 =	smul.u32 $0x50000, s0  }
0x7: {  	[smem:$0x7FF] =	sst s3;
	s31 =	sshll.u32 s0, $0x6;
	s7 =	smul.u32 $0x27100, s6  }
0x8: {  	s25 =	smul.u32 $0x2800, s6;
	_ =	strace $0x80000050;
	s6 =	ssub.s32 $0x2, s6  }
0x9: {  	s11 =	sadd.s32 s26, s5;
	s29 =	sshrl.u32 s6, $0x1;
	s30 =	sshrl.u32 s28, $0x2  }
0xa: {  	s4 =	sadd.s32 s4, s7;
	s7 =	sadd.s32 s9, s25;
	s13 =	sadd.s32 s30, s2  }
0xb: {  	s9 =	sadd.s32 $0x6E00, s11;
	s8 =	sshrl.u32 s4, $0x3;
	s4 =	sadd.s32 $0xC5C00, s5  }
0xc: {  	s7 =	sshll.u32 s7, $0x4;
	s11 =	sshrl.u32 s13, $0x3;
	s13 =	simm.s32 $0x100  }
0xd: {  	s10 =	sadd.s32 s8, s5;
	s12 =	sadd.s32 s7, s5;
	s8 =	ssub.s32 s6, s29  }
0xe: {  	s5 =	sadd.s32 s4, s7;
	s6 =	sor.u32 $0x1C02, s31;
	s7 =	sadd.s32 $0x115C00, s12  }
0xf: {  	s8 =	smax.u32 s8, $0x1;
	s10 =	sadd.s32 $0xBBE00, s10;
	s12 =	simm.s32 $0x2  }
.LBB2_1:
0x10: {  	[spmem:s11], [sflag:s6] =	dma.local [hbm:s5], $0x2800  }
0x11: {  	_ =	swait.ge [sflag:s12], $0x2800  }
0x12: {  	[sflag:s12] =	ssyncset.done $0x0  }
0x13: {  	[sflag:s12] =	ssyncadd.s32 $0xFFFFD800  }
0x14: {  	s18 =	sadd.s32 $0x0, s10;
	[bflag:$0x0] =	sbarrier.arrive $0xFFFF  }
0x15: {  	[tilespmem:s3], [sflag:$0x2] =	stream.linear.gather [hbm4b:s18+s3], $0xC8, $0x38;
	[tilespmem:$0x1A600] =	vst v63  }
0x16: {  	_ =	swait.ge [sflag:s12], $0xC8  }
0x17: {  	[sflag:s12] =	ssyncset.done $0x0  }
0x18: {  	s31 =	sadd.s32 $0x0, s9;
	[sflag:s12] =	ssyncadd.s32 $0xFFFFFF38  }
0x19: {  	[tilespmem:s13], [sflag:$0x2] =	stream.linear.gather [hbm4b:s31+s3], $0xC8, $0x38;
	[tilespmem:$0x1A600] =	vst v63  }
0x1a: {  	_ =	swait.ge [sflag:s12], $0xC8  }
0x1b: {  	[sflag:s12] =	ssyncset.done $0x0  }
0x1c: {  	[sflag:s12] =	ssyncadd.s32 $0xFFFFFF38  }
0x1d: {  	[tilespmem:s15], [sflag:$0x1] =	stream.indirect.gather [hbm4b:s4+s14], $0x80, s3, s14, $0xb8;
	[tilespmem:$0x1A600] =	vst v63  }
0x1e: {  	_ =	swait.ge [sflag:s16], $0x6400  }
0x1f: {  	[sflag:s16] =	ssyncset.done $0x0  }
0x20: {  	[sflag:s16] =	ssyncadd.s32 $0xFFFF9C00  }
0x21: {  	[spmem:s2] =	stream.indirect.scatter.add.f32 [tilespmem:s15], [sflag:$0x2], $0x80, s13, s14, $0xb8;
	[tilespmem:$0x1A600] =	vst v63  }
0x22: {  	_ =	swait.ge [sflag:s12], $0x6400  }
0x23: {  	s19 =	simm.s32 $0x32;
	s18 =	simm.s32 $0x19;
	[sflag:s12] =	ssyncset.done $0x0  }
.LBB2_2:
0x24: {  	s20 =	sadd.s32 s18, s10  }
0x25: {  	[sflag:s12] =	ssyncadd.s32 $0xFFFF9C00;
	s21 =	smov.u32 s19;
	s22 =	sadd.s32 $0x19, s19  }
0x26: {  	[tilespmem:s3], [sflag:$0x2] =	stream.linear.gather [hbm4b:s20+s3], $0xC8, $0x38;
	[tilespmem:$0x1A600] =	vst v63  }
0x27: {  	p0 =	sne.s32 s19, $0x4C9;
	_ =	swait.ge [sflag:s12], $0xC8  }
0x28: {  	[sflag:s12] =	ssyncset.done $0x0  }
0x29: {  	s19 =	sadd.s32 s18, s9;
	s18 =	smov.u32 s21;
	[sflag:s12] =	ssyncadd.s32 $0xFFFFFF38  }
0x2a: {  	[tilespmem:s13], [sflag:$0x2] =	stream.linear.gather [hbm4b:s19+s3], $0xC8, $0x38;
	[tilespmem:$0x1A600] =	vst v63  }
0x2b: {  	_ =	swait.ge [sflag:s12], $0xC8  }
0x2c: {  	[sflag:s12] =	ssyncset.done $0x0  }
0x2d: {  	[sflag:s12] =	ssyncadd.s32 $0xFFFFFF38  }
0x2e: {  	[tilespmem:s15], [sflag:$0x1] =	stream.indirect.gather [hbm4b:s4+s14], $0x80, s3, s14, $0xb8;
	[tilespmem:$0x1A600] =	vst v63  }
0x2f: {  	_ =	swait.ge [sflag:s16], $0x6400  }
.Ltmp0:
0x30: {  	[sflag:s16] =	ssyncset.done $0x0;
	(pc) =	sbr.rel @p0 .LBB2_2-.Ltmp0, $4  }
0x31: {  	[sflag:s16] =	ssyncadd.s32 $0xFFFF9C00  }
0x32: {  	[spmem:s2] =	stream.indirect.scatter.add.f32 [tilespmem:s15], [sflag:$0x2], $0x80, s13, s14, $0xb8;
	[tilespmem:$0x1A600] =	vst v63  }
0x33: {  	_ =	swait.ge [sflag:s12], $0x6400  }
0x34: {  	s19 =	smov.u32 s22;
	[sflag:s12] =	ssyncset.done $0x0  }
0x35: {  	s19 =	sadd.s32 s18, s10;
	[sflag:s12] =	ssyncadd.s32 $0xFFFF9C00  }
0x36: {  	[tilespmem:s3], [sflag:$0x2] =	stream.linear.gather [hbm4b:s19+s3], $0xC8, $0x38;
	[tilespmem:$0x1A600] =	vst v63  }
0x37: {  	_ =	swait.ge [sflag:s12], $0xC8  }
0x38: {  	[sflag:s12] =	ssyncset.done $0x0  }
0x39: {  	s31 =	sadd.s32 s18, s9;
	[sflag:s12] =	ssyncadd.s32 $0xFFFFFF38  }
0x3a: {  	[tilespmem:s13], [sflag:$0x2] =	stream.linear.gather [hbm4b:s31+s3], $0xC8, $0x38;
	[tilespmem:$0x1A600] =	vst v63  }
0x3b: {  	_ =	swait.ge [sflag:s12], $0xC8  }
0x3c: {  	[sflag:s12] =	ssyncset.done $0x0  }
0x3d: {  	[sflag:s12] =	ssyncadd.s32 $0xFFFFFF38  }
0x3e: {  	[tilespmem:s15], [sflag:$0x1] =	stream.indirect.gather [hbm4b:s4+s14], $0x80, s3, s14, $0xb8;
	[tilespmem:$0x1A600] =	vst v63  }
0x3f: {  	_ =	swait.ge [sflag:s16], $0x6400  }
0x40: {  	[sflag:s16] =	ssyncset.done $0x0  }
0x41: {  	[sflag:s16] =	ssyncadd.s32 $0xFFFF9C00  }
0x42: {  	[spmem:s2] =	stream.indirect.scatter.add.f32 [tilespmem:s15], [sflag:$0x2], $0x80, s13, s14, $0xb8;
	[tilespmem:$0x1A600] =	vst v63  }
0x43: {  	_ =	swait.ge [sflag:s12], $0x6400  }
0x44: {  	s17 =	sadd.s32 $0x1, s17;
	[sflag:s12] =	ssyncset.done $0x0  }
0x45: {  	p0 =	sne.s32 s17, s8;
	[sflag:s12] =	ssyncadd.s32 $0xFFFF9C00  }
.Ltmp1:
0x46: {  	[bflag:$0x0] =	sbarrier.arrive $0xFFFF;
	(pc) =	sbr.rel @p0 .LBB2_1-.Ltmp1, $4  }
0x47: {  	[hbm:s7], [sflag:s6] =	dma.local [spmem:s11], $0x2800  }
0x48: {  	_ =	swait.ge [sflag:s12], $0x2800  }
0x49: {  	[sflag:s12] =	ssyncset.done $0x0  }
0x4a: {  	[sflag:s12] =	ssyncadd.s32 $0xFFFFD800  }
0x4b: {  	_ =	sfence.sel $0x180000  }
0x4c: {  	[bflag:$0x0] =	sbarrier.arrive $0xFFFF  }
0x4d: {  	p0 =	sne.s32 s0, $0x0;
	_ =	strace $0x90000050  }
0x4e: {  	s0 =	sadd.s32 @!p0 $0x100000, s1;
	[bflag:$0x2] =	sbarrier.arrive $0xFFFF  }
0x4f: {  	[sflag:s0] =	ssyncadd.tile.s32 @!p0 $0x1;
	_ =	shalt  }
.Lfunc_end2:
_tile_overlayer_lowered:
.L_overlay_start_2:
0x50: {  	(tag) =	ssettag $0x2  }
0x51: {  	s0 =	rddreg [dreg:$0x0];
	s2 =	stileid.u32  }
0x52: {  	s1 =	rddreg [dreg:$0x1];
	p0 =	sne.s32 s2, $0x0  }
0x53: {  	s3 =	rddreg [dreg:$0x2];
	[bflag:$0x3] =	sbarrier.arrive $0xFFFF;
	s2 =	simm.s32 @!p0 $0x1C02  }
0x54: {  	[timem:s3], [sflag:s2] =	dma.local @!p0 [hbm:s0], s1  }
0x55: {  	s0 =	simm.s32 @!p0 $0x2  }
0x56: {  	_ =	swait.ge @!p0 [sflag:s0], s1  }
0x57: {  	s1 =	ssub.s32 @!p0 $0x0, s1;
	[sflag:s0] =	ssyncset.done @!p0 $0x0  }
0x58: {  	[sflag:s0] =	ssyncadd.s32 @!p0 s1  }
0x59: {  	[bflag:$0x3] =	sbarrier.arrive $0xFFFF  }
0x5a: {  	_ =	shalt  }

// kernel: kernel.36.cloned.1.call-start
scs
__scs_entry_jumppad:
0x0: {  	(pc) =	sbr.rel $0x88, $3  }
0x1: {  	(tag) =	ssettag $0x0;
	lr =	simm.s32 $0x1  }
0x2: {  	[smem:$0x3F8E] =	sst lr;
	_ =	strace $0xD0000000  }
0x3: {  	_ = 	snop  }
0x4: {  	_ = 	snop  }
0x5: {  	_ = 	snop  }
0x6: {  	_ = 	snop  }
0x7: {  	_ = 	snop  }
__scs_overlays_trampoline_lowered:
0x8: {  	[smem:$0x3F9D] =	sst s0  }
0x9: {  	[smem:$0x3F9E] =	sst s1  }
0xa: {  	[smem:$0x3F9F] =	sst s2  }
0xb: {  	[smem:$0x3FA0] =	sst s3  }
0xc: {  	[smem:$0x3FA1] =	sst s4  }
0xd: {  	[smem:$0x3FA2] =	sst s5  }
0xe: {  	[smem:$0x3FA3] =	sst s6  }
0xf: {  	[smem:$0x3FA4] =	sst s7  }
0x10: {  	[smem:$0x3FA5] =	sst s8  }
0x11: {  	[smem:$0x3FA6] =	sst s9;
	s0 =	simm.s32 @!p0 $0x0  }
0x12: {  	s1 =	sld [smem:$0x3F8C];
	s0 =	simm.s32 @p0 $0x1  }
0x13: {  	[smem:$0x3FA7] =	sst s0;
	s0 =	simm.s32 @!p1 $0x0  }
0x14: {  	s2 =	sld [smem:$0x3F8B];
	s0 =	simm.s32 @p1 $0x1  }
0x15: {  	[smem:$0x3FA8] =	sst s0;
	s0 =	simm.s32 @!p2 $0x0  }
0x16: {  	s3 =	sld [smem:$0x3FDB];
	s0 =	simm.s32 @p2 $0x1  }
0x17: {  	s4 =	simm.s32 $0x1BF5;
	[smem:$0x3FAA] =	sst s0  }
0x18: {  	s0 =	sld [smem:$0x3F8D];
	_ =	swait.ge [sflag:s4], $0x0  }
0x19: {  	s7 =	sld [smem:$0x3F8E]  }
0x1a: {  	s8 =	sadd.s32 $0xFFFFE003, lr  }
0x1b: {  	s9 =	sadd.s32 $0xFFFFFEF7, lr;
	s5 =	simm.s32 $0xFFFFFFFF;
	p2 =	slt.u32 s8, $0xFFFFF086  }
0x1c: {  	p1 =	slt.u32 s9, $0xF7A;
	s5 =	simm.s32 @!p2 $0x0  }
0x1d: {  	s5 =	simm.s32 @p1 $0x1;
	p0 =	seq.s32 s7, s2  }
0x1e: {  	s7 =	smul.u32 @!p0 $0xF7A, s2;
	p2 =	seq.s32 @!p0 s5, $0x0  }
0x1f: {  	s9 =	smul.u32 $0xF7A, s1;
	s8 =	simm.s32 @!p0 $0x1BF5;
	p2 =	por !p2, p0  }
0x20: {  	[sflag:s8] =	ssyncset.s32 @!p0 $0xFFFFF086;
	s6 =	sadd.s32 @!p0 s3, s7;
	s7 =	simm.s32 @!p0 $0x108  }
0x21: {  	s3 =	sadd.s32 s3, s9;
	s6 =	sadd.s32 @!p0 $0x88, s6;
	s7 =	simm.s32 @p2 $0x1082  }
0x22: {  	[simem:s7], [sflag:s8] =	dma.local @!p0 [hbm:s6], $0xF7A  }
0x23: {  	s9 =	sor.u32 $0xD0000000, s2;
	s6 =	simm.s32 $0x108;
	_ =	swait.ge @!p0 [sflag:s8], $0x0  }
0x24: {  	s3 =	sadd.s32 $0x88, s3;
	s6 =	simm.s32 @!p1 $0x1082;
	[sflag:s4] =	ssyncset.s32 $0xFFFFF086  }
0x25: {  	[simem:s6], [sflag:s4] =	dma.local [hbm:s3], $0xF7A  }
0x26: {  	[smem:$0x3F8E] =	sst s1;
	(tag) =	ssettag s2;
	_ =	strace s9  }
0x27: {  	s1 =	sld [smem:$0x3F9E]  }
0x28: {  	s2 =	sld [smem:$0x3F9F]  }
0x29: {  	s4 =	sld [smem:$0x3FA1]  }
0x2a: {  	p0 =	seq.s32 s5, $0x0;
	s5 =	sld [smem:$0x3FA2]  }
0x2b: {  	s6 =	sld [smem:$0x3FA3]  }
0x2c: {  	s7 =	sld [smem:$0x3FA4]  }
0x2d: {  	s3 =	simm.s32 $0x108;
	s8 =	sld [smem:$0x3FA5]  }
0x2e: {  	s3 =	simm.s32 @!p0 $0x1082;
	s9 =	sld [smem:$0x3FA6]  }
0x2f: {  	lr =	sadd.s32 s0, s3;
	s0 =	sld [smem:$0x3F9D]  }
0x30: {  	s3 =	sld [smem:$0x3FA0]  }
0x31: {  	[smem:$0x3FA9] =	sst s10  }
0x32: {  	s10 =	sld [smem:$0x3FA7];
	_ =	sdelay $0x3  }
0x33: {  	p0 =	seq.s32 s10, $0x1;
	s10 =	sld [smem:$0x3FA9];
	_ =	sdelay $0x3  }
0x34: {  	[smem:$0x3FA9] =	sst s10  }
0x35: {  	s10 =	sld [smem:$0x3FA8];
	_ =	sdelay $0x3  }
0x36: {  	p1 =	seq.s32 s10, $0x1;
	s10 =	sld [smem:$0x3FA9];
	_ =	sdelay $0x3  }
0x37: {  	[smem:$0x3FA9] =	sst s10  }
0x38: {  	s10 =	sld [smem:$0x3FAA]  }
0x39: {  	_ = 	snop;
	(pc) =	sbr.ind lr, $3  }
0x3a: {  	_ = 	snop  }
0x3b: {  	_ = 	snop  }
0x3c: {  	p2 =	seq.s32 s10, $0x1;
	s10 =	sld [smem:$0x3FA9]  }
0x3d: {  	_ =	shalt  }
0x3e: {  	_ =	shalt  }
0x3f: {  	_ =	shalt  }
0x40: {  	_ =	shalt  }
0x41: {  	_ =	shalt  }
0x42: {  	_ =	shalt  }
0x43: {  	_ =	shalt  }
0x44: {  	_ =	shalt  }
0x45: {  	_ =	shalt  }
0x46: {  	_ =	shalt  }
0x47: {  	_ =	shalt  }
0x48: {  	_ =	shalt  }
0x49: {  	_ =	shalt  }
0x4a: {  	_ =	shalt  }
0x4b: {  	_ =	shalt  }
0x4c: {  	_ =	shalt  }
0x4d: {  	_ =	shalt  }
0x4e: {  	_ =	shalt  }
0x4f: {  	_ =	shalt  }
0x50: {  	_ =	shalt  }
0x51: {  	_ =	shalt  }
0x52: {  	_ =	shalt  }
0x53: {  	_ =	shalt  }
0x54: {  	_ =	shalt  }
0x55: {  	_ =	shalt  }
0x56: {  	_ =	shalt  }
0x57: {  	_ =	shalt  }
0x58: {  	_ =	shalt  }
0x59: {  	_ =	shalt  }
0x5a: {  	_ =	shalt  }
0x5b: {  	_ =	shalt  }
0x5c: {  	_ =	shalt  }
0x5d: {  	_ =	shalt  }
0x5e: {  	_ =	shalt  }
0x5f: {  	_ =	shalt  }
0x60: {  	_ =	shalt  }
0x61: {  	_ =	shalt  }
0x62: {  	_ =	shalt  }
0x63: {  	_ =	shalt  }
0x64: {  	_ =	shalt  }
0x65: {  	_ =	shalt  }
0x66: {  	_ =	shalt  }
0x67: {  	_ =	shalt  }
0x68: {  	_ =	shalt  }
0x69: {  	_ =	shalt  }
0x6a: {  	_ =	shalt  }
0x6b: {  	_ =	shalt  }
0x6c: {  	_ =	shalt  }
0x6d: {  	_ =	shalt  }
0x6e: {  	_ =	shalt  }
0x6f: {  	_ =	shalt  }
0x70: {  	_ =	shalt  }
0x71: {  	_ =	shalt  }
0x72: {  	_ =	shalt  }
0x73: {  	_ =	shalt  }
0x74: {  	_ =	shalt  }
0x75: {  	_ =	shalt  }
0x76: {  	_ =	shalt  }
0x77: {  	_ =	shalt  }
0x78: {  	_ =	shalt  }
0x79: {  	_ =	shalt  }
0x7a: {  	_ =	shalt  }
0x7b: {  	_ =	shalt  }
0x7c: {  	_ =	shalt  }
0x7d: {  	_ =	shalt  }
0x7e: {  	_ =	shalt  }
0x7f: {  	_ =	shalt  }
0x80: {  	_ =	shalt  }
0x81: {  	_ =	shalt  }
0x82: {  	_ =	shalt  }
0x83: {  	_ =	shalt  }
0x84: {  	_ =	shalt  }
0x85: {  	_ =	shalt  }
0x86: {  	_ =	shalt  }
0x87: {  	_ =	shalt  }
.Lfunc_end0:
.L_simem_size_0:
called_computation.4_lowered:
.L_overlay_start_0:
0x88: {  	s2 =	sld [smem:$0x3FD9]  }
0x89: {  	s3 =	sld [smem:$0x3FFE];
	_ =	sdelay $0x1  }
0x8a: {  	s1 =	srdreg.scid  }
0x8b: {  	s0 =	sand.u32 $0x1, s1  }
0x8c: {  	s16 =	sshll.u32 s0, $0xA;
	s2 =	sadd.s32 s3, s2  }
0x8d: {  	s2 =	sadd.s32 s2, s16  }
0x8e: {  	[smem:$0x3FB5] =	sst s2  }
0x8f: {  	_ = 	snop  }
0x90: {  	(tm) =	ssettm $0x1  }
0x91: {  	s17 =	sld [smem:$0x3FFB];
	_ =	sdelay $0x3  }
0x92: {  	_ =	strace s17  }
0x93: {  	s2 =	sld [smem:$0x3FFC];
	_ =	sdelay $0x3  }
0x94: {  	_ =	strace s2  }
0x95: {  	s2 =	sld [smem:$0x3FFD];
	_ =	sdelay $0x3  }
0x96: {  	_ =	strace s2  }
0x97: {  	_ =	strace $0x8FFFFFFF  }
0x98: {  	s18 =	sld [smem:$0x3FDB];
	_ =	sdelay $0x1  }
0x99: {  	s19 =	simm.s32 $_scs_section_size  }
0x9a: {  	s4 =	simm.s32 $_size__tile_overlayer_lowered;
	s5 =	simm.s32 $_tile_overlayer_lowered  }
0x9b: {  	s22 =	simm.s32 $0x1BFF;
	s21 =	sshll.u32 s5, $0x1;
	s2 =	sadd.s32 s19, s18  }
0x9c: {  	s6 =	simm.s32 $0x0;
	s20 =	sshll.u32 s4, $0x1;
	s4 =	sadd.s32 s21, s2  }
0x9d: {  	[timem:s6], [sflag:s22] =	dma.local [hbm:s4], s20  }
0x9e: {  	_ =	swait.ge [sflag:s22], s20  }
0x9f: {  	s3 =	ssub.s32 $0x0, s20;
	[sflag:s22] =	ssyncset.done $0x0  }
0xa0: {  	[sflag:s22] =	ssyncadd.s32 s3;
	_ =	sdelay $0x1  }
0xa1: {  	s23 =	simm.s32 $0x1B8B  }
0xa2: {  	_ =	swait.ge [sflag:s23], $0x1  }
0xa3: {  	[sflag:s23] =	ssyncset.done $0x0  }
0xa4: {  	s25 =	simm.s32 $0x1B8E;
	s24 =	sld [smem:$0x3FFE];
	[sflag:s23] =	ssyncadd.s32 $0xFFFFFFFF  }
0xa5: {  	s26 =	simm.s32 $execute0_lowered;
	[smem:$0x3FD2] =	sst s25  }
0xa6: {  	s4 =	sshll.u32 s26, $0x1;
	_ =	strace $0x80000052;
	[dreg:$0x1] =	wrdreg $0xFFFFFFFF  }
0xa7: {  	s28 =	simm.s32 $_size_execute0_lowered;
	s2 =	sadd.s32 s2, s4;
	[dreg:$0x0] =	wrdreg $0x0  }
0xa8: {  	s4 =	sshll.u32 s28, $0x1;
	[dreg:$0x2] =	wrdreg s2  }
0xa9: {  	[dreg:$0x3] =	wrdreg s4  }
0xaa: {  	[dreg:$0x4] =	wrdreg $0xC0  }
0xab: {  	_ =	task [dreg:s6], $0x5FFFF  }
0xac: {  	[dreg:$0x1] =	wrdreg $0xFFFFFFFF  }
0xad: {  	[dreg:$0x0] =	wrdreg $0x60  }
0xae: {  	[dreg:$0x2] =	wrdreg s24  }
0xaf: {  	[dreg:$0x3] =	wrdreg $0x66000  }
0xb0: {  	[dreg:$0x4] =	wrdreg $0x9  }
0xb1: {  	_ =	task.clear_ibuf [dreg:s6], $0x5FFFF;
	_ =	strace $0x90000052  }
0xb2: {  	s29 =	simm.s32 $0x9;
	_ =	strace $0x80000054  }
0xb3: {  	_ =	swait.ge [sflag:s29], $0x1  }
0xb4: {  	[sflag:s29] =	ssyncadd.s32 $0xFFFFFFFF  }
0xb5: {  	_ =	strace $0x90000054  }
0xb6: {  	_ =	sfence  }
0xb7: {  	s30 =	sld [smem:$0x0];
	_ =	sdelay $0x2  }
0xb8: {  	s31 =	sshll.u32 s1, $0xD;
	s1 =	sshrl.u32 s1, $0x2  }
0xb9: {  	s3 =	sand.u32 $0x4000, s31;
	s1 =	sadd.s32 s1, s30  }
0xba: {  	s0 =	sor.u32 s3, s0;
	s1 =	sshll.u32 s1, $0x11  }
0xbb: {  	s0 =	sor.u32 s1, s0  }
0xbc: {  	s0 =	sadd.s32 $0x8F2B, s0  }
0xbd: {  	[sflag:s0] =	ssyncadd.remote.s32 $0x1  }
0xbe: {  	_ =	sfence.sel $0xFFFF  }
0xbf: {  	[dreg:$0x0] =	wrdreg $0xFFFFFFFF;
	(pc) =	sbr.abs _section_cstart, $3  }
0xc0: {  	[dreg:$0x1] =	wrdreg $0xFFFFFFFF  }
0xc1: {  	_ =	task.clear_ibuf [dreg:s6], $0x2FFFF;
	_ =	strace $0x9FFFFFFF  }
0xc2: {  	(tm) =	ssettm $0x7FFFFFFF  }
0xc3: {  	_ =	shalt  }
tec
execute0_lowered:
.L_overlay_start_1:
0x0: {  	(tag) =	ssettag $0x1  }
0x1: {  	s1 =	srdreg.scid  }
0x2: {  	s0 =	stileid.u32;
	s5 =	rddreg [dreg:$0x0]  }
0x3: {  	s2 =	rddreg [dreg:$0x1];
	s3 =	simm.s32 $0x0;
	s4 =	smul.u32 $0x2710, s0  }
0x4: {  	s14 =	simm.s32 $0xC8;
	s15 =	simm.s32 $0x200;
	s9 =	smul.u32 $0x280, s0  }
0x5: {  	s16 =	simm.s32 $0x1;
	s17 =	simm.s32 $0x0;
	s26 =	smul.u32 $0x4E2, s0  }
0x6: {  	s6 =	sand.u32 $0x1, s1;
	s1 =	rddreg [dreg:$0x2];
	s28 =	smul.u32 $0x50000, s0  }
0x7: {  	[smem:$0x7FF] =	sst s3;
	s31 =	sshll.u32 s0, $0x6;
	s7 =	smul.u32 $0x27100, s6  }
0x8: {  	s25 =	smul.u32 $0x2800, s6;
	_ =	strace $0x80000053;
	s6 =	ssub.s32 $0x2, s6  }
0x9: {  	s11 =	sadd.s32 s26, s5;
	s29 =	sshrl.u32 s6, $0x1;
	s30 =	sshrl.u32 s28, $0x2  }
0xa: {  	s4 =	sadd.s32 s4, s7;
	s7 =	sadd.s32 s9, s25;
	s13 =	sadd.s32 s30, s2  }
0xb: {  	s9 =	sadd.s32 $0x6E00, s11;
	s8 =	sshrl.u32 s4, $0x3;
	s4 =	sadd.s32 $0x43E00, s5  }
0xc: {  	s7 =	sshll.u32 s7, $0x4;
	s11 =	sshrl.u32 s13, $0x3;
	s13 =	simm.s32 $0x100  }
0xd: {  	s10 =	sadd.s32 s8, s5;
	s12 =	sadd.s32 s7, s5;
	s8 =	ssub.s32 s6, s29  }
0xe: {  	s5 =	sadd.s32 s4, s7;
	s6 =	sor.u32 $0x1C02, s31;
	s7 =	sadd.s32 $0xC5C00, s12  }
0xf: {  	s8 =	smax.u32 s8, $0x1;
	s10 =	sadd.s32 $0xBBE00, s10;
	s12 =	simm.s32 $0x2  }
.LBB2_1:
0x10: {  	[spmem:s11], [sflag:s6] =	dma.local [hbm:s5], $0x2800  }
0x11: {  	_ =	swait.ge [sflag:s12], $0x2800  }
0x12: {  	[sflag:s12] =	ssyncset.done $0x0  }
0x13: {  	[sflag:s12] =	ssyncadd.s32 $0xFFFFD800  }
0x14: {  	s18 =	sadd.s32 $0x0, s10;
	[bflag:$0x0] =	sbarrier.arrive $0xFFFF  }
0x15: {  	[tilespmem:s3], [sflag:$0x2] =	stream.linear.gather [hbm4b:s18+s3], $0xC8, $0x38;
	[tilespmem:$0x1A600] =	vst v63  }
0x16: {  	_ =	swait.ge [sflag:s12], $0xC8  }
0x17: {  	[sflag:s12] =	ssyncset.done $0x0  }
0x18: {  	s31 =	sadd.s32 $0x0, s9;
	[sflag:s12] =	ssyncadd.s32 $0xFFFFFF38  }
0x19: {  	[tilespmem:s13], [sflag:$0x2] =	stream.linear.gather [hbm4b:s31+s3], $0xC8, $0x38;
	[tilespmem:$0x1A600] =	vst v63  }
0x1a: {  	_ =	swait.ge [sflag:s12], $0xC8  }
0x1b: {  	[sflag:s12] =	ssyncset.done $0x0  }
0x1c: {  	[sflag:s12] =	ssyncadd.s32 $0xFFFFFF38  }
0x1d: {  	[tilespmem:s15], [sflag:$0x1] =	stream.indirect.gather [hbm4b:s4+s14], $0x80, s3, s14, $0xb8;
	[tilespmem:$0x1A600] =	vst v63  }
0x1e: {  	_ =	swait.ge [sflag:s16], $0x6400  }
0x1f: {  	[sflag:s16] =	ssyncset.done $0x0  }
0x20: {  	[sflag:s16] =	ssyncadd.s32 $0xFFFF9C00  }
0x21: {  	[spmem:s2] =	stream.indirect.scatter.add.f32 [tilespmem:s15], [sflag:$0x2], $0x80, s13, s14, $0xb8;
	[tilespmem:$0x1A600] =	vst v63  }
0x22: {  	_ =	swait.ge [sflag:s12], $0x6400  }
0x23: {  	s19 =	simm.s32 $0x32;
	s18 =	simm.s32 $0x19;
	[sflag:s12] =	ssyncset.done $0x0  }
.LBB2_2:
0x24: {  	s20 =	sadd.s32 s18, s10  }
0x25: {  	[sflag:s12] =	ssyncadd.s32 $0xFFFF9C00;
	s21 =	smov.u32 s19;
	s22 =	sadd.s32 $0x19, s19  }
0x26: {  	[tilespmem:s3], [sflag:$0x2] =	stream.linear.gather [hbm4b:s20+s3], $0xC8, $0x38;
	[tilespmem:$0x1A600] =	vst v63  }
0x27: {  	p0 =	sne.s32 s19, $0x4C9;
	_ =	swait.ge [sflag:s12], $0xC8  }
0x28: {  	[sflag:s12] =	ssyncset.done $0x0  }
0x29: {  	s19 =	sadd.s32 s18, s9;
	s18 =	smov.u32 s21;
	[sflag:s12] =	ssyncadd.s32 $0xFFFFFF38  }
0x2a: {  	[tilespmem:s13], [sflag:$0x2] =	stream.linear.gather [hbm4b:s19+s3], $0xC8, $0x38;
	[tilespmem:$0x1A600] =	vst v63  }
0x2b: {  	_ =	swait.ge [sflag:s12], $0xC8  }
0x2c: {  	[sflag:s12] =	ssyncset.done $0x0  }
0x2d: {  	[sflag:s12] =	ssyncadd.s32 $0xFFFFFF38  }
0x2e: {  	[tilespmem:s15], [sflag:$0x1] =	stream.indirect.gather [hbm4b:s4+s14], $0x80, s3, s14, $0xb8;
	[tilespmem:$0x1A600] =	vst v63  }
0x2f: {  	_ =	swait.ge [sflag:s16], $0x6400  }
.Ltmp0:
0x30: {  	[sflag:s16] =	ssyncset.done $0x0;
	(pc) =	sbr.rel @p0 .LBB2_2-.Ltmp0, $4  }
0x31: {  	[sflag:s16] =	ssyncadd.s32 $0xFFFF9C00  }
0x32: {  	[spmem:s2] =	stream.indirect.scatter.add.f32 [tilespmem:s15], [sflag:$0x2], $0x80, s13, s14, $0xb8;
	[tilespmem:$0x1A600] =	vst v63  }
0x33: {  	_ =	swait.ge [sflag:s12], $0x6400  }
0x34: {  	s19 =	smov.u32 s22;
	[sflag:s12] =	ssyncset.done $0x0  }
0x35: {  	s19 =	sadd.s32 s18, s10;
	[sflag:s12] =	ssyncadd.s32 $0xFFFF9C00  }
0x36: {  	[tilespmem:s3], [sflag:$0x2] =	stream.linear.gather [hbm4b:s19+s3], $0xC8, $0x38;
	[tilespmem:$0x1A600] =	vst v63  }
0x37: {  	_ =	swait.ge [sflag:s12], $0xC8  }
0x38: {  	[sflag:s12] =	ssyncset.done $0x0  }
0x39: {  	s31 =	sadd.s32 s18, s9;
	[sflag:s12] =	ssyncadd.s32 $0xFFFFFF38  }
0x3a: {  	[tilespmem:s13], [sflag:$0x2] =	stream.linear.gather [hbm4b:s31+s3], $0xC8, $0x38;
	[tilespmem:$0x1A600] =	vst v63  }
0x3b: {  	_ =	swait.ge [sflag:s12], $0xC8  }
0x3c: {  	[sflag:s12] =	ssyncset.done $0x0  }
0x3d: {  	[sflag:s12] =	ssyncadd.s32 $0xFFFFFF38  }
0x3e: {  	[tilespmem:s15], [sflag:$0x1] =	stream.indirect.gather [hbm4b:s4+s14], $0x80, s3, s14, $0xb8;
	[tilespmem:$0x1A600] =	vst v63  }
0x3f: {  	_ =	swait.ge [sflag:s16], $0x6400  }
0x40: {  	[sflag:s16] =	ssyncset.done $0x0  }
0x41: {  	[sflag:s16] =	ssyncadd.s32 $0xFFFF9C00  }
0x42: {  	[spmem:s2] =	stream.indirect.scatter.add.f32 [tilespmem:s15], [sflag:$0x2], $0x80, s13, s14, $0xb8;
	[tilespmem:$0x1A600] =	vst v63  }
0x43: {  	_ =	swait.ge [sflag:s12], $0x6400  }
0x44: {  	s17 =	sadd.s32 $0x1, s17;
	[sflag:s12] =	ssyncset.done $0x0  }
0x45: {  	p0 =	sne.s32 s17, s8;
	[sflag:s12] =	ssyncadd.s32 $0xFFFF9C00  }
.Ltmp1:
0x46: {  	[bflag:$0x0] =	sbarrier.arrive $0xFFFF;
	(pc) =	sbr.rel @p0 .LBB2_1-.Ltmp1, $4  }
0x47: {  	[hbm:s7], [sflag:s6] =	dma.local [spmem:s11], $0x2800  }
0x48: {  	_ =	swait.ge [sflag:s12], $0x2800  }
0x49: {  	[sflag:s12] =	ssyncset.done $0x0  }
0x4a: {  	[sflag:s12] =	ssyncadd.s32 $0xFFFFD800  }
0x4b: {  	_ =	sfence.sel $0x180000  }
0x4c: {  	[bflag:$0x0] =	sbarrier.arrive $0xFFFF  }
0x4d: {  	p0 =	sne.s32 s0, $0x0;
	_ =	strace $0x90000053  }
0x4e: {  	s0 =	sadd.s32 @!p0 $0x100000, s1;
	[bflag:$0x2] =	sbarrier.arrive $0xFFFF  }
0x4f: {  	[sflag:s0] =	ssyncadd.tile.s32 @!p0 $0x1;
	_ =	shalt  }
.Lfunc_end2:
_tile_overlayer_lowered:
.L_overlay_start_2:
0x50: {  	(tag) =	ssettag $0x2  }
0x51: {  	s0 =	rddreg [dreg:$0x0];
	s2 =	stileid.u32  }
0x52: {  	s1 =	rddreg [dreg:$0x1];
	p0 =	sne.s32 s2, $0x0  }
0x53: {  	s3 =	rddreg [dreg:$0x2];
	[bflag:$0x3] =	sbarrier.arrive $0xFFFF;
	s2 =	simm.s32 @!p0 $0x1C02  }
0x54: {  	[timem:s3], [sflag:s2] =	dma.local @!p0 [hbm:s0], s1  }
0x55: {  	s0 =	simm.s32 @!p0 $0x2  }
0x56: {  	_ =	swait.ge @!p0 [sflag:s0], s1  }
0x57: {  	s1 =	ssub.s32 @!p0 $0x0, s1;
	[sflag:s0] =	ssyncset.done @!p0 $0x0  }
0x58: {  	[sflag:s0] =	ssyncadd.s32 @!p0 s1  }
0x59: {  	[bflag:$0x3] =	sbarrier.arrive $0xFFFF  }
0x5a: {  	_ =	shalt  }

// kernel: kernel.39.cloned.1.call-start
scs
__scs_entry_jumppad:
0x0: {  	(pc) =	sbr.rel $0x88, $3  }
0x1: {  	(tag) =	ssettag $0x0;
	lr =	simm.s32 $0x1  }
0x2: {  	[smem:$0x3F8E] =	sst lr;
	_ =	strace $0xD0000000  }
0x3: {  	_ = 	snop  }
0x4: {  	_ = 	snop  }
0x5: {  	_ = 	snop  }
0x6: {  	_ = 	snop  }
0x7: {  	_ = 	snop  }
__scs_overlays_trampoline_lowered:
0x8: {  	[smem:$0x3F9D] =	sst s0  }
0x9: {  	[smem:$0x3F9E] =	sst s1  }
0xa: {  	[smem:$0x3F9F] =	sst s2  }
0xb: {  	[smem:$0x3FA0] =	sst s3  }
0xc: {  	[smem:$0x3FA1] =	sst s4  }
0xd: {  	[smem:$0x3FA2] =	sst s5  }
0xe: {  	[smem:$0x3FA3] =	sst s6  }
0xf: {  	[smem:$0x3FA4] =	sst s7  }
0x10: {  	[smem:$0x3FA5] =	sst s8  }
0x11: {  	[smem:$0x3FA6] =	sst s9;
	s0 =	simm.s32 @!p0 $0x0  }
0x12: {  	s1 =	sld [smem:$0x3F8C];
	s0 =	simm.s32 @p0 $0x1  }
0x13: {  	[smem:$0x3FA7] =	sst s0;
	s0 =	simm.s32 @!p1 $0x0  }
0x14: {  	s2 =	sld [smem:$0x3F8B];
	s0 =	simm.s32 @p1 $0x1  }
0x15: {  	[smem:$0x3FA8] =	sst s0;
	s0 =	simm.s32 @!p2 $0x0  }
0x16: {  	s3 =	sld [smem:$0x3FDB];
	s0 =	simm.s32 @p2 $0x1  }
0x17: {  	s4 =	simm.s32 $0x1BF5;
	[smem:$0x3FAA] =	sst s0  }
0x18: {  	s0 =	sld [smem:$0x3F8D];
	_ =	swait.ge [sflag:s4], $0x0  }
0x19: {  	s7 =	sld [smem:$0x3F8E]  }
0x1a: {  	s8 =	sadd.s32 $0xFFFFE003, lr  }
0x1b: {  	s9 =	sadd.s32 $0xFFFFFEF7, lr;
	s5 =	simm.s32 $0xFFFFFFFF;
	p2 =	slt.u32 s8, $0xFFFFF086  }
0x1c: {  	p1 =	slt.u32 s9, $0xF7A;
	s5 =	simm.s32 @!p2 $0x0  }
0x1d: {  	s5 =	simm.s32 @p1 $0x1;
	p0 =	seq.s32 s7, s2  }
0x1e: {  	s7 =	smul.u32 @!p0 $0xF7A, s2;
	p2 =	seq.s32 @!p0 s5, $0x0  }
0x1f: {  	s9 =	smul.u32 $0xF7A, s1;
	s8 =	simm.s32 @!p0 $0x1BF5;
	p2 =	por !p2, p0  }
0x20: {  	[sflag:s8] =	ssyncset.s32 @!p0 $0xFFFFF086;
	s6 =	sadd.s32 @!p0 s3, s7;
	s7 =	simm.s32 @!p0 $0x108  }
0x21: {  	s3 =	sadd.s32 s3, s9;
	s6 =	sadd.s32 @!p0 $0x88, s6;
	s7 =	simm.s32 @p2 $0x1082  }
0x22: {  	[simem:s7], [sflag:s8] =	dma.local @!p0 [hbm:s6], $0xF7A  }
0x23: {  	s9 =	sor.u32 $0xD0000000, s2;
	s6 =	simm.s32 $0x108;
	_ =	swait.ge @!p0 [sflag:s8], $0x0  }
0x24: {  	s3 =	sadd.s32 $0x88, s3;
	s6 =	simm.s32 @!p1 $0x1082;
	[sflag:s4] =	ssyncset.s32 $0xFFFFF086  }
0x25: {  	[simem:s6], [sflag:s4] =	dma.local [hbm:s3], $0xF7A  }
0x26: {  	[smem:$0x3F8E] =	sst s1;
	(tag) =	ssettag s2;
	_ =	strace s9  }
0x27: {  	s1 =	sld [smem:$0x3F9E]  }
0x28: {  	s2 =	sld [smem:$0x3F9F]  }
0x29: {  	s4 =	sld [smem:$0x3FA1]  }
0x2a: {  	p0 =	seq.s32 s5, $0x0;
	s5 =	sld [smem:$0x3FA2]  }
0x2b: {  	s6 =	sld [smem:$0x3FA3]  }
0x2c: {  	s7 =	sld [smem:$0x3FA4]  }
0x2d: {  	s3 =	simm.s32 $0x108;
	s8 =	sld [smem:$0x3FA5]  }
0x2e: {  	s3 =	simm.s32 @!p0 $0x1082;
	s9 =	sld [smem:$0x3FA6]  }
0x2f: {  	lr =	sadd.s32 s0, s3;
	s0 =	sld [smem:$0x3F9D]  }
0x30: {  	s3 =	sld [smem:$0x3FA0]  }
0x31: {  	[smem:$0x3FA9] =	sst s10  }
0x32: {  	s10 =	sld [smem:$0x3FA7];
	_ =	sdelay $0x3  }
0x33: {  	p0 =	seq.s32 s10, $0x1;
	s10 =	sld [smem:$0x3FA9];
	_ =	sdelay $0x3  }
0x34: {  	[smem:$0x3FA9] =	sst s10  }
0x35: {  	s10 =	sld [smem:$0x3FA8];
	_ =	sdelay $0x3  }
0x36: {  	p1 =	seq.s32 s10, $0x1;
	s10 =	sld [smem:$0x3FA9];
	_ =	sdelay $0x3  }
0x37: {  	[smem:$0x3FA9] =	sst s10  }
0x38: {  	s10 =	sld [smem:$0x3FAA]  }
0x39: {  	_ = 	snop;
	(pc) =	sbr.ind lr, $3  }
0x3a: {  	_ = 	snop  }
0x3b: {  	_ = 	snop  }
0x3c: {  	p2 =	seq.s32 s10, $0x1;
	s10 =	sld [smem:$0x3FA9]  }
0x3d: {  	_ =	shalt  }
0x3e: {  	_ =	shalt  }
0x3f: {  	_ =	shalt  }
0x40: {  	_ =	shalt  }
0x41: {  	_ =	shalt  }
0x42: {  	_ =	shalt  }
0x43: {  	_ =	shalt  }
0x44: {  	_ =	shalt  }
0x45: {  	_ =	shalt  }
0x46: {  	_ =	shalt  }
0x47: {  	_ =	shalt  }
0x48: {  	_ =	shalt  }
0x49: {  	_ =	shalt  }
0x4a: {  	_ =	shalt  }
0x4b: {  	_ =	shalt  }
0x4c: {  	_ =	shalt  }
0x4d: {  	_ =	shalt  }
0x4e: {  	_ =	shalt  }
0x4f: {  	_ =	shalt  }
0x50: {  	_ =	shalt  }
0x51: {  	_ =	shalt  }
0x52: {  	_ =	shalt  }
0x53: {  	_ =	shalt  }
0x54: {  	_ =	shalt  }
0x55: {  	_ =	shalt  }
0x56: {  	_ =	shalt  }
0x57: {  	_ =	shalt  }
0x58: {  	_ =	shalt  }
0x59: {  	_ =	shalt  }
0x5a: {  	_ =	shalt  }
0x5b: {  	_ =	shalt  }
0x5c: {  	_ =	shalt  }
0x5d: {  	_ =	shalt  }
0x5e: {  	_ =	shalt  }
0x5f: {  	_ =	shalt  }
0x60: {  	_ =	shalt  }
0x61: {  	_ =	shalt  }
0x62: {  	_ =	shalt  }
0x63: {  	_ =	shalt  }
0x64: {  	_ =	shalt  }
0x65: {  	_ =	shalt  }
0x66: {  	_ =	shalt  }
0x67: {  	_ =	shalt  }
0x68: {  	_ =	shalt  }
0x69: {  	_ =	shalt  }
0x6a: {  	_ =	shalt  }
0x6b: {  	_ =	shalt  }
0x6c: {  	_ =	shalt  }
0x6d: {  	_ =	shalt  }
0x6e: {  	_ =	shalt  }
0x6f: {  	_ =	shalt  }
0x70: {  	_ =	shalt  }
0x71: {  	_ =	shalt  }
0x72: {  	_ =	shalt  }
0x73: {  	_ =	shalt  }
0x74: {  	_ =	shalt  }
0x75: {  	_ =	shalt  }
0x76: {  	_ =	shalt  }
0x77: {  	_ =	shalt  }
0x78: {  	_ =	shalt  }
0x79: {  	_ =	shalt  }
0x7a: {  	_ =	shalt  }
0x7b: {  	_ =	shalt  }
0x7c: {  	_ =	shalt  }
0x7d: {  	_ =	shalt  }
0x7e: {  	_ =	shalt  }
0x7f: {  	_ =	shalt  }
0x80: {  	_ =	shalt  }
0x81: {  	_ =	shalt  }
0x82: {  	_ =	shalt  }
0x83: {  	_ =	shalt  }
0x84: {  	_ =	shalt  }
0x85: {  	_ =	shalt  }
0x86: {  	_ =	shalt  }
0x87: {  	_ =	shalt  }
.Lfunc_end0:
.L_simem_size_0:
called_computation.5_lowered:
.L_overlay_start_0:
0x88: {  	s2 =	sld [smem:$0x3FD9]  }
0x89: {  	s3 =	sld [smem:$0x3FFE];
	_ =	sdelay $0x1  }
0x8a: {  	s1 =	srdreg.scid  }
0x8b: {  	s0 =	sand.u32 $0x1, s1  }
0x8c: {  	s16 =	sshll.u32 s0, $0xA;
	s2 =	sadd.s32 s3, s2  }
0x8d: {  	s2 =	sadd.s32 s2, s16  }
0x8e: {  	[smem:$0x3FB5] =	sst s2  }
0x8f: {  	_ = 	snop  }
0x90: {  	(tm) =	ssettm $0x1  }
0x91: {  	s17 =	sld [smem:$0x3FFB];
	_ =	sdelay $0x3  }
0x92: {  	_ =	strace s17  }
0x93: {  	s2 =	sld [smem:$0x3FFC];
	_ =	sdelay $0x3  }
0x94: {  	_ =	strace s2  }
0x95: {  	s2 =	sld [smem:$0x3FFD];
	_ =	sdelay $0x3  }
0x96: {  	_ =	strace s2  }
0x97: {  	_ =	strace $0x8FFFFFFF  }
0x98: {  	s18 =	sld [smem:$0x3FDB];
	_ =	sdelay $0x1  }
0x99: {  	s19 =	simm.s32 $_scs_section_size  }
0x9a: {  	s4 =	simm.s32 $_size__tile_overlayer_lowered;
	s5 =	simm.s32 $_tile_overlayer_lowered  }
0x9b: {  	s22 =	simm.s32 $0x1BFF;
	s21 =	sshll.u32 s5, $0x1;
	s2 =	sadd.s32 s19, s18  }
0x9c: {  	s6 =	simm.s32 $0x0;
	s20 =	sshll.u32 s4, $0x1;
	s4 =	sadd.s32 s21, s2  }
0x9d: {  	[timem:s6], [sflag:s22] =	dma.local [hbm:s4], s20  }
0x9e: {  	_ =	swait.ge [sflag:s22], s20  }
0x9f: {  	s3 =	ssub.s32 $0x0, s20;
	[sflag:s22] =	ssyncset.done $0x0  }
0xa0: {  	[sflag:s22] =	ssyncadd.s32 s3;
	_ =	sdelay $0x1  }
0xa1: {  	s23 =	simm.s32 $0x1B8B  }
0xa2: {  	_ =	swait.ge [sflag:s23], $0x1  }
0xa3: {  	[sflag:s23] =	ssyncset.done $0x0  }
0xa4: {  	s25 =	simm.s32 $0x1B8E;
	s24 =	sld [smem:$0x3FFE];
	[sflag:s23] =	ssyncadd.s32 $0xFFFFFFFF  }
0xa5: {  	s26 =	simm.s32 $execute0_lowered;
	[smem:$0x3FD2] =	sst s25  }
0xa6: {  	s4 =	sshll.u32 s26, $0x1;
	_ =	strace $0x80000055;
	[dreg:$0x1] =	wrdreg $0xFFFFFFFF  }
0xa7: {  	s28 =	simm.s32 $_size_execute0_lowered;
	s2 =	sadd.s32 s2, s4;
	[dreg:$0x0] =	wrdreg $0x0  }
0xa8: {  	s4 =	sshll.u32 s28, $0x1;
	[dreg:$0x2] =	wrdreg s2  }
0xa9: {  	[dreg:$0x3] =	wrdreg s4  }
0xaa: {  	[dreg:$0x4] =	wrdreg $0xC0  }
0xab: {  	_ =	task [dreg:s6], $0x5FFFF  }
0xac: {  	[dreg:$0x1] =	wrdreg $0xFFFFFFFF  }
0xad: {  	[dreg:$0x0] =	wrdreg $0x60  }
0xae: {  	[dreg:$0x2] =	wrdreg s24  }
0xaf: {  	[dreg:$0x3] =	wrdreg $0xA2800  }
0xb0: {  	[dreg:$0x4] =	wrdreg $0x9  }
0xb1: {  	_ =	task.clear_ibuf [dreg:s6], $0x5FFFF;
	_ =	strace $0x90000055  }
0xb2: {  	s29 =	simm.s32 $0x9;
	_ =	strace $0x80000057  }
0xb3: {  	_ =	swait.ge [sflag:s29], $0x1  }
0xb4: {  	[sflag:s29] =	ssyncadd.s32 $0xFFFFFFFF  }
0xb5: {  	_ =	strace $0x90000057  }
0xb6: {  	_ =	sfence  }
0xb7: {  	s30 =	sld [smem:$0x0];
	_ =	sdelay $0x2  }
0xb8: {  	s31 =	sshll.u32 s1, $0xD;
	s1 =	sshrl.u32 s1, $0x2  }
0xb9: {  	s3 =	sand.u32 $0x4000, s31;
	s1 =	sadd.s32 s1, s30  }
0xba: {  	s0 =	sor.u32 s3, s0;
	s1 =	sshll.u32 s1, $0x11  }
0xbb: {  	s0 =	sor.u32 s1, s0  }
0xbc: {  	s0 =	sadd.s32 $0x8F2B, s0  }
0xbd: {  	[sflag:s0] =	ssyncadd.remote.s32 $0x1  }
0xbe: {  	_ =	sfence.sel $0xFFFF  }
0xbf: {  	[dreg:$0x0] =	wrdreg $0xFFFFFFFF;
	(pc) =	sbr.abs _section_cstart, $3  }
0xc0: {  	[dreg:$0x1] =	wrdreg $0xFFFFFFFF  }
0xc1: {  	_ =	task.clear_ibuf [dreg:s6], $0x2FFFF;
	_ =	strace $0x9FFFFFFF  }
0xc2: {  	(tm) =	ssettm $0x7FFFFFFF  }
0xc3: {  	_ =	shalt  }
tec
execute0_lowered:
.L_overlay_start_1:
0x0: {  	(tag) =	ssettag $0x1  }
0x1: {  	s5 =	rddreg [dreg:$0x0]  }
0x2: {  	s0 =	srdreg.scid;
	s7 =	rddreg [dreg:$0x1];
	s2 =	simm.s32 $0x0  }
0x3: {  	s13 =	simm.s32 $0x5000;
	s14 =	simm.s32 $0x80;
	s15 =	simm.s32 $0x400  }
0x4: {  	s16 =	simm.s32 $0x14000;
	s17 =	simm.s32 $0x7800;
	s18 =	simm.s32 $0xA000  }
0x5: {  	s19 =	simm.s32 $0x0;
	s4 =	sand.u32 $0x1, s0;
	s0 =	stileid.u32  }
0x6: {  	[smem:$0x7FF] =	sst s2;
	s3 =	sadd.s32 $0x1AE00, s5;
	s8 =	smul.u32 $0x280, s0  }
0x7: {  	s1 =	sshll.u32 s4, $0x4;
	s9 =	smul.u32 $0x2800, s4;
	s4 =	ssub.s32 $0x2, s4  }
0x8: {  	s30 =	sshrl.u32 s0, $0x3;
	s31 =	smul.u32 $0x5000, s0;
	s11 =	sshll.u32 s0, $0x7  }
0x9: {  	s1 =	sor.u32 s0, s1;
	s10 =	sshrl.u32 s4, $0x1;
	s11 =	sand.u32 $0x380, s11  }
0xa: {  	s6 =	smul.u32 $0x272, s1;
	s1 =	rddreg [dreg:$0x2];
	_ =	strace $0x80000056  }
0xb: {  	s8 =	sadd.s32 s8, s9;
	s9 =	smul.u32 $0x50000, s30;
	s10 =	ssub.s32 s4, s10  }
0xc: {  	s12 =	sshrl.u32 s31, $0x2;
	s8 =	sshrl.u32 s8, $0x3;
	s6 =	sadd.s32 s6, s5  }
0xd: {  	s8 =	sadd.s32 s8, s5;
	s9 =	sshrl.u32 s9, $0x2;
	s4 =	sadd.s32 $0x15E00, s6  }
0xe: {  	s9 =	sadd.s32 s9, s7;
	s5 =	sadd.s32 $0x10E00, s6;
	s7 =	sadd.s32 s12, s7  }
0xf: {  	s8 =	sadd.s32 $0x1B400, s8;
	s12 =	simm.s32 $0x1400;
	s6 =	sadd.s32 s11, s9  }
0x10: {  	v0 =	vimm.f32 $0.0e+00;
	s9 =	smax.u32 s10, $0x1;
	s10 =	simm.s32 $0x2800;
	s11 =	simm.s32 $0x1  }
.LBB2_1:
0x11: {  	[tilespmem:s10], [sflag:$0x1] =	stream.linear.gather [hbm4b:s3+s2], $0x2800, $0x38;
	[tilespmem:$0xCA80] =	vst v63  }
0x12: {  	_ =	swait.ge [sflag:s11], $0x2800  }
0x13: {  	[sflag:s11] =	ssyncset.done $0x0  }
0x14: {  	[sflag:s11] =	ssyncadd.s32 $0xFFFFD800  }
0x15: {  	[tilespmem:s2], [sflag:$0x1] =	stream.linear.gather [hbm4b:s4+s2], $0x1390, $0x38;
	[tilespmem:$0xCA80] =	vst v63  }
0x16: {  	_ =	swait.ge [sflag:s11], $0x1390  }
0x17: {  	[sflag:s11] =	ssyncset.done $0x0  }
0x18: {  	[sflag:s11] =	ssyncadd.s32 $0xFFFFEC70  }
0x19: {  	[tilespmem:s12], [sflag:$0x1] =	stream.linear.gather [hbm4b:s5+s2], $0x1390, $0x38;
	[tilespmem:$0xCA80] =	vst v63  }
0x1a: {  	_ =	swait.ge [sflag:s11], $0x1390  }
0x1b: {  	[sflag:s11] =	ssyncset.done $0x0  }
0x1c: {  	s20 =	simm.s32 $0x0;
	[sflag:s11] =	ssyncadd.s32 $0xFFFFEC70  }
.LBB2_2:
0x1d: {  	p0 =	sne.s32 s20, $0x9FC0  }
.Ltmp0:
0x1e: {  	_ = 	snop;
	(pc) =	sbr.rel @p0 .LBB2_2-.Ltmp0, $3  }
0x1f: {  	_ =	sdelay $0x1  }
0x20: {  	s21 =	sshra.s32 s20, $0x2  }
0x21: {  	s20 =	sadd.s32 $0x40, s20;
	[tilespmem:s21+$0x5000] =	vst v0  }
0x22: {  	s21 =	simm.s32 $0x0;
	s20 =	simm.s32 $0x40  }
.LBB2_4:
0x23: {  	p0 =	sne.s32 s20, $0x4E00;
	v1 =	vld [tilespmem:s21+$0x0];
	_ =	sdelay $0x5  }
0x24: {  	v2 =	vld [tilespmem:s21+$0x1400];
	_ =	sdelay $0x1  }
0x25: {  	v1 =	vld.idx.msk [tilespmem:v1+s10+$0x0], $0xffff;
	_ =	sdelay $0x1  }
.Ltmp1:
0x26: {  	(pc) =	sbr.rel @p0 .LBB2_4-.Ltmp1, $2  }
0x27: {  	_ =	sdelay $0x2  }
0x28: {  	s21 =	sshra.s32 s20, $0x2;
	s20 =	sadd.s32 $0x40, s20;
	[tilespmem:v2+s13+$0x0] =	vst.idx.add.f32.msk $0xffff, v1  }
0x29: {  	v1 =	vld [tilespmem:s21+$0x0];
	_ =	sdelay $0x4  }
0x2a: {  	v2 =	vld [tilespmem:s21+$0x1400];
	_ =	sdelay $0x2  }
0x2b: {  	v1 =	vld.idx.msk [tilespmem:v1+s10+$0x0], $0xffff;
	_ =	sdelay $0x4  }
0x2c: {  	[tilespmem:v2+s13+$0x0] =	vst.idx.add.f32.msk $0xffff, v1  }
0x2d: {  	[spmem:s6] =	stream.strided.scatter [tilespmem:s13], [sflag:$0x1], $0x2800, s15, s14, $0x38;
	[tilespmem:$0xCA80] =	vst v63  }
0x2e: {  	_ =	swait.ge [sflag:s11], $0x2800  }
0x2f: {  	[sflag:s11] =	ssyncset.done $0x0  }
0x30: {  	[sflag:s11] =	ssyncadd.s32 $0xFFFFD800  }
0x31: {  	[bflag:$0x0] =	sbarrier.arrive $0xFFFF  }
0x32: {  	[tilespmem:s17], [sflag:$0x1] =	stream.strided.gather [spmem:s7], $0x2800, s16, s12, $0x38;
	[tilespmem:$0xCA80] =	vst v63  }
0x33: {  	s20 =	simm.s32 $0x0;
	_ =	swait.ge [sflag:s11], $0x2800  }
0x34: {  	s30 =	sand.u32 $0x70, s20;
	s20 =	sand.u32 $0x1C00, s20;
	[sflag:s11] =	ssyncset.done $0x0  }
0x35: {  	s20 =	sor.u32 s30, s20;
	[sflag:s11] =	ssyncadd.s32 $0xFFFFD800  }
0x36: {  	v1 =	vld [tilespmem:s20+$0x7880]  }
0x37: {  	v2 =	vld [tilespmem:s20+$0x7800];
	_ =	sdelay $0x1  }
0x38: {  	v3 =	vld [tilespmem:s20+$0x7900];
	_ =	sdelay $0x1  }
0x39: {  	v4 =	vld [tilespmem:s20+$0x7980]  }
0x3a: {  	v1 =	vadd.f32 v1, v2  }
0x3b: {  	v2 =	vld [tilespmem:s20+$0x7A00]  }
0x3c: {  	v1 =	vadd.f32 v3, v1  }
0x3d: {  	v3 =	vld [tilespmem:s20+$0x7A80]  }
0x3e: {  	v1 =	vadd.f32 v4, v1  }
0x3f: {  	v60 =	vld [tilespmem:s20+$0x7B00]  }
0x40: {  	v1 =	vadd.f32 v2, v1  }
0x41: {  	v2 =	vld [tilespmem:s20+$0x7B80]  }
0x42: {  	v1 =	vadd.f32 v3, v1  }
0x43: {  	v3 =	vld [tilespmem:s20+$0x8C00]  }
0x44: {  	v1 =	vadd.f32 v60, v1  }
0x45: {  	v61 =	vld [tilespmem:s20+$0x8C80]  }
0x46: {  	v1 =	vadd.f32 v2, v1  }
0x47: {  	v2 =	vld [tilespmem:s20+$0x8D00]  }
0x48: {  	v1 =	vadd.f32 v3, v1  }
0x49: {  	v3 =	vld [tilespmem:s20+$0x8D80]  }
0x4a: {  	v1 =	vadd.f32 v61, v1  }
0x4b: {  	v62 =	vld [tilespmem:s20+$0x8E00]  }
0x4c: {  	v1 =	vadd.f32 v2, v1  }
0x4d: {  	v2 =	vld [tilespmem:s20+$0x8E80]  }
0x4e: {  	v1 =	vadd.f32 v3, v1  }
0x4f: {  	v3 =	vld [tilespmem:s20+$0x8F00]  }
0x50: {  	v1 =	vadd.f32 v62, v1  }
0x51: {  	v63 =	vld [tilespmem:s20+$0x8F80]  }
0x52: {  	v1 =	vadd.f32 v2, v1;
	_ =	sdelay $0x1  }
0x53: {  	v1 =	vadd.f32 v3, v1;
	_ =	sdelay $0x1  }
0x54: {  	s31 =	simm.s32 $0x10;
	s22 =	simm.s32 $0x80;
	v1 =	vadd.f32 v63, v1  }
0x55: {  	s21 =	sand.u32 $0x70, s31;
	s23 =	sand.u32 $0x1C00, s22;
	s20 =	simm.s32 $0xA000  }
0x56: {  	s21 =	sor.u32 s21, s23;
	s23 =	simm.s32 $0x20;
	[tilespmem:s20+$0x0] =	vst v1  }
.LBB2_6:
0x57: {  	p0 =	sne.s32 s23, $0x270;
	v1 =	vld [tilespmem:s21+$0x7880]  }
0x58: {  	v2 =	vld [tilespmem:s21+$0x7800];
	_ =	sdelay $0x1  }
0x59: {  	v3 =	vld [tilespmem:s21+$0x7900];
	_ =	sdelay $0x1  }
0x5a: {  	v4 =	vld [tilespmem:s21+$0x7980]  }
0x5b: {  	v1 =	vadd.f32 v1, v2  }
0x5c: {  	v2 =	vld [tilespmem:s21+$0x7A00]  }
0x5d: {  	v1 =	vadd.f32 v3, v1  }
0x5e: {  	v3 =	vld [tilespmem:s21+$0x7A80]  }
0x5f: {  	v1 =	vadd.f32 v4, v1  }
0x60: {  	v4 =	vld [tilespmem:s21+$0x7B00]  }
0x61: {  	v1 =	vadd.f32 v2, v1  }
0x62: {  	v2 =	vld [tilespmem:s21+$0x7B80]  }
0x63: {  	v1 =	vadd.f32 v3, v1  }
0x64: {  	v3 =	vld [tilespmem:s21+$0x8C00]  }
0x65: {  	v1 =	vadd.f32 v4, v1  }
0x66: {  	v4 =	vld [tilespmem:s21+$0x8C80]  }
0x67: {  	v1 =	vadd.f32 v2, v1  }
0x68: {  	v2 =	vld [tilespmem:s21+$0x8D00]  }
0x69: {  	v1 =	vadd.f32 v3, v1  }
0x6a: {  	v3 =	vld [tilespmem:s21+$0x8D80]  }
0x6b: {  	v1 =	vadd.f32 v4, v1  }
0x6c: {  	v4 =	vld [tilespmem:s21+$0x8E00]  }
0x6d: {  	v1 =	vadd.f32 v2, v1  }
0x6e: {  	v2 =	vld [tilespmem:s21+$0x8E80]  }
0x6f: {  	v1 =	vadd.f32 v3, v1  }
0x70: {  	v3 =	vld [tilespmem:s21+$0x8F00]  }
0x71: {  	v1 =	vadd.f32 v4, v1  }
0x72: {  	v4 =	vld [tilespmem:s21+$0x8F80]  }
0x73: {  	v1 =	vadd.f32 v2, v1;
	_ =	sdelay $0x1  }
.Ltmp2:
0x74: {  	v1 =	vadd.f32 v3, v1;
	(pc) =	sbr.rel @p0 .LBB2_6-.Ltmp2, $4  }
0x75: {  	_ = 	snop  }
0x76: {  	s22 =	sadd.s32 $0x80, s22;
	v1 =	vadd.f32 v4, v1  }
0x77: {  	s20 =	sadd.s32 $0x10, s20;
	s24 =	sand.u32 $0x1C00, s22;
	s21 =	sand.u32 $0x70, s23  }
0x78: {  	s23 =	sadd.s32 $0x10, s23;
	s21 =	sor.u32 s21, s24;
	[tilespmem:s20+$0x0] =	vst v1  }
0x79: {  	v1 =	vld [tilespmem:s21+$0x7880]  }
0x7a: {  	v2 =	vld [tilespmem:s21+$0x7800];
	_ =	sdelay $0x1  }
0x7b: {  	v3 =	vld [tilespmem:s21+$0x7900];
	_ =	sdelay $0x1  }
0x7c: {  	v4 =	vld [tilespmem:s21+$0x7980]  }
0x7d: {  	v1 =	vadd.f32 v1, v2  }
0x7e: {  	v2 =	vld [tilespmem:s21+$0x7A00]  }
0x7f: {  	v1 =	vadd.f32 v3, v1  }
0x80: {  	v3 =	vld [tilespmem:s21+$0x7A80]  }
0x81: {  	v1 =	vadd.f32 v4, v1  }
0x82: {  	v60 =	vld [tilespmem:s21+$0x7B00]  }
0x83: {  	v1 =	vadd.f32 v2, v1  }
0x84: {  	v2 =	vld [tilespmem:s21+$0x7B80]  }
0x85: {  	v1 =	vadd.f32 v3, v1  }
0x86: {  	v3 =	vld [tilespmem:s21+$0x8C00]  }
0x87: {  	v1 =	vadd.f32 v60, v1  }
0x88: {  	v61 =	vld [tilespmem:s21+$0x8C80]  }
0x89: {  	v1 =	vadd.f32 v2, v1  }
0x8a: {  	v2 =	vld [tilespmem:s21+$0x8D00]  }
0x8b: {  	v1 =	vadd.f32 v3, v1  }
0x8c: {  	v3 =	vld [tilespmem:s21+$0x8D80]  }
0x8d: {  	v1 =	vadd.f32 v61, v1  }
0x8e: {  	v62 =	vld [tilespmem:s21+$0x8E00]  }
0x8f: {  	v1 =	vadd.f32 v2, v1  }
0x90: {  	v2 =	vld [tilespmem:s21+$0x8E80]  }
0x91: {  	v1 =	vadd.f32 v3, v1  }
0x92: {  	v3 =	vld [tilespmem:s21+$0x8F00]  }
0x93: {  	v1 =	vadd.f32 v62, v1  }
0x94: {  	v63 =	vld [tilespmem:s21+$0x8F80]  }
0x95: {  	v1 =	vadd.f32 v2, v1;
	_ =	sdelay $0x1  }
0x96: {  	v1 =	vadd.f32 v3, v1;
	_ =	sdelay $0x1  }
0x97: {  	s19 =	sadd.s32 $0x1, s19;
	v1 =	vadd.f32 v63, v1  }
0x98: {  	s20 =	sadd.s32 $0x10, s20;
	p0 =	sne.s32 s19, s9  }
.Ltmp3:
0x99: {  	[tilespmem:s20+$0x0] =	vst v1;
	(pc) =	sbr.rel @p0 .LBB2_1-.Ltmp3, $4  }
0x9a: {  	[hbm4b:s8+s2] =	stream.linear.scatter [tilespmem:s18], [sflag:$0x1], $0x280, $0x38;
	[tilespmem:$0xCA80] =	vst v63  }
0x9b: {  	_ =	swait.ge [sflag:s11], $0x280  }
0x9c: {  	[sflag:s11] =	ssyncset.done $0x0  }
0x9d: {  	[sflag:s11] =	ssyncadd.s32 $0xFFFFFD80  }
0x9e: {  	_ =	sfence.sel $0x180000  }
0x9f: {  	[bflag:$0x0] =	sbarrier.arrive $0xFFFF  }
0xa0: {  	p0 =	sne.s32 s0, $0x0;
	_ =	strace $0x90000056  }
0xa1: {  	s0 =	sadd.s32 @!p0 $0x100000, s1;
	[bflag:$0x2] =	sbarrier.arrive $0xFFFF  }
0xa2: {  	[sflag:s0] =	ssyncadd.tile.s32 @!p0 $0x1;
	_ =	shalt  }
.Lfunc_end2:
_tile_overlayer_lowered:
.L_overlay_start_2:
0xa3: {  	(tag) =	ssettag $0x2  }
0xa4: {  	s0 =	rddreg [dreg:$0x0];
	s2 =	stileid.u32  }
0xa5: {  	s1 =	rddreg [dreg:$0x1];
	p0 =	sne.s32 s2, $0x0  }
0xa6: {  	s3 =	rddreg [dreg:$0x2];
	[bflag:$0x3] =	sbarrier.arrive $0xFFFF;
	s2 =	simm.s32 @!p0 $0x1C01  }
0xa7: {  	[timem:s3], [sflag:s2] =	dma.local @!p0 [hbm:s0], s1  }
0xa8: {  	s0 =	simm.s32 @!p0 $0x1  }
0xa9: {  	_ =	swait.ge @!p0 [sflag:s0], s1  }
0xaa: {  	s1 =	ssub.s32 @!p0 $0x0, s1;
	[sflag:s0] =	ssyncset.done @!p0 $0x0  }
0xab: {  	[sflag:s0] =	ssyncadd.s32 @!p0 s1  }
0xac: {  	[bflag:$0x3] =	sbarrier.arrive $0xFFFF  }
0xad: {  	_ =	shalt  }

// kernel: kernel.42.cloned.1.call-start
scs
__scs_entry_jumppad:
0x0: {  	(pc) =	sbr.rel $0x88, $3  }
0x1: {  	(tag) =	ssettag $0x0;
	lr =	simm.s32 $0x1  }
0x2: {  	[smem:$0x3F8E] =	sst lr;
	_ =	strace $0xD0000000  }
0x3: {  	_ = 	snop  }
0x4: {  	_ = 	snop  }
0x5: {  	_ = 	snop  }
0x6: {  	_ = 	snop  }
0x7: {  	_ = 	snop  }
__scs_overlays_trampoline_lowered:
0x8: {  	[smem:$0x3F9D] =	sst s0  }
0x9: {  	[smem:$0x3F9E] =	sst s1  }
0xa: {  	[smem:$0x3F9F] =	sst s2  }
0xb: {  	[smem:$0x3FA0] =	sst s3  }
0xc: {  	[smem:$0x3FA1] =	sst s4  }
0xd: {  	[smem:$0x3FA2] =	sst s5  }
0xe: {  	[smem:$0x3FA3] =	sst s6  }
0xf: {  	[smem:$0x3FA4] =	sst s7  }
0x10: {  	[smem:$0x3FA5] =	sst s8  }
0x11: {  	[smem:$0x3FA6] =	sst s9;
	s0 =	simm.s32 @!p0 $0x0  }
0x12: {  	s1 =	sld [smem:$0x3F8C];
	s0 =	simm.s32 @p0 $0x1  }
0x13: {  	[smem:$0x3FA7] =	sst s0;
	s0 =	simm.s32 @!p1 $0x0  }
0x14: {  	s2 =	sld [smem:$0x3F8B];
	s0 =	simm.s32 @p1 $0x1  }
0x15: {  	[smem:$0x3FA8] =	sst s0;
	s0 =	simm.s32 @!p2 $0x0  }
0x16: {  	s3 =	sld [smem:$0x3FDB];
	s0 =	simm.s32 @p2 $0x1  }
0x17: {  	s4 =	simm.s32 $0x1BF5;
	[smem:$0x3FAA] =	sst s0  }
0x18: {  	s0 =	sld [smem:$0x3F8D];
	_ =	swait.ge [sflag:s4], $0x0  }
0x19: {  	s7 =	sld [smem:$0x3F8E]  }
0x1a: {  	s8 =	sadd.s32 $0xFFFFE003, lr  }
0x1b: {  	s9 =	sadd.s32 $0xFFFFFEF7, lr;
	s5 =	simm.s32 $0xFFFFFFFF;
	p2 =	slt.u32 s8, $0xFFFFF086  }
0x1c: {  	p1 =	slt.u32 s9, $0xF7A;
	s5 =	simm.s32 @!p2 $0x0  }
0x1d: {  	s5 =	simm.s32 @p1 $0x1;
	p0 =	seq.s32 s7, s2  }
0x1e: {  	s7 =	smul.u32 @!p0 $0xF7A, s2;
	p2 =	seq.s32 @!p0 s5, $0x0  }
0x1f: {  	s9 =	smul.u32 $0xF7A, s1;
	s8 =	simm.s32 @!p0 $0x1BF5;
	p2 =	por !p2, p0  }
0x20: {  	[sflag:s8] =	ssyncset.s32 @!p0 $0xFFFFF086;
	s6 =	sadd.s32 @!p0 s3, s7;
	s7 =	simm.s32 @!p0 $0x108  }
0x21: {  	s3 =	sadd.s32 s3, s9;
	s6 =	sadd.s32 @!p0 $0x88, s6;
	s7 =	simm.s32 @p2 $0x1082  }
0x22: {  	[simem:s7], [sflag:s8] =	dma.local @!p0 [hbm:s6], $0xF7A  }
0x23: {  	s9 =	sor.u32 $0xD0000000, s2;
	s6 =	simm.s32 $0x108;
	_ =	swait.ge @!p0 [sflag:s8], $0x0  }
0x24: {  	s3 =	sadd.s32 $0x88, s3;
	s6 =	simm.s32 @!p1 $0x1082;
	[sflag:s4] =	ssyncset.s32 $0xFFFFF086  }
0x25: {  	[simem:s6], [sflag:s4] =	dma.local [hbm:s3], $0xF7A  }
0x26: {  	[smem:$0x3F8E] =	sst s1;
	(tag) =	ssettag s2;
	_ =	strace s9  }
0x27: {  	s1 =	sld [smem:$0x3F9E]  }
0x28: {  	s2 =	sld [smem:$0x3F9F]  }
0x29: {  	s4 =	sld [smem:$0x3FA1]  }
0x2a: {  	p0 =	seq.s32 s5, $0x0;
	s5 =	sld [smem:$0x3FA2]  }
0x2b: {  	s6 =	sld [smem:$0x3FA3]  }
0x2c: {  	s7 =	sld [smem:$0x3FA4]  }
0x2d: {  	s3 =	simm.s32 $0x108;
	s8 =	sld [smem:$0x3FA5]  }
0x2e: {  	s3 =	simm.s32 @!p0 $0x1082;
	s9 =	sld [smem:$0x3FA6]  }
0x2f: {  	lr =	sadd.s32 s0, s3;
	s0 =	sld [smem:$0x3F9D]  }
0x30: {  	s3 =	sld [smem:$0x3FA0]  }
0x31: {  	[smem:$0x3FA9] =	sst s10  }
0x32: {  	s10 =	sld [smem:$0x3FA7];
	_ =	sdelay $0x3  }
0x33: {  	p0 =	seq.s32 s10, $0x1;
	s10 =	sld [smem:$0x3FA9];
	_ =	sdelay $0x3  }
0x34: {  	[smem:$0x3FA9] =	sst s10  }
0x35: {  	s10 =	sld [smem:$0x3FA8];
	_ =	sdelay $0x3  }
0x36: {  	p1 =	seq.s32 s10, $0x1;
	s10 =	sld [smem:$0x3FA9];
	_ =	sdelay $0x3  }
0x37: {  	[smem:$0x3FA9] =	sst s10  }
0x38: {  	s10 =	sld [smem:$0x3FAA]  }
0x39: {  	_ = 	snop;
	(pc) =	sbr.ind lr, $3  }
0x3a: {  	_ = 	snop  }
0x3b: {  	_ = 	snop  }
0x3c: {  	p2 =	seq.s32 s10, $0x1;
	s10 =	sld [smem:$0x3FA9]  }
0x3d: {  	_ =	shalt  }
0x3e: {  	_ =	shalt  }
0x3f: {  	_ =	shalt  }
0x40: {  	_ =	shalt  }
0x41: {  	_ =	shalt  }
0x42: {  	_ =	shalt  }
0x43: {  	_ =	shalt  }
0x44: {  	_ =	shalt  }
0x45: {  	_ =	shalt  }
0x46: {  	_ =	shalt  }
0x47: {  	_ =	shalt  }
0x48: {  	_ =	shalt  }
0x49: {  	_ =	shalt  }
0x4a: {  	_ =	shalt  }
0x4b: {  	_ =	shalt  }
0x4c: {  	_ =	shalt  }
0x4d: {  	_ =	shalt  }
0x4e: {  	_ =	shalt  }
0x4f: {  	_ =	shalt  }
0x50: {  	_ =	shalt  }
0x51: {  	_ =	shalt  }
0x52: {  	_ =	shalt  }
0x53: {  	_ =	shalt  }
0x54: {  	_ =	shalt  }
0x55: {  	_ =	shalt  }
0x56: {  	_ =	shalt  }
0x57: {  	_ =	shalt  }
0x58: {  	_ =	shalt  }
0x59: {  	_ =	shalt  }
0x5a: {  	_ =	shalt  }
0x5b: {  	_ =	shalt  }
0x5c: {  	_ =	shalt  }
0x5d: {  	_ =	shalt  }
0x5e: {  	_ =	shalt  }
0x5f: {  	_ =	shalt  }
0x60: {  	_ =	shalt  }
0x61: {  	_ =	shalt  }
0x62: {  	_ =	shalt  }
0x63: {  	_ =	shalt  }
0x64: {  	_ =	shalt  }
0x65: {  	_ =	shalt  }
0x66: {  	_ =	shalt  }
0x67: {  	_ =	shalt  }
0x68: {  	_ =	shalt  }
0x69: {  	_ =	shalt  }
0x6a: {  	_ =	shalt  }
0x6b: {  	_ =	shalt  }
0x6c: {  	_ =	shalt  }
0x6d: {  	_ =	shalt  }
0x6e: {  	_ =	shalt  }
0x6f: {  	_ =	shalt  }
0x70: {  	_ =	shalt  }
0x71: {  	_ =	shalt  }
0x72: {  	_ =	shalt  }
0x73: {  	_ =	shalt  }
0x74: {  	_ =	shalt  }
0x75: {  	_ =	shalt  }
0x76: {  	_ =	shalt  }
0x77: {  	_ =	shalt  }
0x78: {  	_ =	shalt  }
0x79: {  	_ =	shalt  }
0x7a: {  	_ =	shalt  }
0x7b: {  	_ =	shalt  }
0x7c: {  	_ =	shalt  }
0x7d: {  	_ =	shalt  }
0x7e: {  	_ =	shalt  }
0x7f: {  	_ =	shalt  }
0x80: {  	_ =	shalt  }
0x81: {  	_ =	shalt  }
0x82: {  	_ =	shalt  }
0x83: {  	_ =	shalt  }
0x84: {  	_ =	shalt  }
0x85: {  	_ =	shalt  }
0x86: {  	_ =	shalt  }
0x87: {  	_ =	shalt  }
.Lfunc_end0:
.L_simem_size_0:
called_computation.6_lowered:
.L_overlay_start_0:
0x88: {  	s2 =	sld [smem:$0x3FD9]  }
0x89: {  	s3 =	sld [smem:$0x3FFE];
	_ =	sdelay $0x1  }
0x8a: {  	s1 =	srdreg.scid  }
0x8b: {  	s0 =	sand.u32 $0x1, s1  }
0x8c: {  	s16 =	sshll.u32 s0, $0xA;
	s2 =	sadd.s32 s3, s2  }
0x8d: {  	s2 =	sadd.s32 s2, s16  }
0x8e: {  	[smem:$0x3FB5] =	sst s2  }
0x8f: {  	_ = 	snop  }
0x90: {  	(tm) =	ssettm $0x1  }
0x91: {  	s17 =	sld [smem:$0x3FFB];
	_ =	sdelay $0x3  }
0x92: {  	_ =	strace s17  }
0x93: {  	s2 =	sld [smem:$0x3FFC];
	_ =	sdelay $0x3  }
0x94: {  	_ =	strace s2  }
0x95: {  	s2 =	sld [smem:$0x3FFD];
	_ =	sdelay $0x3  }
0x96: {  	_ =	strace s2  }
0x97: {  	_ =	strace $0x8FFFFFFF  }
0x98: {  	s18 =	sld [smem:$0x3FDB];
	_ =	sdelay $0x1  }
0x99: {  	s19 =	simm.s32 $_scs_section_size  }
0x9a: {  	s4 =	simm.s32 $_size__tile_overlayer_lowered;
	s5 =	simm.s32 $_tile_overlayer_lowered  }
0x9b: {  	s22 =	simm.s32 $0x1BFF;
	s21 =	sshll.u32 s5, $0x1;
	s2 =	sadd.s32 s19, s18  }
0x9c: {  	s6 =	simm.s32 $0x0;
	s20 =	sshll.u32 s4, $0x1;
	s4 =	sadd.s32 s21, s2  }
0x9d: {  	[timem:s6], [sflag:s22] =	dma.local [hbm:s4], s20  }
0x9e: {  	_ =	swait.ge [sflag:s22], s20  }
0x9f: {  	s3 =	ssub.s32 $0x0, s20;
	[sflag:s22] =	ssyncset.done $0x0  }
0xa0: {  	[sflag:s22] =	ssyncadd.s32 s3;
	_ =	sdelay $0x1  }
0xa1: {  	s23 =	simm.s32 $0x1B8B  }
0xa2: {  	_ =	swait.ge [sflag:s23], $0x1  }
0xa3: {  	[sflag:s23] =	ssyncset.done $0x0  }
0xa4: {  	s25 =	simm.s32 $0x1B8E;
	s24 =	sld [smem:$0x3FFE];
	[sflag:s23] =	ssyncadd.s32 $0xFFFFFFFF  }
0xa5: {  	s26 =	simm.s32 $execute0_lowered;
	[smem:$0x3FD2] =	sst s25  }
0xa6: {  	s4 =	sshll.u32 s26, $0x1;
	_ =	strace $0x80000058;
	[dreg:$0x1] =	wrdreg $0xFFFFFFFF  }
0xa7: {  	s28 =	simm.s32 $_size_execute0_lowered;
	s2 =	sadd.s32 s2, s4;
	[dreg:$0x0] =	wrdreg $0x0  }
0xa8: {  	s4 =	sshll.u32 s28, $0x1;
	[dreg:$0x2] =	wrdreg s2  }
0xa9: {  	[dreg:$0x3] =	wrdreg s4  }
0xaa: {  	[dreg:$0x4] =	wrdreg $0xC0  }
0xab: {  	_ =	task [dreg:s6], $0x5FFFF  }
0xac: {  	[dreg:$0x1] =	wrdreg $0xFFFFFFFF  }
0xad: {  	[dreg:$0x0] =	wrdreg $0x60  }
0xae: {  	[dreg:$0x2] =	wrdreg s24  }
0xaf: {  	[dreg:$0x3] =	wrdreg $0x66000  }
0xb0: {  	[dreg:$0x4] =	wrdreg $0x9  }
0xb1: {  	_ =	task.clear_ibuf [dreg:s6], $0x5FFFF;
	_ =	strace $0x90000058  }
0xb2: {  	s29 =	simm.s32 $0x9;
	_ =	strace $0x8000005A  }
0xb3: {  	_ =	swait.ge [sflag:s29], $0x1  }
0xb4: {  	[sflag:s29] =	ssyncadd.s32 $0xFFFFFFFF  }
0xb5: {  	_ =	strace $0x9000005A  }
0xb6: {  	_ =	sfence  }
0xb7: {  	s30 =	sld [smem:$0x0];
	_ =	sdelay $0x2  }
0xb8: {  	s31 =	sshll.u32 s1, $0xD;
	s1 =	sshrl.u32 s1, $0x2  }
0xb9: {  	s3 =	sand.u32 $0x4000, s31;
	s1 =	sadd.s32 s1, s30  }
0xba: {  	s0 =	sor.u32 s3, s0;
	s1 =	sshll.u32 s1, $0x11  }
0xbb: {  	s0 =	sor.u32 s1, s0  }
0xbc: {  	s0 =	sadd.s32 $0x8F2B, s0  }
0xbd: {  	[sflag:s0] =	ssyncadd.remote.s32 $0x1  }
0xbe: {  	_ =	sfence.sel $0xFFFF  }
0xbf: {  	[dreg:$0x0] =	wrdreg $0xFFFFFFFF;
	(pc) =	sbr.abs _section_cstart, $3  }
0xc0: {  	[dreg:$0x1] =	wrdreg $0xFFFFFFFF  }
0xc1: {  	_ =	task.clear_ibuf [dreg:s6], $0x2FFFF;
	_ =	strace $0x9FFFFFFF  }
0xc2: {  	(tm) =	ssettm $0x7FFFFFFF  }
0xc3: {  	_ =	shalt  }
tec
execute0_lowered:
.L_overlay_start_1:
0x0: {  	(tag) =	ssettag $0x1  }
0x1: {  	s5 =	rddreg [dreg:$0x0]  }
0x2: {  	s1 =	rddreg [dreg:$0x1];
	s2 =	srdreg.scid  }
0x3: {  	s0 =	rddreg [dreg:$0x2];
	s3 =	simm.s32 $0x0;
	s6 =	sand.u32 $0x1, s2  }
0x4: {  	s13 =	simm.s32 $0x100;
	s2 =	stileid.u32;
	s7 =	smul.u32 $0x13880, s6  }
0x5: {  	s14 =	simm.s32 $0xC8;
	s15 =	simm.s32 $0x200;
	s8 =	smul.u32 $0x1388, s2  }
0x6: {  	s16 =	simm.s32 $0x1;
	s17 =	simm.s32 $0x0;
	s9 =	smul.u32 $0x2800, s2  }
0x7: {  	[smem:$0x7FF] =	sst s3;
	s4 =	sadd.s32 $0x1AE00, s5;
	s26 =	smul.u32 $0x28000, s6  }
0x8: {  	_ =	strace $0x80000059;
	s6 =	ssub.s32 $0x2, s6;
	s10 =	smul.u32 $0x50000, s2  }
0x9: {  	s31 =	sshll.u32 s2, $0x6;
	s29 =	sshrl.u32 s6, $0x1;
	s7 =	sadd.s32 s8, s7  }
0xa: {  	s28 =	sadd.s32 s9, s26;
	s8 =	ssub.s32 s6, s29;
	s30 =	sshrl.u32 s10, $0x2  }
0xb: {  	s6 =	sor.u32 $0x1C02, s31;
	s7 =	sshrl.u32 s7, $0x3;
	s12 =	sadd.s32 s30, s1  }
0xc: {  	s8 =	smax.u32 s8, $0x1;
	s11 =	sadd.s32 s7, s5;
	s7 =	sadd.s32 s28, s5  }
0xd: {  	s5 =	sadd.s32 s4, s9;
	s7 =	sadd.s32 $0x42E00, s7;
	s9 =	sadd.s32 $0x6E00, s11  }
0xe: {  	s10 =	sadd.s32 $0xBE00, s11;
	s11 =	sshrl.u32 s12, $0x3;
	s12 =	simm.s32 $0x2  }
.LBB2_1:
0xf: {  	[spmem:s11], [sflag:s6] =	dma.local [hbm:s5], $0x2800  }
0x10: {  	_ =	swait.ge [sflag:s12], $0x2800  }
0x11: {  	[sflag:s12] =	ssyncset.done $0x0  }
0x12: {  	[sflag:s12] =	ssyncadd.s32 $0xFFFFD800  }
0x13: {  	s18 =	sadd.s32 $0x0, s10;
	[bflag:$0x0] =	sbarrier.arrive $0xFFFF  }
0x14: {  	[tilespmem:s3], [sflag:$0x2] =	stream.linear.gather [hbm4b:s18+s3], $0xC8, $0x38;
	[tilespmem:$0x1A600] =	vst v63  }
0x15: {  	_ =	swait.ge [sflag:s12], $0xC8  }
0x16: {  	[sflag:s12] =	ssyncset.done $0x0  }
0x17: {  	s31 =	sadd.s32 $0x0, s9;
	[sflag:s12] =	ssyncadd.s32 $0xFFFFFF38  }
0x18: {  	[tilespmem:s13], [sflag:$0x2] =	stream.linear.gather [hbm4b:s31+s3], $0xC8, $0x38;
	[tilespmem:$0x1A600] =	vst v63  }
0x19: {  	_ =	swait.ge [sflag:s12], $0xC8  }
0x1a: {  	[sflag:s12] =	ssyncset.done $0x0  }
0x1b: {  	[sflag:s12] =	ssyncadd.s32 $0xFFFFFF38  }
0x1c: {  	[tilespmem:s15], [sflag:$0x1] =	stream.indirect.gather [hbm4b:s4+s14], $0x80, s3, s14, $0xb8;
	[tilespmem:$0x1A600] =	vst v63  }
0x1d: {  	_ =	swait.ge [sflag:s16], $0x6400  }
0x1e: {  	[sflag:s16] =	ssyncset.done $0x0  }
0x1f: {  	[sflag:s16] =	ssyncadd.s32 $0xFFFF9C00  }
0x20: {  	[spmem:s1] =	stream.indirect.scatter.add.f32 [tilespmem:s15], [sflag:$0x2], $0x80, s13, s14, $0xb8;
	[tilespmem:$0x1A600] =	vst v63  }
0x21: {  	_ =	swait.ge [sflag:s12], $0x6400  }
0x22: {  	s19 =	simm.s32 $0x32;
	s18 =	simm.s32 $0x19;
	[sflag:s12] =	ssyncset.done $0x0  }
.LBB2_2:
0x23: {  	s20 =	sadd.s32 s18, s10  }
0x24: {  	[sflag:s12] =	ssyncadd.s32 $0xFFFF9C00;
	s21 =	smov.u32 s19;
	s22 =	sadd.s32 $0x19, s19  }
0x25: {  	[tilespmem:s3], [sflag:$0x2] =	stream.linear.gather [hbm4b:s20+s3], $0xC8, $0x38;
	[tilespmem:$0x1A600] =	vst v63  }
0x26: {  	p0 =	sne.s32 s19, $0x258;
	_ =	swait.ge [sflag:s12], $0xC8  }
0x27: {  	[sflag:s12] =	ssyncset.done $0x0  }
0x28: {  	s19 =	sadd.s32 s18, s9;
	s18 =	smov.u32 s21;
	[sflag:s12] =	ssyncadd.s32 $0xFFFFFF38  }
0x29: {  	[tilespmem:s13], [sflag:$0x2] =	stream.linear.gather [hbm4b:s19+s3], $0xC8, $0x38;
	[tilespmem:$0x1A600] =	vst v63  }
0x2a: {  	_ =	swait.ge [sflag:s12], $0xC8  }
0x2b: {  	[sflag:s12] =	ssyncset.done $0x0  }
0x2c: {  	[sflag:s12] =	ssyncadd.s32 $0xFFFFFF38  }
0x2d: {  	[tilespmem:s15], [sflag:$0x1] =	stream.indirect.gather [hbm4b:s4+s14], $0x80, s3, s14, $0xb8;
	[tilespmem:$0x1A600] =	vst v63  }
0x2e: {  	_ =	swait.ge [sflag:s16], $0x6400  }
.Ltmp0:
0x2f: {  	[sflag:s16] =	ssyncset.done $0x0;
	(pc) =	sbr.rel @p0 .LBB2_2-.Ltmp0, $4  }
0x30: {  	[sflag:s16] =	ssyncadd.s32 $0xFFFF9C00  }
0x31: {  	[spmem:s1] =	stream.indirect.scatter.add.f32 [tilespmem:s15], [sflag:$0x2], $0x80, s13, s14, $0xb8;
	[tilespmem:$0x1A600] =	vst v63  }
0x32: {  	_ =	swait.ge [sflag:s12], $0x6400  }
0x33: {  	s19 =	smov.u32 s22;
	[sflag:s12] =	ssyncset.done $0x0  }
0x34: {  	s19 =	sadd.s32 s18, s10;
	[sflag:s12] =	ssyncadd.s32 $0xFFFF9C00  }
0x35: {  	[tilespmem:s3], [sflag:$0x2] =	stream.linear.gather [hbm4b:s19+s3], $0xC8, $0x38;
	[tilespmem:$0x1A600] =	vst v63  }
0x36: {  	_ =	swait.ge [sflag:s12], $0xC8  }
0x37: {  	[sflag:s12] =	ssyncset.done $0x0  }
0x38: {  	s31 =	sadd.s32 s18, s9;
	[sflag:s12] =	ssyncadd.s32 $0xFFFFFF38  }
0x39: {  	[tilespmem:s13], [sflag:$0x2] =	stream.linear.gather [hbm4b:s31+s3], $0xC8, $0x38;
	[tilespmem:$0x1A600] =	vst v63  }
0x3a: {  	_ =	swait.ge [sflag:s12], $0xC8  }
0x3b: {  	[sflag:s12] =	ssyncset.done $0x0  }
0x3c: {  	[sflag:s12] =	ssyncadd.s32 $0xFFFFFF38  }
0x3d: {  	[tilespmem:s15], [sflag:$0x1] =	stream.indirect.gather [hbm4b:s4+s14], $0x80, s3, s14, $0xb8;
	[tilespmem:$0x1A600] =	vst v63  }
0x3e: {  	_ =	swait.ge [sflag:s16], $0x6400  }
0x3f: {  	[sflag:s16] =	ssyncset.done $0x0  }
0x40: {  	[sflag:s16] =	ssyncadd.s32 $0xFFFF9C00  }
0x41: {  	[spmem:s1] =	stream.indirect.scatter.add.f32 [tilespmem:s15], [sflag:$0x2], $0x80, s13, s14, $0xb8;
	[tilespmem:$0x1A600] =	vst v63  }
0x42: {  	_ =	swait.ge [sflag:s12], $0x6400  }
0x43: {  	s17 =	sadd.s32 $0x1, s17;
	[sflag:s12] =	ssyncset.done $0x0  }
0x44: {  	p0 =	sne.s32 s17, s8;
	[sflag:s12] =	ssyncadd.s32 $0xFFFF9C00  }
.Ltmp1:
0x45: {  	[bflag:$0x0] =	sbarrier.arrive $0xFFFF;
	(pc) =	sbr.rel @p0 .LBB2_1-.Ltmp1, $4  }
0x46: {  	[hbm:s7], [sflag:s6] =	dma.local [spmem:s11], $0x2800  }
0x47: {  	_ =	swait.ge [sflag:s12], $0x2800  }
0x48: {  	[sflag:s12] =	ssyncset.done $0x0  }
0x49: {  	[sflag:s12] =	ssyncadd.s32 $0xFFFFD800  }
0x4a: {  	_ =	sfence.sel $0x180000  }
0x4b: {  	[bflag:$0x0] =	sbarrier.arrive $0xFFFF  }
0x4c: {  	p0 =	sne.s32 s2, $0x0;
	_ =	strace $0x90000059  }
0x4d: {  	s0 =	sadd.s32 @!p0 $0x100000, s0;
	[bflag:$0x2] =	sbarrier.arrive $0xFFFF  }
0x4e: {  	[sflag:s0] =	ssyncadd.tile.s32 @!p0 $0x1;
	_ =	shalt  }
.Lfunc_end2:
_tile_overlayer_lowered:
.L_overlay_start_2:
0x4f: {  	(tag) =	ssettag $0x2  }
0x50: {  	s0 =	rddreg [dreg:$0x0];
	s2 =	stileid.u32  }
0x51: {  	s1 =	rddreg [dreg:$0x1];
	p0 =	sne.s32 s2, $0x0  }
0x52: {  	s3 =	rddreg [dreg:$0x2];
	[bflag:$0x3] =	sbarrier.arrive $0xFFFF;
	s2 =	simm.s32 @!p0 $0x1C02  }
0x53: {  	[timem:s3], [sflag:s2] =	dma.local @!p0 [hbm:s0], s1  }
0x54: {  	s0 =	simm.s32 @!p0 $0x2  }
0x55: {  	_ =	swait.ge @!p0 [sflag:s0], s1  }
0x56: {  	s1 =	ssub.s32 @!p0 $0x0, s1;
	[sflag:s0] =	ssyncset.done @!p0 $0x0  }
0x57: {  	[sflag:s0] =	ssyncadd.s32 @!p0 s1  }
0x58: {  	[bflag:$0x3] =	sbarrier.arrive $0xFFFF  }
0x59: {  	_ =	shalt  }

// kernel: kernel.45.cloned.1.call-start
scs
__scs_entry_jumppad:
0x0: {  	(pc) =	sbr.rel $0x88, $3  }
0x1: {  	(tag) =	ssettag $0x0;
	lr =	simm.s32 $0x1  }
0x2: {  	[smem:$0x3F8E] =	sst lr;
	_ =	strace $0xD0000000  }
0x3: {  	_ = 	snop  }
0x4: {  	_ = 	snop  }
0x5: {  	_ = 	snop  }
0x6: {  	_ = 	snop  }
0x7: {  	_ = 	snop  }
__scs_overlays_trampoline_lowered:
0x8: {  	[smem:$0x3F9D] =	sst s0  }
0x9: {  	[smem:$0x3F9E] =	sst s1  }
0xa: {  	[smem:$0x3F9F] =	sst s2  }
0xb: {  	[smem:$0x3FA0] =	sst s3  }
0xc: {  	[smem:$0x3FA1] =	sst s4  }
0xd: {  	[smem:$0x3FA2] =	sst s5  }
0xe: {  	[smem:$0x3FA3] =	sst s6  }
0xf: {  	[smem:$0x3FA4] =	sst s7  }
0x10: {  	[smem:$0x3FA5] =	sst s8  }
0x11: {  	[smem:$0x3FA6] =	sst s9;
	s0 =	simm.s32 @!p0 $0x0  }
0x12: {  	s1 =	sld [smem:$0x3F8C];
	s0 =	simm.s32 @p0 $0x1  }
0x13: {  	[smem:$0x3FA7] =	sst s0;
	s0 =	simm.s32 @!p1 $0x0  }
0x14: {  	s2 =	sld [smem:$0x3F8B];
	s0 =	simm.s32 @p1 $0x1  }
0x15: {  	[smem:$0x3FA8] =	sst s0;
	s0 =	simm.s32 @!p2 $0x0  }
0x16: {  	s3 =	sld [smem:$0x3FDB];
	s0 =	simm.s32 @p2 $0x1  }
0x17: {  	s4 =	simm.s32 $0x1BF5;
	[smem:$0x3FAA] =	sst s0  }
0x18: {  	s0 =	sld [smem:$0x3F8D];
	_ =	swait.ge [sflag:s4], $0x0  }
0x19: {  	s7 =	sld [smem:$0x3F8E]  }
0x1a: {  	s8 =	sadd.s32 $0xFFFFE003, lr  }
0x1b: {  	s9 =	sadd.s32 $0xFFFFFEF7, lr;
	s5 =	simm.s32 $0xFFFFFFFF;
	p2 =	slt.u32 s8, $0xFFFFF086  }
0x1c: {  	p1 =	slt.u32 s9, $0xF7A;
	s5 =	simm.s32 @!p2 $0x0  }
0x1d: {  	s5 =	simm.s32 @p1 $0x1;
	p0 =	seq.s32 s7, s2  }
0x1e: {  	s7 =	smul.u32 @!p0 $0xF7A, s2;
	p2 =	seq.s32 @!p0 s5, $0x0  }
0x1f: {  	s9 =	smul.u32 $0xF7A, s1;
	s8 =	simm.s32 @!p0 $0x1BF5;
	p2 =	por !p2, p0  }
0x20: {  	[sflag:s8] =	ssyncset.s32 @!p0 $0xFFFFF086;
	s6 =	sadd.s32 @!p0 s3, s7;
	s7 =	simm.s32 @!p0 $0x108  }
0x21: {  	s3 =	sadd.s32 s3, s9;
	s6 =	sadd.s32 @!p0 $0x88, s6;
	s7 =	simm.s32 @p2 $0x1082  }
0x22: {  	[simem:s7], [sflag:s8] =	dma.local @!p0 [hbm:s6], $0xF7A  }
0x23: {  	s9 =	sor.u32 $0xD0000000, s2;
	s6 =	simm.s32 $0x108;
	_ =	swait.ge @!p0 [sflag:s8], $0x0  }
0x24: {  	s3 =	sadd.s32 $0x88, s3;
	s6 =	simm.s32 @!p1 $0x1082;
	[sflag:s4] =	ssyncset.s32 $0xFFFFF086  }
0x25: {  	[simem:s6], [sflag:s4] =	dma.local [hbm:s3], $0xF7A  }
0x26: {  	[smem:$0x3F8E] =	sst s1;
	(tag) =	ssettag s2;
	_ =	strace s9  }
0x27: {  	s1 =	sld [smem:$0x3F9E]  }
0x28: {  	s2 =	sld [smem:$0x3F9F]  }
0x29: {  	s4 =	sld [smem:$0x3FA1]  }
0x2a: {  	p0 =	seq.s32 s5, $0x0;
	s5 =	sld [smem:$0x3FA2]  }
0x2b: {  	s6 =	sld [smem:$0x3FA3]  }
0x2c: {  	s7 =	sld [smem:$0x3FA4]  }
0x2d: {  	s3 =	simm.s32 $0x108;
	s8 =	sld [smem:$0x3FA5]  }
0x2e: {  	s3 =	simm.s32 @!p0 $0x1082;
	s9 =	sld [smem:$0x3FA6]  }
0x2f: {  	lr =	sadd.s32 s0, s3;
	s0 =	sld [smem:$0x3F9D]  }
0x30: {  	s3 =	sld [smem:$0x3FA0]  }
0x31: {  	[smem:$0x3FA9] =	sst s10  }
0x32: {  	s10 =	sld [smem:$0x3FA7];
	_ =	sdelay $0x3  }
0x33: {  	p0 =	seq.s32 s10, $0x1;
	s10 =	sld [smem:$0x3FA9];
	_ =	sdelay $0x3  }
0x34: {  	[smem:$0x3FA9] =	sst s10  }
0x35: {  	s10 =	sld [smem:$0x3FA8];
	_ =	sdelay $0x3  }
0x36: {  	p1 =	seq.s32 s10, $0x1;
	s10 =	sld [smem:$0x3FA9];
	_ =	sdelay $0x3  }
0x37: {  	[smem:$0x3FA9] =	sst s10  }
0x38: {  	s10 =	sld [smem:$0x3FAA]  }
0x39: {  	_ = 	snop;
	(pc) =	sbr.ind lr, $3  }
0x3a: {  	_ = 	snop  }
0x3b: {  	_ = 	snop  }
0x3c: {  	p2 =	seq.s32 s10, $0x1;
	s10 =	sld [smem:$0x3FA9]  }
0x3d: {  	_ =	shalt  }
0x3e: {  	_ =	shalt  }
0x3f: {  	_ =	shalt  }
0x40: {  	_ =	shalt  }
0x41: {  	_ =	shalt  }
0x42: {  	_ =	shalt  }
0x43: {  	_ =	shalt  }
0x44: {  	_ =	shalt  }
0x45: {  	_ =	shalt  }
0x46: {  	_ =	shalt  }
0x47: {  	_ =	shalt  }
0x48: {  	_ =	shalt  }
0x49: {  	_ =	shalt  }
0x4a: {  	_ =	shalt  }
0x4b: {  	_ =	shalt  }
0x4c: {  	_ =	shalt  }
0x4d: {  	_ =	shalt  }
0x4e: {  	_ =	shalt  }
0x4f: {  	_ =	shalt  }
0x50: {  	_ =	shalt  }
0x51: {  	_ =	shalt  }
0x52: {  	_ =	shalt  }
0x53: {  	_ =	shalt  }
0x54: {  	_ =	shalt  }
0x55: {  	_ =	shalt  }
0x56: {  	_ =	shalt  }
0x57: {  	_ =	shalt  }
0x58: {  	_ =	shalt  }
0x59: {  	_ =	shalt  }
0x5a: {  	_ =	shalt  }
0x5b: {  	_ =	shalt  }
0x5c: {  	_ =	shalt  }
0x5d: {  	_ =	shalt  }
0x5e: {  	_ =	shalt  }
0x5f: {  	_ =	shalt  }
0x60: {  	_ =	shalt  }
0x61: {  	_ =	shalt  }
0x62: {  	_ =	shalt  }
0x63: {  	_ =	shalt  }
0x64: {  	_ =	shalt  }
0x65: {  	_ =	shalt  }
0x66: {  	_ =	shalt  }
0x67: {  	_ =	shalt  }
0x68: {  	_ =	shalt  }
0x69: {  	_ =	shalt  }
0x6a: {  	_ =	shalt  }
0x6b: {  	_ =	shalt  }
0x6c: {  	_ =	shalt  }
0x6d: {  	_ =	shalt  }
0x6e: {  	_ =	shalt  }
0x6f: {  	_ =	shalt  }
0x70: {  	_ =	shalt  }
0x71: {  	_ =	shalt  }
0x72: {  	_ =	shalt  }
0x73: {  	_ =	shalt  }
0x74: {  	_ =	shalt  }
0x75: {  	_ =	shalt  }
0x76: {  	_ =	shalt  }
0x77: {  	_ =	shalt  }
0x78: {  	_ =	shalt  }
0x79: {  	_ =	shalt  }
0x7a: {  	_ =	shalt  }
0x7b: {  	_ =	shalt  }
0x7c: {  	_ =	shalt  }
0x7d: {  	_ =	shalt  }
0x7e: {  	_ =	shalt  }
0x7f: {  	_ =	shalt  }
0x80: {  	_ =	shalt  }
0x81: {  	_ =	shalt  }
0x82: {  	_ =	shalt  }
0x83: {  	_ =	shalt  }
0x84: {  	_ =	shalt  }
0x85: {  	_ =	shalt  }
0x86: {  	_ =	shalt  }
0x87: {  	_ =	shalt  }
.Lfunc_end0:
.L_simem_size_0:
called_computation.7_lowered:
.L_overlay_start_0:
0x88: {  	s2 =	sld [smem:$0x3FD9]  }
0x89: {  	s3 =	sld [smem:$0x3FFE];
	_ =	sdelay $0x1  }
0x8a: {  	s1 =	srdreg.scid  }
0x8b: {  	s0 =	sand.u32 $0x1, s1  }
0x8c: {  	s16 =	sshll.u32 s0, $0xA;
	s2 =	sadd.s32 s3, s2  }
0x8d: {  	s2 =	sadd.s32 s2, s16  }
0x8e: {  	[smem:$0x3FB5] =	sst s2  }
0x8f: {  	_ = 	snop  }
0x90: {  	(tm) =	ssettm $0x1  }
0x91: {  	s17 =	sld [smem:$0x3FFB];
	_ =	sdelay $0x3  }
0x92: {  	_ =	strace s17  }
0x93: {  	s2 =	sld [smem:$0x3FFC];
	_ =	sdelay $0x3  }
0x94: {  	_ =	strace s2  }
0x95: {  	s2 =	sld [smem:$0x3FFD];
	_ =	sdelay $0x3  }
0x96: {  	_ =	strace s2  }
0x97: {  	_ =	strace $0x8FFFFFFF  }
0x98: {  	s18 =	sld [smem:$0x3FDB];
	_ =	sdelay $0x1  }
0x99: {  	s19 =	simm.s32 $_scs_section_size  }
0x9a: {  	s4 =	simm.s32 $_size__tile_overlayer_lowered;
	s5 =	simm.s32 $_tile_overlayer_lowered  }
0x9b: {  	s22 =	simm.s32 $0x1BFF;
	s21 =	sshll.u32 s5, $0x1;
	s2 =	sadd.s32 s19, s18  }
0x9c: {  	s6 =	simm.s32 $0x0;
	s20 =	sshll.u32 s4, $0x1;
	s4 =	sadd.s32 s21, s2  }
0x9d: {  	[timem:s6], [sflag:s22] =	dma.local [hbm:s4], s20  }
0x9e: {  	_ =	swait.ge [sflag:s22], s20  }
0x9f: {  	s3 =	ssub.s32 $0x0, s20;
	[sflag:s22] =	ssyncset.done $0x0  }
0xa0: {  	[sflag:s22] =	ssyncadd.s32 s3;
	_ =	sdelay $0x1  }
0xa1: {  	s23 =	simm.s32 $0x1B8B  }
0xa2: {  	_ =	swait.ge [sflag:s23], $0x1  }
0xa3: {  	[sflag:s23] =	ssyncset.done $0x0  }
0xa4: {  	s25 =	simm.s32 $0x1B8E;
	s24 =	sld [smem:$0x3FFE];
	[sflag:s23] =	ssyncadd.s32 $0xFFFFFFFF  }
0xa5: {  	s26 =	simm.s32 $execute0_lowered;
	[smem:$0x3FD2] =	sst s25  }
0xa6: {  	s4 =	sshll.u32 s26, $0x1;
	_ =	strace $0x8000005B;
	[dreg:$0x1] =	wrdreg $0xFFFFFFFF  }
0xa7: {  	s28 =	simm.s32 $_size_execute0_lowered;
	s2 =	sadd.s32 s2, s4;
	[dreg:$0x0] =	wrdreg $0x0  }
0xa8: {  	s4 =	sshll.u32 s28, $0x1;
	[dreg:$0x2] =	wrdreg s2  }
0xa9: {  	[dreg:$0x3] =	wrdreg s4  }
0xaa: {  	[dreg:$0x4] =	wrdreg $0xC0  }
0xab: {  	_ =	task [dreg:s6], $0x5FFFF  }
0xac: {  	[dreg:$0x1] =	wrdreg $0xFFFFFFFF  }
0xad: {  	[dreg:$0x0] =	wrdreg $0x60  }
0xae: {  	[dreg:$0x2] =	wrdreg s24  }
0xaf: {  	[dreg:$0x3] =	wrdreg $0xA2800  }
0xb0: {  	[dreg:$0x4] =	wrdreg $0x9  }
0xb1: {  	_ =	task.clear_ibuf [dreg:s6], $0x5FFFF;
	_ =	strace $0x9000005B  }
0xb2: {  	s29 =	simm.s32 $0x9;
	_ =	strace $0x8000005D  }
0xb3: {  	_ =	swait.ge [sflag:s29], $0x1  }
0xb4: {  	[sflag:s29] =	ssyncadd.s32 $0xFFFFFFFF  }
0xb5: {  	_ =	strace $0x9000005D  }
0xb6: {  	_ =	sfence  }
0xb7: {  	s30 =	sld [smem:$0x0];
	_ =	sdelay $0x2  }
0xb8: {  	s31 =	sshll.u32 s1, $0xD;
	s1 =	sshrl.u32 s1, $0x2  }
0xb9: {  	s3 =	sand.u32 $0x4000, s31;
	s1 =	sadd.s32 s1, s30  }
0xba: {  	s0 =	sor.u32 s3, s0;
	s1 =	sshll.u32 s1, $0x11  }
0xbb: {  	s0 =	sor.u32 s1, s0  }
0xbc: {  	s0 =	sadd.s32 $0x8F2B, s0  }
0xbd: {  	[sflag:s0] =	ssyncadd.remote.s32 $0x1  }
0xbe: {  	_ =	sfence.sel $0xFFFF  }
0xbf: {  	[dreg:$0x0] =	wrdreg $0xFFFFFFFF;
	(pc) =	sbr.abs _section_cstart, $3  }
0xc0: {  	[dreg:$0x1] =	wrdreg $0xFFFFFFFF  }
0xc1: {  	_ =	task.clear_ibuf [dreg:s6], $0x2FFFF;
	_ =	strace $0x9FFFFFFF  }
0xc2: {  	(tm) =	ssettm $0x7FFFFFFF  }
0xc3: {  	_ =	shalt  }
tec
execute0_lowered:
.L_overlay_start_1:
0x0: {  	(tag) =	ssettag $0x1  }
0x1: {  	s5 =	rddreg [dreg:$0x0]  }
0x2: {  	s0 =	srdreg.scid;
	s7 =	rddreg [dreg:$0x1];
	s2 =	simm.s32 $0x0  }
0x3: {  	s13 =	simm.s32 $0x5000;
	s14 =	simm.s32 $0x80;
	s15 =	simm.s32 $0x400  }
0x4: {  	s16 =	simm.s32 $0x14000;
	s17 =	simm.s32 $0x7800;
	s18 =	simm.s32 $0xA000  }
0x5: {  	s19 =	simm.s32 $0x0;
	s4 =	sand.u32 $0x1, s0;
	s0 =	stileid.u32  }
0x6: {  	[smem:$0x7FF] =	sst s2;
	s3 =	sadd.s32 $0x1AE00, s5;
	s8 =	smul.u32 $0x280, s0  }
0x7: {  	s1 =	sshll.u32 s4, $0x4;
	s9 =	smul.u32 $0x2800, s4;
	s4 =	ssub.s32 $0x2, s4  }
0x8: {  	s30 =	sshrl.u32 s0, $0x3;
	s31 =	smul.u32 $0x5000, s0;
	s11 =	sshll.u32 s0, $0x7  }
0x9: {  	s1 =	sor.u32 s0, s1;
	s10 =	sshrl.u32 s4, $0x1;
	s11 =	sand.u32 $0x380, s11  }
0xa: {  	s6 =	smul.u32 $0x272, s1;
	s1 =	rddreg [dreg:$0x2];
	_ =	strace $0x8000005C  }
0xb: {  	s8 =	sadd.s32 s8, s9;
	s9 =	smul.u32 $0x50000, s30;
	s10 =	ssub.s32 s4, s10  }
0xc: {  	s12 =	sshrl.u32 s31, $0x2;
	s8 =	sshrl.u32 s8, $0x3;
	s6 =	sadd.s32 s6, s5  }
0xd: {  	s8 =	sadd.s32 s8, s5;
	s9 =	sshrl.u32 s9, $0x2;
	s4 =	sadd.s32 $0x15E00, s6  }
0xe: {  	s9 =	sadd.s32 s9, s7;
	s5 =	sadd.s32 $0x10E00, s6;
	s7 =	sadd.s32 s12, s7  }
0xf: {  	s8 =	sadd.s32 $0x1B400, s8;
	s12 =	simm.s32 $0x1400;
	s6 =	sadd.s32 s11, s9  }
0x10: {  	v0 =	vimm.f32 $0.0e+00;
	s9 =	smax.u32 s10, $0x1;
	s10 =	simm.s32 $0x2800;
	s11 =	simm.s32 $0x1  }
.LBB2_1:
0x11: {  	[tilespmem:s10], [sflag:$0x1] =	stream.linear.gather [hbm4b:s3+s2], $0x2800, $0x38;
	[tilespmem:$0xCA80] =	vst v63  }
0x12: {  	_ =	swait.ge [sflag:s11], $0x2800  }
0x13: {  	[sflag:s11] =	ssyncset.done $0x0  }
0x14: {  	[sflag:s11] =	ssyncadd.s32 $0xFFFFD800  }
0x15: {  	[tilespmem:s2], [sflag:$0x1] =	stream.linear.gather [hbm4b:s4+s2], $0x1390, $0x38;
	[tilespmem:$0xCA80] =	vst v63  }
0x16: {  	_ =	swait.ge [sflag:s11], $0x1390  }
0x17: {  	[sflag:s11] =	ssyncset.done $0x0  }
0x18: {  	[sflag:s11] =	ssyncadd.s32 $0xFFFFEC70  }
0x19: {  	[tilespmem:s12], [sflag:$0x1] =	stream.linear.gather [hbm4b:s5+s2], $0x1390, $0x38;
	[tilespmem:$0xCA80] =	vst v63  }
0x1a: {  	_ =	swait.ge [sflag:s11], $0x1390  }
0x1b: {  	[sflag:s11] =	ssyncset.done $0x0  }
0x1c: {  	s20 =	simm.s32 $0x0;
	[sflag:s11] =	ssyncadd.s32 $0xFFFFEC70  }
.LBB2_2:
0x1d: {  	p0 =	sne.s32 s20, $0x9FC0  }
.Ltmp0:
0x1e: {  	_ = 	snop;
	(pc) =	sbr.rel @p0 .LBB2_2-.Ltmp0, $3  }
0x1f: {  	_ =	sdelay $0x1  }
0x20: {  	s21 =	sshra.s32 s20, $0x2  }
0x21: {  	s20 =	sadd.s32 $0x40, s20;
	[tilespmem:s21+$0x5000] =	vst v0  }
0x22: {  	s21 =	simm.s32 $0x0;
	s20 =	simm.s32 $0x40  }
.LBB2_4:
0x23: {  	p0 =	sne.s32 s20, $0x4E00;
	v1 =	vld [tilespmem:s21+$0x0];
	_ =	sdelay $0x5  }
0x24: {  	v2 =	vld [tilespmem:s21+$0x1400];
	_ =	sdelay $0x1  }
0x25: {  	v1 =	vld.idx.msk [tilespmem:v1+s10+$0x0], $0xffff;
	_ =	sdelay $0x1  }
.Ltmp1:
0x26: {  	(pc) =	sbr.rel @p0 .LBB2_4-.Ltmp1, $2  }
0x27: {  	_ =	sdelay $0x2  }
0x28: {  	s21 =	sshra.s32 s20, $0x2;
	s20 =	sadd.s32 $0x40, s20;
	[tilespmem:v2+s13+$0x0] =	vst.idx.add.f32.msk $0xffff, v1  }
0x29: {  	v1 =	vld [tilespmem:s21+$0x0];
	_ =	sdelay $0x4  }
0x2a: {  	v2 =	vld [tilespmem:s21+$0x1400];
	_ =	sdelay $0x2  }
0x2b: {  	v1 =	vld.idx.msk [tilespmem:v1+s10+$0x0], $0xffff;
	_ =	sdelay $0x4  }
0x2c: {  	[tilespmem:v2+s13+$0x0] =	vst.idx.add.f32.msk $0xffff, v1  }
0x2d: {  	[spmem:s6] =	stream.strided.scatter [tilespmem:s13], [sflag:$0x1], $0x2800, s15, s14, $0x38;
	[tilespmem:$0xCA80] =	vst v63  }
0x2e: {  	_ =	swait.ge [sflag:s11], $0x2800  }
0x2f: {  	[sflag:s11] =	ssyncset.done $0x0  }
0x30: {  	[sflag:s11] =	ssyncadd.s32 $0xFFFFD800  }
0x31: {  	[bflag:$0x0] =	sbarrier.arrive $0xFFFF  }
0x32: {  	[tilespmem:s17], [sflag:$0x1] =	stream.strided.gather [spmem:s7], $0x2800, s16, s12, $0x38;
	[tilespmem:$0xCA80] =	vst v63  }
0x33: {  	s20 =	simm.s32 $0x0;
	_ =	swait.ge [sflag:s11], $0x2800  }
0x34: {  	s30 =	sand.u32 $0x70, s20;
	s20 =	sand.u32 $0x1C00, s20;
	[sflag:s11] =	ssyncset.done $0x0  }
0x35: {  	s20 =	sor.u32 s30, s20;
	[sflag:s11] =	ssyncadd.s32 $0xFFFFD800  }
0x36: {  	v1 =	vld [tilespmem:s20+$0x7880]  }
0x37: {  	v2 =	vld [tilespmem:s20+$0x7800];
	_ =	sdelay $0x1  }
0x38: {  	v3 =	vld [tilespmem:s20+$0x7900];
	_ =	sdelay $0x1  }
0x39: {  	v4 =	vld [tilespmem:s20+$0x7980]  }
0x3a: {  	v1 =	vadd.f32 v1, v2  }
0x3b: {  	v2 =	vld [tilespmem:s20+$0x7A00]  }
0x3c: {  	v1 =	vadd.f32 v3, v1  }
0x3d: {  	v3 =	vld [tilespmem:s20+$0x7A80]  }
0x3e: {  	v1 =	vadd.f32 v4, v1  }
0x3f: {  	v60 =	vld [tilespmem:s20+$0x7B00]  }
0x40: {  	v1 =	vadd.f32 v2, v1  }
0x41: {  	v2 =	vld [tilespmem:s20+$0x7B80]  }
0x42: {  	v1 =	vadd.f32 v3, v1  }
0x43: {  	v3 =	vld [tilespmem:s20+$0x8C00]  }
0x44: {  	v1 =	vadd.f32 v60, v1  }
0x45: {  	v61 =	vld [tilespmem:s20+$0x8C80]  }
0x46: {  	v1 =	vadd.f32 v2, v1  }
0x47: {  	v2 =	vld [tilespmem:s20+$0x8D00]  }
0x48: {  	v1 =	vadd.f32 v3, v1  }
0x49: {  	v3 =	vld [tilespmem:s20+$0x8D80]  }
0x4a: {  	v1 =	vadd.f32 v61, v1  }
0x4b: {  	v62 =	vld [tilespmem:s20+$0x8E00]  }
0x4c: {  	v1 =	vadd.f32 v2, v1  }
0x4d: {  	v2 =	vld [tilespmem:s20+$0x8E80]  }
0x4e: {  	v1 =	vadd.f32 v3, v1  }
0x4f: {  	v3 =	vld [tilespmem:s20+$0x8F00]  }
0x50: {  	v1 =	vadd.f32 v62, v1  }
0x51: {  	v63 =	vld [tilespmem:s20+$0x8F80]  }
0x52: {  	v1 =	vadd.f32 v2, v1;
	_ =	sdelay $0x1  }
0x53: {  	v1 =	vadd.f32 v3, v1;
	_ =	sdelay $0x1  }
0x54: {  	s31 =	simm.s32 $0x10;
	s22 =	simm.s32 $0x80;
	v1 =	vadd.f32 v63, v1  }
0x55: {  	s21 =	sand.u32 $0x70, s31;
	s23 =	sand.u32 $0x1C00, s22;
	s20 =	simm.s32 $0xA000  }
0x56: {  	s21 =	sor.u32 s21, s23;
	s23 =	simm.s32 $0x20;
	[tilespmem:s20+$0x0] =	vst v1  }
.LBB2_6:
0x57: {  	p0 =	sne.s32 s23, $0x270;
	v1 =	vld [tilespmem:s21+$0x7880]  }
0x58: {  	v2 =	vld [tilespmem:s21+$0x7800];
	_ =	sdelay $0x1  }
0x59: {  	v3 =	vld [tilespmem:s21+$0x7900];
	_ =	sdelay $0x1  }
0x5a: {  	v4 =	vld [tilespmem:s21+$0x7980]  }
0x5b: {  	v1 =	vadd.f32 v1, v2  }
0x5c: {  	v2 =	vld [tilespmem:s21+$0x7A00]  }
0x5d: {  	v1 =	vadd.f32 v3, v1  }
0x5e: {  	v3 =	vld [tilespmem:s21+$0x7A80]  }
0x5f: {  	v1 =	vadd.f32 v4, v1  }
0x60: {  	v4 =	vld [tilespmem:s21+$0x7B00]  }
0x61: {  	v1 =	vadd.f32 v2, v1  }
0x62: {  	v2 =	vld [tilespmem:s21+$0x7B80]  }
0x63: {  	v1 =	vadd.f32 v3, v1  }
0x64: {  	v3 =	vld [tilespmem:s21+$0x8C00]  }
0x65: {  	v1 =	vadd.f32 v4, v1  }
0x66: {  	v4 =	vld [tilespmem:s21+$0x8C80]  }
0x67: {  	v1 =	vadd.f32 v2, v1  }
0x68: {  	v2 =	vld [tilespmem:s21+$0x8D00]  }
0x69: {  	v1 =	vadd.f32 v3, v1  }
0x6a: {  	v3 =	vld [tilespmem:s21+$0x8D80]  }
0x6b: {  	v1 =	vadd.f32 v4, v1  }
0x6c: {  	v4 =	vld [tilespmem:s21+$0x8E00]  }
0x6d: {  	v1 =	vadd.f32 v2, v1  }
0x6e: {  	v2 =	vld [tilespmem:s21+$0x8E80]  }
0x6f: {  	v1 =	vadd.f32 v3, v1  }
0x70: {  	v3 =	vld [tilespmem:s21+$0x8F00]  }
0x71: {  	v1 =	vadd.f32 v4, v1  }
0x72: {  	v4 =	vld [tilespmem:s21+$0x8F80]  }
0x73: {  	v1 =	vadd.f32 v2, v1;
	_ =	sdelay $0x1  }
.Ltmp2:
0x74: {  	v1 =	vadd.f32 v3, v1;
	(pc) =	sbr.rel @p0 .LBB2_6-.Ltmp2, $4  }
0x75: {  	_ = 	snop  }
0x76: {  	s22 =	sadd.s32 $0x80, s22;
	v1 =	vadd.f32 v4, v1  }
0x77: {  	s20 =	sadd.s32 $0x10, s20;
	s24 =	sand.u32 $0x1C00, s22;
	s21 =	sand.u32 $0x70, s23  }
0x78: {  	s23 =	sadd.s32 $0x10, s23;
	s21 =	sor.u32 s21, s24;
	[tilespmem:s20+$0x0] =	vst v1  }
0x79: {  	v1 =	vld [tilespmem:s21+$0x7880]  }
0x7a: {  	v2 =	vld [tilespmem:s21+$0x7800];
	_ =	sdelay $0x1  }
0x7b: {  	v3 =	vld [tilespmem:s21+$0x7900];
	_ =	sdelay $0x1  }
0x7c: {  	v4 =	vld [tilespmem:s21+$0x7980]  }
0x7d: {  	v1 =	vadd.f32 v1, v2  }
0x7e: {  	v2 =	vld [tilespmem:s21+$0x7A00]  }
0x7f: {  	v1 =	vadd.f32 v3, v1  }
0x80: {  	v3 =	vld [tilespmem:s21+$0x7A80]  }
0x81: {  	v1 =	vadd.f32 v4, v1  }
0x82: {  	v60 =	vld [tilespmem:s21+$0x7B00]  }
0x83: {  	v1 =	vadd.f32 v2, v1  }
0x84: {  	v2 =	vld [tilespmem:s21+$0x7B80]  }
0x85: {  	v1 =	vadd.f32 v3, v1  }
0x86: {  	v3 =	vld [tilespmem:s21+$0x8C00]  }
0x87: {  	v1 =	vadd.f32 v60, v1  }
0x88: {  	v61 =	vld [tilespmem:s21+$0x8C80]  }
0x89: {  	v1 =	vadd.f32 v2, v1  }
0x8a: {  	v2 =	vld [tilespmem:s21+$0x8D00]  }
0x8b: {  	v1 =	vadd.f32 v3, v1  }
0x8c: {  	v3 =	vld [tilespmem:s21+$0x8D80]  }
0x8d: {  	v1 =	vadd.f32 v61, v1  }
0x8e: {  	v62 =	vld [tilespmem:s21+$0x8E00]  }
0x8f: {  	v1 =	vadd.f32 v2, v1  }
0x90: {  	v2 =	vld [tilespmem:s21+$0x8E80]  }
0x91: {  	v1 =	vadd.f32 v3, v1  }
0x92: {  	v3 =	vld [tilespmem:s21+$0x8F00]  }
0x93: {  	v1 =	vadd.f32 v62, v1  }
0x94: {  	v63 =	vld [tilespmem:s21+$0x8F80]  }
0x95: {  	v1 =	vadd.f32 v2, v1;
	_ =	sdelay $0x1  }
0x96: {  	v1 =	vadd.f32 v3, v1;
	_ =	sdelay $0x1  }
0x97: {  	s19 =	sadd.s32 $0x1, s19;
	v1 =	vadd.f32 v63, v1  }
0x98: {  	s20 =	sadd.s32 $0x10, s20;
	p0 =	sne.s32 s19, s9  }
.Ltmp3:
0x99: {  	[tilespmem:s20+$0x0] =	vst v1;
	(pc) =	sbr.rel @p0 .LBB2_1-.Ltmp3, $4  }
0x9a: {  	[hbm4b:s8+s2] =	stream.linear.scatter [tilespmem:s18], [sflag:$0x1], $0x280, $0x38;
	[tilespmem:$0xCA80] =	vst v63  }
0x9b: {  	_ =	swait.ge [sflag:s11], $0x280  }
0x9c: {  	[sflag:s11] =	ssyncset.done $0x0  }
0x9d: {  	[sflag:s11] =	ssyncadd.s32 $0xFFFFFD80  }
0x9e: {  	_ =	sfence.sel $0x180000  }
0x9f: {  	[bflag:$0x0] =	sbarrier.arrive $0xFFFF  }
0xa0: {  	p0 =	sne.s32 s0, $0x0;
	_ =	strace $0x9000005C  }
0xa1: {  	s0 =	sadd.s32 @!p0 $0x100000, s1;
	[bflag:$0x2] =	sbarrier.arrive $0xFFFF  }
0xa2: {  	[sflag:s0] =	ssyncadd.tile.s32 @!p0 $0x1;
	_ =	shalt  }
.Lfunc_end2:
_tile_overlayer_lowered:
.L_overlay_start_2:
0xa3: {  	(tag) =	ssettag $0x2  }
0xa4: {  	s0 =	rddreg [dreg:$0x0];
	s2 =	stileid.u32  }
0xa5: {  	s1 =	rddreg [dreg:$0x1];
	p0 =	sne.s32 s2, $0x0  }
0xa6: {  	s3 =	rddreg [dreg:$0x2];
	[bflag:$0x3] =	sbarrier.arrive $0xFFFF;
	s2 =	simm.s32 @!p0 $0x1C01  }
0xa7: {  	[timem:s3], [sflag:s2] =	dma.local @!p0 [hbm:s0], s1  }
0xa8: {  	s0 =	simm.s32 @!p0 $0x1  }
0xa9: {  	_ =	swait.ge @!p0 [sflag:s0], s1  }
0xaa: {  	s1 =	ssub.s32 @!p0 $0x0, s1;
	[sflag:s0] =	ssyncset.done @!p0 $0x0  }
0xab: {  	[sflag:s0] =	ssyncadd.s32 @!p0 s1  }
0xac: {  	[bflag:$0x3] =	sbarrier.arrive $0xFFFF  }
0xad: {  	_ =	shalt  }

// kernel: kernel.48.cloned.1.call-start
scs
__scs_entry_jumppad:
0x0: {  	(pc) =	sbr.rel $0x88, $3  }
0x1: {  	(tag) =	ssettag $0x0;
	lr =	simm.s32 $0x1  }
0x2: {  	[smem:$0x3F8E] =	sst lr;
	_ =	strace $0xD0000000  }
0x3: {  	_ = 	snop  }
0x4: {  	_ = 	snop  }
0x5: {  	_ = 	snop  }
0x6: {  	_ = 	snop  }
0x7: {  	_ = 	snop  }
__scs_overlays_trampoline_lowered:
0x8: {  	[smem:$0x3F9D] =	sst s0  }
0x9: {  	[smem:$0x3F9E] =	sst s1  }
0xa: {  	[smem:$0x3F9F] =	sst s2  }
0xb: {  	[smem:$0x3FA0] =	sst s3  }
0xc: {  	[smem:$0x3FA1] =	sst s4  }
0xd: {  	[smem:$0x3FA2] =	sst s5  }
0xe: {  	[smem:$0x3FA3] =	sst s6  }
0xf: {  	[smem:$0x3FA4] =	sst s7  }
0x10: {  	[smem:$0x3FA5] =	sst s8  }
0x11: {  	[smem:$0x3FA6] =	sst s9;
	s0 =	simm.s32 @!p0 $0x0  }
0x12: {  	s1 =	sld [smem:$0x3F8C];
	s0 =	simm.s32 @p0 $0x1  }
0x13: {  	[smem:$0x3FA7] =	sst s0;
	s0 =	simm.s32 @!p1 $0x0  }
0x14: {  	s2 =	sld [smem:$0x3F8B];
	s0 =	simm.s32 @p1 $0x1  }
0x15: {  	[smem:$0x3FA8] =	sst s0;
	s0 =	simm.s32 @!p2 $0x0  }
0x16: {  	s3 =	sld [smem:$0x3FDB];
	s0 =	simm.s32 @p2 $0x1  }
0x17: {  	s4 =	simm.s32 $0x1BF5;
	[smem:$0x3FAA] =	sst s0  }
0x18: {  	s0 =	sld [smem:$0x3F8D];
	_ =	swait.ge [sflag:s4], $0x0  }
0x19: {  	s7 =	sld [smem:$0x3F8E]  }
0x1a: {  	s8 =	sadd.s32 $0xFFFFE003, lr  }
0x1b: {  	s9 =	sadd.s32 $0xFFFFFEF7, lr;
	s5 =	simm.s32 $0xFFFFFFFF;
	p2 =	slt.u32 s8, $0xFFFFF086  }
0x1c: {  	p1 =	slt.u32 s9, $0xF7A;
	s5 =	simm.s32 @!p2 $0x0  }
0x1d: {  	s5 =	simm.s32 @p1 $0x1;
	p0 =	seq.s32 s7, s2  }
0x1e: {  	s7 =	smul.u32 @!p0 $0xF7A, s2;
	p2 =	seq.s32 @!p0 s5, $0x0  }
0x1f: {  	s9 =	smul.u32 $0xF7A, s1;
	s8 =	simm.s32 @!p0 $0x1BF5;
	p2 =	por !p2, p0  }
0x20: {  	[sflag:s8] =	ssyncset.s32 @!p0 $0xFFFFF086;
	s6 =	sadd.s32 @!p0 s3, s7;
	s7 =	simm.s32 @!p0 $0x108  }
0x21: {  	s3 =	sadd.s32 s3, s9;
	s6 =	sadd.s32 @!p0 $0x88, s6;
	s7 =	simm.s32 @p2 $0x1082  }
0x22: {  	[simem:s7], [sflag:s8] =	dma.local @!p0 [hbm:s6], $0xF7A  }
0x23: {  	s9 =	sor.u32 $0xD0000000, s2;
	s6 =	simm.s32 $0x108;
	_ =	swait.ge @!p0 [sflag:s8], $0x0  }
0x24: {  	s3 =	sadd.s32 $0x88, s3;
	s6 =	simm.s32 @!p1 $0x1082;
	[sflag:s4] =	ssyncset.s32 $0xFFFFF086  }
0x25: {  	[simem:s6], [sflag:s4] =	dma.local [hbm:s3], $0xF7A  }
0x26: {  	[smem:$0x3F8E] =	sst s1;
	(tag) =	ssettag s2;
	_ =	strace s9  }
0x27: {  	s1 =	sld [smem:$0x3F9E]  }
0x28: {  	s2 =	sld [smem:$0x3F9F]  }
0x29: {  	s4 =	sld [smem:$0x3FA1]  }
0x2a: {  	p0 =	seq.s32 s5, $0x0;
	s5 =	sld [smem:$0x3FA2]  }
0x2b: {  	s6 =	sld [smem:$0x3FA3]  }
0x2c: {  	s7 =	sld [smem:$0x3FA4]  }
0x2d: {  	s3 =	simm.s32 $0x108;
	s8 =	sld [smem:$0x3FA5]  }
0x2e: {  	s3 =	simm.s32 @!p0 $0x1082;
	s9 =	sld [smem:$0x3FA6]  }
0x2f: {  	lr =	sadd.s32 s0, s3;
	s0 =	sld [smem:$0x3F9D]  }
0x30: {  	s3 =	sld [smem:$0x3FA0]  }
0x31: {  	[smem:$0x3FA9] =	sst s10  }
0x32: {  	s10 =	sld [smem:$0x3FA7];
	_ =	sdelay $0x3  }
0x33: {  	p0 =	seq.s32 s10, $0x1;
	s10 =	sld [smem:$0x3FA9];
	_ =	sdelay $0x3  }
0x34: {  	[smem:$0x3FA9] =	sst s10  }
0x35: {  	s10 =	sld [smem:$0x3FA8];
	_ =	sdelay $0x3  }
0x36: {  	p1 =	seq.s32 s10, $0x1;
	s10 =	sld [smem:$0x3FA9];
	_ =	sdelay $0x3  }
0x37: {  	[smem:$0x3FA9] =	sst s10  }
0x38: {  	s10 =	sld [smem:$0x3FAA]  }
0x39: {  	_ = 	snop;
	(pc) =	sbr.ind lr, $3  }
0x3a: {  	_ = 	snop  }
0x3b: {  	_ = 	snop  }
0x3c: {  	p2 =	seq.s32 s10, $0x1;
	s10 =	sld [smem:$0x3FA9]  }
0x3d: {  	_ =	shalt  }
0x3e: {  	_ =	shalt  }
0x3f: {  	_ =	shalt  }
0x40: {  	_ =	shalt  }
0x41: {  	_ =	shalt  }
0x42: {  	_ =	shalt  }
0x43: {  	_ =	shalt  }
0x44: {  	_ =	shalt  }
0x45: {  	_ =	shalt  }
0x46: {  	_ =	shalt  }
0x47: {  	_ =	shalt  }
0x48: {  	_ =	shalt  }
0x49: {  	_ =	shalt  }
0x4a: {  	_ =	shalt  }
0x4b: {  	_ =	shalt  }
0x4c: {  	_ =	shalt  }
0x4d: {  	_ =	shalt  }
0x4e: {  	_ =	shalt  }
0x4f: {  	_ =	shalt  }
0x50: {  	_ =	shalt  }
0x51: {  	_ =	shalt  }
0x52: {  	_ =	shalt  }
0x53: {  	_ =	shalt  }
0x54: {  	_ =	shalt  }
0x55: {  	_ =	shalt  }
0x56: {  	_ =	shalt  }
0x57: {  	_ =	shalt  }
0x58: {  	_ =	shalt  }
0x59: {  	_ =	shalt  }
0x5a: {  	_ =	shalt  }
0x5b: {  	_ =	shalt  }
0x5c: {  	_ =	shalt  }
0x5d: {  	_ =	shalt  }
0x5e: {  	_ =	shalt  }
0x5f: {  	_ =	shalt  }
0x60: {  	_ =	shalt  }
0x61: {  	_ =	shalt  }
0x62: {  	_ =	shalt  }
0x63: {  	_ =	shalt  }
0x64: {  	_ =	shalt  }
0x65: {  	_ =	shalt  }
0x66: {  	_ =	shalt  }
0x67: {  	_ =	shalt  }
0x68: {  	_ =	shalt  }
0x69: {  	_ =	shalt  }
0x6a: {  	_ =	shalt  }
0x6b: {  	_ =	shalt  }
0x6c: {  	_ =	shalt  }
0x6d: {  	_ =	shalt  }
0x6e: {  	_ =	shalt  }
0x6f: {  	_ =	shalt  }
0x70: {  	_ =	shalt  }
0x71: {  	_ =	shalt  }
0x72: {  	_ =	shalt  }
0x73: {  	_ =	shalt  }
0x74: {  	_ =	shalt  }
0x75: {  	_ =	shalt  }
0x76: {  	_ =	shalt  }
0x77: {  	_ =	shalt  }
0x78: {  	_ =	shalt  }
0x79: {  	_ =	shalt  }
0x7a: {  	_ =	shalt  }
0x7b: {  	_ =	shalt  }
0x7c: {  	_ =	shalt  }
0x7d: {  	_ =	shalt  }
0x7e: {  	_ =	shalt  }
0x7f: {  	_ =	shalt  }
0x80: {  	_ =	shalt  }
0x81: {  	_ =	shalt  }
0x82: {  	_ =	shalt  }
0x83: {  	_ =	shalt  }
0x84: {  	_ =	shalt  }
0x85: {  	_ =	shalt  }
0x86: {  	_ =	shalt  }
0x87: {  	_ =	shalt  }
.Lfunc_end0:
.L_simem_size_0:
called_computation.8_lowered:
.L_overlay_start_0:
0x88: {  	s2 =	sld [smem:$0x3FD9]  }
0x89: {  	s3 =	sld [smem:$0x3FFE];
	_ =	sdelay $0x1  }
0x8a: {  	s1 =	srdreg.scid  }
0x8b: {  	s0 =	sand.u32 $0x1, s1  }
0x8c: {  	s16 =	sshll.u32 s0, $0xA;
	s2 =	sadd.s32 s3, s2  }
0x8d: {  	s2 =	sadd.s32 s2, s16  }
0x8e: {  	[smem:$0x3FB5] =	sst s2  }
0x8f: {  	_ = 	snop  }
0x90: {  	(tm) =	ssettm $0x1  }
0x91: {  	s17 =	sld [smem:$0x3FFB];
	_ =	sdelay $0x3  }
0x92: {  	_ =	strace s17  }
0x93: {  	s2 =	sld [smem:$0x3FFC];
	_ =	sdelay $0x3  }
0x94: {  	_ =	strace s2  }
0x95: {  	s2 =	sld [smem:$0x3FFD];
	_ =	sdelay $0x3  }
0x96: {  	_ =	strace s2  }
0x97: {  	_ =	strace $0x8FFFFFFF  }
0x98: {  	s18 =	sld [smem:$0x3FDB];
	_ =	sdelay $0x1  }
0x99: {  	s19 =	simm.s32 $_scs_section_size  }
0x9a: {  	s4 =	simm.s32 $_size__tile_overlayer_lowered;
	s5 =	simm.s32 $_tile_overlayer_lowered  }
0x9b: {  	s22 =	simm.s32 $0x1BFF;
	s21 =	sshll.u32 s5, $0x1;
	s2 =	sadd.s32 s19, s18  }
0x9c: {  	s6 =	simm.s32 $0x0;
	s20 =	sshll.u32 s4, $0x1;
	s4 =	sadd.s32 s21, s2  }
0x9d: {  	[timem:s6], [sflag:s22] =	dma.local [hbm:s4], s20  }
0x9e: {  	_ =	swait.ge [sflag:s22], s20  }
0x9f: {  	s3 =	ssub.s32 $0x0, s20;
	[sflag:s22] =	ssyncset.done $0x0  }
0xa0: {  	[sflag:s22] =	ssyncadd.s32 s3;
	_ =	sdelay $0x1  }
0xa1: {  	s23 =	simm.s32 $0x1B8B  }
0xa2: {  	_ =	swait.ge [sflag:s23], $0x1  }
0xa3: {  	[sflag:s23] =	ssyncset.done $0x0  }
0xa4: {  	s25 =	simm.s32 $0x1B8E;
	s24 =	sld [smem:$0x3FFE];
	[sflag:s23] =	ssyncadd.s32 $0xFFFFFFFF  }
0xa5: {  	s26 =	simm.s32 $execute0_lowered;
	[smem:$0x3FD2] =	sst s25  }
0xa6: {  	s4 =	sshll.u32 s26, $0x1;
	_ =	strace $0x8000005E;
	[dreg:$0x1] =	wrdreg $0xFFFFFFFF  }
0xa7: {  	s28 =	simm.s32 $_size_execute0_lowered;
	s2 =	sadd.s32 s2, s4;
	[dreg:$0x0] =	wrdreg $0x0  }
0xa8: {  	s4 =	sshll.u32 s28, $0x1;
	[dreg:$0x2] =	wrdreg s2  }
0xa9: {  	[dreg:$0x3] =	wrdreg s4  }
0xaa: {  	[dreg:$0x4] =	wrdreg $0xC0  }
0xab: {  	_ =	task [dreg:s6], $0x5FFFF  }
0xac: {  	[dreg:$0x1] =	wrdreg $0xFFFFFFFF  }
0xad: {  	[dreg:$0x0] =	wrdreg $0x60  }
0xae: {  	[dreg:$0x2] =	wrdreg s24  }
0xaf: {  	[dreg:$0x3] =	wrdreg $0x66000  }
0xb0: {  	[dreg:$0x4] =	wrdreg $0x9  }
0xb1: {  	_ =	task.clear_ibuf [dreg:s6], $0x5FFFF;
	_ =	strace $0x9000005E  }
0xb2: {  	s29 =	simm.s32 $0x9;
	_ =	strace $0x80000060  }
0xb3: {  	_ =	swait.ge [sflag:s29], $0x1  }
0xb4: {  	[sflag:s29] =	ssyncadd.s32 $0xFFFFFFFF  }
0xb5: {  	_ =	strace $0x90000060  }
0xb6: {  	_ =	sfence  }
0xb7: {  	s30 =	sld [smem:$0x0];
	_ =	sdelay $0x2  }
0xb8: {  	s31 =	sshll.u32 s1, $0xD;
	s1 =	sshrl.u32 s1, $0x2  }
0xb9: {  	s3 =	sand.u32 $0x4000, s31;
	s1 =	sadd.s32 s1, s30  }
0xba: {  	s0 =	sor.u32 s3, s0;
	s1 =	sshll.u32 s1, $0x11  }
0xbb: {  	s0 =	sor.u32 s1, s0  }
0xbc: {  	s0 =	sadd.s32 $0x8F2B, s0  }
0xbd: {  	[sflag:s0] =	ssyncadd.remote.s32 $0x1  }
0xbe: {  	_ =	sfence.sel $0xFFFF  }
0xbf: {  	[dreg:$0x0] =	wrdreg $0xFFFFFFFF;
	(pc) =	sbr.abs _section_cstart, $3  }
0xc0: {  	[dreg:$0x1] =	wrdreg $0xFFFFFFFF  }
0xc1: {  	_ =	task.clear_ibuf [dreg:s6], $0x2FFFF;
	_ =	strace $0x9FFFFFFF  }
0xc2: {  	(tm) =	ssettm $0x7FFFFFFF  }
0xc3: {  	_ =	shalt  }
tec
execute0_lowered:
.L_overlay_start_1:
0x0: {  	(tag) =	ssettag $0x1  }
0x1: {  	s5 =	rddreg [dreg:$0x0]  }
0x2: {  	s1 =	rddreg [dreg:$0x1];
	s2 =	srdreg.scid  }
0x3: {  	s0 =	rddreg [dreg:$0x2];
	s3 =	simm.s32 $0x0;
	s6 =	sand.u32 $0x1, s2  }
0x4: {  	s13 =	simm.s32 $0x100;
	s2 =	stileid.u32;
	s7 =	smul.u32 $0x13880, s6  }
0x5: {  	s14 =	simm.s32 $0xC8;
	s15 =	simm.s32 $0x200;
	s8 =	smul.u32 $0x1388, s2  }
0x6: {  	s16 =	simm.s32 $0x1;
	s17 =	simm.s32 $0x0;
	s9 =	smul.u32 $0x2800, s2  }
0x7: {  	[smem:$0x7FF] =	sst s3;
	s4 =	sadd.s32 $0x6BE00, s5;
	s26 =	smul.u32 $0x28000, s6  }
0x8: {  	_ =	strace $0x8000005F;
	s6 =	ssub.s32 $0x2, s6;
	s10 =	smul.u32 $0x50000, s2  }
0x9: {  	s31 =	sshll.u32 s2, $0x6;
	s29 =	sshrl.u32 s6, $0x1;
	s7 =	sadd.s32 s8, s7  }
0xa: {  	s28 =	sadd.s32 s9, s26;
	s8 =	ssub.s32 s6, s29;
	s30 =	sshrl.u32 s10, $0x2  }
0xb: {  	s6 =	sor.u32 $0x1C02, s31;
	s7 =	sshrl.u32 s7, $0x3;
	s12 =	sadd.s32 s30, s1  }
0xc: {  	s8 =	smax.u32 s8, $0x1;
	s11 =	sadd.s32 s7, s5;
	s7 =	sadd.s32 s28, s5  }
0xd: {  	s5 =	sadd.s32 s4, s9;
	s7 =	sadd.s32 $0x93E00, s7;
	s9 =	sadd.s32 $0x6E00, s11  }
0xe: {  	s10 =	sadd.s32 $0xBE00, s11;
	s11 =	sshrl.u32 s12, $0x3;
	s12 =	simm.s32 $0x2  }
.LBB2_1:
0xf: {  	[spmem:s11], [sflag:s6] =	dma.local [hbm:s5], $0x2800  }
0x10: {  	_ =	swait.ge [sflag:s12], $0x2800  }
0x11: {  	[sflag:s12] =	ssyncset.done $0x0  }
0x12: {  	[sflag:s12] =	ssyncadd.s32 $0xFFFFD800  }
0x13: {  	s18 =	sadd.s32 $0x0, s10;
	[bflag:$0x0] =	sbarrier.arrive $0xFFFF  }
0x14: {  	[tilespmem:s3], [sflag:$0x2] =	stream.linear.gather [hbm4b:s18+s3], $0xC8, $0x38;
	[tilespmem:$0x1A600] =	vst v63  }
0x15: {  	_ =	swait.ge [sflag:s12], $0xC8  }
0x16: {  	[sflag:s12] =	ssyncset.done $0x0  }
0x17: {  	s31 =	sadd.s32 $0x0, s9;
	[sflag:s12] =	ssyncadd.s32 $0xFFFFFF38  }
0x18: {  	[tilespmem:s13], [sflag:$0x2] =	stream.linear.gather [hbm4b:s31+s3], $0xC8, $0x38;
	[tilespmem:$0x1A600] =	vst v63  }
0x19: {  	_ =	swait.ge [sflag:s12], $0xC8  }
0x1a: {  	[sflag:s12] =	ssyncset.done $0x0  }
0x1b: {  	[sflag:s12] =	ssyncadd.s32 $0xFFFFFF38  }
0x1c: {  	[tilespmem:s15], [sflag:$0x1] =	stream.indirect.gather [hbm4b:s4+s14], $0x80, s3, s14, $0xb8;
	[tilespmem:$0x1A600] =	vst v63  }
0x1d: {  	_ =	swait.ge [sflag:s16], $0x6400  }
0x1e: {  	[sflag:s16] =	ssyncset.done $0x0  }
0x1f: {  	[sflag:s16] =	ssyncadd.s32 $0xFFFF9C00  }
0x20: {  	[spmem:s1] =	stream.indirect.scatter.add.f32 [tilespmem:s15], [sflag:$0x2], $0x80, s13, s14, $0xb8;
	[tilespmem:$0x1A600] =	vst v63  }
0x21: {  	_ =	swait.ge [sflag:s12], $0x6400  }
0x22: {  	s19 =	simm.s32 $0x32;
	s18 =	simm.s32 $0x19;
	[sflag:s12] =	ssyncset.done $0x0  }
.LBB2_2:
0x23: {  	s20 =	sadd.s32 s18, s10  }
0x24: {  	[sflag:s12] =	ssyncadd.s32 $0xFFFF9C00;
	s21 =	smov.u32 s19;
	s22 =	sadd.s32 $0x19, s19  }
0x25: {  	[tilespmem:s3], [sflag:$0x2] =	stream.linear.gather [hbm4b:s20+s3], $0xC8, $0x38;
	[tilespmem:$0x1A600] =	vst v63  }
0x26: {  	p0 =	sne.s32 s19, $0x258;
	_ =	swait.ge [sflag:s12], $0xC8  }
0x27: {  	[sflag:s12] =	ssyncset.done $0x0  }
0x28: {  	s19 =	sadd.s32 s18, s9;
	s18 =	smov.u32 s21;
	[sflag:s12] =	ssyncadd.s32 $0xFFFFFF38  }
0x29: {  	[tilespmem:s13], [sflag:$0x2] =	stream.linear.gather [hbm4b:s19+s3], $0xC8, $0x38;
	[tilespmem:$0x1A600] =	vst v63  }
0x2a: {  	_ =	swait.ge [sflag:s12], $0xC8  }
0x2b: {  	[sflag:s12] =	ssyncset.done $0x0  }
0x2c: {  	[sflag:s12] =	ssyncadd.s32 $0xFFFFFF38  }
0x2d: {  	[tilespmem:s15], [sflag:$0x1] =	stream.indirect.gather [hbm4b:s4+s14], $0x80, s3, s14, $0xb8;
	[tilespmem:$0x1A600] =	vst v63  }
0x2e: {  	_ =	swait.ge [sflag:s16], $0x6400  }
.Ltmp0:
0x2f: {  	[sflag:s16] =	ssyncset.done $0x0;
	(pc) =	sbr.rel @p0 .LBB2_2-.Ltmp0, $4  }
0x30: {  	[sflag:s16] =	ssyncadd.s32 $0xFFFF9C00  }
0x31: {  	[spmem:s1] =	stream.indirect.scatter.add.f32 [tilespmem:s15], [sflag:$0x2], $0x80, s13, s14, $0xb8;
	[tilespmem:$0x1A600] =	vst v63  }
0x32: {  	_ =	swait.ge [sflag:s12], $0x6400  }
0x33: {  	s19 =	smov.u32 s22;
	[sflag:s12] =	ssyncset.done $0x0  }
0x34: {  	s19 =	sadd.s32 s18, s10;
	[sflag:s12] =	ssyncadd.s32 $0xFFFF9C00  }
0x35: {  	[tilespmem:s3], [sflag:$0x2] =	stream.linear.gather [hbm4b:s19+s3], $0xC8, $0x38;
	[tilespmem:$0x1A600] =	vst v63  }
0x36: {  	_ =	swait.ge [sflag:s12], $0xC8  }
0x37: {  	[sflag:s12] =	ssyncset.done $0x0  }
0x38: {  	s31 =	sadd.s32 s18, s9;
	[sflag:s12] =	ssyncadd.s32 $0xFFFFFF38  }
0x39: {  	[tilespmem:s13], [sflag:$0x2] =	stream.linear.gather [hbm4b:s31+s3], $0xC8, $0x38;
	[tilespmem:$0x1A600] =	vst v63  }
0x3a: {  	_ =	swait.ge [sflag:s12], $0xC8  }
0x3b: {  	[sflag:s12] =	ssyncset.done $0x0  }
0x3c: {  	[sflag:s12] =	ssyncadd.s32 $0xFFFFFF38  }
0x3d: {  	[tilespmem:s15], [sflag:$0x1] =	stream.indirect.gather [hbm4b:s4+s14], $0x80, s3, s14, $0xb8;
	[tilespmem:$0x1A600] =	vst v63  }
0x3e: {  	_ =	swait.ge [sflag:s16], $0x6400  }
0x3f: {  	[sflag:s16] =	ssyncset.done $0x0  }
0x40: {  	[sflag:s16] =	ssyncadd.s32 $0xFFFF9C00  }
0x41: {  	[spmem:s1] =	stream.indirect.scatter.add.f32 [tilespmem:s15], [sflag:$0x2], $0x80, s13, s14, $0xb8;
	[tilespmem:$0x1A600] =	vst v63  }
0x42: {  	_ =	swait.ge [sflag:s12], $0x6400  }
0x43: {  	s17 =	sadd.s32 $0x1, s17;
	[sflag:s12] =	ssyncset.done $0x0  }
0x44: {  	p0 =	sne.s32 s17, s8;
	[sflag:s12] =	ssyncadd.s32 $0xFFFF9C00  }
.Ltmp1:
0x45: {  	[bflag:$0x0] =	sbarrier.arrive $0xFFFF;
	(pc) =	sbr.rel @p0 .LBB2_1-.Ltmp1, $4  }
0x46: {  	[hbm:s7], [sflag:s6] =	dma.local [spmem:s11], $0x2800  }
0x47: {  	_ =	swait.ge [sflag:s12], $0x2800  }
0x48: {  	[sflag:s12] =	ssyncset.done $0x0  }
0x49: {  	[sflag:s12] =	ssyncadd.s32 $0xFFFFD800  }
0x4a: {  	_ =	sfence.sel $0x180000  }
0x4b: {  	[bflag:$0x0] =	sbarrier.arrive $0xFFFF  }
0x4c: {  	p0 =	sne.s32 s2, $0x0;
	_ =	strace $0x9000005F  }
0x4d: {  	s0 =	sadd.s32 @!p0 $0x100000, s0;
	[bflag:$0x2] =	sbarrier.arrive $0xFFFF  }
0x4e: {  	[sflag:s0] =	ssyncadd.tile.s32 @!p0 $0x1;
	_ =	shalt  }
.Lfunc_end2:
_tile_overlayer_lowered:
.L_overlay_start_2:
0x4f: {  	(tag) =	ssettag $0x2  }
0x50: {  	s0 =	rddreg [dreg:$0x0];
	s2 =	stileid.u32  }
0x51: {  	s1 =	rddreg [dreg:$0x1];
	p0 =	sne.s32 s2, $0x0  }
0x52: {  	s3 =	rddreg [dreg:$0x2];
	[bflag:$0x3] =	sbarrier.arrive $0xFFFF;
	s2 =	simm.s32 @!p0 $0x1C02  }
0x53: {  	[timem:s3], [sflag:s2] =	dma.local @!p0 [hbm:s0], s1  }
0x54: {  	s0 =	simm.s32 @!p0 $0x2  }
0x55: {  	_ =	swait.ge @!p0 [sflag:s0], s1  }
0x56: {  	s1 =	ssub.s32 @!p0 $0x0, s1;
	[sflag:s0] =	ssyncset.done @!p0 $0x0  }
0x57: {  	[sflag:s0] =	ssyncadd.s32 @!p0 s1  }
0x58: {  	[bflag:$0x3] =	sbarrier.arrive $0xFFFF  }
0x59: {  	_ =	shalt  }

</sc_bundles>
